<compile_context>
chip_gen: v7x
topology: tpu7x:2x2x1
jax: 0.10.2.dev20260603
libtpu: 0.0.44.dev20260713+nightly
codegen_flags: <defaults>
</compile_context>

<pallas_src>
import functools

import jax
import jax.numpy as jnp
from jax import lax
from jax.experimental import pallas as pl
from jax.experimental.pallas import tpu as pltpu
from jax.experimental.pallas import tpu_sc as plsc

_C = 100000
_B = 1024
_IGNORE = 0
_SMOOTHING = 0.1
_CONF = 1.0 - _SMOOTHING
_EPS = _SMOOTHING / (_C - 1)

_NC = 2
_NS = 16
_L = 16
_NW = _NC * _NS
_BPW = _B // _NW

_CTC = 70304
_CSC = _C - _CTC
_CPW = _CSC // _NW
_H = 32
_NCH = _CPW // _H
_DNB = 2
_NG = _B // _L

_BC = 2048
_TCG = (_CTC + 2 * _BC - 1) // (2 * _BC)


def _sc_body(xt_hbm, tgt, y_out, s_out, tgt_v, tiles_v, wtgt_v, dbuf,
             val_v, sacc_v, sem_g, sem_d):
    wid = lax.axis_index("s") * _NC + lax.axis_index("c")
    base = wid * _BPW
    lanes = lax.iota(jnp.int32, _L)

    pltpu.sync_copy(tgt.at[pl.ds(base, _BPW)], tgt_v)
    tvecs = [tgt_v[pl.ds(k * _L, _L)] for k in range(_BPW // _L)]
    tscal = []
    for i in range(_BPW):
        t = jnp.sum(jnp.where(lanes == (i % _L), tvecs[i // _L], 0))
        tscal.append(t)
        trow8 = (t // 8) * 8
        bcol128 = ((base + i) // 128) * 128
        pltpu.make_async_copy(
            xt_hbm.at[pl.ds(trow8, 8), pl.ds(bcol128, 128)],
            tiles_v.at[i],
            sem_g,
        ).start()

    c0 = _CTC + wid * _CPW

    def zero_g(g, _):
        sacc_v[pl.ds(g * _L, _L)] = jnp.zeros((_L,), jnp.float32)
        return 0

    lax.fori_loop(0, _NG, zero_g, 0)

    def fire(ch, slot):
        pltpu.make_async_copy(
            xt_hbm.at[pl.ds(c0 + ch * _H, _H), :],
            dbuf.at[slot],
            sem_d,
        ).start()

    def wait_one():
        pltpu.make_async_copy(
            xt_hbm.at[pl.ds(0, _H), :], dbuf.at[0], sem_d
        ).wait()

    for b in range(_DNB):
        fire(b, b)

    def chunk_body(ch, _):
        slot = lax.rem(ch, _DNB)
        wait_one()

        def gbody(g, __):
            gs = pl.ds(g * _L, _L)
            vals = [dbuf[slot, r, gs] for r in range(_H)]
            while len(vals) > 1:
                vals = [vals[i] + vals[i + 1] for i in range(0, len(vals), 2)]
            sacc_v[gs] = sacc_v[gs] + vals[0]
            return 0

        lax.fori_loop(0, _NG, gbody, 0)

        @pl.when(ch + _DNB < _NCH)
        def _():
            fire(ch + _DNB, slot)

        return 0

    lax.fori_loop(0, _NCH, chunk_body, 0)

    pltpu.sync_copy(tgt, wtgt_v)

    def mask_g(g, _):
        gs = pl.ds(g * _L, _L)
        w = jnp.where(wtgt_v[gs] != _IGNORE, 1.0, 0.0)
        sacc_v[gs] = sacc_v[gs] * w
        return 0

    lax.fori_loop(0, _NG, mask_g, 0)
    pltpu.sync_copy(sacc_v, s_out.at[pl.ds(wid * _B, _B)])

    for i in range(_BPW):
        pltpu.make_async_copy(
            xt_hbm.at[pl.ds(0, 8), pl.ds(0, 128)], tiles_v.at[i], sem_g
        ).wait()
    for k in range(_BPW // _L):
        yacc = jnp.zeros((_L,), jnp.float32)
        for j in range(_L):
            i = k * _L + j
            t = tscal[i]
            sub = lax.rem(t, 8)
            l16 = (lax.rem(base + i, 128) // _L) * _L
            vec = tiles_v[i, sub, pl.ds(l16, _L)]
            y = jnp.sum(jnp.where(lanes == (i % _L), vec, 0.0))
            y = jnp.where(t != _IGNORE, y, 0.0)
            yacc = jnp.where(lanes == j, y, yacc)
        val_v[pl.ds(k * _L, _L)] = yacc
    pltpu.sync_copy(val_v, y_out.at[pl.ds(base, _BPW)])


@functools.lru_cache(maxsize=1)
def _sc_kernel():
    return pl.kernel(
        _sc_body,
        mesh=plsc.VectorSubcoreMesh(core_axis_name="c", subcore_axis_name="s"),
        compiler_params=pltpu.CompilerParams(needs_layout_passes=False),
        out_type=(
            jax.ShapeDtypeStruct((_B,), jnp.float32),
            jax.ShapeDtypeStruct((_NW * _B,), jnp.float32),
        ),
        scratch_types=[
            pltpu.VMEM((_BPW,), jnp.int32),
            pltpu.VMEM((_BPW, 8, 128), jnp.float32),
            pltpu.VMEM((_B,), jnp.int32),
            pltpu.VMEM((_DNB, _H, _B), jnp.float32),
            pltpu.VMEM((_BPW,), jnp.float32),
            pltpu.VMEM((_B,), jnp.float32),
            pltpu.SemaphoreType.DMA,
            pltpu.SemaphoreType.DMA,
        ],
    )


def _tc_reduce_body(tgt_ref, x1_ref, x2_ref, o_ref):
    j = pl.program_id(0)

    @pl.when(j == 0)
    def _():
        o_ref[0, 0] = 0.0

    w = (tgt_ref[...] != _IGNORE).astype(jnp.float32)
    rows2 = (j + _TCG) * _BC + lax.broadcasted_iota(jnp.int32, (_BC, _B), 0)
    x2 = jnp.where(rows2 < _CTC, x2_ref[...], 0.0)
    o_ref[0, 0] += _EPS * (jnp.sum(x1_ref[...] * w) + jnp.sum(x2 * w))


def _combine_body(stc_ref, y_ref, ssc_ref, o_ref):
    o_ref[0, 0] = -(
        stc_ref[0, 0]
        + _EPS * jnp.sum(ssc_ref[...])
        + (_CONF - _EPS) * jnp.sum(y_ref[...])
    )


def kernel(logit, target):
    xt = logit.T
    y, s_sc = _sc_kernel()(xt, target)
    s_tc = pl.pallas_call(
        _tc_reduce_body,
        grid=(_TCG,),
        in_specs=[
            pl.BlockSpec((1, _B), lambda j: (0, 0)),
            pl.BlockSpec((_BC, _B), lambda j: (j, 0)),
            pl.BlockSpec((_BC, _B), lambda j: (j + _TCG, 0)),
        ],
        out_specs=pl.BlockSpec(memory_space=pltpu.SMEM),
        out_shape=jax.ShapeDtypeStruct((1, 1), jnp.float32),
    )(target.reshape(1, _B), xt, xt)
    out = pl.pallas_call(
        _combine_body,
        in_specs=[
            pl.BlockSpec(memory_space=pltpu.SMEM),
            pl.BlockSpec((8, 128), lambda: (0, 0)),
            pl.BlockSpec((_NW * 8, 128), lambda: (0, 0)),
        ],
        out_specs=pl.BlockSpec(memory_space=pltpu.SMEM),
        out_shape=jax.ShapeDtypeStruct((1, 1), jnp.float32),
    )(s_tc, y.reshape(8, 128), s_sc.reshape(_NW * 8, 128))
    return out[0, 0]

# --- scband reference (transcript-rebuilt; emitter-appended) ---
"""Pipeline reference for scband-label-smoothing-loss-67388036874748 (READ-ONLY COPY).

The authoritative reference and input builder live on the scoring server;
editing this copy changes nothing except your own understanding.
"""

import jax, jax.numpy as jnp
import numpy as np

CLASS_NUM = 100000
IGNORE_INDEX = 0
SMOOTHING = 0.1
CONFIDENCE = 1.0 - SMOOTHING


def setup_inputs(seed: int = 0) -> dict:
    key = jax.random.key(seed)
    k1, k2 = jax.random.split(key)
    logit = jax.random.normal(k1, (1024, CLASS_NUM), dtype=jnp.float32)
    target = jax.random.randint(k2, (1024,), 0, CLASS_NUM, dtype=jnp.int32)
    return {"logit": logit, "target": target}


def reference(logit, target):
    B = logit.shape[0]
    # label_smoothed filled with smoothing / (class_num - 1)
    label_smoothed = jnp.full_like(logit, SMOOTHING / (CLASS_NUM - 1))
    # scatter confidence at target positions along dim=1
    label_smoothed = label_smoothed.at[jnp.arange(B), target].set(CONFIDENCE)
    # zero out rows where target == ignore_index
    ignore_mask = (target == IGNORE_INDEX)
    label_smoothed = jnp.where(ignore_mask[:, None], 0.0, label_smoothed)
    # label_smoothed is constructed under no_grad in the original; stop gradients
    label_smoothed = jax.lax.stop_gradient(label_smoothed)
    return jnp.sum(-label_smoothed * logit)

if __name__ == "__main__":
    import jax
    _d = setup_inputs()
    print(jax.jit(kernel)(*tuple(_d.values())))

</pallas_src>

<mosaic_0001>
#map = affine_map<(d0, d1) -> (0, 0)>
#map1 = affine_map<(d0, d1) -> (0)>
module attributes {stable_mosaic.version = 14 : i64} {
  func.func @_sc_body(%arg0: i32, %arg1: i32, %arg2: memref<100000x1024xf32, #tpu.memory_space<hbm>>, %arg3: memref<1024xi32, #tpu.memory_space<hbm>>, %arg4: memref<1024xf32, #tpu.memory_space<hbm>>, %arg5: memref<32768xf32, #tpu.memory_space<hbm>>, %arg6: memref<32xi32, #tpu.memory_space<vmem>>, %arg7: memref<32x8x128xf32, #tpu.memory_space<vmem>>, %arg8: memref<1024xi32, #tpu.memory_space<vmem>>, %arg9: memref<2x32x1024xf32, #tpu.memory_space<vmem>>, %arg10: memref<32xf32, #tpu.memory_space<vmem>>, %arg11: memref<1024xf32, #tpu.memory_space<vmem>>, %arg12: memref<!tpu.dma_semaphore, #tpu.memory_space<semaphore_mem>>, %arg13: memref<!tpu.dma_semaphore, #tpu.memory_space<semaphore_mem>>) attributes {dimension_semantics = [#tpu.dimension_semantics<core_parallel>, #tpu.dimension_semantics<subcore_parallel>], iteration_bounds = array<i64: 2, 16>, scalar_prefetch = 0 : i64, scratch_operands = 8 : i64, tpu.core_type = #tpu.core_type<sc_vector_subcore>, window_params = [{transform_indices = #map}, {transform_indices = #map1}, {transform_indices = #map1}, {transform_indices = #map1}]} {
    %mul3A = arith.constant 2 : i32
    %mul3A_0 = arith.muli %arg1, %mul3A : i32
    %add3A = arith.addi %mul3A_0, %arg0 : i32
    %mul3A_1 = arith.constant 32 : i32
    %mul3A_2 = arith.muli %add3A, %mul3A_1 : i32
    %iota3A = tpu.iota {dimensions = array<i32: 0>} : vector<16xi32>
    "tpu.region"() ({
      %run_scoped3A = tpu.sem_alloc : memref<!tpu.dma_semaphore, #tpu.memory_space<semaphore_mem>>
      %dma_start3A_4728 = tpu.memref_slice %arg3[%mul3A_2] : memref<1024xi32, #tpu.memory_space<hbm>> -> memref<32xi32, #tpu.memory_space<hbm>>
      %dma_start3A_4729 = tpu.memref_slice %arg3[%mul3A_2] : memref<1024xi32, #tpu.memory_space<hbm>> -> memref<32xi32, #tpu.memory_space<hbm>>
      tpu.enqueue_dma source(%dma_start3A_4729 : memref<32xi32, #tpu.memory_space<hbm>>) target(%arg6 : memref<32xi32, #tpu.memory_space<vmem>>) target_semaphore(%run_scoped3A : memref<!tpu.dma_semaphore, #tpu.memory_space<semaphore_mem>>)
      %dma_wait3A_4730 = tpu.memref_slice %arg3[%mul3A_2] : memref<1024xi32, #tpu.memory_space<hbm>> -> memref<32xi32, #tpu.memory_space<hbm>>
      %dma_wait3A_4731 = tpu.memref_slice %arg3[%mul3A_2] : memref<1024xi32, #tpu.memory_space<hbm>> -> memref<32xi32, #tpu.memory_space<hbm>>
      tpu.wait_dma2 semaphore(%run_scoped3A : memref<!tpu.dma_semaphore, #tpu.memory_space<semaphore_mem>>) src(%dma_wait3A_4731 : memref<32xi32, #tpu.memory_space<hbm>>) dst(%arg6 : memref<32xi32, #tpu.memory_space<vmem>>)
      tpu.yield
    }) : () -> ()
    %get3A = arith.constant 0 : index
    %get3A_3 = tpu.vector_load %arg6[%get3A] {strides = array<i32>} : memref<32xi32, #tpu.memory_space<vmem>>, vector<16xi32>,
    %get3A_4 = arith.constant 16 : index
    %get3A_5 = tpu.vector_load %arg6[%get3A_4] {strides = array<i32>} : memref<32xi32, #tpu.memory_space<vmem>>, vector<16xi32>,
    %eq3A = arith.constant 0 : i32
    %eq3A_6 = vector.broadcast %eq3A : i32 to vector<16xi32>
    %eq3A_7 = arith.cmpi eq, %iota3A, %eq3A_6 : vector<16xi32>
    %jit3A = arith.constant 0 : i32
    %broadcast_in_dim3A = vector.broadcast %jit3A : i32 to vector<16xi32>
    %select_n3A = arith.select %eq3A_7, %get3A_3, %broadcast_in_dim3A : vector<16xi1>, vector<16xi32>
    %reduce_sum3A = arith.constant true
    %reduce_sum3A_8 = vector.broadcast %reduce_sum3A : i1 to vector<16xi1>
    %reduce_sum3A_9 = tpu.scan <sum>, %select_n3A masked %reduce_sum3A_8 : vector<16xi32>, vector<16xi1> -> vector<16xi32>
    %reduce_sum3A_10 = vector.extract %reduce_sum3A_9[15] : i32 from vector<16xi32>
    %jit3A_11 = arith.constant 8 : i32
    %div3A = arith.divsi %reduce_sum3A_10, %jit3A_11 : i32
    %sign3A = arith.constant 0 : i32
    %sign3A_12 = arith.cmpi sgt, %reduce_sum3A_10, %sign3A : i32
    %sign3A_13 = arith.extui %sign3A_12 : i1 to i32
    %sign3A_14 = arith.constant 0 : i32
    %sign3A_15 = arith.cmpi slt, %reduce_sum3A_10, %sign3A_14 : i32
    %sign3A_16 = arith.extui %sign3A_15 : i1 to i32
    %sign3A_17 = arith.subi %sign3A_13, %sign3A_16 : i32
    %sign3A_18 = arith.constant 0 : i32
    %sign3A_19 = arith.cmpi sgt, %jit3A_11, %sign3A_18 : i32
    %sign3A_20 = arith.extui %sign3A_19 : i1 to i32
    %sign3A_21 = arith.constant 0 : i32
    %sign3A_22 = arith.cmpi slt, %jit3A_11, %sign3A_21 : i32
    %sign3A_23 = arith.extui %sign3A_22 : i1 to i32
    %sign3A_24 = arith.subi %sign3A_20, %sign3A_23 : i32
    %ne3A = arith.cmpi ne, %sign3A_17, %sign3A_24 : i32
    %rem3A = arith.remsi %reduce_sum3A_10, %jit3A_11 : i32
    %ne3A_25 = arith.constant 0 : i32
    %ne3A_26 = arith.cmpi ne, %rem3A, %ne3A_25 : i32
    %and3A = arith.andi %ne3A, %ne3A_26 : i1
    %sub3A = arith.constant 1 : i32
    %sub3A_27 = arith.subi %div3A, %sub3A : i32
    %select_n3A_28 = arith.select %and3A, %sub3A_27, %div3A : i32
    %mul3A_29 = arith.constant 8 : i32
    %mul3A_30 = arith.muli %select_n3A_28, %mul3A_29 : i32
    %add3A_31 = arith.constant 0 : i32
    %add3A_32 = arith.addi %mul3A_2, %add3A_31 : i32
    %jit3A_33 = arith.constant 128 : i32
    %div3A_34 = arith.divsi %add3A_32, %jit3A_33 : i32
    %sign3A_35 = arith.constant 0 : i32
    %sign3A_36 = arith.cmpi sgt, %add3A_32, %sign3A_35 : i32
    %sign3A_37 = arith.extui %sign3A_36 : i1 to i32
    %sign3A_38 = arith.constant 0 : i32
    %sign3A_39 = arith.cmpi slt, %add3A_32, %sign3A_38 : i32
    %sign3A_40 = arith.extui %sign3A_39 : i1 to i32
    %sign3A_41 = arith.subi %sign3A_37, %sign3A_40 : i32
    %sign3A_42 = arith.constant 0 : i32
    %sign3A_43 = arith.cmpi sgt, %jit3A_33, %sign3A_42 : i32
    %sign3A_44 = arith.extui %sign3A_43 : i1 to i32
    %sign3A_45 = arith.constant 0 : i32
    %sign3A_46 = arith.cmpi slt, %jit3A_33, %sign3A_45 : i32
    %sign3A_47 = arith.extui %sign3A_46 : i1 to i32
    %sign3A_48 = arith.subi %sign3A_44, %sign3A_47 : i32
    %ne3A_49 = arith.cmpi ne, %sign3A_41, %sign3A_48 : i32
    %rem3A_50 = arith.remsi %add3A_32, %jit3A_33 : i32
    %ne3A_51 = arith.constant 0 : i32
    %ne3A_52 = arith.cmpi ne, %rem3A_50, %ne3A_51 : i32
    %and3A_53 = arith.andi %ne3A_49, %ne3A_52 : i1
    %sub3A_54 = arith.constant 1 : i32
    %sub3A_55 = arith.subi %div3A_34, %sub3A_54 : i32
    %select_n3A_56 = arith.select %and3A_53, %sub3A_55, %div3A_34 : i32
    %mul3A_57 = arith.constant 128 : i32
    %mul3A_58 = arith.muli %select_n3A_56, %mul3A_57 : i32
    %dma_start3A = arith.constant 0 : i32
    %dma_start3A_59 = arith.constant 0 : i32
    %dma_start3A_60 = arith.constant 0 : i32
    %dma_start3A_61 = tpu.memref_slice %arg7[%dma_start3A, %dma_start3A_59, %dma_start3A_60] : memref<32x8x128xf32, #tpu.memory_space<vmem>> -> memref<1x8x128xf32, #tpu.memory_space<vmem>>
    %dma_start3A_62 = tpu.memref_squeeze %dma_start3A_61 : memref<1x8x128xf32, #tpu.memory_space<vmem>> -> memref<8x128xf32, #tpu.memory_space<vmem>>
    %dma_start3A_63 = tpu.memref_slice %arg2[%mul3A_30, %mul3A_58] : memref<100000x1024xf32, #tpu.memory_space<hbm>> -> memref<8x128xf32, #tpu.memory_space<hbm>>
    %dma_start3A_64 = arith.constant 0 : i32
    %dma_start3A_65 = arith.constant 0 : i32
    %dma_start3A_66 = tpu.memref_slice %arg7[%dma_start3A, %dma_start3A_64, %dma_start3A_65] : memref<32x8x128xf32, #tpu.memory_space<vmem>> -> memref<1x8x128xf32, #tpu.memory_space<vmem>>
    %dma_start3A_67 = tpu.memref_squeeze %dma_start3A_66 : memref<1x8x128xf32, #tpu.memory_space<vmem>> -> memref<8x128xf32, #tpu.memory_space<vmem>>
    %dma_start3A_68 = tpu.memref_slice %arg2[%mul3A_30, %mul3A_58] : memref<100000x1024xf32, #tpu.memory_space<hbm>> -> memref<8x128xf32, #tpu.memory_space<hbm>>
    tpu.enqueue_dma source(%dma_start3A_68 : memref<8x128xf32, #tpu.memory_space<hbm>>) target(%dma_start3A_67 : memref<8x128xf32, #tpu.memory_space<vmem>>) target_semaphore(%arg12 : memref<!tpu.dma_semaphore, #tpu.memory_space<semaphore_mem>>)
    %eq3A_69 = arith.constant 1 : i32
    %eq3A_70 = vector.broadcast %eq3A_69 : i32 to vector<16xi32>
    %eq3A_71 = arith.cmpi eq, %iota3A, %eq3A_70 : vector<16xi32>
    %jit3A_72 = arith.constant 0 : i32
    %broadcast_in_dim3A_73 = vector.broadcast %jit3A_72 : i32 to vector<16xi32>
    %select_n3A_74 = arith.select %eq3A_71, %get3A_3, %broadcast_in_dim3A_73 : vector<16xi1>, vector<16xi32>
    %reduce_sum3A_75 = arith.constant true
    %reduce_sum3A_76 = vector.broadcast %reduce_sum3A_75 : i1 to vector<16xi1>
    %reduce_sum3A_77 = tpu.scan <sum>, %select_n3A_74 masked %reduce_sum3A_76 : vector<16xi32>, vector<16xi1> -> vector<16xi32>
    %reduce_sum3A_78 = vector.extract %reduce_sum3A_77[15] : i32 from vector<16xi32>
    %jit3A_79 = arith.constant 8 : i32
    %div3A_80 = arith.divsi %reduce_sum3A_78, %jit3A_79 : i32
    %sign3A_81 = arith.constant 0 : i32
    %sign3A_82 = arith.cmpi sgt, %reduce_sum3A_78, %sign3A_81 : i32
    %sign3A_83 = arith.extui %sign3A_82 : i1 to i32
    %sign3A_84 = arith.constant 0 : i32
    %sign3A_85 = arith.cmpi slt, %reduce_sum3A_78, %sign3A_84 : i32
    %sign3A_86 = arith.extui %sign3A_85 : i1 to i32
    %sign3A_87 = arith.subi %sign3A_83, %sign3A_86 : i32
    %sign3A_88 = arith.constant 0 : i32
    %sign3A_89 = arith.cmpi sgt, %jit3A_79, %sign3A_88 : i32
    %sign3A_90 = arith.extui %sign3A_89 : i1 to i32
    %sign3A_91 = arith.constant 0 : i32
    %sign3A_92 = arith.cmpi slt, %jit3A_79, %sign3A_91 : i32
    %sign3A_93 = arith.extui %sign3A_92 : i1 to i32
    %sign3A_94 = arith.subi %sign3A_90, %sign3A_93 : i32
    %ne3A_95 = arith.cmpi ne, %sign3A_87, %sign3A_94 : i32
    %rem3A_96 = arith.remsi %reduce_sum3A_78, %jit3A_79 : i32
    %ne3A_97 = arith.constant 0 : i32
    %ne3A_98 = arith.cmpi ne, %rem3A_96, %ne3A_97 : i32
    %and3A_99 = arith.andi %ne3A_95, %ne3A_98 : i1
    %sub3A_100 = arith.constant 1 : i32
    %sub3A_101 = arith.subi %div3A_80, %sub3A_100 : i32
    %select_n3A_102 = arith.select %and3A_99, %sub3A_101, %div3A_80 : i32
    %mul3A_103 = arith.constant 8 : i32
    %mul3A_104 = arith.muli %select_n3A_102, %mul3A_103 : i32
    %add3A_105 = arith.constant 1 : i32
    %add3A_106 = arith.addi %mul3A_2, %add3A_105 : i32
    %jit3A_107 = arith.constant 128 : i32
    %div3A_108 = arith.divsi %add3A_106, %jit3A_107 : i32
    %sign3A_109 = arith.constant 0 : i32
    %sign3A_110 = arith.cmpi sgt, %add3A_106, %sign3A_109 : i32
    %sign3A_111 = arith.extui %sign3A_110 : i1 to i32
    %sign3A_112 = arith.constant 0 : i32
    %sign3A_113 = arith.cmpi slt, %add3A_106, %sign3A_112 : i32
    %sign3A_114 = arith.extui %sign3A_113 : i1 to i32
    %sign3A_115 = arith.subi %sign3A_111, %sign3A_114 : i32
    %sign3A_116 = arith.constant 0 : i32
    %sign3A_117 = arith.cmpi sgt, %jit3A_107, %sign3A_116 : i32
    %sign3A_118 = arith.extui %sign3A_117 : i1 to i32
    %sign3A_119 = arith.constant 0 : i32
    %sign3A_120 = arith.cmpi slt, %jit3A_107, %sign3A_119 : i32
    %sign3A_121 = arith.extui %sign3A_120 : i1 to i32
    %sign3A_122 = arith.subi %sign3A_118, %sign3A_121 : i32
    %ne3A_123 = arith.cmpi ne, %sign3A_115, %sign3A_122 : i32
    %rem3A_124 = arith.remsi %add3A_106, %jit3A_107 : i32
    %ne3A_125 = arith.constant 0 : i32
    %ne3A_126 = arith.cmpi ne, %rem3A_124, %ne3A_125 : i32
    %and3A_127 = arith.andi %ne3A_123, %ne3A_126 : i1
    %sub3A_128 = arith.constant 1 : i32
    %sub3A_129 = arith.subi %div3A_108, %sub3A_128 : i32
    %select_n3A_130 = arith.select %and3A_127, %sub3A_129, %div3A_108 : i32
    %mul3A_131 = arith.constant 128 : i32
    %mul3A_132 = arith.muli %select_n3A_130, %mul3A_131 : i32
    %dma_start3A_133 = arith.constant 1 : i32
    %dma_start3A_134 = arith.constant 0 : i32
    %dma_start3A_135 = arith.constant 0 : i32
    %dma_start3A_136 = tpu.memref_slice %arg7[%dma_start3A_133, %dma_start3A_134, %dma_start3A_135] : memref<32x8x128xf32, #tpu.memory_space<vmem>> -> memref<1x8x128xf32, #tpu.memory_space<vmem>>
    %dma_start3A_137 = tpu.memref_squeeze %dma_start3A_136 : memref<1x8x128xf32, #tpu.memory_space<vmem>> -> memref<8x128xf32, #tpu.memory_space<vmem>>
    %dma_start3A_138 = tpu.memref_slice %arg2[%mul3A_104, %mul3A_132] : memref<100000x1024xf32, #tpu.memory_space<hbm>> -> memref<8x128xf32, #tpu.memory_space<hbm>>
    %dma_start3A_139 = arith.constant 0 : i32
    %dma_start3A_140 = arith.constant 0 : i32
    %dma_start3A_141 = tpu.memref_slice %arg7[%dma_start3A_133, %dma_start3A_139, %dma_start3A_140] : memref<32x8x128xf32, #tpu.memory_space<vmem>> -> memref<1x8x128xf32, #tpu.memory_space<vmem>>
    %dma_start3A_142 = tpu.memref_squeeze %dma_start3A_141 : memref<1x8x128xf32, #tpu.memory_space<vmem>> -> memref<8x128xf32, #tpu.memory_space<vmem>>
    %dma_start3A_143 = tpu.memref_slice %arg2[%mul3A_104, %mul3A_132] : memref<100000x1024xf32, #tpu.memory_space<hbm>> -> memref<8x128xf32, #tpu.memory_space<hbm>>
    tpu.enqueue_dma source(%dma_start3A_143 : memref<8x128xf32, #tpu.memory_space<hbm>>) target(%dma_start3A_142 : memref<8x128xf32, #tpu.memory_space<vmem>>) target_semaphore(%arg12 : memref<!tpu.dma_semaphore, #tpu.memory_space<semaphore_mem>>)
    %eq3A_144 = arith.constant 2 : i32
    %eq3A_145 = vector.broadcast %eq3A_144 : i32 to vector<16xi32>
    %eq3A_146 = arith.cmpi eq, %iota3A, %eq3A_145 : vector<16xi32>
    %jit3A_147 = arith.constant 0 : i32
    %broadcast_in_dim3A_148 = vector.broadcast %jit3A_147 : i32 to vector<16xi32>
    %select_n3A_149 = arith.select %eq3A_146, %get3A_3, %broadcast_in_dim3A_148 : vector<16xi1>, vector<16xi32>
    %reduce_sum3A_150 = arith.constant true
    %reduce_sum3A_151 = vector.broadcast %reduce_sum3A_150 : i1 to vector<16xi1>
    %reduce_sum3A_152 = tpu.scan <sum>, %select_n3A_149 masked %reduce_sum3A_151 : vector<16xi32>, vector<16xi1> -> vector<16xi32>
    %reduce_sum3A_153 = vector.extract %reduce_sum3A_152[15] : i32 from vector<16xi32>
    %jit3A_154 = arith.constant 8 : i32
    %div3A_155 = arith.divsi %reduce_sum3A_153, %jit3A_154 : i32
    %sign3A_156 = arith.constant 0 : i32
    %sign3A_157 = arith.cmpi sgt, %reduce_sum3A_153, %sign3A_156 : i32
    %sign3A_158 = arith.extui %sign3A_157 : i1 to i32
    %sign3A_159 = arith.constant 0 : i32
    %sign3A_160 = arith.cmpi slt, %reduce_sum3A_153, %sign3A_159 : i32
    %sign3A_161 = arith.extui %sign3A_160 : i1 to i32
    %sign3A_162 = arith.subi %sign3A_158, %sign3A_161 : i32
    %sign3A_163 = arith.constant 0 : i32
    %sign3A_164 = arith.cmpi sgt, %jit3A_154, %sign3A_163 : i32
    %sign3A_165 = arith.extui %sign3A_164 : i1 to i32
    %sign3A_166 = arith.constant 0 : i32
    %sign3A_167 = arith.cmpi slt, %jit3A_154, %sign3A_166 : i32
    %sign3A_168 = arith.extui %sign3A_167 : i1 to i32
    %sign3A_169 = arith.subi %sign3A_165, %sign3A_168 : i32
    %ne3A_170 = arith.cmpi ne, %sign3A_162, %sign3A_169 : i32
    %rem3A_171 = arith.remsi %reduce_sum3A_153, %jit3A_154 : i32
    %ne3A_172 = arith.constant 0 : i32
    %ne3A_173 = arith.cmpi ne, %rem3A_171, %ne3A_172 : i32
    %and3A_174 = arith.andi %ne3A_170, %ne3A_173 : i1
    %sub3A_175 = arith.constant 1 : i32
    %sub3A_176 = arith.subi %div3A_155, %sub3A_175 : i32
    %select_n3A_177 = arith.select %and3A_174, %sub3A_176, %div3A_155 : i32
    %mul3A_178 = arith.constant 8 : i32
    %mul3A_179 = arith.muli %select_n3A_177, %mul3A_178 : i32
    %add3A_180 = arith.constant 2 : i32
    %add3A_181 = arith.addi %mul3A_2, %add3A_180 : i32
    %jit3A_182 = arith.constant 128 : i32
    %div3A_183 = arith.divsi %add3A_181, %jit3A_182 : i32
    %sign3A_184 = arith.constant 0 : i32
    %sign3A_185 = arith.cmpi sgt, %add3A_181, %sign3A_184 : i32
    %sign3A_186 = arith.extui %sign3A_185 : i1 to i32
    %sign3A_187 = arith.constant 0 : i32
    %sign3A_188 = arith.cmpi slt, %add3A_181, %sign3A_187 : i32
    %sign3A_189 = arith.extui %sign3A_188 : i1 to i32
    %sign3A_190 = arith.subi %sign3A_186, %sign3A_189 : i32
    %sign3A_191 = arith.constant 0 : i32
    %sign3A_192 = arith.cmpi sgt, %jit3A_182, %sign3A_191 : i32
    %sign3A_193 = arith.extui %sign3A_192 : i1 to i32
    %sign3A_194 = arith.constant 0 : i32
    %sign3A_195 = arith.cmpi slt, %jit3A_182, %sign3A_194 : i32
    %sign3A_196 = arith.extui %sign3A_195 : i1 to i32
    %sign3A_197 = arith.subi %sign3A_193, %sign3A_196 : i32
    %ne3A_198 = arith.cmpi ne, %sign3A_190, %sign3A_197 : i32
    %rem3A_199 = arith.remsi %add3A_181, %jit3A_182 : i32
    %ne3A_200 = arith.constant 0 : i32
    %ne3A_201 = arith.cmpi ne, %rem3A_199, %ne3A_200 : i32
    %and3A_202 = arith.andi %ne3A_198, %ne3A_201 : i1
    %sub3A_203 = arith.constant 1 : i32
    %sub3A_204 = arith.subi %div3A_183, %sub3A_203 : i32
    %select_n3A_205 = arith.select %and3A_202, %sub3A_204, %div3A_183 : i32
    %mul3A_206 = arith.constant 128 : i32
    %mul3A_207 = arith.muli %select_n3A_205, %mul3A_206 : i32
    %dma_start3A_208 = arith.constant 2 : i32
    %dma_start3A_209 = arith.constant 0 : i32
    %dma_start3A_210 = arith.constant 0 : i32
    %dma_start3A_211 = tpu.memref_slice %arg7[%dma_start3A_208, %dma_start3A_209, %dma_start3A_210] : memref<32x8x128xf32, #tpu.memory_space<vmem>> -> memref<1x8x128xf32, #tpu.memory_space<vmem>>
    %dma_start3A_212 = tpu.memref_squeeze %dma_start3A_211 : memref<1x8x128xf32, #tpu.memory_space<vmem>> -> memref<8x128xf32, #tpu.memory_space<vmem>>
    %dma_start3A_213 = tpu.memref_slice %arg2[%mul3A_179, %mul3A_207] : memref<100000x1024xf32, #tpu.memory_space<hbm>> -> memref<8x128xf32, #tpu.memory_space<hbm>>
    %dma_start3A_214 = arith.constant 0 : i32
    %dma_start3A_215 = arith.constant 0 : i32
    %dma_start3A_216 = tpu.memref_slice %arg7[%dma_start3A_208, %dma_start3A_214, %dma_start3A_215] : memref<32x8x128xf32, #tpu.memory_space<vmem>> -> memref<1x8x128xf32, #tpu.memory_space<vmem>>
    %dma_start3A_217 = tpu.memref_squeeze %dma_start3A_216 : memref<1x8x128xf32, #tpu.memory_space<vmem>> -> memref<8x128xf32, #tpu.memory_space<vmem>>
    %dma_start3A_218 = tpu.memref_slice %arg2[%mul3A_179, %mul3A_207] : memref<100000x1024xf32, #tpu.memory_space<hbm>> -> memref<8x128xf32, #tpu.memory_space<hbm>>
    tpu.enqueue_dma source(%dma_start3A_218 : memref<8x128xf32, #tpu.memory_space<hbm>>) target(%dma_start3A_217 : memref<8x128xf32, #tpu.memory_space<vmem>>) target_semaphore(%arg12 : memref<!tpu.dma_semaphore, #tpu.memory_space<semaphore_mem>>)
    %eq3A_219 = arith.constant 3 : i32
    %eq3A_220 = vector.broadcast %eq3A_219 : i32 to vector<16xi32>
    %eq3A_221 = arith.cmpi eq, %iota3A, %eq3A_220 : vector<16xi32>
    %jit3A_222 = arith.constant 0 : i32
    %broadcast_in_dim3A_223 = vector.broadcast %jit3A_222 : i32 to vector<16xi32>
    %select_n3A_224 = arith.select %eq3A_221, %get3A_3, %broadcast_in_dim3A_223 : vector<16xi1>, vector<16xi32>
    %reduce_sum3A_225 = arith.constant true
    %reduce_sum3A_226 = vector.broadcast %reduce_sum3A_225 : i1 to vector<16xi1>
    %reduce_sum3A_227 = tpu.scan <sum>, %select_n3A_224 masked %reduce_sum3A_226 : vector<16xi32>, vector<16xi1> -> vector<16xi32>
    %reduce_sum3A_228 = vector.extract %reduce_sum3A_227[15] : i32 from vector<16xi32>
    %jit3A_229 = arith.constant 8 : i32
    %div3A_230 = arith.divsi %reduce_sum3A_228, %jit3A_229 : i32
    %sign3A_231 = arith.constant 0 : i32
    %sign3A_232 = arith.cmpi sgt, %reduce_sum3A_228, %sign3A_231 : i32
    %sign3A_233 = arith.extui %sign3A_232 : i1 to i32
    %sign3A_234 = arith.constant 0 : i32
    %sign3A_235 = arith.cmpi slt, %reduce_sum3A_228, %sign3A_234 : i32
    %sign3A_236 = arith.extui %sign3A_235 : i1 to i32
    %sign3A_237 = arith.subi %sign3A_233, %sign3A_236 : i32
    %sign3A_238 = arith.constant 0 : i32
    %sign3A_239 = arith.cmpi sgt, %jit3A_229, %sign3A_238 : i32
    %sign3A_240 = arith.extui %sign3A_239 : i1 to i32
    %sign3A_241 = arith.constant 0 : i32
    %sign3A_242 = arith.cmpi slt, %jit3A_229, %sign3A_241 : i32
    %sign3A_243 = arith.extui %sign3A_242 : i1 to i32
    %sign3A_244 = arith.subi %sign3A_240, %sign3A_243 : i32
    %ne3A_245 = arith.cmpi ne, %sign3A_237, %sign3A_244 : i32
    %rem3A_246 = arith.remsi %reduce_sum3A_228, %jit3A_229 : i32
    %ne3A_247 = arith.constant 0 : i32
    %ne3A_248 = arith.cmpi ne, %rem3A_246, %ne3A_247 : i32
    %and3A_249 = arith.andi %ne3A_245, %ne3A_248 : i1
    %sub3A_250 = arith.constant 1 : i32
    %sub3A_251 = arith.subi %div3A_230, %sub3A_250 : i32
    %select_n3A_252 = arith.select %and3A_249, %sub3A_251, %div3A_230 : i32
    %mul3A_253 = arith.constant 8 : i32
    %mul3A_254 = arith.muli %select_n3A_252, %mul3A_253 : i32
    %add3A_255 = arith.constant 3 : i32
    %add3A_256 = arith.addi %mul3A_2, %add3A_255 : i32
    %jit3A_257 = arith.constant 128 : i32
    %div3A_258 = arith.divsi %add3A_256, %jit3A_257 : i32
    %sign3A_259 = arith.constant 0 : i32
    %sign3A_260 = arith.cmpi sgt, %add3A_256, %sign3A_259 : i32
    %sign3A_261 = arith.extui %sign3A_260 : i1 to i32
    %sign3A_262 = arith.constant 0 : i32
    %sign3A_263 = arith.cmpi slt, %add3A_256, %sign3A_262 : i32
    %sign3A_264 = arith.extui %sign3A_263 : i1 to i32
    %sign3A_265 = arith.subi %sign3A_261, %sign3A_264 : i32
    %sign3A_266 = arith.constant 0 : i32
    %sign3A_267 = arith.cmpi sgt, %jit3A_257, %sign3A_266 : i32
    %sign3A_268 = arith.extui %sign3A_267 : i1 to i32
    %sign3A_269 = arith.constant 0 : i32
    %sign3A_270 = arith.cmpi slt, %jit3A_257, %sign3A_269 : i32
    %sign3A_271 = arith.extui %sign3A_270 : i1 to i32
    %sign3A_272 = arith.subi %sign3A_268, %sign3A_271 : i32
    %ne3A_273 = arith.cmpi ne, %sign3A_265, %sign3A_272 : i32
    %rem3A_274 = arith.remsi %add3A_256, %jit3A_257 : i32
    %ne3A_275 = arith.constant 0 : i32
    %ne3A_276 = arith.cmpi ne, %rem3A_274, %ne3A_275 : i32
    %and3A_277 = arith.andi %ne3A_273, %ne3A_276 : i1
    %sub3A_278 = arith.constant 1 : i32
    %sub3A_279 = arith.subi %div3A_258, %sub3A_278 : i32
    %select_n3A_280 = arith.select %and3A_277, %sub3A_279, %div3A_258 : i32
    %mul3A_281 = arith.constant 128 : i32
    %mul3A_282 = arith.muli %select_n3A_280, %mul3A_281 : i32
    %dma_start3A_283 = arith.constant 3 : i32
    %dma_start3A_284 = arith.constant 0 : i32
    %dma_start3A_285 = arith.constant 0 : i32
    %dma_start3A_286 = tpu.memref_slice %arg7[%dma_start3A_283, %dma_start3A_284, %dma_start3A_285] : memref<32x8x128xf32, #tpu.memory_space<vmem>> -> memref<1x8x128xf32, #tpu.memory_space<vmem>>
    %dma_start3A_287 = tpu.memref_squeeze %dma_start3A_286 : memref<1x8x128xf32, #tpu.memory_space<vmem>> -> memref<8x128xf32, #tpu.memory_space<vmem>>
    %dma_start3A_288 = tpu.memref_slice %arg2[%mul3A_254, %mul3A_282] : memref<100000x1024xf32, #tpu.memory_space<hbm>> -> memref<8x128xf32, #tpu.memory_space<hbm>>
    %dma_start3A_289 = arith.constant 0 : i32
    %dma_start3A_290 = arith.constant 0 : i32
    %dma_start3A_291 = tpu.memref_slice %arg7[%dma_start3A_283, %dma_start3A_289, %dma_start3A_290] : memref<32x8x128xf32, #tpu.memory_space<vmem>> -> memref<1x8x128xf32, #tpu.memory_space<vmem>>
    %dma_start3A_292 = tpu.memref_squeeze %dma_start3A_291 : memref<1x8x128xf32, #tpu.memory_space<vmem>> -> memref<8x128xf32, #tpu.memory_space<vmem>>
    %dma_start3A_293 = tpu.memref_slice %arg2[%mul3A_254, %mul3A_282] : memref<100000x1024xf32, #tpu.memory_space<hbm>> -> memref<8x128xf32, #tpu.memory_space<hbm>>
    tpu.enqueue_dma source(%dma_start3A_293 : memref<8x128xf32, #tpu.memory_space<hbm>>) target(%dma_start3A_292 : memref<8x128xf32, #tpu.memory_space<vmem>>) target_semaphore(%arg12 : memref<!tpu.dma_semaphore, #tpu.memory_space<semaphore_mem>>)
    %eq3A_294 = arith.constant 4 : i32
    %eq3A_295 = vector.broadcast %eq3A_294 : i32 to vector<16xi32>
    %eq3A_296 = arith.cmpi eq, %iota3A, %eq3A_295 : vector<16xi32>
    %jit3A_297 = arith.constant 0 : i32
    %broadcast_in_dim3A_298 = vector.broadcast %jit3A_297 : i32 to vector<16xi32>
    %select_n3A_299 = arith.select %eq3A_296, %get3A_3, %broadcast_in_dim3A_298 : vector<16xi1>, vector<16xi32>
    %reduce_sum3A_300 = arith.constant true
    %reduce_sum3A_301 = vector.broadcast %reduce_sum3A_300 : i1 to vector<16xi1>
    %reduce_sum3A_302 = tpu.scan <sum>, %select_n3A_299 masked %reduce_sum3A_301 : vector<16xi32>, vector<16xi1> -> vector<16xi32>
    %reduce_sum3A_303 = vector.extract %reduce_sum3A_302[15] : i32 from vector<16xi32>
    %jit3A_304 = arith.constant 8 : i32
    %div3A_305 = arith.divsi %reduce_sum3A_303, %jit3A_304 : i32
    %sign3A_306 = arith.constant 0 : i32
    %sign3A_307 = arith.cmpi sgt, %reduce_sum3A_303, %sign3A_306 : i32
    %sign3A_308 = arith.extui %sign3A_307 : i1 to i32
    %sign3A_309 = arith.constant 0 : i32
    %sign3A_310 = arith.cmpi slt, %reduce_sum3A_303, %sign3A_309 : i32
    %sign3A_311 = arith.extui %sign3A_310 : i1 to i32
    %sign3A_312 = arith.subi %sign3A_308, %sign3A_311 : i32
    %sign3A_313 = arith.constant 0 : i32
    %sign3A_314 = arith.cmpi sgt, %jit3A_304, %sign3A_313 : i32
    %sign3A_315 = arith.extui %sign3A_314 : i1 to i32
    %sign3A_316 = arith.constant 0 : i32
    %sign3A_317 = arith.cmpi slt, %jit3A_304, %sign3A_316 : i32
    %sign3A_318 = arith.extui %sign3A_317 : i1 to i32
    %sign3A_319 = arith.subi %sign3A_315, %sign3A_318 : i32
    %ne3A_320 = arith.cmpi ne, %sign3A_312, %sign3A_319 : i32
    %rem3A_321 = arith.remsi %reduce_sum3A_303, %jit3A_304 : i32
    %ne3A_322 = arith.constant 0 : i32
    %ne3A_323 = arith.cmpi ne, %rem3A_321, %ne3A_322 : i32
    %and3A_324 = arith.andi %ne3A_320, %ne3A_323 : i1
    %sub3A_325 = arith.constant 1 : i32
    %sub3A_326 = arith.subi %div3A_305, %sub3A_325 : i32
    %select_n3A_327 = arith.select %and3A_324, %sub3A_326, %div3A_305 : i32
    %mul3A_328 = arith.constant 8 : i32
    %mul3A_329 = arith.muli %select_n3A_327, %mul3A_328 : i32
    %add3A_330 = arith.constant 4 : i32
    %add3A_331 = arith.addi %mul3A_2, %add3A_330 : i32
    %jit3A_332 = arith.constant 128 : i32
    %div3A_333 = arith.divsi %add3A_331, %jit3A_332 : i32
    %sign3A_334 = arith.constant 0 : i32
    %sign3A_335 = arith.cmpi sgt, %add3A_331, %sign3A_334 : i32
    %sign3A_336 = arith.extui %sign3A_335 : i1 to i32
    %sign3A_337 = arith.constant 0 : i32
    %sign3A_338 = arith.cmpi slt, %add3A_331, %sign3A_337 : i32
    %sign3A_339 = arith.extui %sign3A_338 : i1 to i32
    %sign3A_340 = arith.subi %sign3A_336, %sign3A_339 : i32
    %sign3A_341 = arith.constant 0 : i32
    %sign3A_342 = arith.cmpi sgt, %jit3A_332, %sign3A_341 : i32
    %sign3A_343 = arith.extui %sign3A_342 : i1 to i32
    %sign3A_344 = arith.constant 0 : i32
    %sign3A_345 = arith.cmpi slt, %jit3A_332, %sign3A_344 : i32
    %sign3A_346 = arith.extui %sign3A_345 : i1 to i32
    %sign3A_347 = arith.subi %sign3A_343, %sign3A_346 : i32
    %ne3A_348 = arith.cmpi ne, %sign3A_340, %sign3A_347 : i32
    %rem3A_349 = arith.remsi %add3A_331, %jit3A_332 : i32
    %ne3A_350 = arith.constant 0 : i32
    %ne3A_351 = arith.cmpi ne, %rem3A_349, %ne3A_350 : i32
    %and3A_352 = arith.andi %ne3A_348, %ne3A_351 : i1
    %sub3A_353 = arith.constant 1 : i32
    %sub3A_354 = arith.subi %div3A_333, %sub3A_353 : i32
    %select_n3A_355 = arith.select %and3A_352, %sub3A_354, %div3A_333 : i32
    %mul3A_356 = arith.constant 128 : i32
    %mul3A_357 = arith.muli %select_n3A_355, %mul3A_356 : i32
    %dma_start3A_358 = arith.constant 4 : i32
    %dma_start3A_359 = arith.constant 0 : i32
    %dma_start3A_360 = arith.constant 0 : i32
    %dma_start3A_361 = tpu.memref_slice %arg7[%dma_start3A_358, %dma_start3A_359, %dma_start3A_360] : memref<32x8x128xf32, #tpu.memory_space<vmem>> -> memref<1x8x128xf32, #tpu.memory_space<vmem>>
    %dma_start3A_362 = tpu.memref_squeeze %dma_start3A_361 : memref<1x8x128xf32, #tpu.memory_space<vmem>> -> memref<8x128xf32, #tpu.memory_space<vmem>>
    %dma_start3A_363 = tpu.memref_slice %arg2[%mul3A_329, %mul3A_357] : memref<100000x1024xf32, #tpu.memory_space<hbm>> -> memref<8x128xf32, #tpu.memory_space<hbm>>
    %dma_start3A_364 = arith.constant 0 : i32
    %dma_start3A_365 = arith.constant 0 : i32
    %dma_start3A_366 = tpu.memref_slice %arg7[%dma_start3A_358, %dma_start3A_364, %dma_start3A_365] : memref<32x8x128xf32, #tpu.memory_space<vmem>> -> memref<1x8x128xf32, #tpu.memory_space<vmem>>
    %dma_start3A_367 = tpu.memref_squeeze %dma_start3A_366 : memref<1x8x128xf32, #tpu.memory_space<vmem>> -> memref<8x128xf32, #tpu.memory_space<vmem>>
    %dma_start3A_368 = tpu.memref_slice %arg2[%mul3A_329, %mul3A_357] : memref<100000x1024xf32, #tpu.memory_space<hbm>> -> memref<8x128xf32, #tpu.memory_space<hbm>>
    tpu.enqueue_dma source(%dma_start3A_368 : memref<8x128xf32, #tpu.memory_space<hbm>>) target(%dma_start3A_367 : memref<8x128xf32, #tpu.memory_space<vmem>>) target_semaphore(%arg12 : memref<!tpu.dma_semaphore, #tpu.memory_space<semaphore_mem>>)
    %eq3A_369 = arith.constant 5 : i32
    %eq3A_370 = vector.broadcast %eq3A_369 : i32 to vector<16xi32>
    %eq3A_371 = arith.cmpi eq, %iota3A, %eq3A_370 : vector<16xi32>
    %jit3A_372 = arith.constant 0 : i32
    %broadcast_in_dim3A_373 = vector.broadcast %jit3A_372 : i32 to vector<16xi32>
    %select_n3A_374 = arith.select %eq3A_371, %get3A_3, %broadcast_in_dim3A_373 : vector<16xi1>, vector<16xi32>
    %reduce_sum3A_375 = arith.constant true
    %reduce_sum3A_376 = vector.broadcast %reduce_sum3A_375 : i1 to vector<16xi1>
    %reduce_sum3A_377 = tpu.scan <sum>, %select_n3A_374 masked %reduce_sum3A_376 : vector<16xi32>, vector<16xi1> -> vector<16xi32>
    %reduce_sum3A_378 = vector.extract %reduce_sum3A_377[15] : i32 from vector<16xi32>
    %jit3A_379 = arith.constant 8 : i32
    %div3A_380 = arith.divsi %reduce_sum3A_378, %jit3A_379 : i32
    %sign3A_381 = arith.constant 0 : i32
    %sign3A_382 = arith.cmpi sgt, %reduce_sum3A_378, %sign3A_381 : i32
    %sign3A_383 = arith.extui %sign3A_382 : i1 to i32
    %sign3A_384 = arith.constant 0 : i32
    %sign3A_385 = arith.cmpi slt, %reduce_sum3A_378, %sign3A_384 : i32
    %sign3A_386 = arith.extui %sign3A_385 : i1 to i32
    %sign3A_387 = arith.subi %sign3A_383, %sign3A_386 : i32
    %sign3A_388 = arith.constant 0 : i32
    %sign3A_389 = arith.cmpi sgt, %jit3A_379, %sign3A_388 : i32
    %sign3A_390 = arith.extui %sign3A_389 : i1 to i32
    %sign3A_391 = arith.constant 0 : i32
    %sign3A_392 = arith.cmpi slt, %jit3A_379, %sign3A_391 : i32
    %sign3A_393 = arith.extui %sign3A_392 : i1 to i32
    %sign3A_394 = arith.subi %sign3A_390, %sign3A_393 : i32
    %ne3A_395 = arith.cmpi ne, %sign3A_387, %sign3A_394 : i32
    %rem3A_396 = arith.remsi %reduce_sum3A_378, %jit3A_379 : i32
    %ne3A_397 = arith.constant 0 : i32
    %ne3A_398 = arith.cmpi ne, %rem3A_396, %ne3A_397 : i32
    %and3A_399 = arith.andi %ne3A_395, %ne3A_398 : i1
    %sub3A_400 = arith.constant 1 : i32
    %sub3A_401 = arith.subi %div3A_380, %sub3A_400 : i32
    %select_n3A_402 = arith.select %and3A_399, %sub3A_401, %div3A_380 : i32
    %mul3A_403 = arith.constant 8 : i32
    %mul3A_404 = arith.muli %select_n3A_402, %mul3A_403 : i32
    %add3A_405 = arith.constant 5 : i32
    %add3A_406 = arith.addi %mul3A_2, %add3A_405 : i32
    %jit3A_407 = arith.constant 128 : i32
    %div3A_408 = arith.divsi %add3A_406, %jit3A_407 : i32
    %sign3A_409 = arith.constant 0 : i32
    %sign3A_410 = arith.cmpi sgt, %add3A_406, %sign3A_409 : i32
    %sign3A_411 = arith.extui %sign3A_410 : i1 to i32
    %sign3A_412 = arith.constant 0 : i32
    %sign3A_413 = arith.cmpi slt, %add3A_406, %sign3A_412 : i32
    %sign3A_414 = arith.extui %sign3A_413 : i1 to i32
    %sign3A_415 = arith.subi %sign3A_411, %sign3A_414 : i32
    %sign3A_416 = arith.constant 0 : i32
    %sign3A_417 = arith.cmpi sgt, %jit3A_407, %sign3A_416 : i32
    %sign3A_418 = arith.extui %sign3A_417 : i1 to i32
    %sign3A_419 = arith.constant 0 : i32
    %sign3A_420 = arith.cmpi slt, %jit3A_407, %sign3A_419 : i32
    %sign3A_421 = arith.extui %sign3A_420 : i1 to i32
    %sign3A_422 = arith.subi %sign3A_418, %sign3A_421 : i32
    %ne3A_423 = arith.cmpi ne, %sign3A_415, %sign3A_422 : i32
    %rem3A_424 = arith.remsi %add3A_406, %jit3A_407 : i32
    %ne3A_425 = arith.constant 0 : i32
    %ne3A_426 = arith.cmpi ne, %rem3A_424, %ne3A_425 : i32
    %and3A_427 = arith.andi %ne3A_423, %ne3A_426 : i1
    %sub3A_428 = arith.constant 1 : i32
    %sub3A_429 = arith.subi %div3A_408, %sub3A_428 : i32
    %select_n3A_430 = arith.select %and3A_427, %sub3A_429, %div3A_408 : i32
    %mul3A_431 = arith.constant 128 : i32
    %mul3A_432 = arith.muli %select_n3A_430, %mul3A_431 : i32
    %dma_start3A_433 = arith.constant 5 : i32
    %dma_start3A_434 = arith.constant 0 : i32
    %dma_start3A_435 = arith.constant 0 : i32
    %dma_start3A_436 = tpu.memref_slice %arg7[%dma_start3A_433, %dma_start3A_434, %dma_start3A_435] : memref<32x8x128xf32, #tpu.memory_space<vmem>> -> memref<1x8x128xf32, #tpu.memory_space<vmem>>
    %dma_start3A_437 = tpu.memref_squeeze %dma_start3A_436 : memref<1x8x128xf32, #tpu.memory_space<vmem>> -> memref<8x128xf32, #tpu.memory_space<vmem>>
    %dma_start3A_438 = tpu.memref_slice %arg2[%mul3A_404, %mul3A_432] : memref<100000x1024xf32, #tpu.memory_space<hbm>> -> memref<8x128xf32, #tpu.memory_space<hbm>>
    %dma_start3A_439 = arith.constant 0 : i32
    %dma_start3A_440 = arith.constant 0 : i32
    %dma_start3A_441 = tpu.memref_slice %arg7[%dma_start3A_433, %dma_start3A_439, %dma_start3A_440] : memref<32x8x128xf32, #tpu.memory_space<vmem>> -> memref<1x8x128xf32, #tpu.memory_space<vmem>>
    %dma_start3A_442 = tpu.memref_squeeze %dma_start3A_441 : memref<1x8x128xf32, #tpu.memory_space<vmem>> -> memref<8x128xf32, #tpu.memory_space<vmem>>
    %dma_start3A_443 = tpu.memref_slice %arg2[%mul3A_404, %mul3A_432] : memref<100000x1024xf32, #tpu.memory_space<hbm>> -> memref<8x128xf32, #tpu.memory_space<hbm>>
    tpu.enqueue_dma source(%dma_start3A_443 : memref<8x128xf32, #tpu.memory_space<hbm>>) target(%dma_start3A_442 : memref<8x128xf32, #tpu.memory_space<vmem>>) target_semaphore(%arg12 : memref<!tpu.dma_semaphore, #tpu.memory_space<semaphore_mem>>)
    %eq3A_444 = arith.constant 6 : i32
    %eq3A_445 = vector.broadcast %eq3A_444 : i32 to vector<16xi32>
    %eq3A_446 = arith.cmpi eq, %iota3A, %eq3A_445 : vector<16xi32>
    %jit3A_447 = arith.constant 0 : i32
    %broadcast_in_dim3A_448 = vector.broadcast %jit3A_447 : i32 to vector<16xi32>
    %select_n3A_449 = arith.select %eq3A_446, %get3A_3, %broadcast_in_dim3A_448 : vector<16xi1>, vector<16xi32>
    %reduce_sum3A_450 = arith.constant true
    %reduce_sum3A_451 = vector.broadcast %reduce_sum3A_450 : i1 to vector<16xi1>
    %reduce_sum3A_452 = tpu.scan <sum>, %select_n3A_449 masked %reduce_sum3A_451 : vector<16xi32>, vector<16xi1> -> vector<16xi32>
    %reduce_sum3A_453 = vector.extract %reduce_sum3A_452[15] : i32 from vector<16xi32>
    %jit3A_454 = arith.constant 8 : i32
    %div3A_455 = arith.divsi %reduce_sum3A_453, %jit3A_454 : i32
    %sign3A_456 = arith.constant 0 : i32
    %sign3A_457 = arith.cmpi sgt, %reduce_sum3A_453, %sign3A_456 : i32
    %sign3A_458 = arith.extui %sign3A_457 : i1 to i32
    %sign3A_459 = arith.constant 0 : i32
    %sign3A_460 = arith.cmpi slt, %reduce_sum3A_453, %sign3A_459 : i32
    %sign3A_461 = arith.extui %sign3A_460 : i1 to i32
    %sign3A_462 = arith.subi %sign3A_458, %sign3A_461 : i32
    %sign3A_463 = arith.constant 0 : i32
    %sign3A_464 = arith.cmpi sgt, %jit3A_454, %sign3A_463 : i32
    %sign3A_465 = arith.extui %sign3A_464 : i1 to i32
    %sign3A_466 = arith.constant 0 : i32
    %sign3A_467 = arith.cmpi slt, %jit3A_454, %sign3A_466 : i32
    %sign3A_468 = arith.extui %sign3A_467 : i1 to i32
    %sign3A_469 = arith.subi %sign3A_465, %sign3A_468 : i32
    %ne3A_470 = arith.cmpi ne, %sign3A_462, %sign3A_469 : i32
    %rem3A_471 = arith.remsi %reduce_sum3A_453, %jit3A_454 : i32
    %ne3A_472 = arith.constant 0 : i32
    %ne3A_473 = arith.cmpi ne, %rem3A_471, %ne3A_472 : i32
    %and3A_474 = arith.andi %ne3A_470, %ne3A_473 : i1
    %sub3A_475 = arith.constant 1 : i32
    %sub3A_476 = arith.subi %div3A_455, %sub3A_475 : i32
    %select_n3A_477 = arith.select %and3A_474, %sub3A_476, %div3A_455 : i32
    %mul3A_478 = arith.constant 8 : i32
    %mul3A_479 = arith.muli %select_n3A_477, %mul3A_478 : i32
    %add3A_480 = arith.constant 6 : i32
    %add3A_481 = arith.addi %mul3A_2, %add3A_480 : i32
    %jit3A_482 = arith.constant 128 : i32
    %div3A_483 = arith.divsi %add3A_481, %jit3A_482 : i32
    %sign3A_484 = arith.constant 0 : i32
    %sign3A_485 = arith.cmpi sgt, %add3A_481, %sign3A_484 : i32
    %sign3A_486 = arith.extui %sign3A_485 : i1 to i32
    %sign3A_487 = arith.constant 0 : i32
    %sign3A_488 = arith.cmpi slt, %add3A_481, %sign3A_487 : i32
    %sign3A_489 = arith.extui %sign3A_488 : i1 to i32
    %sign3A_490 = arith.subi %sign3A_486, %sign3A_489 : i32
    %sign3A_491 = arith.constant 0 : i32
    %sign3A_492 = arith.cmpi sgt, %jit3A_482, %sign3A_491 : i32
    %sign3A_493 = arith.extui %sign3A_492 : i1 to i32
    %sign3A_494 = arith.constant 0 : i32
    %sign3A_495 = arith.cmpi slt, %jit3A_482, %sign3A_494 : i32
    %sign3A_496 = arith.extui %sign3A_495 : i1 to i32
    %sign3A_497 = arith.subi %sign3A_493, %sign3A_496 : i32
    %ne3A_498 = arith.cmpi ne, %sign3A_490, %sign3A_497 : i32
    %rem3A_499 = arith.remsi %add3A_481, %jit3A_482 : i32
    %ne3A_500 = arith.constant 0 : i32
    %ne3A_501 = arith.cmpi ne, %rem3A_499, %ne3A_500 : i32
    %and3A_502 = arith.andi %ne3A_498, %ne3A_501 : i1
    %sub3A_503 = arith.constant 1 : i32
    %sub3A_504 = arith.subi %div3A_483, %sub3A_503 : i32
    %select_n3A_505 = arith.select %and3A_502, %sub3A_504, %div3A_483 : i32
    %mul3A_506 = arith.constant 128 : i32
    %mul3A_507 = arith.muli %select_n3A_505, %mul3A_506 : i32
    %dma_start3A_508 = arith.constant 6 : i32
    %dma_start3A_509 = arith.constant 0 : i32
    %dma_start3A_510 = arith.constant 0 : i32
    %dma_start3A_511 = tpu.memref_slice %arg7[%dma_start3A_508, %dma_start3A_509, %dma_start3A_510] : memref<32x8x128xf32, #tpu.memory_space<vmem>> -> memref<1x8x128xf32, #tpu.memory_space<vmem>>
    %dma_start3A_512 = tpu.memref_squeeze %dma_start3A_511 : memref<1x8x128xf32, #tpu.memory_space<vmem>> -> memref<8x128xf32, #tpu.memory_space<vmem>>
    %dma_start3A_513 = tpu.memref_slice %arg2[%mul3A_479, %mul3A_507] : memref<100000x1024xf32, #tpu.memory_space<hbm>> -> memref<8x128xf32, #tpu.memory_space<hbm>>
    %dma_start3A_514 = arith.constant 0 : i32
    %dma_start3A_515 = arith.constant 0 : i32
    %dma_start3A_516 = tpu.memref_slice %arg7[%dma_start3A_508, %dma_start3A_514, %dma_start3A_515] : memref<32x8x128xf32, #tpu.memory_space<vmem>> -> memref<1x8x128xf32, #tpu.memory_space<vmem>>
    %dma_start3A_517 = tpu.memref_squeeze %dma_start3A_516 : memref<1x8x128xf32, #tpu.memory_space<vmem>> -> memref<8x128xf32, #tpu.memory_space<vmem>>
    %dma_start3A_518 = tpu.memref_slice %arg2[%mul3A_479, %mul3A_507] : memref<100000x1024xf32, #tpu.memory_space<hbm>> -> memref<8x128xf32, #tpu.memory_space<hbm>>
    tpu.enqueue_dma source(%dma_start3A_518 : memref<8x128xf32, #tpu.memory_space<hbm>>) target(%dma_start3A_517 : memref<8x128xf32, #tpu.memory_space<vmem>>) target_semaphore(%arg12 : memref<!tpu.dma_semaphore, #tpu.memory_space<semaphore_mem>>)
    %eq3A_519 = arith.constant 7 : i32
    %eq3A_520 = vector.broadcast %eq3A_519 : i32 to vector<16xi32>
    %eq3A_521 = arith.cmpi eq, %iota3A, %eq3A_520 : vector<16xi32>
    %jit3A_522 = arith.constant 0 : i32
    %broadcast_in_dim3A_523 = vector.broadcast %jit3A_522 : i32 to vector<16xi32>
    %select_n3A_524 = arith.select %eq3A_521, %get3A_3, %broadcast_in_dim3A_523 : vector<16xi1>, vector<16xi32>
    %reduce_sum3A_525 = arith.constant true
    %reduce_sum3A_526 = vector.broadcast %reduce_sum3A_525 : i1 to vector<16xi1>
    %reduce_sum3A_527 = tpu.scan <sum>, %select_n3A_524 masked %reduce_sum3A_526 : vector<16xi32>, vector<16xi1> -> vector<16xi32>
    %reduce_sum3A_528 = vector.extract %reduce_sum3A_527[15] : i32 from vector<16xi32>
    %jit3A_529 = arith.constant 8 : i32
    %div3A_530 = arith.divsi %reduce_sum3A_528, %jit3A_529 : i32
    %sign3A_531 = arith.constant 0 : i32
    %sign3A_532 = arith.cmpi sgt, %reduce_sum3A_528, %sign3A_531 : i32
    %sign3A_533 = arith.extui %sign3A_532 : i1 to i32
    %sign3A_534 = arith.constant 0 : i32
    %sign3A_535 = arith.cmpi slt, %reduce_sum3A_528, %sign3A_534 : i32
    %sign3A_536 = arith.extui %sign3A_535 : i1 to i32
    %sign3A_537 = arith.subi %sign3A_533, %sign3A_536 : i32
    %sign3A_538 = arith.constant 0 : i32
    %sign3A_539 = arith.cmpi sgt, %jit3A_529, %sign3A_538 : i32
    %sign3A_540 = arith.extui %sign3A_539 : i1 to i32
    %sign3A_541 = arith.constant 0 : i32
    %sign3A_542 = arith.cmpi slt, %jit3A_529, %sign3A_541 : i32
    %sign3A_543 = arith.extui %sign3A_542 : i1 to i32
    %sign3A_544 = arith.subi %sign3A_540, %sign3A_543 : i32
    %ne3A_545 = arith.cmpi ne, %sign3A_537, %sign3A_544 : i32
    %rem3A_546 = arith.remsi %reduce_sum3A_528, %jit3A_529 : i32
    %ne3A_547 = arith.constant 0 : i32
    %ne3A_548 = arith.cmpi ne, %rem3A_546, %ne3A_547 : i32
    %and3A_549 = arith.andi %ne3A_545, %ne3A_548 : i1
    %sub3A_550 = arith.constant 1 : i32
    %sub3A_551 = arith.subi %div3A_530, %sub3A_550 : i32
    %select_n3A_552 = arith.select %and3A_549, %sub3A_551, %div3A_530 : i32
    %mul3A_553 = arith.constant 8 : i32
    %mul3A_554 = arith.muli %select_n3A_552, %mul3A_553 : i32
    %add3A_555 = arith.constant 7 : i32
    %add3A_556 = arith.addi %mul3A_2, %add3A_555 : i32
    %jit3A_557 = arith.constant 128 : i32
    %div3A_558 = arith.divsi %add3A_556, %jit3A_557 : i32
    %sign3A_559 = arith.constant 0 : i32
    %sign3A_560 = arith.cmpi sgt, %add3A_556, %sign3A_559 : i32
    %sign3A_561 = arith.extui %sign3A_560 : i1 to i32
    %sign3A_562 = arith.constant 0 : i32
    %sign3A_563 = arith.cmpi slt, %add3A_556, %sign3A_562 : i32
    %sign3A_564 = arith.extui %sign3A_563 : i1 to i32
    %sign3A_565 = arith.subi %sign3A_561, %sign3A_564 : i32
    %sign3A_566 = arith.constant 0 : i32
    %sign3A_567 = arith.cmpi sgt, %jit3A_557, %sign3A_566 : i32
    %sign3A_568 = arith.extui %sign3A_567 : i1 to i32
    %sign3A_569 = arith.constant 0 : i32
    %sign3A_570 = arith.cmpi slt, %jit3A_557, %sign3A_569 : i32
    %sign3A_571 = arith.extui %sign3A_570 : i1 to i32
    %sign3A_572 = arith.subi %sign3A_568, %sign3A_571 : i32
    %ne3A_573 = arith.cmpi ne, %sign3A_565, %sign3A_572 : i32
    %rem3A_574 = arith.remsi %add3A_556, %jit3A_557 : i32
    %ne3A_575 = arith.constant 0 : i32
    %ne3A_576 = arith.cmpi ne, %rem3A_574, %ne3A_575 : i32
    %and3A_577 = arith.andi %ne3A_573, %ne3A_576 : i1
    %sub3A_578 = arith.constant 1 : i32
    %sub3A_579 = arith.subi %div3A_558, %sub3A_578 : i32
    %select_n3A_580 = arith.select %and3A_577, %sub3A_579, %div3A_558 : i32
    %mul3A_581 = arith.constant 128 : i32
    %mul3A_582 = arith.muli %select_n3A_580, %mul3A_581 : i32
    %dma_start3A_583 = arith.constant 7 : i32
    %dma_start3A_584 = arith.constant 0 : i32
    %dma_start3A_585 = arith.constant 0 : i32
    %dma_start3A_586 = tpu.memref_slice %arg7[%dma_start3A_583, %dma_start3A_584, %dma_start3A_585] : memref<32x8x128xf32, #tpu.memory_space<vmem>> -> memref<1x8x128xf32, #tpu.memory_space<vmem>>
    %dma_start3A_587 = tpu.memref_squeeze %dma_start3A_586 : memref<1x8x128xf32, #tpu.memory_space<vmem>> -> memref<8x128xf32, #tpu.memory_space<vmem>>
    %dma_start3A_588 = tpu.memref_slice %arg2[%mul3A_554, %mul3A_582] : memref<100000x1024xf32, #tpu.memory_space<hbm>> -> memref<8x128xf32, #tpu.memory_space<hbm>>
    %dma_start3A_589 = arith.constant 0 : i32
    %dma_start3A_590 = arith.constant 0 : i32
    %dma_start3A_591 = tpu.memref_slice %arg7[%dma_start3A_583, %dma_start3A_589, %dma_start3A_590] : memref<32x8x128xf32, #tpu.memory_space<vmem>> -> memref<1x8x128xf32, #tpu.memory_space<vmem>>
    %dma_start3A_592 = tpu.memref_squeeze %dma_start3A_591 : memref<1x8x128xf32, #tpu.memory_space<vmem>> -> memref<8x128xf32, #tpu.memory_space<vmem>>
    %dma_start3A_593 = tpu.memref_slice %arg2[%mul3A_554, %mul3A_582] : memref<100000x1024xf32, #tpu.memory_space<hbm>> -> memref<8x128xf32, #tpu.memory_space<hbm>>
    tpu.enqueue_dma source(%dma_start3A_593 : memref<8x128xf32, #tpu.memory_space<hbm>>) target(%dma_start3A_592 : memref<8x128xf32, #tpu.memory_space<vmem>>) target_semaphore(%arg12 : memref<!tpu.dma_semaphore, #tpu.memory_space<semaphore_mem>>)
    %eq3A_594 = arith.constant 8 : i32
    %eq3A_595 = vector.broadcast %eq3A_594 : i32 to vector<16xi32>
    %eq3A_596 = arith.cmpi eq, %iota3A, %eq3A_595 : vector<16xi32>
    %jit3A_597 = arith.constant 0 : i32
    %broadcast_in_dim3A_598 = vector.broadcast %jit3A_597 : i32 to vector<16xi32>
    %select_n3A_599 = arith.select %eq3A_596, %get3A_3, %broadcast_in_dim3A_598 : vector<16xi1>, vector<16xi32>
    %reduce_sum3A_600 = arith.constant true
    %reduce_sum3A_601 = vector.broadcast %reduce_sum3A_600 : i1 to vector<16xi1>
    %reduce_sum3A_602 = tpu.scan <sum>, %select_n3A_599 masked %reduce_sum3A_601 : vector<16xi32>, vector<16xi1> -> vector<16xi32>
    %reduce_sum3A_603 = vector.extract %reduce_sum3A_602[15] : i32 from vector<16xi32>
    %jit3A_604 = arith.constant 8 : i32
    %div3A_605 = arith.divsi %reduce_sum3A_603, %jit3A_604 : i32
    %sign3A_606 = arith.constant 0 : i32
    %sign3A_607 = arith.cmpi sgt, %reduce_sum3A_603, %sign3A_606 : i32
    %sign3A_608 = arith.extui %sign3A_607 : i1 to i32
    %sign3A_609 = arith.constant 0 : i32
    %sign3A_610 = arith.cmpi slt, %reduce_sum3A_603, %sign3A_609 : i32
    %sign3A_611 = arith.extui %sign3A_610 : i1 to i32
    %sign3A_612 = arith.subi %sign3A_608, %sign3A_611 : i32
    %sign3A_613 = arith.constant 0 : i32
    %sign3A_614 = arith.cmpi sgt, %jit3A_604, %sign3A_613 : i32
    %sign3A_615 = arith.extui %sign3A_614 : i1 to i32
    %sign3A_616 = arith.constant 0 : i32
    %sign3A_617 = arith.cmpi slt, %jit3A_604, %sign3A_616 : i32
    %sign3A_618 = arith.extui %sign3A_617 : i1 to i32
    %sign3A_619 = arith.subi %sign3A_615, %sign3A_618 : i32
    %ne3A_620 = arith.cmpi ne, %sign3A_612, %sign3A_619 : i32
    %rem3A_621 = arith.remsi %reduce_sum3A_603, %jit3A_604 : i32
    %ne3A_622 = arith.constant 0 : i32
    %ne3A_623 = arith.cmpi ne, %rem3A_621, %ne3A_622 : i32
    %and3A_624 = arith.andi %ne3A_620, %ne3A_623 : i1
    %sub3A_625 = arith.constant 1 : i32
    %sub3A_626 = arith.subi %div3A_605, %sub3A_625 : i32
    %select_n3A_627 = arith.select %and3A_624, %sub3A_626, %div3A_605 : i32
    %mul3A_628 = arith.constant 8 : i32
    %mul3A_629 = arith.muli %select_n3A_627, %mul3A_628 : i32
    %add3A_630 = arith.constant 8 : i32
    %add3A_631 = arith.addi %mul3A_2, %add3A_630 : i32
    %jit3A_632 = arith.constant 128 : i32
    %div3A_633 = arith.divsi %add3A_631, %jit3A_632 : i32
    %sign3A_634 = arith.constant 0 : i32
    %sign3A_635 = arith.cmpi sgt, %add3A_631, %sign3A_634 : i32
    %sign3A_636 = arith.extui %sign3A_635 : i1 to i32
    %sign3A_637 = arith.constant 0 : i32
    %sign3A_638 = arith.cmpi slt, %add3A_631, %sign3A_637 : i32
    %sign3A_639 = arith.extui %sign3A_638 : i1 to i32
    %sign3A_640 = arith.subi %sign3A_636, %sign3A_639 : i32
    %sign3A_641 = arith.constant 0 : i32
    %sign3A_642 = arith.cmpi sgt, %jit3A_632, %sign3A_641 : i32
    %sign3A_643 = arith.extui %sign3A_642 : i1 to i32
    %sign3A_644 = arith.constant 0 : i32
    %sign3A_645 = arith.cmpi slt, %jit3A_632, %sign3A_644 : i32
    %sign3A_646 = arith.extui %sign3A_645 : i1 to i32
    %sign3A_647 = arith.subi %sign3A_643, %sign3A_646 : i32
    %ne3A_648 = arith.cmpi ne, %sign3A_640, %sign3A_647 : i32
    %rem3A_649 = arith.remsi %add3A_631, %jit3A_632 : i32
    %ne3A_650 = arith.constant 0 : i32
    %ne3A_651 = arith.cmpi ne, %rem3A_649, %ne3A_650 : i32
    %and3A_652 = arith.andi %ne3A_648, %ne3A_651 : i1
    %sub3A_653 = arith.constant 1 : i32
    %sub3A_654 = arith.subi %div3A_633, %sub3A_653 : i32
    %select_n3A_655 = arith.select %and3A_652, %sub3A_654, %div3A_633 : i32
    %mul3A_656 = arith.constant 128 : i32
    %mul3A_657 = arith.muli %select_n3A_655, %mul3A_656 : i32
    %dma_start3A_658 = arith.constant 8 : i32
    %dma_start3A_659 = arith.constant 0 : i32
    %dma_start3A_660 = arith.constant 0 : i32
    %dma_start3A_661 = tpu.memref_slice %arg7[%dma_start3A_658, %dma_start3A_659, %dma_start3A_660] : memref<32x8x128xf32, #tpu.memory_space<vmem>> -> memref<1x8x128xf32, #tpu.memory_space<vmem>>
    %dma_start3A_662 = tpu.memref_squeeze %dma_start3A_661 : memref<1x8x128xf32, #tpu.memory_space<vmem>> -> memref<8x128xf32, #tpu.memory_space<vmem>>
    %dma_start3A_663 = tpu.memref_slice %arg2[%mul3A_629, %mul3A_657] : memref<100000x1024xf32, #tpu.memory_space<hbm>> -> memref<8x128xf32, #tpu.memory_space<hbm>>
    %dma_start3A_664 = arith.constant 0 : i32
    %dma_start3A_665 = arith.constant 0 : i32
    %dma_start3A_666 = tpu.memref_slice %arg7[%dma_start3A_658, %dma_start3A_664, %dma_start3A_665] : memref<32x8x128xf32, #tpu.memory_space<vmem>> -> memref<1x8x128xf32, #tpu.memory_space<vmem>>
    %dma_start3A_667 = tpu.memref_squeeze %dma_start3A_666 : memref<1x8x128xf32, #tpu.memory_space<vmem>> -> memref<8x128xf32, #tpu.memory_space<vmem>>
    %dma_start3A_668 = tpu.memref_slice %arg2[%mul3A_629, %mul3A_657] : memref<100000x1024xf32, #tpu.memory_space<hbm>> -> memref<8x128xf32, #tpu.memory_space<hbm>>
    tpu.enqueue_dma source(%dma_start3A_668 : memref<8x128xf32, #tpu.memory_space<hbm>>) target(%dma_start3A_667 : memref<8x128xf32, #tpu.memory_space<vmem>>) target_semaphore(%arg12 : memref<!tpu.dma_semaphore, #tpu.memory_space<semaphore_mem>>)
    %eq3A_669 = arith.constant 9 : i32
    %eq3A_670 = vector.broadcast %eq3A_669 : i32 to vector<16xi32>
    %eq3A_671 = arith.cmpi eq, %iota3A, %eq3A_670 : vector<16xi32>
    %jit3A_672 = arith.constant 0 : i32
    %broadcast_in_dim3A_673 = vector.broadcast %jit3A_672 : i32 to vector<16xi32>
    %select_n3A_674 = arith.select %eq3A_671, %get3A_3, %broadcast_in_dim3A_673 : vector<16xi1>, vector<16xi32>
    %reduce_sum3A_675 = arith.constant true
    %reduce_sum3A_676 = vector.broadcast %reduce_sum3A_675 : i1 to vector<16xi1>
    %reduce_sum3A_677 = tpu.scan <sum>, %select_n3A_674 masked %reduce_sum3A_676 : vector<16xi32>, vector<16xi1> -> vector<16xi32>
    %reduce_sum3A_678 = vector.extract %reduce_sum3A_677[15] : i32 from vector<16xi32>
    %jit3A_679 = arith.constant 8 : i32
    %div3A_680 = arith.divsi %reduce_sum3A_678, %jit3A_679 : i32
    %sign3A_681 = arith.constant 0 : i32
    %sign3A_682 = arith.cmpi sgt, %reduce_sum3A_678, %sign3A_681 : i32
    %sign3A_683 = arith.extui %sign3A_682 : i1 to i32
    %sign3A_684 = arith.constant 0 : i32
    %sign3A_685 = arith.cmpi slt, %reduce_sum3A_678, %sign3A_684 : i32
    %sign3A_686 = arith.extui %sign3A_685 : i1 to i32
    %sign3A_687 = arith.subi %sign3A_683, %sign3A_686 : i32
    %sign3A_688 = arith.constant 0 : i32
    %sign3A_689 = arith.cmpi sgt, %jit3A_679, %sign3A_688 : i32
    %sign3A_690 = arith.extui %sign3A_689 : i1 to i32
    %sign3A_691 = arith.constant 0 : i32
    %sign3A_692 = arith.cmpi slt, %jit3A_679, %sign3A_691 : i32
    %sign3A_693 = arith.extui %sign3A_692 : i1 to i32
    %sign3A_694 = arith.subi %sign3A_690, %sign3A_693 : i32
    %ne3A_695 = arith.cmpi ne, %sign3A_687, %sign3A_694 : i32
    %rem3A_696 = arith.remsi %reduce_sum3A_678, %jit3A_679 : i32
    %ne3A_697 = arith.constant 0 : i32
    %ne3A_698 = arith.cmpi ne, %rem3A_696, %ne3A_697 : i32
    %and3A_699 = arith.andi %ne3A_695, %ne3A_698 : i1
    %sub3A_700 = arith.constant 1 : i32
    %sub3A_701 = arith.subi %div3A_680, %sub3A_700 : i32
    %select_n3A_702 = arith.select %and3A_699, %sub3A_701, %div3A_680 : i32
    %mul3A_703 = arith.constant 8 : i32
    %mul3A_704 = arith.muli %select_n3A_702, %mul3A_703 : i32
    %add3A_705 = arith.constant 9 : i32
    %add3A_706 = arith.addi %mul3A_2, %add3A_705 : i32
    %jit3A_707 = arith.constant 128 : i32
    %div3A_708 = arith.divsi %add3A_706, %jit3A_707 : i32
    %sign3A_709 = arith.constant 0 : i32
    %sign3A_710 = arith.cmpi sgt, %add3A_706, %sign3A_709 : i32
    %sign3A_711 = arith.extui %sign3A_710 : i1 to i32
    %sign3A_712 = arith.constant 0 : i32
    %sign3A_713 = arith.cmpi slt, %add3A_706, %sign3A_712 : i32
    %sign3A_714 = arith.extui %sign3A_713 : i1 to i32
    %sign3A_715 = arith.subi %sign3A_711, %sign3A_714 : i32
    %sign3A_716 = arith.constant 0 : i32
    %sign3A_717 = arith.cmpi sgt, %jit3A_707, %sign3A_716 : i32
    %sign3A_718 = arith.extui %sign3A_717 : i1 to i32
    %sign3A_719 = arith.constant 0 : i32
    %sign3A_720 = arith.cmpi slt, %jit3A_707, %sign3A_719 : i32
    %sign3A_721 = arith.extui %sign3A_720 : i1 to i32
    %sign3A_722 = arith.subi %sign3A_718, %sign3A_721 : i32
    %ne3A_723 = arith.cmpi ne, %sign3A_715, %sign3A_722 : i32
    %rem3A_724 = arith.remsi %add3A_706, %jit3A_707 : i32
    %ne3A_725 = arith.constant 0 : i32
    %ne3A_726 = arith.cmpi ne, %rem3A_724, %ne3A_725 : i32
    %and3A_727 = arith.andi %ne3A_723, %ne3A_726 : i1
    %sub3A_728 = arith.constant 1 : i32
    %sub3A_729 = arith.subi %div3A_708, %sub3A_728 : i32
    %select_n3A_730 = arith.select %and3A_727, %sub3A_729, %div3A_708 : i32
    %mul3A_731 = arith.constant 128 : i32
    %mul3A_732 = arith.muli %select_n3A_730, %mul3A_731 : i32
    %dma_start3A_733 = arith.constant 9 : i32
    %dma_start3A_734 = arith.constant 0 : i32
    %dma_start3A_735 = arith.constant 0 : i32
    %dma_start3A_736 = tpu.memref_slice %arg7[%dma_start3A_733, %dma_start3A_734, %dma_start3A_735] : memref<32x8x128xf32, #tpu.memory_space<vmem>> -> memref<1x8x128xf32, #tpu.memory_space<vmem>>
    %dma_start3A_737 = tpu.memref_squeeze %dma_start3A_736 : memref<1x8x128xf32, #tpu.memory_space<vmem>> -> memref<8x128xf32, #tpu.memory_space<vmem>>
    %dma_start3A_738 = tpu.memref_slice %arg2[%mul3A_704, %mul3A_732] : memref<100000x1024xf32, #tpu.memory_space<hbm>> -> memref<8x128xf32, #tpu.memory_space<hbm>>
    %dma_start3A_739 = arith.constant 0 : i32
    %dma_start3A_740 = arith.constant 0 : i32
    %dma_start3A_741 = tpu.memref_slice %arg7[%dma_start3A_733, %dma_start3A_739, %dma_start3A_740] : memref<32x8x128xf32, #tpu.memory_space<vmem>> -> memref<1x8x128xf32, #tpu.memory_space<vmem>>
    %dma_start3A_742 = tpu.memref_squeeze %dma_start3A_741 : memref<1x8x128xf32, #tpu.memory_space<vmem>> -> memref<8x128xf32, #tpu.memory_space<vmem>>
    %dma_start3A_743 = tpu.memref_slice %arg2[%mul3A_704, %mul3A_732] : memref<100000x1024xf32, #tpu.memory_space<hbm>> -> memref<8x128xf32, #tpu.memory_space<hbm>>
    tpu.enqueue_dma source(%dma_start3A_743 : memref<8x128xf32, #tpu.memory_space<hbm>>) target(%dma_start3A_742 : memref<8x128xf32, #tpu.memory_space<vmem>>) target_semaphore(%arg12 : memref<!tpu.dma_semaphore, #tpu.memory_space<semaphore_mem>>)
    %eq3A_744 = arith.constant 10 : i32
    %eq3A_745 = vector.broadcast %eq3A_744 : i32 to vector<16xi32>
    %eq3A_746 = arith.cmpi eq, %iota3A, %eq3A_745 : vector<16xi32>
    %jit3A_747 = arith.constant 0 : i32
    %broadcast_in_dim3A_748 = vector.broadcast %jit3A_747 : i32 to vector<16xi32>
    %select_n3A_749 = arith.select %eq3A_746, %get3A_3, %broadcast_in_dim3A_748 : vector<16xi1>, vector<16xi32>
    %reduce_sum3A_750 = arith.constant true
    %reduce_sum3A_751 = vector.broadcast %reduce_sum3A_750 : i1 to vector<16xi1>
    %reduce_sum3A_752 = tpu.scan <sum>, %select_n3A_749 masked %reduce_sum3A_751 : vector<16xi32>, vector<16xi1> -> vector<16xi32>
    %reduce_sum3A_753 = vector.extract %reduce_sum3A_752[15] : i32 from vector<16xi32>
    %jit3A_754 = arith.constant 8 : i32
    %div3A_755 = arith.divsi %reduce_sum3A_753, %jit3A_754 : i32
    %sign3A_756 = arith.constant 0 : i32
    %sign3A_757 = arith.cmpi sgt, %reduce_sum3A_753, %sign3A_756 : i32
    %sign3A_758 = arith.extui %sign3A_757 : i1 to i32
    %sign3A_759 = arith.constant 0 : i32
    %sign3A_760 = arith.cmpi slt, %reduce_sum3A_753, %sign3A_759 : i32
    %sign3A_761 = arith.extui %sign3A_760 : i1 to i32
    %sign3A_762 = arith.subi %sign3A_758, %sign3A_761 : i32
    %sign3A_763 = arith.constant 0 : i32
    %sign3A_764 = arith.cmpi sgt, %jit3A_754, %sign3A_763 : i32
    %sign3A_765 = arith.extui %sign3A_764 : i1 to i32
    %sign3A_766 = arith.constant 0 : i32
    %sign3A_767 = arith.cmpi slt, %jit3A_754, %sign3A_766 : i32
    %sign3A_768 = arith.extui %sign3A_767 : i1 to i32
    %sign3A_769 = arith.subi %sign3A_765, %sign3A_768 : i32
    %ne3A_770 = arith.cmpi ne, %sign3A_762, %sign3A_769 : i32
    %rem3A_771 = arith.remsi %reduce_sum3A_753, %jit3A_754 : i32
    %ne3A_772 = arith.constant 0 : i32
    %ne3A_773 = arith.cmpi ne, %rem3A_771, %ne3A_772 : i32
    %and3A_774 = arith.andi %ne3A_770, %ne3A_773 : i1
    %sub3A_775 = arith.constant 1 : i32
    %sub3A_776 = arith.subi %div3A_755, %sub3A_775 : i32
    %select_n3A_777 = arith.select %and3A_774, %sub3A_776, %div3A_755 : i32
    %mul3A_778 = arith.constant 8 : i32
    %mul3A_779 = arith.muli %select_n3A_777, %mul3A_778 : i32
    %add3A_780 = arith.constant 10 : i32
    %add3A_781 = arith.addi %mul3A_2, %add3A_780 : i32
    %jit3A_782 = arith.constant 128 : i32
    %div3A_783 = arith.divsi %add3A_781, %jit3A_782 : i32
    %sign3A_784 = arith.constant 0 : i32
    %sign3A_785 = arith.cmpi sgt, %add3A_781, %sign3A_784 : i32
    %sign3A_786 = arith.extui %sign3A_785 : i1 to i32
    %sign3A_787 = arith.constant 0 : i32
    %sign3A_788 = arith.cmpi slt, %add3A_781, %sign3A_787 : i32
    %sign3A_789 = arith.extui %sign3A_788 : i1 to i32
    %sign3A_790 = arith.subi %sign3A_786, %sign3A_789 : i32
    %sign3A_791 = arith.constant 0 : i32
    %sign3A_792 = arith.cmpi sgt, %jit3A_782, %sign3A_791 : i32
    %sign3A_793 = arith.extui %sign3A_792 : i1 to i32
    %sign3A_794 = arith.constant 0 : i32
    %sign3A_795 = arith.cmpi slt, %jit3A_782, %sign3A_794 : i32
    %sign3A_796 = arith.extui %sign3A_795 : i1 to i32
    %sign3A_797 = arith.subi %sign3A_793, %sign3A_796 : i32
    %ne3A_798 = arith.cmpi ne, %sign3A_790, %sign3A_797 : i32
    %rem3A_799 = arith.remsi %add3A_781, %jit3A_782 : i32
    %ne3A_800 = arith.constant 0 : i32
    %ne3A_801 = arith.cmpi ne, %rem3A_799, %ne3A_800 : i32
    %and3A_802 = arith.andi %ne3A_798, %ne3A_801 : i1
    %sub3A_803 = arith.constant 1 : i32
    %sub3A_804 = arith.subi %div3A_783, %sub3A_803 : i32
    %select_n3A_805 = arith.select %and3A_802, %sub3A_804, %div3A_783 : i32
    %mul3A_806 = arith.constant 128 : i32
    %mul3A_807 = arith.muli %select_n3A_805, %mul3A_806 : i32
    %dma_start3A_808 = arith.constant 10 : i32
    %dma_start3A_809 = arith.constant 0 : i32
    %dma_start3A_810 = arith.constant 0 : i32
    %dma_start3A_811 = tpu.memref_slice %arg7[%dma_start3A_808, %dma_start3A_809, %dma_start3A_810] : memref<32x8x128xf32, #tpu.memory_space<vmem>> -> memref<1x8x128xf32, #tpu.memory_space<vmem>>
    %dma_start3A_812 = tpu.memref_squeeze %dma_start3A_811 : memref<1x8x128xf32, #tpu.memory_space<vmem>> -> memref<8x128xf32, #tpu.memory_space<vmem>>
    %dma_start3A_813 = tpu.memref_slice %arg2[%mul3A_779, %mul3A_807] : memref<100000x1024xf32, #tpu.memory_space<hbm>> -> memref<8x128xf32, #tpu.memory_space<hbm>>
    %dma_start3A_814 = arith.constant 0 : i32
    %dma_start3A_815 = arith.constant 0 : i32
    %dma_start3A_816 = tpu.memref_slice %arg7[%dma_start3A_808, %dma_start3A_814, %dma_start3A_815] : memref<32x8x128xf32, #tpu.memory_space<vmem>> -> memref<1x8x128xf32, #tpu.memory_space<vmem>>
    %dma_start3A_817 = tpu.memref_squeeze %dma_start3A_816 : memref<1x8x128xf32, #tpu.memory_space<vmem>> -> memref<8x128xf32, #tpu.memory_space<vmem>>
    %dma_start3A_818 = tpu.memref_slice %arg2[%mul3A_779, %mul3A_807] : memref<100000x1024xf32, #tpu.memory_space<hbm>> -> memref<8x128xf32, #tpu.memory_space<hbm>>
    tpu.enqueue_dma source(%dma_start3A_818 : memref<8x128xf32, #tpu.memory_space<hbm>>) target(%dma_start3A_817 : memref<8x128xf32, #tpu.memory_space<vmem>>) target_semaphore(%arg12 : memref<!tpu.dma_semaphore, #tpu.memory_space<semaphore_mem>>)
    %eq3A_819 = arith.constant 11 : i32
    %eq3A_820 = vector.broadcast %eq3A_819 : i32 to vector<16xi32>
    %eq3A_821 = arith.cmpi eq, %iota3A, %eq3A_820 : vector<16xi32>
    %jit3A_822 = arith.constant 0 : i32
    %broadcast_in_dim3A_823 = vector.broadcast %jit3A_822 : i32 to vector<16xi32>
    %select_n3A_824 = arith.select %eq3A_821, %get3A_3, %broadcast_in_dim3A_823 : vector<16xi1>, vector<16xi32>
    %reduce_sum3A_825 = arith.constant true
    %reduce_sum3A_826 = vector.broadcast %reduce_sum3A_825 : i1 to vector<16xi1>
    %reduce_sum3A_827 = tpu.scan <sum>, %select_n3A_824 masked %reduce_sum3A_826 : vector<16xi32>, vector<16xi1> -> vector<16xi32>
    %reduce_sum3A_828 = vector.extract %reduce_sum3A_827[15] : i32 from vector<16xi32>
    %jit3A_829 = arith.constant 8 : i32
    %div3A_830 = arith.divsi %reduce_sum3A_828, %jit3A_829 : i32
    %sign3A_831 = arith.constant 0 : i32
    %sign3A_832 = arith.cmpi sgt, %reduce_sum3A_828, %sign3A_831 : i32
    %sign3A_833 = arith.extui %sign3A_832 : i1 to i32
    %sign3A_834 = arith.constant 0 : i32
    %sign3A_835 = arith.cmpi slt, %reduce_sum3A_828, %sign3A_834 : i32
    %sign3A_836 = arith.extui %sign3A_835 : i1 to i32
    %sign3A_837 = arith.subi %sign3A_833, %sign3A_836 : i32
    %sign3A_838 = arith.constant 0 : i32
    %sign3A_839 = arith.cmpi sgt, %jit3A_829, %sign3A_838 : i32
    %sign3A_840 = arith.extui %sign3A_839 : i1 to i32
    %sign3A_841 = arith.constant 0 : i32
    %sign3A_842 = arith.cmpi slt, %jit3A_829, %sign3A_841 : i32
    %sign3A_843 = arith.extui %sign3A_842 : i1 to i32
    %sign3A_844 = arith.subi %sign3A_840, %sign3A_843 : i32
    %ne3A_845 = arith.cmpi ne, %sign3A_837, %sign3A_844 : i32
    %rem3A_846 = arith.remsi %reduce_sum3A_828, %jit3A_829 : i32
    %ne3A_847 = arith.constant 0 : i32
    %ne3A_848 = arith.cmpi ne, %rem3A_846, %ne3A_847 : i32
    %and3A_849 = arith.andi %ne3A_845, %ne3A_848 : i1
    %sub3A_850 = arith.constant 1 : i32
    %sub3A_851 = arith.subi %div3A_830, %sub3A_850 : i32
    %select_n3A_852 = arith.select %and3A_849, %sub3A_851, %div3A_830 : i32
    %mul3A_853 = arith.constant 8 : i32
    %mul3A_854 = arith.muli %select_n3A_852, %mul3A_853 : i32
    %add3A_855 = arith.constant 11 : i32
    %add3A_856 = arith.addi %mul3A_2, %add3A_855 : i32
    %jit3A_857 = arith.constant 128 : i32
    %div3A_858 = arith.divsi %add3A_856, %jit3A_857 : i32
    %sign3A_859 = arith.constant 0 : i32
    %sign3A_860 = arith.cmpi sgt, %add3A_856, %sign3A_859 : i32
    %sign3A_861 = arith.extui %sign3A_860 : i1 to i32
    %sign3A_862 = arith.constant 0 : i32
    %sign3A_863 = arith.cmpi slt, %add3A_856, %sign3A_862 : i32
    %sign3A_864 = arith.extui %sign3A_863 : i1 to i32
    %sign3A_865 = arith.subi %sign3A_861, %sign3A_864 : i32
    %sign3A_866 = arith.constant 0 : i32
    %sign3A_867 = arith.cmpi sgt, %jit3A_857, %sign3A_866 : i32
    %sign3A_868 = arith.extui %sign3A_867 : i1 to i32
    %sign3A_869 = arith.constant 0 : i32
    %sign3A_870 = arith.cmpi slt, %jit3A_857, %sign3A_869 : i32
    %sign3A_871 = arith.extui %sign3A_870 : i1 to i32
    %sign3A_872 = arith.subi %sign3A_868, %sign3A_871 : i32
    %ne3A_873 = arith.cmpi ne, %sign3A_865, %sign3A_872 : i32
    %rem3A_874 = arith.remsi %add3A_856, %jit3A_857 : i32
    %ne3A_875 = arith.constant 0 : i32
    %ne3A_876 = arith.cmpi ne, %rem3A_874, %ne3A_875 : i32
    %and3A_877 = arith.andi %ne3A_873, %ne3A_876 : i1
    %sub3A_878 = arith.constant 1 : i32
    %sub3A_879 = arith.subi %div3A_858, %sub3A_878 : i32
    %select_n3A_880 = arith.select %and3A_877, %sub3A_879, %div3A_858 : i32
    %mul3A_881 = arith.constant 128 : i32
    %mul3A_882 = arith.muli %select_n3A_880, %mul3A_881 : i32
    %dma_start3A_883 = arith.constant 11 : i32
    %dma_start3A_884 = arith.constant 0 : i32
    %dma_start3A_885 = arith.constant 0 : i32
    %dma_start3A_886 = tpu.memref_slice %arg7[%dma_start3A_883, %dma_start3A_884, %dma_start3A_885] : memref<32x8x128xf32, #tpu.memory_space<vmem>> -> memref<1x8x128xf32, #tpu.memory_space<vmem>>
    %dma_start3A_887 = tpu.memref_squeeze %dma_start3A_886 : memref<1x8x128xf32, #tpu.memory_space<vmem>> -> memref<8x128xf32, #tpu.memory_space<vmem>>
    %dma_start3A_888 = tpu.memref_slice %arg2[%mul3A_854, %mul3A_882] : memref<100000x1024xf32, #tpu.memory_space<hbm>> -> memref<8x128xf32, #tpu.memory_space<hbm>>
    %dma_start3A_889 = arith.constant 0 : i32
    %dma_start3A_890 = arith.constant 0 : i32
    %dma_start3A_891 = tpu.memref_slice %arg7[%dma_start3A_883, %dma_start3A_889, %dma_start3A_890] : memref<32x8x128xf32, #tpu.memory_space<vmem>> -> memref<1x8x128xf32, #tpu.memory_space<vmem>>
    %dma_start3A_892 = tpu.memref_squeeze %dma_start3A_891 : memref<1x8x128xf32, #tpu.memory_space<vmem>> -> memref<8x128xf32, #tpu.memory_space<vmem>>
    %dma_start3A_893 = tpu.memref_slice %arg2[%mul3A_854, %mul3A_882] : memref<100000x1024xf32, #tpu.memory_space<hbm>> -> memref<8x128xf32, #tpu.memory_space<hbm>>
    tpu.enqueue_dma source(%dma_start3A_893 : memref<8x128xf32, #tpu.memory_space<hbm>>) target(%dma_start3A_892 : memref<8x128xf32, #tpu.memory_space<vmem>>) target_semaphore(%arg12 : memref<!tpu.dma_semaphore, #tpu.memory_space<semaphore_mem>>)
    %eq3A_894 = arith.constant 12 : i32
    %eq3A_895 = vector.broadcast %eq3A_894 : i32 to vector<16xi32>
    %eq3A_896 = arith.cmpi eq, %iota3A, %eq3A_895 : vector<16xi32>
    %jit3A_897 = arith.constant 0 : i32
    %broadcast_in_dim3A_898 = vector.broadcast %jit3A_897 : i32 to vector<16xi32>
    %select_n3A_899 = arith.select %eq3A_896, %get3A_3, %broadcast_in_dim3A_898 : vector<16xi1>, vector<16xi32>
    %reduce_sum3A_900 = arith.constant true
    %reduce_sum3A_901 = vector.broadcast %reduce_sum3A_900 : i1 to vector<16xi1>
    %reduce_sum3A_902 = tpu.scan <sum>, %select_n3A_899 masked %reduce_sum3A_901 : vector<16xi32>, vector<16xi1> -> vector<16xi32>
    %reduce_sum3A_903 = vector.extract %reduce_sum3A_902[15] : i32 from vector<16xi32>
    %jit3A_904 = arith.constant 8 : i32
    %div3A_905 = arith.divsi %reduce_sum3A_903, %jit3A_904 : i32
    %sign3A_906 = arith.constant 0 : i32
    %sign3A_907 = arith.cmpi sgt, %reduce_sum3A_903, %sign3A_906 : i32
    %sign3A_908 = arith.extui %sign3A_907 : i1 to i32
    %sign3A_909 = arith.constant 0 : i32
    %sign3A_910 = arith.cmpi slt, %reduce_sum3A_903, %sign3A_909 : i32
    %sign3A_911 = arith.extui %sign3A_910 : i1 to i32
    %sign3A_912 = arith.subi %sign3A_908, %sign3A_911 : i32
    %sign3A_913 = arith.constant 0 : i32
    %sign3A_914 = arith.cmpi sgt, %jit3A_904, %sign3A_913 : i32
    %sign3A_915 = arith.extui %sign3A_914 : i1 to i32
    %sign3A_916 = arith.constant 0 : i32
    %sign3A_917 = arith.cmpi slt, %jit3A_904, %sign3A_916 : i32
    %sign3A_918 = arith.extui %sign3A_917 : i1 to i32
    %sign3A_919 = arith.subi %sign3A_915, %sign3A_918 : i32
    %ne3A_920 = arith.cmpi ne, %sign3A_912, %sign3A_919 : i32
    %rem3A_921 = arith.remsi %reduce_sum3A_903, %jit3A_904 : i32
    %ne3A_922 = arith.constant 0 : i32
    %ne3A_923 = arith.cmpi ne, %rem3A_921, %ne3A_922 : i32
    %and3A_924 = arith.andi %ne3A_920, %ne3A_923 : i1
    %sub3A_925 = arith.constant 1 : i32
    %sub3A_926 = arith.subi %div3A_905, %sub3A_925 : i32
    %select_n3A_927 = arith.select %and3A_924, %sub3A_926, %div3A_905 : i32
    %mul3A_928 = arith.constant 8 : i32
    %mul3A_929 = arith.muli %select_n3A_927, %mul3A_928 : i32
    %add3A_930 = arith.constant 12 : i32
    %add3A_931 = arith.addi %mul3A_2, %add3A_930 : i32
    %jit3A_932 = arith.constant 128 : i32
    %div3A_933 = arith.divsi %add3A_931, %jit3A_932 : i32
    %sign3A_934 = arith.constant 0 : i32
    %sign3A_935 = arith.cmpi sgt, %add3A_931, %sign3A_934 : i32
    %sign3A_936 = arith.extui %sign3A_935 : i1 to i32
    %sign3A_937 = arith.constant 0 : i32
    %sign3A_938 = arith.cmpi slt, %add3A_931, %sign3A_937 : i32
    %sign3A_939 = arith.extui %sign3A_938 : i1 to i32
    %sign3A_940 = arith.subi %sign3A_936, %sign3A_939 : i32
    %sign3A_941 = arith.constant 0 : i32
    %sign3A_942 = arith.cmpi sgt, %jit3A_932, %sign3A_941 : i32
    %sign3A_943 = arith.extui %sign3A_942 : i1 to i32
    %sign3A_944 = arith.constant 0 : i32
    %sign3A_945 = arith.cmpi slt, %jit3A_932, %sign3A_944 : i32
    %sign3A_946 = arith.extui %sign3A_945 : i1 to i32
    %sign3A_947 = arith.subi %sign3A_943, %sign3A_946 : i32
    %ne3A_948 = arith.cmpi ne, %sign3A_940, %sign3A_947 : i32
    %rem3A_949 = arith.remsi %add3A_931, %jit3A_932 : i32
    %ne3A_950 = arith.constant 0 : i32
    %ne3A_951 = arith.cmpi ne, %rem3A_949, %ne3A_950 : i32
    %and3A_952 = arith.andi %ne3A_948, %ne3A_951 : i1
    %sub3A_953 = arith.constant 1 : i32
    %sub3A_954 = arith.subi %div3A_933, %sub3A_953 : i32
    %select_n3A_955 = arith.select %and3A_952, %sub3A_954, %div3A_933 : i32
    %mul3A_956 = arith.constant 128 : i32
    %mul3A_957 = arith.muli %select_n3A_955, %mul3A_956 : i32
    %dma_start3A_958 = arith.constant 12 : i32
    %dma_start3A_959 = arith.constant 0 : i32
    %dma_start3A_960 = arith.constant 0 : i32
    %dma_start3A_961 = tpu.memref_slice %arg7[%dma_start3A_958, %dma_start3A_959, %dma_start3A_960] : memref<32x8x128xf32, #tpu.memory_space<vmem>> -> memref<1x8x128xf32, #tpu.memory_space<vmem>>
    %dma_start3A_962 = tpu.memref_squeeze %dma_start3A_961 : memref<1x8x128xf32, #tpu.memory_space<vmem>> -> memref<8x128xf32, #tpu.memory_space<vmem>>
    %dma_start3A_963 = tpu.memref_slice %arg2[%mul3A_929, %mul3A_957] : memref<100000x1024xf32, #tpu.memory_space<hbm>> -> memref<8x128xf32, #tpu.memory_space<hbm>>
    %dma_start3A_964 = arith.constant 0 : i32
    %dma_start3A_965 = arith.constant 0 : i32
    %dma_start3A_966 = tpu.memref_slice %arg7[%dma_start3A_958, %dma_start3A_964, %dma_start3A_965] : memref<32x8x128xf32, #tpu.memory_space<vmem>> -> memref<1x8x128xf32, #tpu.memory_space<vmem>>
    %dma_start3A_967 = tpu.memref_squeeze %dma_start3A_966 : memref<1x8x128xf32, #tpu.memory_space<vmem>> -> memref<8x128xf32, #tpu.memory_space<vmem>>
    %dma_start3A_968 = tpu.memref_slice %arg2[%mul3A_929, %mul3A_957] : memref<100000x1024xf32, #tpu.memory_space<hbm>> -> memref<8x128xf32, #tpu.memory_space<hbm>>
    tpu.enqueue_dma source(%dma_start3A_968 : memref<8x128xf32, #tpu.memory_space<hbm>>) target(%dma_start3A_967 : memref<8x128xf32, #tpu.memory_space<vmem>>) target_semaphore(%arg12 : memref<!tpu.dma_semaphore, #tpu.memory_space<semaphore_mem>>)
    %eq3A_969 = arith.constant 13 : i32
    %eq3A_970 = vector.broadcast %eq3A_969 : i32 to vector<16xi32>
    %eq3A_971 = arith.cmpi eq, %iota3A, %eq3A_970 : vector<16xi32>
    %jit3A_972 = arith.constant 0 : i32
    %broadcast_in_dim3A_973 = vector.broadcast %jit3A_972 : i32 to vector<16xi32>
    %select_n3A_974 = arith.select %eq3A_971, %get3A_3, %broadcast_in_dim3A_973 : vector<16xi1>, vector<16xi32>
    %reduce_sum3A_975 = arith.constant true
    %reduce_sum3A_976 = vector.broadcast %reduce_sum3A_975 : i1 to vector<16xi1>
    %reduce_sum3A_977 = tpu.scan <sum>, %select_n3A_974 masked %reduce_sum3A_976 : vector<16xi32>, vector<16xi1> -> vector<16xi32>
    %reduce_sum3A_978 = vector.extract %reduce_sum3A_977[15] : i32 from vector<16xi32>
    %jit3A_979 = arith.constant 8 : i32
    %div3A_980 = arith.divsi %reduce_sum3A_978, %jit3A_979 : i32
    %sign3A_981 = arith.constant 0 : i32
    %sign3A_982 = arith.cmpi sgt, %reduce_sum3A_978, %sign3A_981 : i32
    %sign3A_983 = arith.extui %sign3A_982 : i1 to i32
    %sign3A_984 = arith.constant 0 : i32
    %sign3A_985 = arith.cmpi slt, %reduce_sum3A_978, %sign3A_984 : i32
    %sign3A_986 = arith.extui %sign3A_985 : i1 to i32
    %sign3A_987 = arith.subi %sign3A_983, %sign3A_986 : i32
    %sign3A_988 = arith.constant 0 : i32
    %sign3A_989 = arith.cmpi sgt, %jit3A_979, %sign3A_988 : i32
    %sign3A_990 = arith.extui %sign3A_989 : i1 to i32
    %sign3A_991 = arith.constant 0 : i32
    %sign3A_992 = arith.cmpi slt, %jit3A_979, %sign3A_991 : i32
    %sign3A_993 = arith.extui %sign3A_992 : i1 to i32
    %sign3A_994 = arith.subi %sign3A_990, %sign3A_993 : i32
    %ne3A_995 = arith.cmpi ne, %sign3A_987, %sign3A_994 : i32
    %rem3A_996 = arith.remsi %reduce_sum3A_978, %jit3A_979 : i32
    %ne3A_997 = arith.constant 0 : i32
    %ne3A_998 = arith.cmpi ne, %rem3A_996, %ne3A_997 : i32
    %and3A_999 = arith.andi %ne3A_995, %ne3A_998 : i1
    %sub3A_1000 = arith.constant 1 : i32
    %sub3A_1001 = arith.subi %div3A_980, %sub3A_1000 : i32
    %select_n3A_1002 = arith.select %and3A_999, %sub3A_1001, %div3A_980 : i32
    %mul3A_1003 = arith.constant 8 : i32
    %mul3A_1004 = arith.muli %select_n3A_1002, %mul3A_1003 : i32
    %add3A_1005 = arith.constant 13 : i32
    %add3A_1006 = arith.addi %mul3A_2, %add3A_1005 : i32
    %jit3A_1007 = arith.constant 128 : i32
    %div3A_1008 = arith.divsi %add3A_1006, %jit3A_1007 : i32
    %sign3A_1009 = arith.constant 0 : i32
    %sign3A_1010 = arith.cmpi sgt, %add3A_1006, %sign3A_1009 : i32
    %sign3A_1011 = arith.extui %sign3A_1010 : i1 to i32
    %sign3A_1012 = arith.constant 0 : i32
    %sign3A_1013 = arith.cmpi slt, %add3A_1006, %sign3A_1012 : i32
    %sign3A_1014 = arith.extui %sign3A_1013 : i1 to i32
    %sign3A_1015 = arith.subi %sign3A_1011, %sign3A_1014 : i32
    %sign3A_1016 = arith.constant 0 : i32
    %sign3A_1017 = arith.cmpi sgt, %jit3A_1007, %sign3A_1016 : i32
    %sign3A_1018 = arith.extui %sign3A_1017 : i1 to i32
    %sign3A_1019 = arith.constant 0 : i32
    %sign3A_1020 = arith.cmpi slt, %jit3A_1007, %sign3A_1019 : i32
    %sign3A_1021 = arith.extui %sign3A_1020 : i1 to i32
    %sign3A_1022 = arith.subi %sign3A_1018, %sign3A_1021 : i32
    %ne3A_1023 = arith.cmpi ne, %sign3A_1015, %sign3A_1022 : i32
    %rem3A_1024 = arith.remsi %add3A_1006, %jit3A_1007 : i32
    %ne3A_1025 = arith.constant 0 : i32
    %ne3A_1026 = arith.cmpi ne, %rem3A_1024, %ne3A_1025 : i32
    %and3A_1027 = arith.andi %ne3A_1023, %ne3A_1026 : i1
    %sub3A_1028 = arith.constant 1 : i32
    %sub3A_1029 = arith.subi %div3A_1008, %sub3A_1028 : i32
    %select_n3A_1030 = arith.select %and3A_1027, %sub3A_1029, %div3A_1008 : i32
    %mul3A_1031 = arith.constant 128 : i32
    %mul3A_1032 = arith.muli %select_n3A_1030, %mul3A_1031 : i32
    %dma_start3A_1033 = arith.constant 13 : i32
    %dma_start3A_1034 = arith.constant 0 : i32
    %dma_start3A_1035 = arith.constant 0 : i32
    %dma_start3A_1036 = tpu.memref_slice %arg7[%dma_start3A_1033, %dma_start3A_1034, %dma_start3A_1035] : memref<32x8x128xf32, #tpu.memory_space<vmem>> -> memref<1x8x128xf32, #tpu.memory_space<vmem>>
    %dma_start3A_1037 = tpu.memref_squeeze %dma_start3A_1036 : memref<1x8x128xf32, #tpu.memory_space<vmem>> -> memref<8x128xf32, #tpu.memory_space<vmem>>
    %dma_start3A_1038 = tpu.memref_slice %arg2[%mul3A_1004, %mul3A_1032] : memref<100000x1024xf32, #tpu.memory_space<hbm>> -> memref<8x128xf32, #tpu.memory_space<hbm>>
    %dma_start3A_1039 = arith.constant 0 : i32
    %dma_start3A_1040 = arith.constant 0 : i32
    %dma_start3A_1041 = tpu.memref_slice %arg7[%dma_start3A_1033, %dma_start3A_1039, %dma_start3A_1040] : memref<32x8x128xf32, #tpu.memory_space<vmem>> -> memref<1x8x128xf32, #tpu.memory_space<vmem>>
    %dma_start3A_1042 = tpu.memref_squeeze %dma_start3A_1041 : memref<1x8x128xf32, #tpu.memory_space<vmem>> -> memref<8x128xf32, #tpu.memory_space<vmem>>
    %dma_start3A_1043 = tpu.memref_slice %arg2[%mul3A_1004, %mul3A_1032] : memref<100000x1024xf32, #tpu.memory_space<hbm>> -> memref<8x128xf32, #tpu.memory_space<hbm>>
    tpu.enqueue_dma source(%dma_start3A_1043 : memref<8x128xf32, #tpu.memory_space<hbm>>) target(%dma_start3A_1042 : memref<8x128xf32, #tpu.memory_space<vmem>>) target_semaphore(%arg12 : memref<!tpu.dma_semaphore, #tpu.memory_space<semaphore_mem>>)
    %eq3A_1044 = arith.constant 14 : i32
    %eq3A_1045 = vector.broadcast %eq3A_1044 : i32 to vector<16xi32>
    %eq3A_1046 = arith.cmpi eq, %iota3A, %eq3A_1045 : vector<16xi32>
    %jit3A_1047 = arith.constant 0 : i32
    %broadcast_in_dim3A_1048 = vector.broadcast %jit3A_1047 : i32 to vector<16xi32>
    %select_n3A_1049 = arith.select %eq3A_1046, %get3A_3, %broadcast_in_dim3A_1048 : vector<16xi1>, vector<16xi32>
    %reduce_sum3A_1050 = arith.constant true
    %reduce_sum3A_1051 = vector.broadcast %reduce_sum3A_1050 : i1 to vector<16xi1>
    %reduce_sum3A_1052 = tpu.scan <sum>, %select_n3A_1049 masked %reduce_sum3A_1051 : vector<16xi32>, vector<16xi1> -> vector<16xi32>
    %reduce_sum3A_1053 = vector.extract %reduce_sum3A_1052[15] : i32 from vector<16xi32>
    %jit3A_1054 = arith.constant 8 : i32
    %div3A_1055 = arith.divsi %reduce_sum3A_1053, %jit3A_1054 : i32
    %sign3A_1056 = arith.constant 0 : i32
    %sign3A_1057 = arith.cmpi sgt, %reduce_sum3A_1053, %sign3A_1056 : i32
    %sign3A_1058 = arith.extui %sign3A_1057 : i1 to i32
    %sign3A_1059 = arith.constant 0 : i32
    %sign3A_1060 = arith.cmpi slt, %reduce_sum3A_1053, %sign3A_1059 : i32
    %sign3A_1061 = arith.extui %sign3A_1060 : i1 to i32
    %sign3A_1062 = arith.subi %sign3A_1058, %sign3A_1061 : i32
    %sign3A_1063 = arith.constant 0 : i32
    %sign3A_1064 = arith.cmpi sgt, %jit3A_1054, %sign3A_1063 : i32
    %sign3A_1065 = arith.extui %sign3A_1064 : i1 to i32
    %sign3A_1066 = arith.constant 0 : i32
    %sign3A_1067 = arith.cmpi slt, %jit3A_1054, %sign3A_1066 : i32
    %sign3A_1068 = arith.extui %sign3A_1067 : i1 to i32
    %sign3A_1069 = arith.subi %sign3A_1065, %sign3A_1068 : i32
    %ne3A_1070 = arith.cmpi ne, %sign3A_1062, %sign3A_1069 : i32
    %rem3A_1071 = arith.remsi %reduce_sum3A_1053, %jit3A_1054 : i32
    %ne3A_1072 = arith.constant 0 : i32
    %ne3A_1073 = arith.cmpi ne, %rem3A_1071, %ne3A_1072 : i32
    %and3A_1074 = arith.andi %ne3A_1070, %ne3A_1073 : i1
    %sub3A_1075 = arith.constant 1 : i32
    %sub3A_1076 = arith.subi %div3A_1055, %sub3A_1075 : i32
    %select_n3A_1077 = arith.select %and3A_1074, %sub3A_1076, %div3A_1055 : i32
    %mul3A_1078 = arith.constant 8 : i32
    %mul3A_1079 = arith.muli %select_n3A_1077, %mul3A_1078 : i32
    %add3A_1080 = arith.constant 14 : i32
    %add3A_1081 = arith.addi %mul3A_2, %add3A_1080 : i32
    %jit3A_1082 = arith.constant 128 : i32
    %div3A_1083 = arith.divsi %add3A_1081, %jit3A_1082 : i32
    %sign3A_1084 = arith.constant 0 : i32
    %sign3A_1085 = arith.cmpi sgt, %add3A_1081, %sign3A_1084 : i32
    %sign3A_1086 = arith.extui %sign3A_1085 : i1 to i32
    %sign3A_1087 = arith.constant 0 : i32
    %sign3A_1088 = arith.cmpi slt, %add3A_1081, %sign3A_1087 : i32
    %sign3A_1089 = arith.extui %sign3A_1088 : i1 to i32
    %sign3A_1090 = arith.subi %sign3A_1086, %sign3A_1089 : i32
    %sign3A_1091 = arith.constant 0 : i32
    %sign3A_1092 = arith.cmpi sgt, %jit3A_1082, %sign3A_1091 : i32
    %sign3A_1093 = arith.extui %sign3A_1092 : i1 to i32
    %sign3A_1094 = arith.constant 0 : i32
    %sign3A_1095 = arith.cmpi slt, %jit3A_1082, %sign3A_1094 : i32
    %sign3A_1096 = arith.extui %sign3A_1095 : i1 to i32
    %sign3A_1097 = arith.subi %sign3A_1093, %sign3A_1096 : i32
    %ne3A_1098 = arith.cmpi ne, %sign3A_1090, %sign3A_1097 : i32
    %rem3A_1099 = arith.remsi %add3A_1081, %jit3A_1082 : i32
    %ne3A_1100 = arith.constant 0 : i32
    %ne3A_1101 = arith.cmpi ne, %rem3A_1099, %ne3A_1100 : i32
    %and3A_1102 = arith.andi %ne3A_1098, %ne3A_1101 : i1
    %sub3A_1103 = arith.constant 1 : i32
    %sub3A_1104 = arith.subi %div3A_1083, %sub3A_1103 : i32
    %select_n3A_1105 = arith.select %and3A_1102, %sub3A_1104, %div3A_1083 : i32
    %mul3A_1106 = arith.constant 128 : i32
    %mul3A_1107 = arith.muli %select_n3A_1105, %mul3A_1106 : i32
    %dma_start3A_1108 = arith.constant 14 : i32
    %dma_start3A_1109 = arith.constant 0 : i32
    %dma_start3A_1110 = arith.constant 0 : i32
    %dma_start3A_1111 = tpu.memref_slice %arg7[%dma_start3A_1108, %dma_start3A_1109, %dma_start3A_1110] : memref<32x8x128xf32, #tpu.memory_space<vmem>> -> memref<1x8x128xf32, #tpu.memory_space<vmem>>
    %dma_start3A_1112 = tpu.memref_squeeze %dma_start3A_1111 : memref<1x8x128xf32, #tpu.memory_space<vmem>> -> memref<8x128xf32, #tpu.memory_space<vmem>>
    %dma_start3A_1113 = tpu.memref_slice %arg2[%mul3A_1079, %mul3A_1107] : memref<100000x1024xf32, #tpu.memory_space<hbm>> -> memref<8x128xf32, #tpu.memory_space<hbm>>
    %dma_start3A_1114 = arith.constant 0 : i32
    %dma_start3A_1115 = arith.constant 0 : i32
    %dma_start3A_1116 = tpu.memref_slice %arg7[%dma_start3A_1108, %dma_start3A_1114, %dma_start3A_1115] : memref<32x8x128xf32, #tpu.memory_space<vmem>> -> memref<1x8x128xf32, #tpu.memory_space<vmem>>
    %dma_start3A_1117 = tpu.memref_squeeze %dma_start3A_1116 : memref<1x8x128xf32, #tpu.memory_space<vmem>> -> memref<8x128xf32, #tpu.memory_space<vmem>>
    %dma_start3A_1118 = tpu.memref_slice %arg2[%mul3A_1079, %mul3A_1107] : memref<100000x1024xf32, #tpu.memory_space<hbm>> -> memref<8x128xf32, #tpu.memory_space<hbm>>
    tpu.enqueue_dma source(%dma_start3A_1118 : memref<8x128xf32, #tpu.memory_space<hbm>>) target(%dma_start3A_1117 : memref<8x128xf32, #tpu.memory_space<vmem>>) target_semaphore(%arg12 : memref<!tpu.dma_semaphore, #tpu.memory_space<semaphore_mem>>)
    %eq3A_1119 = arith.constant 15 : i32
    %eq3A_1120 = vector.broadcast %eq3A_1119 : i32 to vector<16xi32>
    %eq3A_1121 = arith.cmpi eq, %iota3A, %eq3A_1120 : vector<16xi32>
    %jit3A_1122 = arith.constant 0 : i32
    %broadcast_in_dim3A_1123 = vector.broadcast %jit3A_1122 : i32 to vector<16xi32>
    %select_n3A_1124 = arith.select %eq3A_1121, %get3A_3, %broadcast_in_dim3A_1123 : vector<16xi1>, vector<16xi32>
    %reduce_sum3A_1125 = arith.constant true
    %reduce_sum3A_1126 = vector.broadcast %reduce_sum3A_1125 : i1 to vector<16xi1>
    %reduce_sum3A_1127 = tpu.scan <sum>, %select_n3A_1124 masked %reduce_sum3A_1126 : vector<16xi32>, vector<16xi1> -> vector<16xi32>
    %reduce_sum3A_1128 = vector.extract %reduce_sum3A_1127[15] : i32 from vector<16xi32>
    %jit3A_1129 = arith.constant 8 : i32
    %div3A_1130 = arith.divsi %reduce_sum3A_1128, %jit3A_1129 : i32
    %sign3A_1131 = arith.constant 0 : i32
    %sign3A_1132 = arith.cmpi sgt, %reduce_sum3A_1128, %sign3A_1131 : i32
    %sign3A_1133 = arith.extui %sign3A_1132 : i1 to i32
    %sign3A_1134 = arith.constant 0 : i32
    %sign3A_1135 = arith.cmpi slt, %reduce_sum3A_1128, %sign3A_1134 : i32
    %sign3A_1136 = arith.extui %sign3A_1135 : i1 to i32
    %sign3A_1137 = arith.subi %sign3A_1133, %sign3A_1136 : i32
    %sign3A_1138 = arith.constant 0 : i32
    %sign3A_1139 = arith.cmpi sgt, %jit3A_1129, %sign3A_1138 : i32
    %sign3A_1140 = arith.extui %sign3A_1139 : i1 to i32
    %sign3A_1141 = arith.constant 0 : i32
    %sign3A_1142 = arith.cmpi slt, %jit3A_1129, %sign3A_1141 : i32
    %sign3A_1143 = arith.extui %sign3A_1142 : i1 to i32
    %sign3A_1144 = arith.subi %sign3A_1140, %sign3A_1143 : i32
    %ne3A_1145 = arith.cmpi ne, %sign3A_1137, %sign3A_1144 : i32
    %rem3A_1146 = arith.remsi %reduce_sum3A_1128, %jit3A_1129 : i32
    %ne3A_1147 = arith.constant 0 : i32
    %ne3A_1148 = arith.cmpi ne, %rem3A_1146, %ne3A_1147 : i32
    %and3A_1149 = arith.andi %ne3A_1145, %ne3A_1148 : i1
    %sub3A_1150 = arith.constant 1 : i32
    %sub3A_1151 = arith.subi %div3A_1130, %sub3A_1150 : i32
    %select_n3A_1152 = arith.select %and3A_1149, %sub3A_1151, %div3A_1130 : i32
    %mul3A_1153 = arith.constant 8 : i32
    %mul3A_1154 = arith.muli %select_n3A_1152, %mul3A_1153 : i32
    %add3A_1155 = arith.constant 15 : i32
    %add3A_1156 = arith.addi %mul3A_2, %add3A_1155 : i32
    %jit3A_1157 = arith.constant 128 : i32
    %div3A_1158 = arith.divsi %add3A_1156, %jit3A_1157 : i32
    %sign3A_1159 = arith.constant 0 : i32
    %sign3A_1160 = arith.cmpi sgt, %add3A_1156, %sign3A_1159 : i32
    %sign3A_1161 = arith.extui %sign3A_1160 : i1 to i32
    %sign3A_1162 = arith.constant 0 : i32
    %sign3A_1163 = arith.cmpi slt, %add3A_1156, %sign3A_1162 : i32
    %sign3A_1164 = arith.extui %sign3A_1163 : i1 to i32
    %sign3A_1165 = arith.subi %sign3A_1161, %sign3A_1164 : i32
    %sign3A_1166 = arith.constant 0 : i32
    %sign3A_1167 = arith.cmpi sgt, %jit3A_1157, %sign3A_1166 : i32
    %sign3A_1168 = arith.extui %sign3A_1167 : i1 to i32
    %sign3A_1169 = arith.constant 0 : i32
    %sign3A_1170 = arith.cmpi slt, %jit3A_1157, %sign3A_1169 : i32
    %sign3A_1171 = arith.extui %sign3A_1170 : i1 to i32
    %sign3A_1172 = arith.subi %sign3A_1168, %sign3A_1171 : i32
    %ne3A_1173 = arith.cmpi ne, %sign3A_1165, %sign3A_1172 : i32
    %rem3A_1174 = arith.remsi %add3A_1156, %jit3A_1157 : i32
    %ne3A_1175 = arith.constant 0 : i32
    %ne3A_1176 = arith.cmpi ne, %rem3A_1174, %ne3A_1175 : i32
    %and3A_1177 = arith.andi %ne3A_1173, %ne3A_1176 : i1
    %sub3A_1178 = arith.constant 1 : i32
    %sub3A_1179 = arith.subi %div3A_1158, %sub3A_1178 : i32
    %select_n3A_1180 = arith.select %and3A_1177, %sub3A_1179, %div3A_1158 : i32
    %mul3A_1181 = arith.constant 128 : i32
    %mul3A_1182 = arith.muli %select_n3A_1180, %mul3A_1181 : i32
    %dma_start3A_1183 = arith.constant 15 : i32
    %dma_start3A_1184 = arith.constant 0 : i32
    %dma_start3A_1185 = arith.constant 0 : i32
    %dma_start3A_1186 = tpu.memref_slice %arg7[%dma_start3A_1183, %dma_start3A_1184, %dma_start3A_1185] : memref<32x8x128xf32, #tpu.memory_space<vmem>> -> memref<1x8x128xf32, #tpu.memory_space<vmem>>
    %dma_start3A_1187 = tpu.memref_squeeze %dma_start3A_1186 : memref<1x8x128xf32, #tpu.memory_space<vmem>> -> memref<8x128xf32, #tpu.memory_space<vmem>>
    %dma_start3A_1188 = tpu.memref_slice %arg2[%mul3A_1154, %mul3A_1182] : memref<100000x1024xf32, #tpu.memory_space<hbm>> -> memref<8x128xf32, #tpu.memory_space<hbm>>
    %dma_start3A_1189 = arith.constant 0 : i32
    %dma_start3A_1190 = arith.constant 0 : i32
    %dma_start3A_1191 = tpu.memref_slice %arg7[%dma_start3A_1183, %dma_start3A_1189, %dma_start3A_1190] : memref<32x8x128xf32, #tpu.memory_space<vmem>> -> memref<1x8x128xf32, #tpu.memory_space<vmem>>
    %dma_start3A_1192 = tpu.memref_squeeze %dma_start3A_1191 : memref<1x8x128xf32, #tpu.memory_space<vmem>> -> memref<8x128xf32, #tpu.memory_space<vmem>>
    %dma_start3A_1193 = tpu.memref_slice %arg2[%mul3A_1154, %mul3A_1182] : memref<100000x1024xf32, #tpu.memory_space<hbm>> -> memref<8x128xf32, #tpu.memory_space<hbm>>
    tpu.enqueue_dma source(%dma_start3A_1193 : memref<8x128xf32, #tpu.memory_space<hbm>>) target(%dma_start3A_1192 : memref<8x128xf32, #tpu.memory_space<vmem>>) target_semaphore(%arg12 : memref<!tpu.dma_semaphore, #tpu.memory_space<semaphore_mem>>)
    %eq3A_1194 = arith.constant 0 : i32
    %eq3A_1195 = vector.broadcast %eq3A_1194 : i32 to vector<16xi32>
    %eq3A_1196 = arith.cmpi eq, %iota3A, %eq3A_1195 : vector<16xi32>
    %jit3A_1197 = arith.constant 0 : i32
    %broadcast_in_dim3A_1198 = vector.broadcast %jit3A_1197 : i32 to vector<16xi32>
    %select_n3A_1199 = arith.select %eq3A_1196, %get3A_5, %broadcast_in_dim3A_1198 : vector<16xi1>, vector<16xi32>
    %reduce_sum3A_1200 = arith.constant true
    %reduce_sum3A_1201 = vector.broadcast %reduce_sum3A_1200 : i1 to vector<16xi1>
    %reduce_sum3A_1202 = tpu.scan <sum>, %select_n3A_1199 masked %reduce_sum3A_1201 : vector<16xi32>, vector<16xi1> -> vector<16xi32>
    %reduce_sum3A_1203 = vector.extract %reduce_sum3A_1202[15] : i32 from vector<16xi32>
    %jit3A_1204 = arith.constant 8 : i32
    %div3A_1205 = arith.divsi %reduce_sum3A_1203, %jit3A_1204 : i32
    %sign3A_1206 = arith.constant 0 : i32
    %sign3A_1207 = arith.cmpi sgt, %reduce_sum3A_1203, %sign3A_1206 : i32
    %sign3A_1208 = arith.extui %sign3A_1207 : i1 to i32
    %sign3A_1209 = arith.constant 0 : i32
    %sign3A_1210 = arith.cmpi slt, %reduce_sum3A_1203, %sign3A_1209 : i32
    %sign3A_1211 = arith.extui %sign3A_1210 : i1 to i32
    %sign3A_1212 = arith.subi %sign3A_1208, %sign3A_1211 : i32
    %sign3A_1213 = arith.constant 0 : i32
    %sign3A_1214 = arith.cmpi sgt, %jit3A_1204, %sign3A_1213 : i32
    %sign3A_1215 = arith.extui %sign3A_1214 : i1 to i32
    %sign3A_1216 = arith.constant 0 : i32
    %sign3A_1217 = arith.cmpi slt, %jit3A_1204, %sign3A_1216 : i32
    %sign3A_1218 = arith.extui %sign3A_1217 : i1 to i32
    %sign3A_1219 = arith.subi %sign3A_1215, %sign3A_1218 : i32
    %ne3A_1220 = arith.cmpi ne, %sign3A_1212, %sign3A_1219 : i32
    %rem3A_1221 = arith.remsi %reduce_sum3A_1203, %jit3A_1204 : i32
    %ne3A_1222 = arith.constant 0 : i32
    %ne3A_1223 = arith.cmpi ne, %rem3A_1221, %ne3A_1222 : i32
    %and3A_1224 = arith.andi %ne3A_1220, %ne3A_1223 : i1
    %sub3A_1225 = arith.constant 1 : i32
    %sub3A_1226 = arith.subi %div3A_1205, %sub3A_1225 : i32
    %select_n3A_1227 = arith.select %and3A_1224, %sub3A_1226, %div3A_1205 : i32
    %mul3A_1228 = arith.constant 8 : i32
    %mul3A_1229 = arith.muli %select_n3A_1227, %mul3A_1228 : i32
    %add3A_1230 = arith.constant 16 : i32
    %add3A_1231 = arith.addi %mul3A_2, %add3A_1230 : i32
    %jit3A_1232 = arith.constant 128 : i32
    %div3A_1233 = arith.divsi %add3A_1231, %jit3A_1232 : i32
    %sign3A_1234 = arith.constant 0 : i32
    %sign3A_1235 = arith.cmpi sgt, %add3A_1231, %sign3A_1234 : i32
    %sign3A_1236 = arith.extui %sign3A_1235 : i1 to i32
    %sign3A_1237 = arith.constant 0 : i32
    %sign3A_1238 = arith.cmpi slt, %add3A_1231, %sign3A_1237 : i32
    %sign3A_1239 = arith.extui %sign3A_1238 : i1 to i32
    %sign3A_1240 = arith.subi %sign3A_1236, %sign3A_1239 : i32
    %sign3A_1241 = arith.constant 0 : i32
    %sign3A_1242 = arith.cmpi sgt, %jit3A_1232, %sign3A_1241 : i32
    %sign3A_1243 = arith.extui %sign3A_1242 : i1 to i32
    %sign3A_1244 = arith.constant 0 : i32
    %sign3A_1245 = arith.cmpi slt, %jit3A_1232, %sign3A_1244 : i32
    %sign3A_1246 = arith.extui %sign3A_1245 : i1 to i32
    %sign3A_1247 = arith.subi %sign3A_1243, %sign3A_1246 : i32
    %ne3A_1248 = arith.cmpi ne, %sign3A_1240, %sign3A_1247 : i32
    %rem3A_1249 = arith.remsi %add3A_1231, %jit3A_1232 : i32
    %ne3A_1250 = arith.constant 0 : i32
    %ne3A_1251 = arith.cmpi ne, %rem3A_1249, %ne3A_1250 : i32
    %and3A_1252 = arith.andi %ne3A_1248, %ne3A_1251 : i1
    %sub3A_1253 = arith.constant 1 : i32
    %sub3A_1254 = arith.subi %div3A_1233, %sub3A_1253 : i32
    %select_n3A_1255 = arith.select %and3A_1252, %sub3A_1254, %div3A_1233 : i32
    %mul3A_1256 = arith.constant 128 : i32
    %mul3A_1257 = arith.muli %select_n3A_1255, %mul3A_1256 : i32
    %dma_start3A_1258 = arith.constant 16 : i32
    %dma_start3A_1259 = arith.constant 0 : i32
    %dma_start3A_1260 = arith.constant 0 : i32
    %dma_start3A_1261 = tpu.memref_slice %arg7[%dma_start3A_1258, %dma_start3A_1259, %dma_start3A_1260] : memref<32x8x128xf32, #tpu.memory_space<vmem>> -> memref<1x8x128xf32, #tpu.memory_space<vmem>>
    %dma_start3A_1262 = tpu.memref_squeeze %dma_start3A_1261 : memref<1x8x128xf32, #tpu.memory_space<vmem>> -> memref<8x128xf32, #tpu.memory_space<vmem>>
    %dma_start3A_1263 = tpu.memref_slice %arg2[%mul3A_1229, %mul3A_1257] : memref<100000x1024xf32, #tpu.memory_space<hbm>> -> memref<8x128xf32, #tpu.memory_space<hbm>>
    %dma_start3A_1264 = arith.constant 0 : i32
    %dma_start3A_1265 = arith.constant 0 : i32
    %dma_start3A_1266 = tpu.memref_slice %arg7[%dma_start3A_1258, %dma_start3A_1264, %dma_start3A_1265] : memref<32x8x128xf32, #tpu.memory_space<vmem>> -> memref<1x8x128xf32, #tpu.memory_space<vmem>>
    %dma_start3A_1267 = tpu.memref_squeeze %dma_start3A_1266 : memref<1x8x128xf32, #tpu.memory_space<vmem>> -> memref<8x128xf32, #tpu.memory_space<vmem>>
    %dma_start3A_1268 = tpu.memref_slice %arg2[%mul3A_1229, %mul3A_1257] : memref<100000x1024xf32, #tpu.memory_space<hbm>> -> memref<8x128xf32, #tpu.memory_space<hbm>>
    tpu.enqueue_dma source(%dma_start3A_1268 : memref<8x128xf32, #tpu.memory_space<hbm>>) target(%dma_start3A_1267 : memref<8x128xf32, #tpu.memory_space<vmem>>) target_semaphore(%arg12 : memref<!tpu.dma_semaphore, #tpu.memory_space<semaphore_mem>>)
    %eq3A_1269 = arith.constant 1 : i32
    %eq3A_1270 = vector.broadcast %eq3A_1269 : i32 to vector<16xi32>
    %eq3A_1271 = arith.cmpi eq, %iota3A, %eq3A_1270 : vector<16xi32>
    %jit3A_1272 = arith.constant 0 : i32
    %broadcast_in_dim3A_1273 = vector.broadcast %jit3A_1272 : i32 to vector<16xi32>
    %select_n3A_1274 = arith.select %eq3A_1271, %get3A_5, %broadcast_in_dim3A_1273 : vector<16xi1>, vector<16xi32>
    %reduce_sum3A_1275 = arith.constant true
    %reduce_sum3A_1276 = vector.broadcast %reduce_sum3A_1275 : i1 to vector<16xi1>
    %reduce_sum3A_1277 = tpu.scan <sum>, %select_n3A_1274 masked %reduce_sum3A_1276 : vector<16xi32>, vector<16xi1> -> vector<16xi32>
    %reduce_sum3A_1278 = vector.extract %reduce_sum3A_1277[15] : i32 from vector<16xi32>
    %jit3A_1279 = arith.constant 8 : i32
    %div3A_1280 = arith.divsi %reduce_sum3A_1278, %jit3A_1279 : i32
    %sign3A_1281 = arith.constant 0 : i32
    %sign3A_1282 = arith.cmpi sgt, %reduce_sum3A_1278, %sign3A_1281 : i32
    %sign3A_1283 = arith.extui %sign3A_1282 : i1 to i32
    %sign3A_1284 = arith.constant 0 : i32
    %sign3A_1285 = arith.cmpi slt, %reduce_sum3A_1278, %sign3A_1284 : i32
    %sign3A_1286 = arith.extui %sign3A_1285 : i1 to i32
    %sign3A_1287 = arith.subi %sign3A_1283, %sign3A_1286 : i32
    %sign3A_1288 = arith.constant 0 : i32
    %sign3A_1289 = arith.cmpi sgt, %jit3A_1279, %sign3A_1288 : i32
    %sign3A_1290 = arith.extui %sign3A_1289 : i1 to i32
    %sign3A_1291 = arith.constant 0 : i32
    %sign3A_1292 = arith.cmpi slt, %jit3A_1279, %sign3A_1291 : i32
    %sign3A_1293 = arith.extui %sign3A_1292 : i1 to i32
    %sign3A_1294 = arith.subi %sign3A_1290, %sign3A_1293 : i32
    %ne3A_1295 = arith.cmpi ne, %sign3A_1287, %sign3A_1294 : i32
    %rem3A_1296 = arith.remsi %reduce_sum3A_1278, %jit3A_1279 : i32
    %ne3A_1297 = arith.constant 0 : i32
    %ne3A_1298 = arith.cmpi ne, %rem3A_1296, %ne3A_1297 : i32
    %and3A_1299 = arith.andi %ne3A_1295, %ne3A_1298 : i1
    %sub3A_1300 = arith.constant 1 : i32
    %sub3A_1301 = arith.subi %div3A_1280, %sub3A_1300 : i32
    %select_n3A_1302 = arith.select %and3A_1299, %sub3A_1301, %div3A_1280 : i32
    %mul3A_1303 = arith.constant 8 : i32
    %mul3A_1304 = arith.muli %select_n3A_1302, %mul3A_1303 : i32
    %add3A_1305 = arith.constant 17 : i32
    %add3A_1306 = arith.addi %mul3A_2, %add3A_1305 : i32
    %jit3A_1307 = arith.constant 128 : i32
    %div3A_1308 = arith.divsi %add3A_1306, %jit3A_1307 : i32
    %sign3A_1309 = arith.constant 0 : i32
    %sign3A_1310 = arith.cmpi sgt, %add3A_1306, %sign3A_1309 : i32
    %sign3A_1311 = arith.extui %sign3A_1310 : i1 to i32
    %sign3A_1312 = arith.constant 0 : i32
    %sign3A_1313 = arith.cmpi slt, %add3A_1306, %sign3A_1312 : i32
    %sign3A_1314 = arith.extui %sign3A_1313 : i1 to i32
    %sign3A_1315 = arith.subi %sign3A_1311, %sign3A_1314 : i32
    %sign3A_1316 = arith.constant 0 : i32
    %sign3A_1317 = arith.cmpi sgt, %jit3A_1307, %sign3A_1316 : i32
    %sign3A_1318 = arith.extui %sign3A_1317 : i1 to i32
    %sign3A_1319 = arith.constant 0 : i32
    %sign3A_1320 = arith.cmpi slt, %jit3A_1307, %sign3A_1319 : i32
    %sign3A_1321 = arith.extui %sign3A_1320 : i1 to i32
    %sign3A_1322 = arith.subi %sign3A_1318, %sign3A_1321 : i32
    %ne3A_1323 = arith.cmpi ne, %sign3A_1315, %sign3A_1322 : i32
    %rem3A_1324 = arith.remsi %add3A_1306, %jit3A_1307 : i32
    %ne3A_1325 = arith.constant 0 : i32
    %ne3A_1326 = arith.cmpi ne, %rem3A_1324, %ne3A_1325 : i32
    %and3A_1327 = arith.andi %ne3A_1323, %ne3A_1326 : i1
    %sub3A_1328 = arith.constant 1 : i32
    %sub3A_1329 = arith.subi %div3A_1308, %sub3A_1328 : i32
    %select_n3A_1330 = arith.select %and3A_1327, %sub3A_1329, %div3A_1308 : i32
    %mul3A_1331 = arith.constant 128 : i32
    %mul3A_1332 = arith.muli %select_n3A_1330, %mul3A_1331 : i32
    %dma_start3A_1333 = arith.constant 17 : i32
    %dma_start3A_1334 = arith.constant 0 : i32
    %dma_start3A_1335 = arith.constant 0 : i32
    %dma_start3A_1336 = tpu.memref_slice %arg7[%dma_start3A_1333, %dma_start3A_1334, %dma_start3A_1335] : memref<32x8x128xf32, #tpu.memory_space<vmem>> -> memref<1x8x128xf32, #tpu.memory_space<vmem>>
    %dma_start3A_1337 = tpu.memref_squeeze %dma_start3A_1336 : memref<1x8x128xf32, #tpu.memory_space<vmem>> -> memref<8x128xf32, #tpu.memory_space<vmem>>
    %dma_start3A_1338 = tpu.memref_slice %arg2[%mul3A_1304, %mul3A_1332] : memref<100000x1024xf32, #tpu.memory_space<hbm>> -> memref<8x128xf32, #tpu.memory_space<hbm>>
    %dma_start3A_1339 = arith.constant 0 : i32
    %dma_start3A_1340 = arith.constant 0 : i32
    %dma_start3A_1341 = tpu.memref_slice %arg7[%dma_start3A_1333, %dma_start3A_1339, %dma_start3A_1340] : memref<32x8x128xf32, #tpu.memory_space<vmem>> -> memref<1x8x128xf32, #tpu.memory_space<vmem>>
    %dma_start3A_1342 = tpu.memref_squeeze %dma_start3A_1341 : memref<1x8x128xf32, #tpu.memory_space<vmem>> -> memref<8x128xf32, #tpu.memory_space<vmem>>
    %dma_start3A_1343 = tpu.memref_slice %arg2[%mul3A_1304, %mul3A_1332] : memref<100000x1024xf32, #tpu.memory_space<hbm>> -> memref<8x128xf32, #tpu.memory_space<hbm>>
    tpu.enqueue_dma source(%dma_start3A_1343 : memref<8x128xf32, #tpu.memory_space<hbm>>) target(%dma_start3A_1342 : memref<8x128xf32, #tpu.memory_space<vmem>>) target_semaphore(%arg12 : memref<!tpu.dma_semaphore, #tpu.memory_space<semaphore_mem>>)
    %eq3A_1344 = arith.constant 2 : i32
    %eq3A_1345 = vector.broadcast %eq3A_1344 : i32 to vector<16xi32>
    %eq3A_1346 = arith.cmpi eq, %iota3A, %eq3A_1345 : vector<16xi32>
    %jit3A_1347 = arith.constant 0 : i32
    %broadcast_in_dim3A_1348 = vector.broadcast %jit3A_1347 : i32 to vector<16xi32>
    %select_n3A_1349 = arith.select %eq3A_1346, %get3A_5, %broadcast_in_dim3A_1348 : vector<16xi1>, vector<16xi32>
    %reduce_sum3A_1350 = arith.constant true
    %reduce_sum3A_1351 = vector.broadcast %reduce_sum3A_1350 : i1 to vector<16xi1>
    %reduce_sum3A_1352 = tpu.scan <sum>, %select_n3A_1349 masked %reduce_sum3A_1351 : vector<16xi32>, vector<16xi1> -> vector<16xi32>
    %reduce_sum3A_1353 = vector.extract %reduce_sum3A_1352[15] : i32 from vector<16xi32>
    %jit3A_1354 = arith.constant 8 : i32
    %div3A_1355 = arith.divsi %reduce_sum3A_1353, %jit3A_1354 : i32
    %sign3A_1356 = arith.constant 0 : i32
    %sign3A_1357 = arith.cmpi sgt, %reduce_sum3A_1353, %sign3A_1356 : i32
    %sign3A_1358 = arith.extui %sign3A_1357 : i1 to i32
    %sign3A_1359 = arith.constant 0 : i32
    %sign3A_1360 = arith.cmpi slt, %reduce_sum3A_1353, %sign3A_1359 : i32
    %sign3A_1361 = arith.extui %sign3A_1360 : i1 to i32
    %sign3A_1362 = arith.subi %sign3A_1358, %sign3A_1361 : i32
    %sign3A_1363 = arith.constant 0 : i32
    %sign3A_1364 = arith.cmpi sgt, %jit3A_1354, %sign3A_1363 : i32
    %sign3A_1365 = arith.extui %sign3A_1364 : i1 to i32
    %sign3A_1366 = arith.constant 0 : i32
    %sign3A_1367 = arith.cmpi slt, %jit3A_1354, %sign3A_1366 : i32
    %sign3A_1368 = arith.extui %sign3A_1367 : i1 to i32
    %sign3A_1369 = arith.subi %sign3A_1365, %sign3A_1368 : i32
    %ne3A_1370 = arith.cmpi ne, %sign3A_1362, %sign3A_1369 : i32
    %rem3A_1371 = arith.remsi %reduce_sum3A_1353, %jit3A_1354 : i32
    %ne3A_1372 = arith.constant 0 : i32
    %ne3A_1373 = arith.cmpi ne, %rem3A_1371, %ne3A_1372 : i32
    %and3A_1374 = arith.andi %ne3A_1370, %ne3A_1373 : i1
    %sub3A_1375 = arith.constant 1 : i32
    %sub3A_1376 = arith.subi %div3A_1355, %sub3A_1375 : i32
    %select_n3A_1377 = arith.select %and3A_1374, %sub3A_1376, %div3A_1355 : i32
    %mul3A_1378 = arith.constant 8 : i32
    %mul3A_1379 = arith.muli %select_n3A_1377, %mul3A_1378 : i32
    %add3A_1380 = arith.constant 18 : i32
    %add3A_1381 = arith.addi %mul3A_2, %add3A_1380 : i32
    %jit3A_1382 = arith.constant 128 : i32
    %div3A_1383 = arith.divsi %add3A_1381, %jit3A_1382 : i32
    %sign3A_1384 = arith.constant 0 : i32
    %sign3A_1385 = arith.cmpi sgt, %add3A_1381, %sign3A_1384 : i32
    %sign3A_1386 = arith.extui %sign3A_1385 : i1 to i32
    %sign3A_1387 = arith.constant 0 : i32
    %sign3A_1388 = arith.cmpi slt, %add3A_1381, %sign3A_1387 : i32
    %sign3A_1389 = arith.extui %sign3A_1388 : i1 to i32
    %sign3A_1390 = arith.subi %sign3A_1386, %sign3A_1389 : i32
    %sign3A_1391 = arith.constant 0 : i32
    %sign3A_1392 = arith.cmpi sgt, %jit3A_1382, %sign3A_1391 : i32
    %sign3A_1393 = arith.extui %sign3A_1392 : i1 to i32
    %sign3A_1394 = arith.constant 0 : i32
    %sign3A_1395 = arith.cmpi slt, %jit3A_1382, %sign3A_1394 : i32
    %sign3A_1396 = arith.extui %sign3A_1395 : i1 to i32
    %sign3A_1397 = arith.subi %sign3A_1393, %sign3A_1396 : i32
    %ne3A_1398 = arith.cmpi ne, %sign3A_1390, %sign3A_1397 : i32
    %rem3A_1399 = arith.remsi %add3A_1381, %jit3A_1382 : i32
    %ne3A_1400 = arith.constant 0 : i32
    %ne3A_1401 = arith.cmpi ne, %rem3A_1399, %ne3A_1400 : i32
    %and3A_1402 = arith.andi %ne3A_1398, %ne3A_1401 : i1
    %sub3A_1403 = arith.constant 1 : i32
    %sub3A_1404 = arith.subi %div3A_1383, %sub3A_1403 : i32
    %select_n3A_1405 = arith.select %and3A_1402, %sub3A_1404, %div3A_1383 : i32
    %mul3A_1406 = arith.constant 128 : i32
    %mul3A_1407 = arith.muli %select_n3A_1405, %mul3A_1406 : i32
    %dma_start3A_1408 = arith.constant 18 : i32
    %dma_start3A_1409 = arith.constant 0 : i32
    %dma_start3A_1410 = arith.constant 0 : i32
    %dma_start3A_1411 = tpu.memref_slice %arg7[%dma_start3A_1408, %dma_start3A_1409, %dma_start3A_1410] : memref<32x8x128xf32, #tpu.memory_space<vmem>> -> memref<1x8x128xf32, #tpu.memory_space<vmem>>
    %dma_start3A_1412 = tpu.memref_squeeze %dma_start3A_1411 : memref<1x8x128xf32, #tpu.memory_space<vmem>> -> memref<8x128xf32, #tpu.memory_space<vmem>>
    %dma_start3A_1413 = tpu.memref_slice %arg2[%mul3A_1379, %mul3A_1407] : memref<100000x1024xf32, #tpu.memory_space<hbm>> -> memref<8x128xf32, #tpu.memory_space<hbm>>
    %dma_start3A_1414 = arith.constant 0 : i32
    %dma_start3A_1415 = arith.constant 0 : i32
    %dma_start3A_1416 = tpu.memref_slice %arg7[%dma_start3A_1408, %dma_start3A_1414, %dma_start3A_1415] : memref<32x8x128xf32, #tpu.memory_space<vmem>> -> memref<1x8x128xf32, #tpu.memory_space<vmem>>
    %dma_start3A_1417 = tpu.memref_squeeze %dma_start3A_1416 : memref<1x8x128xf32, #tpu.memory_space<vmem>> -> memref<8x128xf32, #tpu.memory_space<vmem>>
    %dma_start3A_1418 = tpu.memref_slice %arg2[%mul3A_1379, %mul3A_1407] : memref<100000x1024xf32, #tpu.memory_space<hbm>> -> memref<8x128xf32, #tpu.memory_space<hbm>>
    tpu.enqueue_dma source(%dma_start3A_1418 : memref<8x128xf32, #tpu.memory_space<hbm>>) target(%dma_start3A_1417 : memref<8x128xf32, #tpu.memory_space<vmem>>) target_semaphore(%arg12 : memref<!tpu.dma_semaphore, #tpu.memory_space<semaphore_mem>>)
    %eq3A_1419 = arith.constant 3 : i32
    %eq3A_1420 = vector.broadcast %eq3A_1419 : i32 to vector<16xi32>
    %eq3A_1421 = arith.cmpi eq, %iota3A, %eq3A_1420 : vector<16xi32>
    %jit3A_1422 = arith.constant 0 : i32
    %broadcast_in_dim3A_1423 = vector.broadcast %jit3A_1422 : i32 to vector<16xi32>
    %select_n3A_1424 = arith.select %eq3A_1421, %get3A_5, %broadcast_in_dim3A_1423 : vector<16xi1>, vector<16xi32>
    %reduce_sum3A_1425 = arith.constant true
    %reduce_sum3A_1426 = vector.broadcast %reduce_sum3A_1425 : i1 to vector<16xi1>
    %reduce_sum3A_1427 = tpu.scan <sum>, %select_n3A_1424 masked %reduce_sum3A_1426 : vector<16xi32>, vector<16xi1> -> vector<16xi32>
    %reduce_sum3A_1428 = vector.extract %reduce_sum3A_1427[15] : i32 from vector<16xi32>
    %jit3A_1429 = arith.constant 8 : i32
    %div3A_1430 = arith.divsi %reduce_sum3A_1428, %jit3A_1429 : i32
    %sign3A_1431 = arith.constant 0 : i32
    %sign3A_1432 = arith.cmpi sgt, %reduce_sum3A_1428, %sign3A_1431 : i32
    %sign3A_1433 = arith.extui %sign3A_1432 : i1 to i32
    %sign3A_1434 = arith.constant 0 : i32
    %sign3A_1435 = arith.cmpi slt, %reduce_sum3A_1428, %sign3A_1434 : i32
    %sign3A_1436 = arith.extui %sign3A_1435 : i1 to i32
    %sign3A_1437 = arith.subi %sign3A_1433, %sign3A_1436 : i32
    %sign3A_1438 = arith.constant 0 : i32
    %sign3A_1439 = arith.cmpi sgt, %jit3A_1429, %sign3A_1438 : i32
    %sign3A_1440 = arith.extui %sign3A_1439 : i1 to i32
    %sign3A_1441 = arith.constant 0 : i32
    %sign3A_1442 = arith.cmpi slt, %jit3A_1429, %sign3A_1441 : i32
    %sign3A_1443 = arith.extui %sign3A_1442 : i1 to i32
    %sign3A_1444 = arith.subi %sign3A_1440, %sign3A_1443 : i32
    %ne3A_1445 = arith.cmpi ne, %sign3A_1437, %sign3A_1444 : i32
    %rem3A_1446 = arith.remsi %reduce_sum3A_1428, %jit3A_1429 : i32
    %ne3A_1447 = arith.constant 0 : i32
    %ne3A_1448 = arith.cmpi ne, %rem3A_1446, %ne3A_1447 : i32
    %and3A_1449 = arith.andi %ne3A_1445, %ne3A_1448 : i1
    %sub3A_1450 = arith.constant 1 : i32
    %sub3A_1451 = arith.subi %div3A_1430, %sub3A_1450 : i32
    %select_n3A_1452 = arith.select %and3A_1449, %sub3A_1451, %div3A_1430 : i32
    %mul3A_1453 = arith.constant 8 : i32
    %mul3A_1454 = arith.muli %select_n3A_1452, %mul3A_1453 : i32
    %add3A_1455 = arith.constant 19 : i32
    %add3A_1456 = arith.addi %mul3A_2, %add3A_1455 : i32
    %jit3A_1457 = arith.constant 128 : i32
    %div3A_1458 = arith.divsi %add3A_1456, %jit3A_1457 : i32
    %sign3A_1459 = arith.constant 0 : i32
    %sign3A_1460 = arith.cmpi sgt, %add3A_1456, %sign3A_1459 : i32
    %sign3A_1461 = arith.extui %sign3A_1460 : i1 to i32
    %sign3A_1462 = arith.constant 0 : i32
    %sign3A_1463 = arith.cmpi slt, %add3A_1456, %sign3A_1462 : i32
    %sign3A_1464 = arith.extui %sign3A_1463 : i1 to i32
    %sign3A_1465 = arith.subi %sign3A_1461, %sign3A_1464 : i32
    %sign3A_1466 = arith.constant 0 : i32
    %sign3A_1467 = arith.cmpi sgt, %jit3A_1457, %sign3A_1466 : i32
    %sign3A_1468 = arith.extui %sign3A_1467 : i1 to i32
    %sign3A_1469 = arith.constant 0 : i32
    %sign3A_1470 = arith.cmpi slt, %jit3A_1457, %sign3A_1469 : i32
    %sign3A_1471 = arith.extui %sign3A_1470 : i1 to i32
    %sign3A_1472 = arith.subi %sign3A_1468, %sign3A_1471 : i32
    %ne3A_1473 = arith.cmpi ne, %sign3A_1465, %sign3A_1472 : i32
    %rem3A_1474 = arith.remsi %add3A_1456, %jit3A_1457 : i32
    %ne3A_1475 = arith.constant 0 : i32
    %ne3A_1476 = arith.cmpi ne, %rem3A_1474, %ne3A_1475 : i32
    %and3A_1477 = arith.andi %ne3A_1473, %ne3A_1476 : i1
    %sub3A_1478 = arith.constant 1 : i32
    %sub3A_1479 = arith.subi %div3A_1458, %sub3A_1478 : i32
    %select_n3A_1480 = arith.select %and3A_1477, %sub3A_1479, %div3A_1458 : i32
    %mul3A_1481 = arith.constant 128 : i32
    %mul3A_1482 = arith.muli %select_n3A_1480, %mul3A_1481 : i32
    %dma_start3A_1483 = arith.constant 19 : i32
    %dma_start3A_1484 = arith.constant 0 : i32
    %dma_start3A_1485 = arith.constant 0 : i32
    %dma_start3A_1486 = tpu.memref_slice %arg7[%dma_start3A_1483, %dma_start3A_1484, %dma_start3A_1485] : memref<32x8x128xf32, #tpu.memory_space<vmem>> -> memref<1x8x128xf32, #tpu.memory_space<vmem>>
    %dma_start3A_1487 = tpu.memref_squeeze %dma_start3A_1486 : memref<1x8x128xf32, #tpu.memory_space<vmem>> -> memref<8x128xf32, #tpu.memory_space<vmem>>
    %dma_start3A_1488 = tpu.memref_slice %arg2[%mul3A_1454, %mul3A_1482] : memref<100000x1024xf32, #tpu.memory_space<hbm>> -> memref<8x128xf32, #tpu.memory_space<hbm>>
    %dma_start3A_1489 = arith.constant 0 : i32
    %dma_start3A_1490 = arith.constant 0 : i32
    %dma_start3A_1491 = tpu.memref_slice %arg7[%dma_start3A_1483, %dma_start3A_1489, %dma_start3A_1490] : memref<32x8x128xf32, #tpu.memory_space<vmem>> -> memref<1x8x128xf32, #tpu.memory_space<vmem>>
    %dma_start3A_1492 = tpu.memref_squeeze %dma_start3A_1491 : memref<1x8x128xf32, #tpu.memory_space<vmem>> -> memref<8x128xf32, #tpu.memory_space<vmem>>
    %dma_start3A_1493 = tpu.memref_slice %arg2[%mul3A_1454, %mul3A_1482] : memref<100000x1024xf32, #tpu.memory_space<hbm>> -> memref<8x128xf32, #tpu.memory_space<hbm>>
    tpu.enqueue_dma source(%dma_start3A_1493 : memref<8x128xf32, #tpu.memory_space<hbm>>) target(%dma_start3A_1492 : memref<8x128xf32, #tpu.memory_space<vmem>>) target_semaphore(%arg12 : memref<!tpu.dma_semaphore, #tpu.memory_space<semaphore_mem>>)
    %eq3A_1494 = arith.constant 4 : i32
    %eq3A_1495 = vector.broadcast %eq3A_1494 : i32 to vector<16xi32>
    %eq3A_1496 = arith.cmpi eq, %iota3A, %eq3A_1495 : vector<16xi32>
    %jit3A_1497 = arith.constant 0 : i32
    %broadcast_in_dim3A_1498 = vector.broadcast %jit3A_1497 : i32 to vector<16xi32>
    %select_n3A_1499 = arith.select %eq3A_1496, %get3A_5, %broadcast_in_dim3A_1498 : vector<16xi1>, vector<16xi32>
    %reduce_sum3A_1500 = arith.constant true
    %reduce_sum3A_1501 = vector.broadcast %reduce_sum3A_1500 : i1 to vector<16xi1>
    %reduce_sum3A_1502 = tpu.scan <sum>, %select_n3A_1499 masked %reduce_sum3A_1501 : vector<16xi32>, vector<16xi1> -> vector<16xi32>
    %reduce_sum3A_1503 = vector.extract %reduce_sum3A_1502[15] : i32 from vector<16xi32>
    %jit3A_1504 = arith.constant 8 : i32
    %div3A_1505 = arith.divsi %reduce_sum3A_1503, %jit3A_1504 : i32
    %sign3A_1506 = arith.constant 0 : i32
    %sign3A_1507 = arith.cmpi sgt, %reduce_sum3A_1503, %sign3A_1506 : i32
    %sign3A_1508 = arith.extui %sign3A_1507 : i1 to i32
    %sign3A_1509 = arith.constant 0 : i32
    %sign3A_1510 = arith.cmpi slt, %reduce_sum3A_1503, %sign3A_1509 : i32
    %sign3A_1511 = arith.extui %sign3A_1510 : i1 to i32
    %sign3A_1512 = arith.subi %sign3A_1508, %sign3A_1511 : i32
    %sign3A_1513 = arith.constant 0 : i32
    %sign3A_1514 = arith.cmpi sgt, %jit3A_1504, %sign3A_1513 : i32
    %sign3A_1515 = arith.extui %sign3A_1514 : i1 to i32
    %sign3A_1516 = arith.constant 0 : i32
    %sign3A_1517 = arith.cmpi slt, %jit3A_1504, %sign3A_1516 : i32
    %sign3A_1518 = arith.extui %sign3A_1517 : i1 to i32
    %sign3A_1519 = arith.subi %sign3A_1515, %sign3A_1518 : i32
    %ne3A_1520 = arith.cmpi ne, %sign3A_1512, %sign3A_1519 : i32
    %rem3A_1521 = arith.remsi %reduce_sum3A_1503, %jit3A_1504 : i32
    %ne3A_1522 = arith.constant 0 : i32
    %ne3A_1523 = arith.cmpi ne, %rem3A_1521, %ne3A_1522 : i32
    %and3A_1524 = arith.andi %ne3A_1520, %ne3A_1523 : i1
    %sub3A_1525 = arith.constant 1 : i32
    %sub3A_1526 = arith.subi %div3A_1505, %sub3A_1525 : i32
    %select_n3A_1527 = arith.select %and3A_1524, %sub3A_1526, %div3A_1505 : i32
    %mul3A_1528 = arith.constant 8 : i32
    %mul3A_1529 = arith.muli %select_n3A_1527, %mul3A_1528 : i32
    %add3A_1530 = arith.constant 20 : i32
    %add3A_1531 = arith.addi %mul3A_2, %add3A_1530 : i32
    %jit3A_1532 = arith.constant 128 : i32
    %div3A_1533 = arith.divsi %add3A_1531, %jit3A_1532 : i32
    %sign3A_1534 = arith.constant 0 : i32
    %sign3A_1535 = arith.cmpi sgt, %add3A_1531, %sign3A_1534 : i32
    %sign3A_1536 = arith.extui %sign3A_1535 : i1 to i32
    %sign3A_1537 = arith.constant 0 : i32
    %sign3A_1538 = arith.cmpi slt, %add3A_1531, %sign3A_1537 : i32
    %sign3A_1539 = arith.extui %sign3A_1538 : i1 to i32
    %sign3A_1540 = arith.subi %sign3A_1536, %sign3A_1539 : i32
    %sign3A_1541 = arith.constant 0 : i32
    %sign3A_1542 = arith.cmpi sgt, %jit3A_1532, %sign3A_1541 : i32
    %sign3A_1543 = arith.extui %sign3A_1542 : i1 to i32
    %sign3A_1544 = arith.constant 0 : i32
    %sign3A_1545 = arith.cmpi slt, %jit3A_1532, %sign3A_1544 : i32
    %sign3A_1546 = arith.extui %sign3A_1545 : i1 to i32
    %sign3A_1547 = arith.subi %sign3A_1543, %sign3A_1546 : i32
    %ne3A_1548 = arith.cmpi ne, %sign3A_1540, %sign3A_1547 : i32
    %rem3A_1549 = arith.remsi %add3A_1531, %jit3A_1532 : i32
    %ne3A_1550 = arith.constant 0 : i32
    %ne3A_1551 = arith.cmpi ne, %rem3A_1549, %ne3A_1550 : i32
    %and3A_1552 = arith.andi %ne3A_1548, %ne3A_1551 : i1
    %sub3A_1553 = arith.constant 1 : i32
    %sub3A_1554 = arith.subi %div3A_1533, %sub3A_1553 : i32
    %select_n3A_1555 = arith.select %and3A_1552, %sub3A_1554, %div3A_1533 : i32
    %mul3A_1556 = arith.constant 128 : i32
    %mul3A_1557 = arith.muli %select_n3A_1555, %mul3A_1556 : i32
    %dma_start3A_1558 = arith.constant 20 : i32
    %dma_start3A_1559 = arith.constant 0 : i32
    %dma_start3A_1560 = arith.constant 0 : i32
    %dma_start3A_1561 = tpu.memref_slice %arg7[%dma_start3A_1558, %dma_start3A_1559, %dma_start3A_1560] : memref<32x8x128xf32, #tpu.memory_space<vmem>> -> memref<1x8x128xf32, #tpu.memory_space<vmem>>
    %dma_start3A_1562 = tpu.memref_squeeze %dma_start3A_1561 : memref<1x8x128xf32, #tpu.memory_space<vmem>> -> memref<8x128xf32, #tpu.memory_space<vmem>>
    %dma_start3A_1563 = tpu.memref_slice %arg2[%mul3A_1529, %mul3A_1557] : memref<100000x1024xf32, #tpu.memory_space<hbm>> -> memref<8x128xf32, #tpu.memory_space<hbm>>
    %dma_start3A_1564 = arith.constant 0 : i32
    %dma_start3A_1565 = arith.constant 0 : i32
    %dma_start3A_1566 = tpu.memref_slice %arg7[%dma_start3A_1558, %dma_start3A_1564, %dma_start3A_1565] : memref<32x8x128xf32, #tpu.memory_space<vmem>> -> memref<1x8x128xf32, #tpu.memory_space<vmem>>
    %dma_start3A_1567 = tpu.memref_squeeze %dma_start3A_1566 : memref<1x8x128xf32, #tpu.memory_space<vmem>> -> memref<8x128xf32, #tpu.memory_space<vmem>>
    %dma_start3A_1568 = tpu.memref_slice %arg2[%mul3A_1529, %mul3A_1557] : memref<100000x1024xf32, #tpu.memory_space<hbm>> -> memref<8x128xf32, #tpu.memory_space<hbm>>
    tpu.enqueue_dma source(%dma_start3A_1568 : memref<8x128xf32, #tpu.memory_space<hbm>>) target(%dma_start3A_1567 : memref<8x128xf32, #tpu.memory_space<vmem>>) target_semaphore(%arg12 : memref<!tpu.dma_semaphore, #tpu.memory_space<semaphore_mem>>)
    %eq3A_1569 = arith.constant 5 : i32
    %eq3A_1570 = vector.broadcast %eq3A_1569 : i32 to vector<16xi32>
    %eq3A_1571 = arith.cmpi eq, %iota3A, %eq3A_1570 : vector<16xi32>
    %jit3A_1572 = arith.constant 0 : i32
    %broadcast_in_dim3A_1573 = vector.broadcast %jit3A_1572 : i32 to vector<16xi32>
    %select_n3A_1574 = arith.select %eq3A_1571, %get3A_5, %broadcast_in_dim3A_1573 : vector<16xi1>, vector<16xi32>
    %reduce_sum3A_1575 = arith.constant true
    %reduce_sum3A_1576 = vector.broadcast %reduce_sum3A_1575 : i1 to vector<16xi1>
    %reduce_sum3A_1577 = tpu.scan <sum>, %select_n3A_1574 masked %reduce_sum3A_1576 : vector<16xi32>, vector<16xi1> -> vector<16xi32>
    %reduce_sum3A_1578 = vector.extract %reduce_sum3A_1577[15] : i32 from vector<16xi32>
    %jit3A_1579 = arith.constant 8 : i32
    %div3A_1580 = arith.divsi %reduce_sum3A_1578, %jit3A_1579 : i32
    %sign3A_1581 = arith.constant 0 : i32
    %sign3A_1582 = arith.cmpi sgt, %reduce_sum3A_1578, %sign3A_1581 : i32
    %sign3A_1583 = arith.extui %sign3A_1582 : i1 to i32
    %sign3A_1584 = arith.constant 0 : i32
    %sign3A_1585 = arith.cmpi slt, %reduce_sum3A_1578, %sign3A_1584 : i32
    %sign3A_1586 = arith.extui %sign3A_1585 : i1 to i32
    %sign3A_1587 = arith.subi %sign3A_1583, %sign3A_1586 : i32
    %sign3A_1588 = arith.constant 0 : i32
    %sign3A_1589 = arith.cmpi sgt, %jit3A_1579, %sign3A_1588 : i32
    %sign3A_1590 = arith.extui %sign3A_1589 : i1 to i32
    %sign3A_1591 = arith.constant 0 : i32
    %sign3A_1592 = arith.cmpi slt, %jit3A_1579, %sign3A_1591 : i32
    %sign3A_1593 = arith.extui %sign3A_1592 : i1 to i32
    %sign3A_1594 = arith.subi %sign3A_1590, %sign3A_1593 : i32
    %ne3A_1595 = arith.cmpi ne, %sign3A_1587, %sign3A_1594 : i32
    %rem3A_1596 = arith.remsi %reduce_sum3A_1578, %jit3A_1579 : i32
    %ne3A_1597 = arith.constant 0 : i32
    %ne3A_1598 = arith.cmpi ne, %rem3A_1596, %ne3A_1597 : i32
    %and3A_1599 = arith.andi %ne3A_1595, %ne3A_1598 : i1
    %sub3A_1600 = arith.constant 1 : i32
    %sub3A_1601 = arith.subi %div3A_1580, %sub3A_1600 : i32
    %select_n3A_1602 = arith.select %and3A_1599, %sub3A_1601, %div3A_1580 : i32
    %mul3A_1603 = arith.constant 8 : i32
    %mul3A_1604 = arith.muli %select_n3A_1602, %mul3A_1603 : i32
    %add3A_1605 = arith.constant 21 : i32
    %add3A_1606 = arith.addi %mul3A_2, %add3A_1605 : i32
    %jit3A_1607 = arith.constant 128 : i32
    %div3A_1608 = arith.divsi %add3A_1606, %jit3A_1607 : i32
    %sign3A_1609 = arith.constant 0 : i32
    %sign3A_1610 = arith.cmpi sgt, %add3A_1606, %sign3A_1609 : i32
    %sign3A_1611 = arith.extui %sign3A_1610 : i1 to i32
    %sign3A_1612 = arith.constant 0 : i32
    %sign3A_1613 = arith.cmpi slt, %add3A_1606, %sign3A_1612 : i32
    %sign3A_1614 = arith.extui %sign3A_1613 : i1 to i32
    %sign3A_1615 = arith.subi %sign3A_1611, %sign3A_1614 : i32
    %sign3A_1616 = arith.constant 0 : i32
    %sign3A_1617 = arith.cmpi sgt, %jit3A_1607, %sign3A_1616 : i32
    %sign3A_1618 = arith.extui %sign3A_1617 : i1 to i32
    %sign3A_1619 = arith.constant 0 : i32
    %sign3A_1620 = arith.cmpi slt, %jit3A_1607, %sign3A_1619 : i32
    %sign3A_1621 = arith.extui %sign3A_1620 : i1 to i32
    %sign3A_1622 = arith.subi %sign3A_1618, %sign3A_1621 : i32
    %ne3A_1623 = arith.cmpi ne, %sign3A_1615, %sign3A_1622 : i32
    %rem3A_1624 = arith.remsi %add3A_1606, %jit3A_1607 : i32
    %ne3A_1625 = arith.constant 0 : i32
    %ne3A_1626 = arith.cmpi ne, %rem3A_1624, %ne3A_1625 : i32
    %and3A_1627 = arith.andi %ne3A_1623, %ne3A_1626 : i1
    %sub3A_1628 = arith.constant 1 : i32
    %sub3A_1629 = arith.subi %div3A_1608, %sub3A_1628 : i32
    %select_n3A_1630 = arith.select %and3A_1627, %sub3A_1629, %div3A_1608 : i32
    %mul3A_1631 = arith.constant 128 : i32
    %mul3A_1632 = arith.muli %select_n3A_1630, %mul3A_1631 : i32
    %dma_start3A_1633 = arith.constant 21 : i32
    %dma_start3A_1634 = arith.constant 0 : i32
    %dma_start3A_1635 = arith.constant 0 : i32
    %dma_start3A_1636 = tpu.memref_slice %arg7[%dma_start3A_1633, %dma_start3A_1634, %dma_start3A_1635] : memref<32x8x128xf32, #tpu.memory_space<vmem>> -> memref<1x8x128xf32, #tpu.memory_space<vmem>>
    %dma_start3A_1637 = tpu.memref_squeeze %dma_start3A_1636 : memref<1x8x128xf32, #tpu.memory_space<vmem>> -> memref<8x128xf32, #tpu.memory_space<vmem>>
    %dma_start3A_1638 = tpu.memref_slice %arg2[%mul3A_1604, %mul3A_1632] : memref<100000x1024xf32, #tpu.memory_space<hbm>> -> memref<8x128xf32, #tpu.memory_space<hbm>>
    %dma_start3A_1639 = arith.constant 0 : i32
    %dma_start3A_1640 = arith.constant 0 : i32
    %dma_start3A_1641 = tpu.memref_slice %arg7[%dma_start3A_1633, %dma_start3A_1639, %dma_start3A_1640] : memref<32x8x128xf32, #tpu.memory_space<vmem>> -> memref<1x8x128xf32, #tpu.memory_space<vmem>>
    %dma_start3A_1642 = tpu.memref_squeeze %dma_start3A_1641 : memref<1x8x128xf32, #tpu.memory_space<vmem>> -> memref<8x128xf32, #tpu.memory_space<vmem>>
    %dma_start3A_1643 = tpu.memref_slice %arg2[%mul3A_1604, %mul3A_1632] : memref<100000x1024xf32, #tpu.memory_space<hbm>> -> memref<8x128xf32, #tpu.memory_space<hbm>>
    tpu.enqueue_dma source(%dma_start3A_1643 : memref<8x128xf32, #tpu.memory_space<hbm>>) target(%dma_start3A_1642 : memref<8x128xf32, #tpu.memory_space<vmem>>) target_semaphore(%arg12 : memref<!tpu.dma_semaphore, #tpu.memory_space<semaphore_mem>>)
    %eq3A_1644 = arith.constant 6 : i32
    %eq3A_1645 = vector.broadcast %eq3A_1644 : i32 to vector<16xi32>
    %eq3A_1646 = arith.cmpi eq, %iota3A, %eq3A_1645 : vector<16xi32>
    %jit3A_1647 = arith.constant 0 : i32
    %broadcast_in_dim3A_1648 = vector.broadcast %jit3A_1647 : i32 to vector<16xi32>
    %select_n3A_1649 = arith.select %eq3A_1646, %get3A_5, %broadcast_in_dim3A_1648 : vector<16xi1>, vector<16xi32>
    %reduce_sum3A_1650 = arith.constant true
    %reduce_sum3A_1651 = vector.broadcast %reduce_sum3A_1650 : i1 to vector<16xi1>
    %reduce_sum3A_1652 = tpu.scan <sum>, %select_n3A_1649 masked %reduce_sum3A_1651 : vector<16xi32>, vector<16xi1> -> vector<16xi32>
    %reduce_sum3A_1653 = vector.extract %reduce_sum3A_1652[15] : i32 from vector<16xi32>
    %jit3A_1654 = arith.constant 8 : i32
    %div3A_1655 = arith.divsi %reduce_sum3A_1653, %jit3A_1654 : i32
    %sign3A_1656 = arith.constant 0 : i32
    %sign3A_1657 = arith.cmpi sgt, %reduce_sum3A_1653, %sign3A_1656 : i32
    %sign3A_1658 = arith.extui %sign3A_1657 : i1 to i32
    %sign3A_1659 = arith.constant 0 : i32
    %sign3A_1660 = arith.cmpi slt, %reduce_sum3A_1653, %sign3A_1659 : i32
    %sign3A_1661 = arith.extui %sign3A_1660 : i1 to i32
    %sign3A_1662 = arith.subi %sign3A_1658, %sign3A_1661 : i32
    %sign3A_1663 = arith.constant 0 : i32
    %sign3A_1664 = arith.cmpi sgt, %jit3A_1654, %sign3A_1663 : i32
    %sign3A_1665 = arith.extui %sign3A_1664 : i1 to i32
    %sign3A_1666 = arith.constant 0 : i32
    %sign3A_1667 = arith.cmpi slt, %jit3A_1654, %sign3A_1666 : i32
    %sign3A_1668 = arith.extui %sign3A_1667 : i1 to i32
    %sign3A_1669 = arith.subi %sign3A_1665, %sign3A_1668 : i32
    %ne3A_1670 = arith.cmpi ne, %sign3A_1662, %sign3A_1669 : i32
    %rem3A_1671 = arith.remsi %reduce_sum3A_1653, %jit3A_1654 : i32
    %ne3A_1672 = arith.constant 0 : i32
    %ne3A_1673 = arith.cmpi ne, %rem3A_1671, %ne3A_1672 : i32
    %and3A_1674 = arith.andi %ne3A_1670, %ne3A_1673 : i1
    %sub3A_1675 = arith.constant 1 : i32
    %sub3A_1676 = arith.subi %div3A_1655, %sub3A_1675 : i32
    %select_n3A_1677 = arith.select %and3A_1674, %sub3A_1676, %div3A_1655 : i32
    %mul3A_1678 = arith.constant 8 : i32
    %mul3A_1679 = arith.muli %select_n3A_1677, %mul3A_1678 : i32
    %add3A_1680 = arith.constant 22 : i32
    %add3A_1681 = arith.addi %mul3A_2, %add3A_1680 : i32
    %jit3A_1682 = arith.constant 128 : i32
    %div3A_1683 = arith.divsi %add3A_1681, %jit3A_1682 : i32
    %sign3A_1684 = arith.constant 0 : i32
    %sign3A_1685 = arith.cmpi sgt, %add3A_1681, %sign3A_1684 : i32
    %sign3A_1686 = arith.extui %sign3A_1685 : i1 to i32
    %sign3A_1687 = arith.constant 0 : i32
    %sign3A_1688 = arith.cmpi slt, %add3A_1681, %sign3A_1687 : i32
    %sign3A_1689 = arith.extui %sign3A_1688 : i1 to i32
    %sign3A_1690 = arith.subi %sign3A_1686, %sign3A_1689 : i32
    %sign3A_1691 = arith.constant 0 : i32
    %sign3A_1692 = arith.cmpi sgt, %jit3A_1682, %sign3A_1691 : i32
    %sign3A_1693 = arith.extui %sign3A_1692 : i1 to i32
    %sign3A_1694 = arith.constant 0 : i32
    %sign3A_1695 = arith.cmpi slt, %jit3A_1682, %sign3A_1694 : i32
    %sign3A_1696 = arith.extui %sign3A_1695 : i1 to i32
    %sign3A_1697 = arith.subi %sign3A_1693, %sign3A_1696 : i32
    %ne3A_1698 = arith.cmpi ne, %sign3A_1690, %sign3A_1697 : i32
    %rem3A_1699 = arith.remsi %add3A_1681, %jit3A_1682 : i32
    %ne3A_1700 = arith.constant 0 : i32
    %ne3A_1701 = arith.cmpi ne, %rem3A_1699, %ne3A_1700 : i32
    %and3A_1702 = arith.andi %ne3A_1698, %ne3A_1701 : i1
    %sub3A_1703 = arith.constant 1 : i32
    %sub3A_1704 = arith.subi %div3A_1683, %sub3A_1703 : i32
    %select_n3A_1705 = arith.select %and3A_1702, %sub3A_1704, %div3A_1683 : i32
    %mul3A_1706 = arith.constant 128 : i32
    %mul3A_1707 = arith.muli %select_n3A_1705, %mul3A_1706 : i32
    %dma_start3A_1708 = arith.constant 22 : i32
    %dma_start3A_1709 = arith.constant 0 : i32
    %dma_start3A_1710 = arith.constant 0 : i32
    %dma_start3A_1711 = tpu.memref_slice %arg7[%dma_start3A_1708, %dma_start3A_1709, %dma_start3A_1710] : memref<32x8x128xf32, #tpu.memory_space<vmem>> -> memref<1x8x128xf32, #tpu.memory_space<vmem>>
    %dma_start3A_1712 = tpu.memref_squeeze %dma_start3A_1711 : memref<1x8x128xf32, #tpu.memory_space<vmem>> -> memref<8x128xf32, #tpu.memory_space<vmem>>
    %dma_start3A_1713 = tpu.memref_slice %arg2[%mul3A_1679, %mul3A_1707] : memref<100000x1024xf32, #tpu.memory_space<hbm>> -> memref<8x128xf32, #tpu.memory_space<hbm>>
    %dma_start3A_1714 = arith.constant 0 : i32
    %dma_start3A_1715 = arith.constant 0 : i32
    %dma_start3A_1716 = tpu.memref_slice %arg7[%dma_start3A_1708, %dma_start3A_1714, %dma_start3A_1715] : memref<32x8x128xf32, #tpu.memory_space<vmem>> -> memref<1x8x128xf32, #tpu.memory_space<vmem>>
    %dma_start3A_1717 = tpu.memref_squeeze %dma_start3A_1716 : memref<1x8x128xf32, #tpu.memory_space<vmem>> -> memref<8x128xf32, #tpu.memory_space<vmem>>
    %dma_start3A_1718 = tpu.memref_slice %arg2[%mul3A_1679, %mul3A_1707] : memref<100000x1024xf32, #tpu.memory_space<hbm>> -> memref<8x128xf32, #tpu.memory_space<hbm>>
    tpu.enqueue_dma source(%dma_start3A_1718 : memref<8x128xf32, #tpu.memory_space<hbm>>) target(%dma_start3A_1717 : memref<8x128xf32, #tpu.memory_space<vmem>>) target_semaphore(%arg12 : memref<!tpu.dma_semaphore, #tpu.memory_space<semaphore_mem>>)
    %eq3A_1719 = arith.constant 7 : i32
    %eq3A_1720 = vector.broadcast %eq3A_1719 : i32 to vector<16xi32>
    %eq3A_1721 = arith.cmpi eq, %iota3A, %eq3A_1720 : vector<16xi32>
    %jit3A_1722 = arith.constant 0 : i32
    %broadcast_in_dim3A_1723 = vector.broadcast %jit3A_1722 : i32 to vector<16xi32>
    %select_n3A_1724 = arith.select %eq3A_1721, %get3A_5, %broadcast_in_dim3A_1723 : vector<16xi1>, vector<16xi32>
    %reduce_sum3A_1725 = arith.constant true
    %reduce_sum3A_1726 = vector.broadcast %reduce_sum3A_1725 : i1 to vector<16xi1>
    %reduce_sum3A_1727 = tpu.scan <sum>, %select_n3A_1724 masked %reduce_sum3A_1726 : vector<16xi32>, vector<16xi1> -> vector<16xi32>
    %reduce_sum3A_1728 = vector.extract %reduce_sum3A_1727[15] : i32 from vector<16xi32>
    %jit3A_1729 = arith.constant 8 : i32
    %div3A_1730 = arith.divsi %reduce_sum3A_1728, %jit3A_1729 : i32
    %sign3A_1731 = arith.constant 0 : i32
    %sign3A_1732 = arith.cmpi sgt, %reduce_sum3A_1728, %sign3A_1731 : i32
    %sign3A_1733 = arith.extui %sign3A_1732 : i1 to i32
    %sign3A_1734 = arith.constant 0 : i32
    %sign3A_1735 = arith.cmpi slt, %reduce_sum3A_1728, %sign3A_1734 : i32
    %sign3A_1736 = arith.extui %sign3A_1735 : i1 to i32
    %sign3A_1737 = arith.subi %sign3A_1733, %sign3A_1736 : i32
    %sign3A_1738 = arith.constant 0 : i32
    %sign3A_1739 = arith.cmpi sgt, %jit3A_1729, %sign3A_1738 : i32
    %sign3A_1740 = arith.extui %sign3A_1739 : i1 to i32
    %sign3A_1741 = arith.constant 0 : i32
    %sign3A_1742 = arith.cmpi slt, %jit3A_1729, %sign3A_1741 : i32
    %sign3A_1743 = arith.extui %sign3A_1742 : i1 to i32
    %sign3A_1744 = arith.subi %sign3A_1740, %sign3A_1743 : i32
    %ne3A_1745 = arith.cmpi ne, %sign3A_1737, %sign3A_1744 : i32
    %rem3A_1746 = arith.remsi %reduce_sum3A_1728, %jit3A_1729 : i32
    %ne3A_1747 = arith.constant 0 : i32
    %ne3A_1748 = arith.cmpi ne, %rem3A_1746, %ne3A_1747 : i32
    %and3A_1749 = arith.andi %ne3A_1745, %ne3A_1748 : i1
    %sub3A_1750 = arith.constant 1 : i32
    %sub3A_1751 = arith.subi %div3A_1730, %sub3A_1750 : i32
    %select_n3A_1752 = arith.select %and3A_1749, %sub3A_1751, %div3A_1730 : i32
    %mul3A_1753 = arith.constant 8 : i32
    %mul3A_1754 = arith.muli %select_n3A_1752, %mul3A_1753 : i32
    %add3A_1755 = arith.constant 23 : i32
    %add3A_1756 = arith.addi %mul3A_2, %add3A_1755 : i32
    %jit3A_1757 = arith.constant 128 : i32
    %div3A_1758 = arith.divsi %add3A_1756, %jit3A_1757 : i32
    %sign3A_1759 = arith.constant 0 : i32
    %sign3A_1760 = arith.cmpi sgt, %add3A_1756, %sign3A_1759 : i32
    %sign3A_1761 = arith.extui %sign3A_1760 : i1 to i32
    %sign3A_1762 = arith.constant 0 : i32
    %sign3A_1763 = arith.cmpi slt, %add3A_1756, %sign3A_1762 : i32
    %sign3A_1764 = arith.extui %sign3A_1763 : i1 to i32
    %sign3A_1765 = arith.subi %sign3A_1761, %sign3A_1764 : i32
    %sign3A_1766 = arith.constant 0 : i32
    %sign3A_1767 = arith.cmpi sgt, %jit3A_1757, %sign3A_1766 : i32
    %sign3A_1768 = arith.extui %sign3A_1767 : i1 to i32
    %sign3A_1769 = arith.constant 0 : i32
    %sign3A_1770 = arith.cmpi slt, %jit3A_1757, %sign3A_1769 : i32
    %sign3A_1771 = arith.extui %sign3A_1770 : i1 to i32
    %sign3A_1772 = arith.subi %sign3A_1768, %sign3A_1771 : i32
    %ne3A_1773 = arith.cmpi ne, %sign3A_1765, %sign3A_1772 : i32
    %rem3A_1774 = arith.remsi %add3A_1756, %jit3A_1757 : i32
    %ne3A_1775 = arith.constant 0 : i32
    %ne3A_1776 = arith.cmpi ne, %rem3A_1774, %ne3A_1775 : i32
    %and3A_1777 = arith.andi %ne3A_1773, %ne3A_1776 : i1
    %sub3A_1778 = arith.constant 1 : i32
    %sub3A_1779 = arith.subi %div3A_1758, %sub3A_1778 : i32
    %select_n3A_1780 = arith.select %and3A_1777, %sub3A_1779, %div3A_1758 : i32
    %mul3A_1781 = arith.constant 128 : i32
    %mul3A_1782 = arith.muli %select_n3A_1780, %mul3A_1781 : i32
    %dma_start3A_1783 = arith.constant 23 : i32
    %dma_start3A_1784 = arith.constant 0 : i32
    %dma_start3A_1785 = arith.constant 0 : i32
    %dma_start3A_1786 = tpu.memref_slice %arg7[%dma_start3A_1783, %dma_start3A_1784, %dma_start3A_1785] : memref<32x8x128xf32, #tpu.memory_space<vmem>> -> memref<1x8x128xf32, #tpu.memory_space<vmem>>
    %dma_start3A_1787 = tpu.memref_squeeze %dma_start3A_1786 : memref<1x8x128xf32, #tpu.memory_space<vmem>> -> memref<8x128xf32, #tpu.memory_space<vmem>>
    %dma_start3A_1788 = tpu.memref_slice %arg2[%mul3A_1754, %mul3A_1782] : memref<100000x1024xf32, #tpu.memory_space<hbm>> -> memref<8x128xf32, #tpu.memory_space<hbm>>
    %dma_start3A_1789 = arith.constant 0 : i32
    %dma_start3A_1790 = arith.constant 0 : i32
    %dma_start3A_1791 = tpu.memref_slice %arg7[%dma_start3A_1783, %dma_start3A_1789, %dma_start3A_1790] : memref<32x8x128xf32, #tpu.memory_space<vmem>> -> memref<1x8x128xf32, #tpu.memory_space<vmem>>
    %dma_start3A_1792 = tpu.memref_squeeze %dma_start3A_1791 : memref<1x8x128xf32, #tpu.memory_space<vmem>> -> memref<8x128xf32, #tpu.memory_space<vmem>>
    %dma_start3A_1793 = tpu.memref_slice %arg2[%mul3A_1754, %mul3A_1782] : memref<100000x1024xf32, #tpu.memory_space<hbm>> -> memref<8x128xf32, #tpu.memory_space<hbm>>
    tpu.enqueue_dma source(%dma_start3A_1793 : memref<8x128xf32, #tpu.memory_space<hbm>>) target(%dma_start3A_1792 : memref<8x128xf32, #tpu.memory_space<vmem>>) target_semaphore(%arg12 : memref<!tpu.dma_semaphore, #tpu.memory_space<semaphore_mem>>)
    %eq3A_1794 = arith.constant 8 : i32
    %eq3A_1795 = vector.broadcast %eq3A_1794 : i32 to vector<16xi32>
    %eq3A_1796 = arith.cmpi eq, %iota3A, %eq3A_1795 : vector<16xi32>
    %jit3A_1797 = arith.constant 0 : i32
    %broadcast_in_dim3A_1798 = vector.broadcast %jit3A_1797 : i32 to vector<16xi32>
    %select_n3A_1799 = arith.select %eq3A_1796, %get3A_5, %broadcast_in_dim3A_1798 : vector<16xi1>, vector<16xi32>
    %reduce_sum3A_1800 = arith.constant true
    %reduce_sum3A_1801 = vector.broadcast %reduce_sum3A_1800 : i1 to vector<16xi1>
    %reduce_sum3A_1802 = tpu.scan <sum>, %select_n3A_1799 masked %reduce_sum3A_1801 : vector<16xi32>, vector<16xi1> -> vector<16xi32>
    %reduce_sum3A_1803 = vector.extract %reduce_sum3A_1802[15] : i32 from vector<16xi32>
    %jit3A_1804 = arith.constant 8 : i32
    %div3A_1805 = arith.divsi %reduce_sum3A_1803, %jit3A_1804 : i32
    %sign3A_1806 = arith.constant 0 : i32
    %sign3A_1807 = arith.cmpi sgt, %reduce_sum3A_1803, %sign3A_1806 : i32
    %sign3A_1808 = arith.extui %sign3A_1807 : i1 to i32
    %sign3A_1809 = arith.constant 0 : i32
    %sign3A_1810 = arith.cmpi slt, %reduce_sum3A_1803, %sign3A_1809 : i32
    %sign3A_1811 = arith.extui %sign3A_1810 : i1 to i32
    %sign3A_1812 = arith.subi %sign3A_1808, %sign3A_1811 : i32
    %sign3A_1813 = arith.constant 0 : i32
    %sign3A_1814 = arith.cmpi sgt, %jit3A_1804, %sign3A_1813 : i32
    %sign3A_1815 = arith.extui %sign3A_1814 : i1 to i32
    %sign3A_1816 = arith.constant 0 : i32
    %sign3A_1817 = arith.cmpi slt, %jit3A_1804, %sign3A_1816 : i32
    %sign3A_1818 = arith.extui %sign3A_1817 : i1 to i32
    %sign3A_1819 = arith.subi %sign3A_1815, %sign3A_1818 : i32
    %ne3A_1820 = arith.cmpi ne, %sign3A_1812, %sign3A_1819 : i32
    %rem3A_1821 = arith.remsi %reduce_sum3A_1803, %jit3A_1804 : i32
    %ne3A_1822 = arith.constant 0 : i32
    %ne3A_1823 = arith.cmpi ne, %rem3A_1821, %ne3A_1822 : i32
    %and3A_1824 = arith.andi %ne3A_1820, %ne3A_1823 : i1
    %sub3A_1825 = arith.constant 1 : i32
    %sub3A_1826 = arith.subi %div3A_1805, %sub3A_1825 : i32
    %select_n3A_1827 = arith.select %and3A_1824, %sub3A_1826, %div3A_1805 : i32
    %mul3A_1828 = arith.constant 8 : i32
    %mul3A_1829 = arith.muli %select_n3A_1827, %mul3A_1828 : i32
    %add3A_1830 = arith.constant 24 : i32
    %add3A_1831 = arith.addi %mul3A_2, %add3A_1830 : i32
    %jit3A_1832 = arith.constant 128 : i32
    %div3A_1833 = arith.divsi %add3A_1831, %jit3A_1832 : i32
    %sign3A_1834 = arith.constant 0 : i32
    %sign3A_1835 = arith.cmpi sgt, %add3A_1831, %sign3A_1834 : i32
    %sign3A_1836 = arith.extui %sign3A_1835 : i1 to i32
    %sign3A_1837 = arith.constant 0 : i32
    %sign3A_1838 = arith.cmpi slt, %add3A_1831, %sign3A_1837 : i32
    %sign3A_1839 = arith.extui %sign3A_1838 : i1 to i32
    %sign3A_1840 = arith.subi %sign3A_1836, %sign3A_1839 : i32
    %sign3A_1841 = arith.constant 0 : i32
    %sign3A_1842 = arith.cmpi sgt, %jit3A_1832, %sign3A_1841 : i32
    %sign3A_1843 = arith.extui %sign3A_1842 : i1 to i32
    %sign3A_1844 = arith.constant 0 : i32
    %sign3A_1845 = arith.cmpi slt, %jit3A_1832, %sign3A_1844 : i32
    %sign3A_1846 = arith.extui %sign3A_1845 : i1 to i32
    %sign3A_1847 = arith.subi %sign3A_1843, %sign3A_1846 : i32
    %ne3A_1848 = arith.cmpi ne, %sign3A_1840, %sign3A_1847 : i32
    %rem3A_1849 = arith.remsi %add3A_1831, %jit3A_1832 : i32
    %ne3A_1850 = arith.constant 0 : i32
    %ne3A_1851 = arith.cmpi ne, %rem3A_1849, %ne3A_1850 : i32
    %and3A_1852 = arith.andi %ne3A_1848, %ne3A_1851 : i1
    %sub3A_1853 = arith.constant 1 : i32
    %sub3A_1854 = arith.subi %div3A_1833, %sub3A_1853 : i32
    %select_n3A_1855 = arith.select %and3A_1852, %sub3A_1854, %div3A_1833 : i32
    %mul3A_1856 = arith.constant 128 : i32
    %mul3A_1857 = arith.muli %select_n3A_1855, %mul3A_1856 : i32
    %dma_start3A_1858 = arith.constant 24 : i32
    %dma_start3A_1859 = arith.constant 0 : i32
    %dma_start3A_1860 = arith.constant 0 : i32
    %dma_start3A_1861 = tpu.memref_slice %arg7[%dma_start3A_1858, %dma_start3A_1859, %dma_start3A_1860] : memref<32x8x128xf32, #tpu.memory_space<vmem>> -> memref<1x8x128xf32, #tpu.memory_space<vmem>>
    %dma_start3A_1862 = tpu.memref_squeeze %dma_start3A_1861 : memref<1x8x128xf32, #tpu.memory_space<vmem>> -> memref<8x128xf32, #tpu.memory_space<vmem>>
    %dma_start3A_1863 = tpu.memref_slice %arg2[%mul3A_1829, %mul3A_1857] : memref<100000x1024xf32, #tpu.memory_space<hbm>> -> memref<8x128xf32, #tpu.memory_space<hbm>>
    %dma_start3A_1864 = arith.constant 0 : i32
    %dma_start3A_1865 = arith.constant 0 : i32
    %dma_start3A_1866 = tpu.memref_slice %arg7[%dma_start3A_1858, %dma_start3A_1864, %dma_start3A_1865] : memref<32x8x128xf32, #tpu.memory_space<vmem>> -> memref<1x8x128xf32, #tpu.memory_space<vmem>>
    %dma_start3A_1867 = tpu.memref_squeeze %dma_start3A_1866 : memref<1x8x128xf32, #tpu.memory_space<vmem>> -> memref<8x128xf32, #tpu.memory_space<vmem>>
    %dma_start3A_1868 = tpu.memref_slice %arg2[%mul3A_1829, %mul3A_1857] : memref<100000x1024xf32, #tpu.memory_space<hbm>> -> memref<8x128xf32, #tpu.memory_space<hbm>>
    tpu.enqueue_dma source(%dma_start3A_1868 : memref<8x128xf32, #tpu.memory_space<hbm>>) target(%dma_start3A_1867 : memref<8x128xf32, #tpu.memory_space<vmem>>) target_semaphore(%arg12 : memref<!tpu.dma_semaphore, #tpu.memory_space<semaphore_mem>>)
    %eq3A_1869 = arith.constant 9 : i32
    %eq3A_1870 = vector.broadcast %eq3A_1869 : i32 to vector<16xi32>
    %eq3A_1871 = arith.cmpi eq, %iota3A, %eq3A_1870 : vector<16xi32>
    %jit3A_1872 = arith.constant 0 : i32
    %broadcast_in_dim3A_1873 = vector.broadcast %jit3A_1872 : i32 to vector<16xi32>
    %select_n3A_1874 = arith.select %eq3A_1871, %get3A_5, %broadcast_in_dim3A_1873 : vector<16xi1>, vector<16xi32>
    %reduce_sum3A_1875 = arith.constant true
    %reduce_sum3A_1876 = vector.broadcast %reduce_sum3A_1875 : i1 to vector<16xi1>
    %reduce_sum3A_1877 = tpu.scan <sum>, %select_n3A_1874 masked %reduce_sum3A_1876 : vector<16xi32>, vector<16xi1> -> vector<16xi32>
    %reduce_sum3A_1878 = vector.extract %reduce_sum3A_1877[15] : i32 from vector<16xi32>
    %jit3A_1879 = arith.constant 8 : i32
    %div3A_1880 = arith.divsi %reduce_sum3A_1878, %jit3A_1879 : i32
    %sign3A_1881 = arith.constant 0 : i32
    %sign3A_1882 = arith.cmpi sgt, %reduce_sum3A_1878, %sign3A_1881 : i32
    %sign3A_1883 = arith.extui %sign3A_1882 : i1 to i32
    %sign3A_1884 = arith.constant 0 : i32
    %sign3A_1885 = arith.cmpi slt, %reduce_sum3A_1878, %sign3A_1884 : i32
    %sign3A_1886 = arith.extui %sign3A_1885 : i1 to i32
    %sign3A_1887 = arith.subi %sign3A_1883, %sign3A_1886 : i32
    %sign3A_1888 = arith.constant 0 : i32
    %sign3A_1889 = arith.cmpi sgt, %jit3A_1879, %sign3A_1888 : i32
    %sign3A_1890 = arith.extui %sign3A_1889 : i1 to i32
    %sign3A_1891 = arith.constant 0 : i32
    %sign3A_1892 = arith.cmpi slt, %jit3A_1879, %sign3A_1891 : i32
    %sign3A_1893 = arith.extui %sign3A_1892 : i1 to i32
    %sign3A_1894 = arith.subi %sign3A_1890, %sign3A_1893 : i32
    %ne3A_1895 = arith.cmpi ne, %sign3A_1887, %sign3A_1894 : i32
    %rem3A_1896 = arith.remsi %reduce_sum3A_1878, %jit3A_1879 : i32
    %ne3A_1897 = arith.constant 0 : i32
    %ne3A_1898 = arith.cmpi ne, %rem3A_1896, %ne3A_1897 : i32
    %and3A_1899 = arith.andi %ne3A_1895, %ne3A_1898 : i1
    %sub3A_1900 = arith.constant 1 : i32
    %sub3A_1901 = arith.subi %div3A_1880, %sub3A_1900 : i32
    %select_n3A_1902 = arith.select %and3A_1899, %sub3A_1901, %div3A_1880 : i32
    %mul3A_1903 = arith.constant 8 : i32
    %mul3A_1904 = arith.muli %select_n3A_1902, %mul3A_1903 : i32
    %add3A_1905 = arith.constant 25 : i32
    %add3A_1906 = arith.addi %mul3A_2, %add3A_1905 : i32
    %jit3A_1907 = arith.constant 128 : i32
    %div3A_1908 = arith.divsi %add3A_1906, %jit3A_1907 : i32
    %sign3A_1909 = arith.constant 0 : i32
    %sign3A_1910 = arith.cmpi sgt, %add3A_1906, %sign3A_1909 : i32
    %sign3A_1911 = arith.extui %sign3A_1910 : i1 to i32
    %sign3A_1912 = arith.constant 0 : i32
    %sign3A_1913 = arith.cmpi slt, %add3A_1906, %sign3A_1912 : i32
    %sign3A_1914 = arith.extui %sign3A_1913 : i1 to i32
    %sign3A_1915 = arith.subi %sign3A_1911, %sign3A_1914 : i32
    %sign3A_1916 = arith.constant 0 : i32
    %sign3A_1917 = arith.cmpi sgt, %jit3A_1907, %sign3A_1916 : i32
    %sign3A_1918 = arith.extui %sign3A_1917 : i1 to i32
    %sign3A_1919 = arith.constant 0 : i32
    %sign3A_1920 = arith.cmpi slt, %jit3A_1907, %sign3A_1919 : i32
    %sign3A_1921 = arith.extui %sign3A_1920 : i1 to i32
    %sign3A_1922 = arith.subi %sign3A_1918, %sign3A_1921 : i32
    %ne3A_1923 = arith.cmpi ne, %sign3A_1915, %sign3A_1922 : i32
    %rem3A_1924 = arith.remsi %add3A_1906, %jit3A_1907 : i32
    %ne3A_1925 = arith.constant 0 : i32
    %ne3A_1926 = arith.cmpi ne, %rem3A_1924, %ne3A_1925 : i32
    %and3A_1927 = arith.andi %ne3A_1923, %ne3A_1926 : i1
    %sub3A_1928 = arith.constant 1 : i32
    %sub3A_1929 = arith.subi %div3A_1908, %sub3A_1928 : i32
    %select_n3A_1930 = arith.select %and3A_1927, %sub3A_1929, %div3A_1908 : i32
    %mul3A_1931 = arith.constant 128 : i32
    %mul3A_1932 = arith.muli %select_n3A_1930, %mul3A_1931 : i32
    %dma_start3A_1933 = arith.constant 25 : i32
    %dma_start3A_1934 = arith.constant 0 : i32
    %dma_start3A_1935 = arith.constant 0 : i32
    %dma_start3A_1936 = tpu.memref_slice %arg7[%dma_start3A_1933, %dma_start3A_1934, %dma_start3A_1935] : memref<32x8x128xf32, #tpu.memory_space<vmem>> -> memref<1x8x128xf32, #tpu.memory_space<vmem>>
    %dma_start3A_1937 = tpu.memref_squeeze %dma_start3A_1936 : memref<1x8x128xf32, #tpu.memory_space<vmem>> -> memref<8x128xf32, #tpu.memory_space<vmem>>
    %dma_start3A_1938 = tpu.memref_slice %arg2[%mul3A_1904, %mul3A_1932] : memref<100000x1024xf32, #tpu.memory_space<hbm>> -> memref<8x128xf32, #tpu.memory_space<hbm>>
    %dma_start3A_1939 = arith.constant 0 : i32
    %dma_start3A_1940 = arith.constant 0 : i32
    %dma_start3A_1941 = tpu.memref_slice %arg7[%dma_start3A_1933, %dma_start3A_1939, %dma_start3A_1940] : memref<32x8x128xf32, #tpu.memory_space<vmem>> -> memref<1x8x128xf32, #tpu.memory_space<vmem>>
    %dma_start3A_1942 = tpu.memref_squeeze %dma_start3A_1941 : memref<1x8x128xf32, #tpu.memory_space<vmem>> -> memref<8x128xf32, #tpu.memory_space<vmem>>
    %dma_start3A_1943 = tpu.memref_slice %arg2[%mul3A_1904, %mul3A_1932] : memref<100000x1024xf32, #tpu.memory_space<hbm>> -> memref<8x128xf32, #tpu.memory_space<hbm>>
    tpu.enqueue_dma source(%dma_start3A_1943 : memref<8x128xf32, #tpu.memory_space<hbm>>) target(%dma_start3A_1942 : memref<8x128xf32, #tpu.memory_space<vmem>>) target_semaphore(%arg12 : memref<!tpu.dma_semaphore, #tpu.memory_space<semaphore_mem>>)
    %eq3A_1944 = arith.constant 10 : i32
    %eq3A_1945 = vector.broadcast %eq3A_1944 : i32 to vector<16xi32>
    %eq3A_1946 = arith.cmpi eq, %iota3A, %eq3A_1945 : vector<16xi32>
    %jit3A_1947 = arith.constant 0 : i32
    %broadcast_in_dim3A_1948 = vector.broadcast %jit3A_1947 : i32 to vector<16xi32>
    %select_n3A_1949 = arith.select %eq3A_1946, %get3A_5, %broadcast_in_dim3A_1948 : vector<16xi1>, vector<16xi32>
    %reduce_sum3A_1950 = arith.constant true
    %reduce_sum3A_1951 = vector.broadcast %reduce_sum3A_1950 : i1 to vector<16xi1>
    %reduce_sum3A_1952 = tpu.scan <sum>, %select_n3A_1949 masked %reduce_sum3A_1951 : vector<16xi32>, vector<16xi1> -> vector<16xi32>
    %reduce_sum3A_1953 = vector.extract %reduce_sum3A_1952[15] : i32 from vector<16xi32>
    %jit3A_1954 = arith.constant 8 : i32
    %div3A_1955 = arith.divsi %reduce_sum3A_1953, %jit3A_1954 : i32
    %sign3A_1956 = arith.constant 0 : i32
    %sign3A_1957 = arith.cmpi sgt, %reduce_sum3A_1953, %sign3A_1956 : i32
    %sign3A_1958 = arith.extui %sign3A_1957 : i1 to i32
    %sign3A_1959 = arith.constant 0 : i32
    %sign3A_1960 = arith.cmpi slt, %reduce_sum3A_1953, %sign3A_1959 : i32
    %sign3A_1961 = arith.extui %sign3A_1960 : i1 to i32
    %sign3A_1962 = arith.subi %sign3A_1958, %sign3A_1961 : i32
    %sign3A_1963 = arith.constant 0 : i32
    %sign3A_1964 = arith.cmpi sgt, %jit3A_1954, %sign3A_1963 : i32
    %sign3A_1965 = arith.extui %sign3A_1964 : i1 to i32
    %sign3A_1966 = arith.constant 0 : i32
    %sign3A_1967 = arith.cmpi slt, %jit3A_1954, %sign3A_1966 : i32
    %sign3A_1968 = arith.extui %sign3A_1967 : i1 to i32
    %sign3A_1969 = arith.subi %sign3A_1965, %sign3A_1968 : i32
    %ne3A_1970 = arith.cmpi ne, %sign3A_1962, %sign3A_1969 : i32
    %rem3A_1971 = arith.remsi %reduce_sum3A_1953, %jit3A_1954 : i32
    %ne3A_1972 = arith.constant 0 : i32
    %ne3A_1973 = arith.cmpi ne, %rem3A_1971, %ne3A_1972 : i32
    %and3A_1974 = arith.andi %ne3A_1970, %ne3A_1973 : i1
    %sub3A_1975 = arith.constant 1 : i32
    %sub3A_1976 = arith.subi %div3A_1955, %sub3A_1975 : i32
    %select_n3A_1977 = arith.select %and3A_1974, %sub3A_1976, %div3A_1955 : i32
    %mul3A_1978 = arith.constant 8 : i32
    %mul3A_1979 = arith.muli %select_n3A_1977, %mul3A_1978 : i32
    %add3A_1980 = arith.constant 26 : i32
    %add3A_1981 = arith.addi %mul3A_2, %add3A_1980 : i32
    %jit3A_1982 = arith.constant 128 : i32
    %div3A_1983 = arith.divsi %add3A_1981, %jit3A_1982 : i32
    %sign3A_1984 = arith.constant 0 : i32
    %sign3A_1985 = arith.cmpi sgt, %add3A_1981, %sign3A_1984 : i32
    %sign3A_1986 = arith.extui %sign3A_1985 : i1 to i32
    %sign3A_1987 = arith.constant 0 : i32
    %sign3A_1988 = arith.cmpi slt, %add3A_1981, %sign3A_1987 : i32
    %sign3A_1989 = arith.extui %sign3A_1988 : i1 to i32
    %sign3A_1990 = arith.subi %sign3A_1986, %sign3A_1989 : i32
    %sign3A_1991 = arith.constant 0 : i32
    %sign3A_1992 = arith.cmpi sgt, %jit3A_1982, %sign3A_1991 : i32
    %sign3A_1993 = arith.extui %sign3A_1992 : i1 to i32
    %sign3A_1994 = arith.constant 0 : i32
    %sign3A_1995 = arith.cmpi slt, %jit3A_1982, %sign3A_1994 : i32
    %sign3A_1996 = arith.extui %sign3A_1995 : i1 to i32
    %sign3A_1997 = arith.subi %sign3A_1993, %sign3A_1996 : i32
    %ne3A_1998 = arith.cmpi ne, %sign3A_1990, %sign3A_1997 : i32
    %rem3A_1999 = arith.remsi %add3A_1981, %jit3A_1982 : i32
    %ne3A_2000 = arith.constant 0 : i32
    %ne3A_2001 = arith.cmpi ne, %rem3A_1999, %ne3A_2000 : i32
    %and3A_2002 = arith.andi %ne3A_1998, %ne3A_2001 : i1
    %sub3A_2003 = arith.constant 1 : i32
    %sub3A_2004 = arith.subi %div3A_1983, %sub3A_2003 : i32
    %select_n3A_2005 = arith.select %and3A_2002, %sub3A_2004, %div3A_1983 : i32
    %mul3A_2006 = arith.constant 128 : i32
    %mul3A_2007 = arith.muli %select_n3A_2005, %mul3A_2006 : i32
    %dma_start3A_2008 = arith.constant 26 : i32
    %dma_start3A_2009 = arith.constant 0 : i32
    %dma_start3A_2010 = arith.constant 0 : i32
    %dma_start3A_2011 = tpu.memref_slice %arg7[%dma_start3A_2008, %dma_start3A_2009, %dma_start3A_2010] : memref<32x8x128xf32, #tpu.memory_space<vmem>> -> memref<1x8x128xf32, #tpu.memory_space<vmem>>
    %dma_start3A_2012 = tpu.memref_squeeze %dma_start3A_2011 : memref<1x8x128xf32, #tpu.memory_space<vmem>> -> memref<8x128xf32, #tpu.memory_space<vmem>>
    %dma_start3A_2013 = tpu.memref_slice %arg2[%mul3A_1979, %mul3A_2007] : memref<100000x1024xf32, #tpu.memory_space<hbm>> -> memref<8x128xf32, #tpu.memory_space<hbm>>
    %dma_start3A_2014 = arith.constant 0 : i32
    %dma_start3A_2015 = arith.constant 0 : i32
    %dma_start3A_2016 = tpu.memref_slice %arg7[%dma_start3A_2008, %dma_start3A_2014, %dma_start3A_2015] : memref<32x8x128xf32, #tpu.memory_space<vmem>> -> memref<1x8x128xf32, #tpu.memory_space<vmem>>
    %dma_start3A_2017 = tpu.memref_squeeze %dma_start3A_2016 : memref<1x8x128xf32, #tpu.memory_space<vmem>> -> memref<8x128xf32, #tpu.memory_space<vmem>>
    %dma_start3A_2018 = tpu.memref_slice %arg2[%mul3A_1979, %mul3A_2007] : memref<100000x1024xf32, #tpu.memory_space<hbm>> -> memref<8x128xf32, #tpu.memory_space<hbm>>
    tpu.enqueue_dma source(%dma_start3A_2018 : memref<8x128xf32, #tpu.memory_space<hbm>>) target(%dma_start3A_2017 : memref<8x128xf32, #tpu.memory_space<vmem>>) target_semaphore(%arg12 : memref<!tpu.dma_semaphore, #tpu.memory_space<semaphore_mem>>)
    %eq3A_2019 = arith.constant 11 : i32
    %eq3A_2020 = vector.broadcast %eq3A_2019 : i32 to vector<16xi32>
    %eq3A_2021 = arith.cmpi eq, %iota3A, %eq3A_2020 : vector<16xi32>
    %jit3A_2022 = arith.constant 0 : i32
    %broadcast_in_dim3A_2023 = vector.broadcast %jit3A_2022 : i32 to vector<16xi32>
    %select_n3A_2024 = arith.select %eq3A_2021, %get3A_5, %broadcast_in_dim3A_2023 : vector<16xi1>, vector<16xi32>
    %reduce_sum3A_2025 = arith.constant true
    %reduce_sum3A_2026 = vector.broadcast %reduce_sum3A_2025 : i1 to vector<16xi1>
    %reduce_sum3A_2027 = tpu.scan <sum>, %select_n3A_2024 masked %reduce_sum3A_2026 : vector<16xi32>, vector<16xi1> -> vector<16xi32>
    %reduce_sum3A_2028 = vector.extract %reduce_sum3A_2027[15] : i32 from vector<16xi32>
    %jit3A_2029 = arith.constant 8 : i32
    %div3A_2030 = arith.divsi %reduce_sum3A_2028, %jit3A_2029 : i32
    %sign3A_2031 = arith.constant 0 : i32
    %sign3A_2032 = arith.cmpi sgt, %reduce_sum3A_2028, %sign3A_2031 : i32
    %sign3A_2033 = arith.extui %sign3A_2032 : i1 to i32
    %sign3A_2034 = arith.constant 0 : i32
    %sign3A_2035 = arith.cmpi slt, %reduce_sum3A_2028, %sign3A_2034 : i32
    %sign3A_2036 = arith.extui %sign3A_2035 : i1 to i32
    %sign3A_2037 = arith.subi %sign3A_2033, %sign3A_2036 : i32
    %sign3A_2038 = arith.constant 0 : i32
    %sign3A_2039 = arith.cmpi sgt, %jit3A_2029, %sign3A_2038 : i32
    %sign3A_2040 = arith.extui %sign3A_2039 : i1 to i32
    %sign3A_2041 = arith.constant 0 : i32
    %sign3A_2042 = arith.cmpi slt, %jit3A_2029, %sign3A_2041 : i32
    %sign3A_2043 = arith.extui %sign3A_2042 : i1 to i32
    %sign3A_2044 = arith.subi %sign3A_2040, %sign3A_2043 : i32
    %ne3A_2045 = arith.cmpi ne, %sign3A_2037, %sign3A_2044 : i32
    %rem3A_2046 = arith.remsi %reduce_sum3A_2028, %jit3A_2029 : i32
    %ne3A_2047 = arith.constant 0 : i32
    %ne3A_2048 = arith.cmpi ne, %rem3A_2046, %ne3A_2047 : i32
    %and3A_2049 = arith.andi %ne3A_2045, %ne3A_2048 : i1
    %sub3A_2050 = arith.constant 1 : i32
    %sub3A_2051 = arith.subi %div3A_2030, %sub3A_2050 : i32
    %select_n3A_2052 = arith.select %and3A_2049, %sub3A_2051, %div3A_2030 : i32
    %mul3A_2053 = arith.constant 8 : i32
    %mul3A_2054 = arith.muli %select_n3A_2052, %mul3A_2053 : i32
    %add3A_2055 = arith.constant 27 : i32
    %add3A_2056 = arith.addi %mul3A_2, %add3A_2055 : i32
    %jit3A_2057 = arith.constant 128 : i32
    %div3A_2058 = arith.divsi %add3A_2056, %jit3A_2057 : i32
    %sign3A_2059 = arith.constant 0 : i32
    %sign3A_2060 = arith.cmpi sgt, %add3A_2056, %sign3A_2059 : i32
    %sign3A_2061 = arith.extui %sign3A_2060 : i1 to i32
    %sign3A_2062 = arith.constant 0 : i32
    %sign3A_2063 = arith.cmpi slt, %add3A_2056, %sign3A_2062 : i32
    %sign3A_2064 = arith.extui %sign3A_2063 : i1 to i32
    %sign3A_2065 = arith.subi %sign3A_2061, %sign3A_2064 : i32
    %sign3A_2066 = arith.constant 0 : i32
    %sign3A_2067 = arith.cmpi sgt, %jit3A_2057, %sign3A_2066 : i32
    %sign3A_2068 = arith.extui %sign3A_2067 : i1 to i32
    %sign3A_2069 = arith.constant 0 : i32
    %sign3A_2070 = arith.cmpi slt, %jit3A_2057, %sign3A_2069 : i32
    %sign3A_2071 = arith.extui %sign3A_2070 : i1 to i32
    %sign3A_2072 = arith.subi %sign3A_2068, %sign3A_2071 : i32
    %ne3A_2073 = arith.cmpi ne, %sign3A_2065, %sign3A_2072 : i32
    %rem3A_2074 = arith.remsi %add3A_2056, %jit3A_2057 : i32
    %ne3A_2075 = arith.constant 0 : i32
    %ne3A_2076 = arith.cmpi ne, %rem3A_2074, %ne3A_2075 : i32
    %and3A_2077 = arith.andi %ne3A_2073, %ne3A_2076 : i1
    %sub3A_2078 = arith.constant 1 : i32
    %sub3A_2079 = arith.subi %div3A_2058, %sub3A_2078 : i32
    %select_n3A_2080 = arith.select %and3A_2077, %sub3A_2079, %div3A_2058 : i32
    %mul3A_2081 = arith.constant 128 : i32
    %mul3A_2082 = arith.muli %select_n3A_2080, %mul3A_2081 : i32
    %dma_start3A_2083 = arith.constant 27 : i32
    %dma_start3A_2084 = arith.constant 0 : i32
    %dma_start3A_2085 = arith.constant 0 : i32
    %dma_start3A_2086 = tpu.memref_slice %arg7[%dma_start3A_2083, %dma_start3A_2084, %dma_start3A_2085] : memref<32x8x128xf32, #tpu.memory_space<vmem>> -> memref<1x8x128xf32, #tpu.memory_space<vmem>>
    %dma_start3A_2087 = tpu.memref_squeeze %dma_start3A_2086 : memref<1x8x128xf32, #tpu.memory_space<vmem>> -> memref<8x128xf32, #tpu.memory_space<vmem>>
    %dma_start3A_2088 = tpu.memref_slice %arg2[%mul3A_2054, %mul3A_2082] : memref<100000x1024xf32, #tpu.memory_space<hbm>> -> memref<8x128xf32, #tpu.memory_space<hbm>>
    %dma_start3A_2089 = arith.constant 0 : i32
    %dma_start3A_2090 = arith.constant 0 : i32
    %dma_start3A_2091 = tpu.memref_slice %arg7[%dma_start3A_2083, %dma_start3A_2089, %dma_start3A_2090] : memref<32x8x128xf32, #tpu.memory_space<vmem>> -> memref<1x8x128xf32, #tpu.memory_space<vmem>>
    %dma_start3A_2092 = tpu.memref_squeeze %dma_start3A_2091 : memref<1x8x128xf32, #tpu.memory_space<vmem>> -> memref<8x128xf32, #tpu.memory_space<vmem>>
    %dma_start3A_2093 = tpu.memref_slice %arg2[%mul3A_2054, %mul3A_2082] : memref<100000x1024xf32, #tpu.memory_space<hbm>> -> memref<8x128xf32, #tpu.memory_space<hbm>>
    tpu.enqueue_dma source(%dma_start3A_2093 : memref<8x128xf32, #tpu.memory_space<hbm>>) target(%dma_start3A_2092 : memref<8x128xf32, #tpu.memory_space<vmem>>) target_semaphore(%arg12 : memref<!tpu.dma_semaphore, #tpu.memory_space<semaphore_mem>>)
    %eq3A_2094 = arith.constant 12 : i32
    %eq3A_2095 = vector.broadcast %eq3A_2094 : i32 to vector<16xi32>
    %eq3A_2096 = arith.cmpi eq, %iota3A, %eq3A_2095 : vector<16xi32>
    %jit3A_2097 = arith.constant 0 : i32
    %broadcast_in_dim3A_2098 = vector.broadcast %jit3A_2097 : i32 to vector<16xi32>
    %select_n3A_2099 = arith.select %eq3A_2096, %get3A_5, %broadcast_in_dim3A_2098 : vector<16xi1>, vector<16xi32>
    %reduce_sum3A_2100 = arith.constant true
    %reduce_sum3A_2101 = vector.broadcast %reduce_sum3A_2100 : i1 to vector<16xi1>
    %reduce_sum3A_2102 = tpu.scan <sum>, %select_n3A_2099 masked %reduce_sum3A_2101 : vector<16xi32>, vector<16xi1> -> vector<16xi32>
    %reduce_sum3A_2103 = vector.extract %reduce_sum3A_2102[15] : i32 from vector<16xi32>
    %jit3A_2104 = arith.constant 8 : i32
    %div3A_2105 = arith.divsi %reduce_sum3A_2103, %jit3A_2104 : i32
    %sign3A_2106 = arith.constant 0 : i32
    %sign3A_2107 = arith.cmpi sgt, %reduce_sum3A_2103, %sign3A_2106 : i32
    %sign3A_2108 = arith.extui %sign3A_2107 : i1 to i32
    %sign3A_2109 = arith.constant 0 : i32
    %sign3A_2110 = arith.cmpi slt, %reduce_sum3A_2103, %sign3A_2109 : i32
    %sign3A_2111 = arith.extui %sign3A_2110 : i1 to i32
    %sign3A_2112 = arith.subi %sign3A_2108, %sign3A_2111 : i32
    %sign3A_2113 = arith.constant 0 : i32
    %sign3A_2114 = arith.cmpi sgt, %jit3A_2104, %sign3A_2113 : i32
    %sign3A_2115 = arith.extui %sign3A_2114 : i1 to i32
    %sign3A_2116 = arith.constant 0 : i32
    %sign3A_2117 = arith.cmpi slt, %jit3A_2104, %sign3A_2116 : i32
    %sign3A_2118 = arith.extui %sign3A_2117 : i1 to i32
    %sign3A_2119 = arith.subi %sign3A_2115, %sign3A_2118 : i32
    %ne3A_2120 = arith.cmpi ne, %sign3A_2112, %sign3A_2119 : i32
    %rem3A_2121 = arith.remsi %reduce_sum3A_2103, %jit3A_2104 : i32
    %ne3A_2122 = arith.constant 0 : i32
    %ne3A_2123 = arith.cmpi ne, %rem3A_2121, %ne3A_2122 : i32
    %and3A_2124 = arith.andi %ne3A_2120, %ne3A_2123 : i1
    %sub3A_2125 = arith.constant 1 : i32
    %sub3A_2126 = arith.subi %div3A_2105, %sub3A_2125 : i32
    %select_n3A_2127 = arith.select %and3A_2124, %sub3A_2126, %div3A_2105 : i32
    %mul3A_2128 = arith.constant 8 : i32
    %mul3A_2129 = arith.muli %select_n3A_2127, %mul3A_2128 : i32
    %add3A_2130 = arith.constant 28 : i32
    %add3A_2131 = arith.addi %mul3A_2, %add3A_2130 : i32
    %jit3A_2132 = arith.constant 128 : i32
    %div3A_2133 = arith.divsi %add3A_2131, %jit3A_2132 : i32
    %sign3A_2134 = arith.constant 0 : i32
    %sign3A_2135 = arith.cmpi sgt, %add3A_2131, %sign3A_2134 : i32
    %sign3A_2136 = arith.extui %sign3A_2135 : i1 to i32
    %sign3A_2137 = arith.constant 0 : i32
    %sign3A_2138 = arith.cmpi slt, %add3A_2131, %sign3A_2137 : i32
    %sign3A_2139 = arith.extui %sign3A_2138 : i1 to i32
    %sign3A_2140 = arith.subi %sign3A_2136, %sign3A_2139 : i32
    %sign3A_2141 = arith.constant 0 : i32
    %sign3A_2142 = arith.cmpi sgt, %jit3A_2132, %sign3A_2141 : i32
    %sign3A_2143 = arith.extui %sign3A_2142 : i1 to i32
    %sign3A_2144 = arith.constant 0 : i32
    %sign3A_2145 = arith.cmpi slt, %jit3A_2132, %sign3A_2144 : i32
    %sign3A_2146 = arith.extui %sign3A_2145 : i1 to i32
    %sign3A_2147 = arith.subi %sign3A_2143, %sign3A_2146 : i32
    %ne3A_2148 = arith.cmpi ne, %sign3A_2140, %sign3A_2147 : i32
    %rem3A_2149 = arith.remsi %add3A_2131, %jit3A_2132 : i32
    %ne3A_2150 = arith.constant 0 : i32
    %ne3A_2151 = arith.cmpi ne, %rem3A_2149, %ne3A_2150 : i32
    %and3A_2152 = arith.andi %ne3A_2148, %ne3A_2151 : i1
    %sub3A_2153 = arith.constant 1 : i32
    %sub3A_2154 = arith.subi %div3A_2133, %sub3A_2153 : i32
    %select_n3A_2155 = arith.select %and3A_2152, %sub3A_2154, %div3A_2133 : i32
    %mul3A_2156 = arith.constant 128 : i32
    %mul3A_2157 = arith.muli %select_n3A_2155, %mul3A_2156 : i32
    %dma_start3A_2158 = arith.constant 28 : i32
    %dma_start3A_2159 = arith.constant 0 : i32
    %dma_start3A_2160 = arith.constant 0 : i32
    %dma_start3A_2161 = tpu.memref_slice %arg7[%dma_start3A_2158, %dma_start3A_2159, %dma_start3A_2160] : memref<32x8x128xf32, #tpu.memory_space<vmem>> -> memref<1x8x128xf32, #tpu.memory_space<vmem>>
    %dma_start3A_2162 = tpu.memref_squeeze %dma_start3A_2161 : memref<1x8x128xf32, #tpu.memory_space<vmem>> -> memref<8x128xf32, #tpu.memory_space<vmem>>
    %dma_start3A_2163 = tpu.memref_slice %arg2[%mul3A_2129, %mul3A_2157] : memref<100000x1024xf32, #tpu.memory_space<hbm>> -> memref<8x128xf32, #tpu.memory_space<hbm>>
    %dma_start3A_2164 = arith.constant 0 : i32
    %dma_start3A_2165 = arith.constant 0 : i32
    %dma_start3A_2166 = tpu.memref_slice %arg7[%dma_start3A_2158, %dma_start3A_2164, %dma_start3A_2165] : memref<32x8x128xf32, #tpu.memory_space<vmem>> -> memref<1x8x128xf32, #tpu.memory_space<vmem>>
    %dma_start3A_2167 = tpu.memref_squeeze %dma_start3A_2166 : memref<1x8x128xf32, #tpu.memory_space<vmem>> -> memref<8x128xf32, #tpu.memory_space<vmem>>
    %dma_start3A_2168 = tpu.memref_slice %arg2[%mul3A_2129, %mul3A_2157] : memref<100000x1024xf32, #tpu.memory_space<hbm>> -> memref<8x128xf32, #tpu.memory_space<hbm>>
    tpu.enqueue_dma source(%dma_start3A_2168 : memref<8x128xf32, #tpu.memory_space<hbm>>) target(%dma_start3A_2167 : memref<8x128xf32, #tpu.memory_space<vmem>>) target_semaphore(%arg12 : memref<!tpu.dma_semaphore, #tpu.memory_space<semaphore_mem>>)
    %eq3A_2169 = arith.constant 13 : i32
    %eq3A_2170 = vector.broadcast %eq3A_2169 : i32 to vector<16xi32>
    %eq3A_2171 = arith.cmpi eq, %iota3A, %eq3A_2170 : vector<16xi32>
    %jit3A_2172 = arith.constant 0 : i32
    %broadcast_in_dim3A_2173 = vector.broadcast %jit3A_2172 : i32 to vector<16xi32>
    %select_n3A_2174 = arith.select %eq3A_2171, %get3A_5, %broadcast_in_dim3A_2173 : vector<16xi1>, vector<16xi32>
    %reduce_sum3A_2175 = arith.constant true
    %reduce_sum3A_2176 = vector.broadcast %reduce_sum3A_2175 : i1 to vector<16xi1>
    %reduce_sum3A_2177 = tpu.scan <sum>, %select_n3A_2174 masked %reduce_sum3A_2176 : vector<16xi32>, vector<16xi1> -> vector<16xi32>
    %reduce_sum3A_2178 = vector.extract %reduce_sum3A_2177[15] : i32 from vector<16xi32>
    %jit3A_2179 = arith.constant 8 : i32
    %div3A_2180 = arith.divsi %reduce_sum3A_2178, %jit3A_2179 : i32
    %sign3A_2181 = arith.constant 0 : i32
    %sign3A_2182 = arith.cmpi sgt, %reduce_sum3A_2178, %sign3A_2181 : i32
    %sign3A_2183 = arith.extui %sign3A_2182 : i1 to i32
    %sign3A_2184 = arith.constant 0 : i32
    %sign3A_2185 = arith.cmpi slt, %reduce_sum3A_2178, %sign3A_2184 : i32
    %sign3A_2186 = arith.extui %sign3A_2185 : i1 to i32
    %sign3A_2187 = arith.subi %sign3A_2183, %sign3A_2186 : i32
    %sign3A_2188 = arith.constant 0 : i32
    %sign3A_2189 = arith.cmpi sgt, %jit3A_2179, %sign3A_2188 : i32
    %sign3A_2190 = arith.extui %sign3A_2189 : i1 to i32
    %sign3A_2191 = arith.constant 0 : i32
    %sign3A_2192 = arith.cmpi slt, %jit3A_2179, %sign3A_2191 : i32
    %sign3A_2193 = arith.extui %sign3A_2192 : i1 to i32
    %sign3A_2194 = arith.subi %sign3A_2190, %sign3A_2193 : i32
    %ne3A_2195 = arith.cmpi ne, %sign3A_2187, %sign3A_2194 : i32
    %rem3A_2196 = arith.remsi %reduce_sum3A_2178, %jit3A_2179 : i32
    %ne3A_2197 = arith.constant 0 : i32
    %ne3A_2198 = arith.cmpi ne, %rem3A_2196, %ne3A_2197 : i32
    %and3A_2199 = arith.andi %ne3A_2195, %ne3A_2198 : i1
    %sub3A_2200 = arith.constant 1 : i32
    %sub3A_2201 = arith.subi %div3A_2180, %sub3A_2200 : i32
    %select_n3A_2202 = arith.select %and3A_2199, %sub3A_2201, %div3A_2180 : i32
    %mul3A_2203 = arith.constant 8 : i32
    %mul3A_2204 = arith.muli %select_n3A_2202, %mul3A_2203 : i32
    %add3A_2205 = arith.constant 29 : i32
    %add3A_2206 = arith.addi %mul3A_2, %add3A_2205 : i32
    %jit3A_2207 = arith.constant 128 : i32
    %div3A_2208 = arith.divsi %add3A_2206, %jit3A_2207 : i32
    %sign3A_2209 = arith.constant 0 : i32
    %sign3A_2210 = arith.cmpi sgt, %add3A_2206, %sign3A_2209 : i32
    %sign3A_2211 = arith.extui %sign3A_2210 : i1 to i32
    %sign3A_2212 = arith.constant 0 : i32
    %sign3A_2213 = arith.cmpi slt, %add3A_2206, %sign3A_2212 : i32
    %sign3A_2214 = arith.extui %sign3A_2213 : i1 to i32
    %sign3A_2215 = arith.subi %sign3A_2211, %sign3A_2214 : i32
    %sign3A_2216 = arith.constant 0 : i32
    %sign3A_2217 = arith.cmpi sgt, %jit3A_2207, %sign3A_2216 : i32
    %sign3A_2218 = arith.extui %sign3A_2217 : i1 to i32
    %sign3A_2219 = arith.constant 0 : i32
    %sign3A_2220 = arith.cmpi slt, %jit3A_2207, %sign3A_2219 : i32
    %sign3A_2221 = arith.extui %sign3A_2220 : i1 to i32
    %sign3A_2222 = arith.subi %sign3A_2218, %sign3A_2221 : i32
    %ne3A_2223 = arith.cmpi ne, %sign3A_2215, %sign3A_2222 : i32
    %rem3A_2224 = arith.remsi %add3A_2206, %jit3A_2207 : i32
    %ne3A_2225 = arith.constant 0 : i32
    %ne3A_2226 = arith.cmpi ne, %rem3A_2224, %ne3A_2225 : i32
    %and3A_2227 = arith.andi %ne3A_2223, %ne3A_2226 : i1
    %sub3A_2228 = arith.constant 1 : i32
    %sub3A_2229 = arith.subi %div3A_2208, %sub3A_2228 : i32
    %select_n3A_2230 = arith.select %and3A_2227, %sub3A_2229, %div3A_2208 : i32
    %mul3A_2231 = arith.constant 128 : i32
    %mul3A_2232 = arith.muli %select_n3A_2230, %mul3A_2231 : i32
    %dma_start3A_2233 = arith.constant 29 : i32
    %dma_start3A_2234 = arith.constant 0 : i32
    %dma_start3A_2235 = arith.constant 0 : i32
    %dma_start3A_2236 = tpu.memref_slice %arg7[%dma_start3A_2233, %dma_start3A_2234, %dma_start3A_2235] : memref<32x8x128xf32, #tpu.memory_space<vmem>> -> memref<1x8x128xf32, #tpu.memory_space<vmem>>
    %dma_start3A_2237 = tpu.memref_squeeze %dma_start3A_2236 : memref<1x8x128xf32, #tpu.memory_space<vmem>> -> memref<8x128xf32, #tpu.memory_space<vmem>>
    %dma_start3A_2238 = tpu.memref_slice %arg2[%mul3A_2204, %mul3A_2232] : memref<100000x1024xf32, #tpu.memory_space<hbm>> -> memref<8x128xf32, #tpu.memory_space<hbm>>
    %dma_start3A_2239 = arith.constant 0 : i32
    %dma_start3A_2240 = arith.constant 0 : i32
    %dma_start3A_2241 = tpu.memref_slice %arg7[%dma_start3A_2233, %dma_start3A_2239, %dma_start3A_2240] : memref<32x8x128xf32, #tpu.memory_space<vmem>> -> memref<1x8x128xf32, #tpu.memory_space<vmem>>
    %dma_start3A_2242 = tpu.memref_squeeze %dma_start3A_2241 : memref<1x8x128xf32, #tpu.memory_space<vmem>> -> memref<8x128xf32, #tpu.memory_space<vmem>>
    %dma_start3A_2243 = tpu.memref_slice %arg2[%mul3A_2204, %mul3A_2232] : memref<100000x1024xf32, #tpu.memory_space<hbm>> -> memref<8x128xf32, #tpu.memory_space<hbm>>
    tpu.enqueue_dma source(%dma_start3A_2243 : memref<8x128xf32, #tpu.memory_space<hbm>>) target(%dma_start3A_2242 : memref<8x128xf32, #tpu.memory_space<vmem>>) target_semaphore(%arg12 : memref<!tpu.dma_semaphore, #tpu.memory_space<semaphore_mem>>)
    %eq3A_2244 = arith.constant 14 : i32
    %eq3A_2245 = vector.broadcast %eq3A_2244 : i32 to vector<16xi32>
    %eq3A_2246 = arith.cmpi eq, %iota3A, %eq3A_2245 : vector<16xi32>
    %jit3A_2247 = arith.constant 0 : i32
    %broadcast_in_dim3A_2248 = vector.broadcast %jit3A_2247 : i32 to vector<16xi32>
    %select_n3A_2249 = arith.select %eq3A_2246, %get3A_5, %broadcast_in_dim3A_2248 : vector<16xi1>, vector<16xi32>
    %reduce_sum3A_2250 = arith.constant true
    %reduce_sum3A_2251 = vector.broadcast %reduce_sum3A_2250 : i1 to vector<16xi1>
    %reduce_sum3A_2252 = tpu.scan <sum>, %select_n3A_2249 masked %reduce_sum3A_2251 : vector<16xi32>, vector<16xi1> -> vector<16xi32>
    %reduce_sum3A_2253 = vector.extract %reduce_sum3A_2252[15] : i32 from vector<16xi32>
    %jit3A_2254 = arith.constant 8 : i32
    %div3A_2255 = arith.divsi %reduce_sum3A_2253, %jit3A_2254 : i32
    %sign3A_2256 = arith.constant 0 : i32
    %sign3A_2257 = arith.cmpi sgt, %reduce_sum3A_2253, %sign3A_2256 : i32
    %sign3A_2258 = arith.extui %sign3A_2257 : i1 to i32
    %sign3A_2259 = arith.constant 0 : i32
    %sign3A_2260 = arith.cmpi slt, %reduce_sum3A_2253, %sign3A_2259 : i32
    %sign3A_2261 = arith.extui %sign3A_2260 : i1 to i32
    %sign3A_2262 = arith.subi %sign3A_2258, %sign3A_2261 : i32
    %sign3A_2263 = arith.constant 0 : i32
    %sign3A_2264 = arith.cmpi sgt, %jit3A_2254, %sign3A_2263 : i32
    %sign3A_2265 = arith.extui %sign3A_2264 : i1 to i32
    %sign3A_2266 = arith.constant 0 : i32
    %sign3A_2267 = arith.cmpi slt, %jit3A_2254, %sign3A_2266 : i32
    %sign3A_2268 = arith.extui %sign3A_2267 : i1 to i32
    %sign3A_2269 = arith.subi %sign3A_2265, %sign3A_2268 : i32
    %ne3A_2270 = arith.cmpi ne, %sign3A_2262, %sign3A_2269 : i32
    %rem3A_2271 = arith.remsi %reduce_sum3A_2253, %jit3A_2254 : i32
    %ne3A_2272 = arith.constant 0 : i32
    %ne3A_2273 = arith.cmpi ne, %rem3A_2271, %ne3A_2272 : i32
    %and3A_2274 = arith.andi %ne3A_2270, %ne3A_2273 : i1
    %sub3A_2275 = arith.constant 1 : i32
    %sub3A_2276 = arith.subi %div3A_2255, %sub3A_2275 : i32
    %select_n3A_2277 = arith.select %and3A_2274, %sub3A_2276, %div3A_2255 : i32
    %mul3A_2278 = arith.constant 8 : i32
    %mul3A_2279 = arith.muli %select_n3A_2277, %mul3A_2278 : i32
    %add3A_2280 = arith.constant 30 : i32
    %add3A_2281 = arith.addi %mul3A_2, %add3A_2280 : i32
    %jit3A_2282 = arith.constant 128 : i32
    %div3A_2283 = arith.divsi %add3A_2281, %jit3A_2282 : i32
    %sign3A_2284 = arith.constant 0 : i32
    %sign3A_2285 = arith.cmpi sgt, %add3A_2281, %sign3A_2284 : i32
    %sign3A_2286 = arith.extui %sign3A_2285 : i1 to i32
    %sign3A_2287 = arith.constant 0 : i32
    %sign3A_2288 = arith.cmpi slt, %add3A_2281, %sign3A_2287 : i32
    %sign3A_2289 = arith.extui %sign3A_2288 : i1 to i32
    %sign3A_2290 = arith.subi %sign3A_2286, %sign3A_2289 : i32
    %sign3A_2291 = arith.constant 0 : i32
    %sign3A_2292 = arith.cmpi sgt, %jit3A_2282, %sign3A_2291 : i32
    %sign3A_2293 = arith.extui %sign3A_2292 : i1 to i32
    %sign3A_2294 = arith.constant 0 : i32
    %sign3A_2295 = arith.cmpi slt, %jit3A_2282, %sign3A_2294 : i32
    %sign3A_2296 = arith.extui %sign3A_2295 : i1 to i32
    %sign3A_2297 = arith.subi %sign3A_2293, %sign3A_2296 : i32
    %ne3A_2298 = arith.cmpi ne, %sign3A_2290, %sign3A_2297 : i32
    %rem3A_2299 = arith.remsi %add3A_2281, %jit3A_2282 : i32
    %ne3A_2300 = arith.constant 0 : i32
    %ne3A_2301 = arith.cmpi ne, %rem3A_2299, %ne3A_2300 : i32
    %and3A_2302 = arith.andi %ne3A_2298, %ne3A_2301 : i1
    %sub3A_2303 = arith.constant 1 : i32
    %sub3A_2304 = arith.subi %div3A_2283, %sub3A_2303 : i32
    %select_n3A_2305 = arith.select %and3A_2302, %sub3A_2304, %div3A_2283 : i32
    %mul3A_2306 = arith.constant 128 : i32
    %mul3A_2307 = arith.muli %select_n3A_2305, %mul3A_2306 : i32
    %dma_start3A_2308 = arith.constant 30 : i32
    %dma_start3A_2309 = arith.constant 0 : i32
    %dma_start3A_2310 = arith.constant 0 : i32
    %dma_start3A_2311 = tpu.memref_slice %arg7[%dma_start3A_2308, %dma_start3A_2309, %dma_start3A_2310] : memref<32x8x128xf32, #tpu.memory_space<vmem>> -> memref<1x8x128xf32, #tpu.memory_space<vmem>>
    %dma_start3A_2312 = tpu.memref_squeeze %dma_start3A_2311 : memref<1x8x128xf32, #tpu.memory_space<vmem>> -> memref<8x128xf32, #tpu.memory_space<vmem>>
    %dma_start3A_2313 = tpu.memref_slice %arg2[%mul3A_2279, %mul3A_2307] : memref<100000x1024xf32, #tpu.memory_space<hbm>> -> memref<8x128xf32, #tpu.memory_space<hbm>>
    %dma_start3A_2314 = arith.constant 0 : i32
    %dma_start3A_2315 = arith.constant 0 : i32
    %dma_start3A_2316 = tpu.memref_slice %arg7[%dma_start3A_2308, %dma_start3A_2314, %dma_start3A_2315] : memref<32x8x128xf32, #tpu.memory_space<vmem>> -> memref<1x8x128xf32, #tpu.memory_space<vmem>>
    %dma_start3A_2317 = tpu.memref_squeeze %dma_start3A_2316 : memref<1x8x128xf32, #tpu.memory_space<vmem>> -> memref<8x128xf32, #tpu.memory_space<vmem>>
    %dma_start3A_2318 = tpu.memref_slice %arg2[%mul3A_2279, %mul3A_2307] : memref<100000x1024xf32, #tpu.memory_space<hbm>> -> memref<8x128xf32, #tpu.memory_space<hbm>>
    tpu.enqueue_dma source(%dma_start3A_2318 : memref<8x128xf32, #tpu.memory_space<hbm>>) target(%dma_start3A_2317 : memref<8x128xf32, #tpu.memory_space<vmem>>) target_semaphore(%arg12 : memref<!tpu.dma_semaphore, #tpu.memory_space<semaphore_mem>>)
    %eq3A_2319 = arith.constant 15 : i32
    %eq3A_2320 = vector.broadcast %eq3A_2319 : i32 to vector<16xi32>
    %eq3A_2321 = arith.cmpi eq, %iota3A, %eq3A_2320 : vector<16xi32>
    %jit3A_2322 = arith.constant 0 : i32
    %broadcast_in_dim3A_2323 = vector.broadcast %jit3A_2322 : i32 to vector<16xi32>
    %select_n3A_2324 = arith.select %eq3A_2321, %get3A_5, %broadcast_in_dim3A_2323 : vector<16xi1>, vector<16xi32>
    %reduce_sum3A_2325 = arith.constant true
    %reduce_sum3A_2326 = vector.broadcast %reduce_sum3A_2325 : i1 to vector<16xi1>
    %reduce_sum3A_2327 = tpu.scan <sum>, %select_n3A_2324 masked %reduce_sum3A_2326 : vector<16xi32>, vector<16xi1> -> vector<16xi32>
    %reduce_sum3A_2328 = vector.extract %reduce_sum3A_2327[15] : i32 from vector<16xi32>
    %jit3A_2329 = arith.constant 8 : i32
    %div3A_2330 = arith.divsi %reduce_sum3A_2328, %jit3A_2329 : i32
    %sign3A_2331 = arith.constant 0 : i32
    %sign3A_2332 = arith.cmpi sgt, %reduce_sum3A_2328, %sign3A_2331 : i32
    %sign3A_2333 = arith.extui %sign3A_2332 : i1 to i32
    %sign3A_2334 = arith.constant 0 : i32
    %sign3A_2335 = arith.cmpi slt, %reduce_sum3A_2328, %sign3A_2334 : i32
    %sign3A_2336 = arith.extui %sign3A_2335 : i1 to i32
    %sign3A_2337 = arith.subi %sign3A_2333, %sign3A_2336 : i32
    %sign3A_2338 = arith.constant 0 : i32
    %sign3A_2339 = arith.cmpi sgt, %jit3A_2329, %sign3A_2338 : i32
    %sign3A_2340 = arith.extui %sign3A_2339 : i1 to i32
    %sign3A_2341 = arith.constant 0 : i32
    %sign3A_2342 = arith.cmpi slt, %jit3A_2329, %sign3A_2341 : i32
    %sign3A_2343 = arith.extui %sign3A_2342 : i1 to i32
    %sign3A_2344 = arith.subi %sign3A_2340, %sign3A_2343 : i32
    %ne3A_2345 = arith.cmpi ne, %sign3A_2337, %sign3A_2344 : i32
    %rem3A_2346 = arith.remsi %reduce_sum3A_2328, %jit3A_2329 : i32
    %ne3A_2347 = arith.constant 0 : i32
    %ne3A_2348 = arith.cmpi ne, %rem3A_2346, %ne3A_2347 : i32
    %and3A_2349 = arith.andi %ne3A_2345, %ne3A_2348 : i1
    %sub3A_2350 = arith.constant 1 : i32
    %sub3A_2351 = arith.subi %div3A_2330, %sub3A_2350 : i32
    %select_n3A_2352 = arith.select %and3A_2349, %sub3A_2351, %div3A_2330 : i32
    %mul3A_2353 = arith.constant 8 : i32
    %mul3A_2354 = arith.muli %select_n3A_2352, %mul3A_2353 : i32
    %add3A_2355 = arith.constant 31 : i32
    %add3A_2356 = arith.addi %mul3A_2, %add3A_2355 : i32
    %jit3A_2357 = arith.constant 128 : i32
    %div3A_2358 = arith.divsi %add3A_2356, %jit3A_2357 : i32
    %sign3A_2359 = arith.constant 0 : i32
    %sign3A_2360 = arith.cmpi sgt, %add3A_2356, %sign3A_2359 : i32
    %sign3A_2361 = arith.extui %sign3A_2360 : i1 to i32
    %sign3A_2362 = arith.constant 0 : i32
    %sign3A_2363 = arith.cmpi slt, %add3A_2356, %sign3A_2362 : i32
    %sign3A_2364 = arith.extui %sign3A_2363 : i1 to i32
    %sign3A_2365 = arith.subi %sign3A_2361, %sign3A_2364 : i32
    %sign3A_2366 = arith.constant 0 : i32
    %sign3A_2367 = arith.cmpi sgt, %jit3A_2357, %sign3A_2366 : i32
    %sign3A_2368 = arith.extui %sign3A_2367 : i1 to i32
    %sign3A_2369 = arith.constant 0 : i32
    %sign3A_2370 = arith.cmpi slt, %jit3A_2357, %sign3A_2369 : i32
    %sign3A_2371 = arith.extui %sign3A_2370 : i1 to i32
    %sign3A_2372 = arith.subi %sign3A_2368, %sign3A_2371 : i32
    %ne3A_2373 = arith.cmpi ne, %sign3A_2365, %sign3A_2372 : i32
    %rem3A_2374 = arith.remsi %add3A_2356, %jit3A_2357 : i32
    %ne3A_2375 = arith.constant 0 : i32
    %ne3A_2376 = arith.cmpi ne, %rem3A_2374, %ne3A_2375 : i32
    %and3A_2377 = arith.andi %ne3A_2373, %ne3A_2376 : i1
    %sub3A_2378 = arith.constant 1 : i32
    %sub3A_2379 = arith.subi %div3A_2358, %sub3A_2378 : i32
    %select_n3A_2380 = arith.select %and3A_2377, %sub3A_2379, %div3A_2358 : i32
    %mul3A_2381 = arith.constant 128 : i32
    %mul3A_2382 = arith.muli %select_n3A_2380, %mul3A_2381 : i32
    %dma_start3A_2383 = arith.constant 31 : i32
    %dma_start3A_2384 = arith.constant 0 : i32
    %dma_start3A_2385 = arith.constant 0 : i32
    %dma_start3A_2386 = tpu.memref_slice %arg7[%dma_start3A_2383, %dma_start3A_2384, %dma_start3A_2385] : memref<32x8x128xf32, #tpu.memory_space<vmem>> -> memref<1x8x128xf32, #tpu.memory_space<vmem>>
    %dma_start3A_2387 = tpu.memref_squeeze %dma_start3A_2386 : memref<1x8x128xf32, #tpu.memory_space<vmem>> -> memref<8x128xf32, #tpu.memory_space<vmem>>
    %dma_start3A_2388 = tpu.memref_slice %arg2[%mul3A_2354, %mul3A_2382] : memref<100000x1024xf32, #tpu.memory_space<hbm>> -> memref<8x128xf32, #tpu.memory_space<hbm>>
    %dma_start3A_2389 = arith.constant 0 : i32
    %dma_start3A_2390 = arith.constant 0 : i32
    %dma_start3A_2391 = tpu.memref_slice %arg7[%dma_start3A_2383, %dma_start3A_2389, %dma_start3A_2390] : memref<32x8x128xf32, #tpu.memory_space<vmem>> -> memref<1x8x128xf32, #tpu.memory_space<vmem>>
    %dma_start3A_2392 = tpu.memref_squeeze %dma_start3A_2391 : memref<1x8x128xf32, #tpu.memory_space<vmem>> -> memref<8x128xf32, #tpu.memory_space<vmem>>
    %dma_start3A_2393 = tpu.memref_slice %arg2[%mul3A_2354, %mul3A_2382] : memref<100000x1024xf32, #tpu.memory_space<hbm>> -> memref<8x128xf32, #tpu.memory_space<hbm>>
    tpu.enqueue_dma source(%dma_start3A_2393 : memref<8x128xf32, #tpu.memory_space<hbm>>) target(%dma_start3A_2392 : memref<8x128xf32, #tpu.memory_space<vmem>>) target_semaphore(%arg12 : memref<!tpu.dma_semaphore, #tpu.memory_space<semaphore_mem>>)
    %mul3A_2394 = arith.constant 928 : i32
    %mul3A_2395 = arith.muli %add3A, %mul3A_2394 : i32
    %add3A_2396 = arith.constant 70304 : i32
    %add3A_2397 = arith.addi %add3A_2396, %mul3A_2395 : i32
    %scan3A = arith.constant 0 : i32
    %scan3A_2398 = arith.constant 0 : i32
    %scan3A_2399 = arith.constant 64 : i32
    %scan3A_2400 = arith.addi %scan3A_2398, %scan3A_2399 : i32
    %scan3A_2401 = arith.constant 1 : i32
    %scan3A_2402 = scf.for %scan3A_4728 = %scan3A_2398 to %scan3A_2400 step %scan3A_2401 iter_args(%scan3A_4729 = %scan3A) -> (i32)  : i32 {
      %broadcast_in_dim3A_4730 = arith.constant 0.000000e+00 : f32
      %broadcast_in_dim3A_4731 = vector.broadcast %broadcast_in_dim3A_4730 : f32 to vector<16xf32>
      %mul3A_4732 = arith.constant 16 : i32
      %mul3A_4733 = arith.muli %scan3A_4728, %mul3A_4732 : i32
      %swap3A_4734 = arith.index_cast %mul3A_4733 : i32 to index
      %swap3A_4735 = tpu.vector_load %arg11[%swap3A_4734] {strides = array<i32>} : memref<1024xf32, #tpu.memory_space<vmem>>, vector<16xf32>,
      tpu.vector_store %arg11[%swap3A_4734], %broadcast_in_dim3A_4731 {strides = array<i32>} : memref<1024xf32, #tpu.memory_space<vmem>>, vector<16xf32>,
      %scan3A_4736 = arith.constant 0 : i32
      scf.yield %scan3A_4736 : i32
    }
    %scan3A_2403 = arith.constant 64 : i32
    %add3A_2404 = arith.constant 0 : i32
    %add3A_2405 = arith.addi %add3A_2397, %add3A_2404 : i32
    %dma_start3A_2406 = arith.constant 0 : i32
    %dma_start3A_2407 = arith.constant 0 : i32
    %dma_start3A_2408 = arith.constant 0 : i32
    %dma_start3A_2409 = tpu.memref_slice %arg9[%dma_start3A_2406, %dma_start3A_2407, %dma_start3A_2408] : memref<2x32x1024xf32, #tpu.memory_space<vmem>> -> memref<1x32x1024xf32, #tpu.memory_space<vmem>>
    %dma_start3A_2410 = tpu.memref_squeeze %dma_start3A_2409 : memref<1x32x1024xf32, #tpu.memory_space<vmem>> -> memref<32x1024xf32, #tpu.memory_space<vmem>>
    %dma_start3A_2411 = arith.constant 0 : i32
    %dma_start3A_2412 = tpu.memref_slice %arg2[%add3A_2405, %dma_start3A_2411] : memref<100000x1024xf32, #tpu.memory_space<hbm>> -> memref<32x1024xf32, #tpu.memory_space<hbm>>
    %dma_start3A_2413 = arith.constant 0 : i32
    %dma_start3A_2414 = arith.constant 0 : i32
    %dma_start3A_2415 = tpu.memref_slice %arg9[%dma_start3A_2406, %dma_start3A_2413, %dma_start3A_2414] : memref<2x32x1024xf32, #tpu.memory_space<vmem>> -> memref<1x32x1024xf32, #tpu.memory_space<vmem>>
    %dma_start3A_2416 = tpu.memref_squeeze %dma_start3A_2415 : memref<1x32x1024xf32, #tpu.memory_space<vmem>> -> memref<32x1024xf32, #tpu.memory_space<vmem>>
    %dma_start3A_2417 = arith.constant 0 : i32
    %dma_start3A_2418 = tpu.memref_slice %arg2[%add3A_2405, %dma_start3A_2417] : memref<100000x1024xf32, #tpu.memory_space<hbm>> -> memref<32x1024xf32, #tpu.memory_space<hbm>>
    tpu.enqueue_dma source(%dma_start3A_2418 : memref<32x1024xf32, #tpu.memory_space<hbm>>) target(%dma_start3A_2416 : memref<32x1024xf32, #tpu.memory_space<vmem>>) target_semaphore(%arg13 : memref<!tpu.dma_semaphore, #tpu.memory_space<semaphore_mem>>)
    %add3A_2419 = arith.constant 32 : i32
    %add3A_2420 = arith.addi %add3A_2397, %add3A_2419 : i32
    %dma_start3A_2421 = arith.constant 1 : i32
    %dma_start3A_2422 = arith.constant 0 : i32
    %dma_start3A_2423 = arith.constant 0 : i32
    %dma_start3A_2424 = tpu.memref_slice %arg9[%dma_start3A_2421, %dma_start3A_2422, %dma_start3A_2423] : memref<2x32x1024xf32, #tpu.memory_space<vmem>> -> memref<1x32x1024xf32, #tpu.memory_space<vmem>>
    %dma_start3A_2425 = tpu.memref_squeeze %dma_start3A_2424 : memref<1x32x1024xf32, #tpu.memory_space<vmem>> -> memref<32x1024xf32, #tpu.memory_space<vmem>>
    %dma_start3A_2426 = arith.constant 0 : i32
    %dma_start3A_2427 = tpu.memref_slice %arg2[%add3A_2420, %dma_start3A_2426] : memref<100000x1024xf32, #tpu.memory_space<hbm>> -> memref<32x1024xf32, #tpu.memory_space<hbm>>
    %dma_start3A_2428 = arith.constant 0 : i32
    %dma_start3A_2429 = arith.constant 0 : i32
    %dma_start3A_2430 = tpu.memref_slice %arg9[%dma_start3A_2421, %dma_start3A_2428, %dma_start3A_2429] : memref<2x32x1024xf32, #tpu.memory_space<vmem>> -> memref<1x32x1024xf32, #tpu.memory_space<vmem>>
    %dma_start3A_2431 = tpu.memref_squeeze %dma_start3A_2430 : memref<1x32x1024xf32, #tpu.memory_space<vmem>> -> memref<32x1024xf32, #tpu.memory_space<vmem>>
    %dma_start3A_2432 = arith.constant 0 : i32
    %dma_start3A_2433 = tpu.memref_slice %arg2[%add3A_2420, %dma_start3A_2432] : memref<100000x1024xf32, #tpu.memory_space<hbm>> -> memref<32x1024xf32, #tpu.memory_space<hbm>>
    tpu.enqueue_dma source(%dma_start3A_2433 : memref<32x1024xf32, #tpu.memory_space<hbm>>) target(%dma_start3A_2431 : memref<32x1024xf32, #tpu.memory_space<vmem>>) target_semaphore(%arg13 : memref<!tpu.dma_semaphore, #tpu.memory_space<semaphore_mem>>)
    %scan3A_2434 = arith.constant 0 : i32
    %scan3A_2435 = arith.constant 0 : i32
    %scan3A_2436 = arith.constant 29 : i32
    %scan3A_2437 = arith.addi %scan3A_2435, %scan3A_2436 : i32
    %scan3A_2438 = arith.constant 1 : i32
    %scan3A_2439 = scf.for %scan3A_4728 = %scan3A_2435 to %scan3A_2437 step %scan3A_2438 iter_args(%scan3A_4729 = %scan3A_2434) -> (i32)  : i32 {
      %rem3A_4730 = arith.constant 2 : i32
      %rem3A_4731 = arith.remsi %scan3A_4728, %rem3A_4730 : i32
      %dma_wait3A_4732 = arith.constant 0 : i32
      %dma_wait3A_4733 = arith.constant 0 : i32
      %dma_wait3A_4734 = arith.constant 0 : i32
      %dma_wait3A_4735 = tpu.memref_slice %arg9[%dma_wait3A_4732, %dma_wait3A_4733, %dma_wait3A_4734] : memref<2x32x1024xf32, #tpu.memory_space<vmem>> -> memref<1x32x1024xf32, #tpu.memory_space<vmem>>
      %dma_wait3A_4736 = tpu.memref_squeeze %dma_wait3A_4735 : memref<1x32x1024xf32, #tpu.memory_space<vmem>> -> memref<32x1024xf32, #tpu.memory_space<vmem>>
      %dma_wait3A_4737 = arith.constant 0 : i32
      %dma_wait3A_4738 = arith.constant 0 : i32
      %dma_wait3A_4739 = tpu.memref_slice %arg2[%dma_wait3A_4737, %dma_wait3A_4738] : memref<100000x1024xf32, #tpu.memory_space<hbm>> -> memref<32x1024xf32, #tpu.memory_space<hbm>>
      %dma_wait3A_4740 = arith.constant 0 : i32
      %dma_wait3A_4741 = arith.constant 0 : i32
      %dma_wait3A_4742 = tpu.memref_slice %arg9[%dma_wait3A_4732, %dma_wait3A_4740, %dma_wait3A_4741] : memref<2x32x1024xf32, #tpu.memory_space<vmem>> -> memref<1x32x1024xf32, #tpu.memory_space<vmem>>
      %dma_wait3A_4743 = tpu.memref_squeeze %dma_wait3A_4742 : memref<1x32x1024xf32, #tpu.memory_space<vmem>> -> memref<32x1024xf32, #tpu.memory_space<vmem>>
      %dma_wait3A_4744 = arith.constant 0 : i32
      %dma_wait3A_4745 = arith.constant 0 : i32
      %dma_wait3A_4746 = tpu.memref_slice %arg2[%dma_wait3A_4744, %dma_wait3A_4745] : memref<100000x1024xf32, #tpu.memory_space<hbm>> -> memref<32x1024xf32, #tpu.memory_space<hbm>>
      tpu.wait_dma2 semaphore(%arg13 : memref<!tpu.dma_semaphore, #tpu.memory_space<semaphore_mem>>) src(%dma_wait3A_4746 : memref<32x1024xf32, #tpu.memory_space<hbm>>) dst(%dma_wait3A_4743 : memref<32x1024xf32, #tpu.memory_space<vmem>>)
      %scan3A_4747 = arith.constant 0 : i32
      %scan3A_4748 = arith.constant 0 : i32
      %scan3A_4749 = arith.constant 64 : i32
      %scan3A_4750 = arith.addi %scan3A_4748, %scan3A_4749 : i32
      %scan3A_4751 = arith.constant 1 : i32
      %scan3A_4752 = scf.for %scan3A_4759 = %scan3A_4748 to %scan3A_4750 step %scan3A_4751 iter_args(%scan3A_4760 = %scan3A_4747) -> (i32)  : i32 {
        %mul3A_4761 = arith.constant 16 : i32
        %mul3A_4762 = arith.muli %scan3A_4759, %mul3A_4761 : i32
        %get3A_4763 = arith.constant 0 : i32
        %get3A_4764 = arith.index_cast %rem3A_4731 : i32 to index
        %get3A_4765 = arith.index_cast %get3A_4763 : i32 to index
        %get3A_4766 = arith.index_cast %mul3A_4762 : i32 to index
        %get3A_4767 = tpu.vector_load %arg9[%get3A_4764, %get3A_4765, %get3A_4766] {strides = array<i32>} : memref<2x32x1024xf32, #tpu.memory_space<vmem>>, vector<16xf32>,
        %get3A_4768 = arith.constant 1 : i32
        %get3A_4769 = arith.index_cast %rem3A_4731 : i32 to index
        %get3A_4770 = arith.index_cast %get3A_4768 : i32 to index
        %get3A_4771 = arith.index_cast %mul3A_4762 : i32 to index
        %get3A_4772 = tpu.vector_load %arg9[%get3A_4769, %get3A_4770, %get3A_4771] {strides = array<i32>} : memref<2x32x1024xf32, #tpu.memory_space<vmem>>, vector<16xf32>,
        %get3A_4773 = arith.constant 2 : i32
        %get3A_4774 = arith.index_cast %rem3A_4731 : i32 to index
        %get3A_4775 = arith.index_cast %get3A_4773 : i32 to index
        %get3A_4776 = arith.index_cast %mul3A_4762 : i32 to index
        %get3A_4777 = tpu.vector_load %arg9[%get3A_4774, %get3A_4775, %get3A_4776] {strides = array<i32>} : memref<2x32x1024xf32, #tpu.memory_space<vmem>>, vector<16xf32>,
        %get3A_4778 = arith.constant 3 : i32
        %get3A_4779 = arith.index_cast %rem3A_4731 : i32 to index
        %get3A_4780 = arith.index_cast %get3A_4778 : i32 to index
        %get3A_4781 = arith.index_cast %mul3A_4762 : i32 to index
        %get3A_4782 = tpu.vector_load %arg9[%get3A_4779, %get3A_4780, %get3A_4781] {strides = array<i32>} : memref<2x32x1024xf32, #tpu.memory_space<vmem>>, vector<16xf32>,
        %get3A_4783 = arith.constant 4 : i32
        %get3A_4784 = arith.index_cast %rem3A_4731 : i32 to index
        %get3A_4785 = arith.index_cast %get3A_4783 : i32 to index
        %get3A_4786 = arith.index_cast %mul3A_4762 : i32 to index
        %get3A_4787 = tpu.vector_load %arg9[%get3A_4784, %get3A_4785, %get3A_4786] {strides = array<i32>} : memref<2x32x1024xf32, #tpu.memory_space<vmem>>, vector<16xf32>,
        %get3A_4788 = arith.constant 5 : i32
        %get3A_4789 = arith.index_cast %rem3A_4731 : i32 to index
        %get3A_4790 = arith.index_cast %get3A_4788 : i32 to index
        %get3A_4791 = arith.index_cast %mul3A_4762 : i32 to index
        %get3A_4792 = tpu.vector_load %arg9[%get3A_4789, %get3A_4790, %get3A_4791] {strides = array<i32>} : memref<2x32x1024xf32, #tpu.memory_space<vmem>>, vector<16xf32>,
        %get3A_4793 = arith.constant 6 : i32
        %get3A_4794 = arith.index_cast %rem3A_4731 : i32 to index
        %get3A_4795 = arith.index_cast %get3A_4793 : i32 to index
        %get3A_4796 = arith.index_cast %mul3A_4762 : i32 to index
        %get3A_4797 = tpu.vector_load %arg9[%get3A_4794, %get3A_4795, %get3A_4796] {strides = array<i32>} : memref<2x32x1024xf32, #tpu.memory_space<vmem>>, vector<16xf32>,
        %get3A_4798 = arith.constant 7 : i32
        %get3A_4799 = arith.index_cast %rem3A_4731 : i32 to index
        %get3A_4800 = arith.index_cast %get3A_4798 : i32 to index
        %get3A_4801 = arith.index_cast %mul3A_4762 : i32 to index
        %get3A_4802 = tpu.vector_load %arg9[%get3A_4799, %get3A_4800, %get3A_4801] {strides = array<i32>} : memref<2x32x1024xf32, #tpu.memory_space<vmem>>, vector<16xf32>,
        %get3A_4803 = arith.constant 8 : i32
        %get3A_4804 = arith.index_cast %rem3A_4731 : i32 to index
        %get3A_4805 = arith.index_cast %get3A_4803 : i32 to index
        %get3A_4806 = arith.index_cast %mul3A_4762 : i32 to index
        %get3A_4807 = tpu.vector_load %arg9[%get3A_4804, %get3A_4805, %get3A_4806] {strides = array<i32>} : memref<2x32x1024xf32, #tpu.memory_space<vmem>>, vector<16xf32>,
        %get3A_4808 = arith.constant 9 : i32
        %get3A_4809 = arith.index_cast %rem3A_4731 : i32 to index
        %get3A_4810 = arith.index_cast %get3A_4808 : i32 to index
        %get3A_4811 = arith.index_cast %mul3A_4762 : i32 to index
        %get3A_4812 = tpu.vector_load %arg9[%get3A_4809, %get3A_4810, %get3A_4811] {strides = array<i32>} : memref<2x32x1024xf32, #tpu.memory_space<vmem>>, vector<16xf32>,
        %get3A_4813 = arith.constant 10 : i32
        %get3A_4814 = arith.index_cast %rem3A_4731 : i32 to index
        %get3A_4815 = arith.index_cast %get3A_4813 : i32 to index
        %get3A_4816 = arith.index_cast %mul3A_4762 : i32 to index
        %get3A_4817 = tpu.vector_load %arg9[%get3A_4814, %get3A_4815, %get3A_4816] {strides = array<i32>} : memref<2x32x1024xf32, #tpu.memory_space<vmem>>, vector<16xf32>,
        %get3A_4818 = arith.constant 11 : i32
        %get3A_4819 = arith.index_cast %rem3A_4731 : i32 to index
        %get3A_4820 = arith.index_cast %get3A_4818 : i32 to index
        %get3A_4821 = arith.index_cast %mul3A_4762 : i32 to index
        %get3A_4822 = tpu.vector_load %arg9[%get3A_4819, %get3A_4820, %get3A_4821] {strides = array<i32>} : memref<2x32x1024xf32, #tpu.memory_space<vmem>>, vector<16xf32>,
        %get3A_4823 = arith.constant 12 : i32
        %get3A_4824 = arith.index_cast %rem3A_4731 : i32 to index
        %get3A_4825 = arith.index_cast %get3A_4823 : i32 to index
        %get3A_4826 = arith.index_cast %mul3A_4762 : i32 to index
        %get3A_4827 = tpu.vector_load %arg9[%get3A_4824, %get3A_4825, %get3A_4826] {strides = array<i32>} : memref<2x32x1024xf32, #tpu.memory_space<vmem>>, vector<16xf32>,
        %get3A_4828 = arith.constant 13 : i32
        %get3A_4829 = arith.index_cast %rem3A_4731 : i32 to index
        %get3A_4830 = arith.index_cast %get3A_4828 : i32 to index
        %get3A_4831 = arith.index_cast %mul3A_4762 : i32 to index
        %get3A_4832 = tpu.vector_load %arg9[%get3A_4829, %get3A_4830, %get3A_4831] {strides = array<i32>} : memref<2x32x1024xf32, #tpu.memory_space<vmem>>, vector<16xf32>,
        %get3A_4833 = arith.constant 14 : i32
        %get3A_4834 = arith.index_cast %rem3A_4731 : i32 to index
        %get3A_4835 = arith.index_cast %get3A_4833 : i32 to index
        %get3A_4836 = arith.index_cast %mul3A_4762 : i32 to index
        %get3A_4837 = tpu.vector_load %arg9[%get3A_4834, %get3A_4835, %get3A_4836] {strides = array<i32>} : memref<2x32x1024xf32, #tpu.memory_space<vmem>>, vector<16xf32>,
        %get3A_4838 = arith.constant 15 : i32
        %get3A_4839 = arith.index_cast %rem3A_4731 : i32 to index
        %get3A_4840 = arith.index_cast %get3A_4838 : i32 to index
        %get3A_4841 = arith.index_cast %mul3A_4762 : i32 to index
        %get3A_4842 = tpu.vector_load %arg9[%get3A_4839, %get3A_4840, %get3A_4841] {strides = array<i32>} : memref<2x32x1024xf32, #tpu.memory_space<vmem>>, vector<16xf32>,
        %get3A_4843 = arith.constant 16 : i32
        %get3A_4844 = arith.index_cast %rem3A_4731 : i32 to index
        %get3A_4845 = arith.index_cast %get3A_4843 : i32 to index
        %get3A_4846 = arith.index_cast %mul3A_4762 : i32 to index
        %get3A_4847 = tpu.vector_load %arg9[%get3A_4844, %get3A_4845, %get3A_4846] {strides = array<i32>} : memref<2x32x1024xf32, #tpu.memory_space<vmem>>, vector<16xf32>,
        %get3A_4848 = arith.constant 17 : i32
        %get3A_4849 = arith.index_cast %rem3A_4731 : i32 to index
        %get3A_4850 = arith.index_cast %get3A_4848 : i32 to index
        %get3A_4851 = arith.index_cast %mul3A_4762 : i32 to index
        %get3A_4852 = tpu.vector_load %arg9[%get3A_4849, %get3A_4850, %get3A_4851] {strides = array<i32>} : memref<2x32x1024xf32, #tpu.memory_space<vmem>>, vector<16xf32>,
        %get3A_4853 = arith.constant 18 : i32
        %get3A_4854 = arith.index_cast %rem3A_4731 : i32 to index
        %get3A_4855 = arith.index_cast %get3A_4853 : i32 to index
        %get3A_4856 = arith.index_cast %mul3A_4762 : i32 to index
        %get3A_4857 = tpu.vector_load %arg9[%get3A_4854, %get3A_4855, %get3A_4856] {strides = array<i32>} : memref<2x32x1024xf32, #tpu.memory_space<vmem>>, vector<16xf32>,
        %get3A_4858 = arith.constant 19 : i32
        %get3A_4859 = arith.index_cast %rem3A_4731 : i32 to index
        %get3A_4860 = arith.index_cast %get3A_4858 : i32 to index
        %get3A_4861 = arith.index_cast %mul3A_4762 : i32 to index
        %get3A_4862 = tpu.vector_load %arg9[%get3A_4859, %get3A_4860, %get3A_4861] {strides = array<i32>} : memref<2x32x1024xf32, #tpu.memory_space<vmem>>, vector<16xf32>,
        %get3A_4863 = arith.constant 20 : i32
        %get3A_4864 = arith.index_cast %rem3A_4731 : i32 to index
        %get3A_4865 = arith.index_cast %get3A_4863 : i32 to index
        %get3A_4866 = arith.index_cast %mul3A_4762 : i32 to index
        %get3A_4867 = tpu.vector_load %arg9[%get3A_4864, %get3A_4865, %get3A_4866] {strides = array<i32>} : memref<2x32x1024xf32, #tpu.memory_space<vmem>>, vector<16xf32>,
        %get3A_4868 = arith.constant 21 : i32
        %get3A_4869 = arith.index_cast %rem3A_4731 : i32 to index
        %get3A_4870 = arith.index_cast %get3A_4868 : i32 to index
        %get3A_4871 = arith.index_cast %mul3A_4762 : i32 to index
        %get3A_4872 = tpu.vector_load %arg9[%get3A_4869, %get3A_4870, %get3A_4871] {strides = array<i32>} : memref<2x32x1024xf32, #tpu.memory_space<vmem>>, vector<16xf32>,
        %get3A_4873 = arith.constant 22 : i32
        %get3A_4874 = arith.index_cast %rem3A_4731 : i32 to index
        %get3A_4875 = arith.index_cast %get3A_4873 : i32 to index
        %get3A_4876 = arith.index_cast %mul3A_4762 : i32 to index
        %get3A_4877 = tpu.vector_load %arg9[%get3A_4874, %get3A_4875, %get3A_4876] {strides = array<i32>} : memref<2x32x1024xf32, #tpu.memory_space<vmem>>, vector<16xf32>,
        %get3A_4878 = arith.constant 23 : i32
        %get3A_4879 = arith.index_cast %rem3A_4731 : i32 to index
        %get3A_4880 = arith.index_cast %get3A_4878 : i32 to index
        %get3A_4881 = arith.index_cast %mul3A_4762 : i32 to index
        %get3A_4882 = tpu.vector_load %arg9[%get3A_4879, %get3A_4880, %get3A_4881] {strides = array<i32>} : memref<2x32x1024xf32, #tpu.memory_space<vmem>>, vector<16xf32>,
        %get3A_4883 = arith.constant 24 : i32
        %get3A_4884 = arith.index_cast %rem3A_4731 : i32 to index
        %get3A_4885 = arith.index_cast %get3A_4883 : i32 to index
        %get3A_4886 = arith.index_cast %mul3A_4762 : i32 to index
        %get3A_4887 = tpu.vector_load %arg9[%get3A_4884, %get3A_4885, %get3A_4886] {strides = array<i32>} : memref<2x32x1024xf32, #tpu.memory_space<vmem>>, vector<16xf32>,
        %get3A_4888 = arith.constant 25 : i32
        %get3A_4889 = arith.index_cast %rem3A_4731 : i32 to index
        %get3A_4890 = arith.index_cast %get3A_4888 : i32 to index
        %get3A_4891 = arith.index_cast %mul3A_4762 : i32 to index
        %get3A_4892 = tpu.vector_load %arg9[%get3A_4889, %get3A_4890, %get3A_4891] {strides = array<i32>} : memref<2x32x1024xf32, #tpu.memory_space<vmem>>, vector<16xf32>,
        %get3A_4893 = arith.constant 26 : i32
        %get3A_4894 = arith.index_cast %rem3A_4731 : i32 to index
        %get3A_4895 = arith.index_cast %get3A_4893 : i32 to index
        %get3A_4896 = arith.index_cast %mul3A_4762 : i32 to index
        %get3A_4897 = tpu.vector_load %arg9[%get3A_4894, %get3A_4895, %get3A_4896] {strides = array<i32>} : memref<2x32x1024xf32, #tpu.memory_space<vmem>>, vector<16xf32>,
        %get3A_4898 = arith.constant 27 : i32
        %get3A_4899 = arith.index_cast %rem3A_4731 : i32 to index
        %get3A_4900 = arith.index_cast %get3A_4898 : i32 to index
        %get3A_4901 = arith.index_cast %mul3A_4762 : i32 to index
        %get3A_4902 = tpu.vector_load %arg9[%get3A_4899, %get3A_4900, %get3A_4901] {strides = array<i32>} : memref<2x32x1024xf32, #tpu.memory_space<vmem>>, vector<16xf32>,
        %get3A_4903 = arith.constant 28 : i32
        %get3A_4904 = arith.index_cast %rem3A_4731 : i32 to index
        %get3A_4905 = arith.index_cast %get3A_4903 : i32 to index
        %get3A_4906 = arith.index_cast %mul3A_4762 : i32 to index
        %get3A_4907 = tpu.vector_load %arg9[%get3A_4904, %get3A_4905, %get3A_4906] {strides = array<i32>} : memref<2x32x1024xf32, #tpu.memory_space<vmem>>, vector<16xf32>,
        %get3A_4908 = arith.constant 29 : i32
        %get3A_4909 = arith.index_cast %rem3A_4731 : i32 to index
        %get3A_4910 = arith.index_cast %get3A_4908 : i32 to index
        %get3A_4911 = arith.index_cast %mul3A_4762 : i32 to index
        %get3A_4912 = tpu.vector_load %arg9[%get3A_4909, %get3A_4910, %get3A_4911] {strides = array<i32>} : memref<2x32x1024xf32, #tpu.memory_space<vmem>>, vector<16xf32>,
        %get3A_4913 = arith.constant 30 : i32
        %get3A_4914 = arith.index_cast %rem3A_4731 : i32 to index
        %get3A_4915 = arith.index_cast %get3A_4913 : i32 to index
        %get3A_4916 = arith.index_cast %mul3A_4762 : i32 to index
        %get3A_4917 = tpu.vector_load %arg9[%get3A_4914, %get3A_4915, %get3A_4916] {strides = array<i32>} : memref<2x32x1024xf32, #tpu.memory_space<vmem>>, vector<16xf32>,
        %get3A_4918 = arith.constant 31 : i32
        %get3A_4919 = arith.index_cast %rem3A_4731 : i32 to index
        %get3A_4920 = arith.index_cast %get3A_4918 : i32 to index
        %get3A_4921 = arith.index_cast %mul3A_4762 : i32 to index
        %get3A_4922 = tpu.vector_load %arg9[%get3A_4919, %get3A_4920, %get3A_4921] {strides = array<i32>} : memref<2x32x1024xf32, #tpu.memory_space<vmem>>, vector<16xf32>,
        %add3A_4923 = arith.addf %get3A_4767, %get3A_4772 : vector<16xf32>
        %add3A_4924 = arith.addf %get3A_4777, %get3A_4782 : vector<16xf32>
        %add3A_4925 = arith.addf %get3A_4787, %get3A_4792 : vector<16xf32>
        %add3A_4926 = arith.addf %get3A_4797, %get3A_4802 : vector<16xf32>
        %add3A_4927 = arith.addf %get3A_4807, %get3A_4812 : vector<16xf32>
        %add3A_4928 = arith.addf %get3A_4817, %get3A_4822 : vector<16xf32>
        %add3A_4929 = arith.addf %get3A_4827, %get3A_4832 : vector<16xf32>
        %add3A_4930 = arith.addf %get3A_4837, %get3A_4842 : vector<16xf32>
        %add3A_4931 = arith.addf %get3A_4847, %get3A_4852 : vector<16xf32>
        %add3A_4932 = arith.addf %get3A_4857, %get3A_4862 : vector<16xf32>
        %add3A_4933 = arith.addf %get3A_4867, %get3A_4872 : vector<16xf32>
        %add3A_4934 = arith.addf %get3A_4877, %get3A_4882 : vector<16xf32>
        %add3A_4935 = arith.addf %get3A_4887, %get3A_4892 : vector<16xf32>
        %add3A_4936 = arith.addf %get3A_4897, %get3A_4902 : vector<16xf32>
        %add3A_4937 = arith.addf %get3A_4907, %get3A_4912 : vector<16xf32>
        %add3A_4938 = arith.addf %get3A_4917, %get3A_4922 : vector<16xf32>
        %add3A_4939 = arith.addf %add3A_4923, %add3A_4924 : vector<16xf32>
        %add3A_4940 = arith.addf %add3A_4925, %add3A_4926 : vector<16xf32>
        %add3A_4941 = arith.addf %add3A_4927, %add3A_4928 : vector<16xf32>
        %add3A_4942 = arith.addf %add3A_4929, %add3A_4930 : vector<16xf32>
        %add3A_4943 = arith.addf %add3A_4931, %add3A_4932 : vector<16xf32>
        %add3A_4944 = arith.addf %add3A_4933, %add3A_4934 : vector<16xf32>
        %add3A_4945 = arith.addf %add3A_4935, %add3A_4936 : vector<16xf32>
        %add3A_4946 = arith.addf %add3A_4937, %add3A_4938 : vector<16xf32>
        %add3A_4947 = arith.addf %add3A_4939, %add3A_4940 : vector<16xf32>
        %add3A_4948 = arith.addf %add3A_4941, %add3A_4942 : vector<16xf32>
        %add3A_4949 = arith.addf %add3A_4943, %add3A_4944 : vector<16xf32>
        %add3A_4950 = arith.addf %add3A_4945, %add3A_4946 : vector<16xf32>
        %add3A_4951 = arith.addf %add3A_4947, %add3A_4948 : vector<16xf32>
        %add3A_4952 = arith.addf %add3A_4949, %add3A_4950 : vector<16xf32>
        %add3A_4953 = arith.addf %add3A_4951, %add3A_4952 : vector<16xf32>
        %get3A_4954 = arith.index_cast %mul3A_4762 : i32 to index
        %get3A_4955 = tpu.vector_load %arg11[%get3A_4954] {strides = array<i32>} : memref<1024xf32, #tpu.memory_space<vmem>>, vector<16xf32>,
        %add3A_4956 = arith.addf %get3A_4955, %add3A_4953 : vector<16xf32>
        %swap3A_4957 = arith.index_cast %mul3A_4762 : i32 to index
        %swap3A_4958 = tpu.vector_load %arg11[%swap3A_4957] {strides = array<i32>} : memref<1024xf32, #tpu.memory_space<vmem>>, vector<16xf32>,
        tpu.vector_store %arg11[%swap3A_4957], %add3A_4956 {strides = array<i32>} : memref<1024xf32, #tpu.memory_space<vmem>>, vector<16xf32>,
        %scan3A_4959 = arith.constant 0 : i32
        scf.yield %scan3A_4959 : i32
      }
      %scan3A_4753 = arith.constant 64 : i32
      %add3A_4754 = arith.constant 2 : i32
      %add3A_4755 = arith.addi %scan3A_4728, %add3A_4754 : i32
      %lt3A = arith.constant 29 : i32
      %lt3A_4756 = arith.cmpi slt, %add3A_4755, %lt3A : i32
      %convert_element_type3A = arith.extui %lt3A_4756 : i1 to i32
      %cond3A = arith.constant 0 : i32
      %cond3A_4757 = arith.cmpi ne, %convert_element_type3A, %cond3A : i32
      scf.if %cond3A_4757 {
        %add3A_4759 = arith.constant 2 : i32
        %add3A_4760 = arith.addi %scan3A_4728, %add3A_4759 : i32
        %mul3A_4761 = arith.constant 32 : i32
        %mul3A_4762 = arith.muli %add3A_4760, %mul3A_4761 : i32
        %add3A_4763 = arith.addi %add3A_2397, %mul3A_4762 : i32
        %dma_start3A_4764 = arith.constant 0 : i32
        %dma_start3A_4765 = arith.constant 0 : i32
        %dma_start3A_4766 = tpu.memref_slice %arg9[%rem3A_4731, %dma_start3A_4764, %dma_start3A_4765] : memref<2x32x1024xf32, #tpu.memory_space<vmem>> -> memref<1x32x1024xf32, #tpu.memory_space<vmem>>
        %dma_start3A_4767 = tpu.memref_squeeze %dma_start3A_4766 : memref<1x32x1024xf32, #tpu.memory_space<vmem>> -> memref<32x1024xf32, #tpu.memory_space<vmem>>
        %dma_start3A_4768 = arith.constant 0 : i32
        %dma_start3A_4769 = tpu.memref_slice %arg2[%add3A_4763, %dma_start3A_4768] : memref<100000x1024xf32, #tpu.memory_space<hbm>> -> memref<32x1024xf32, #tpu.memory_space<hbm>>
        %dma_start3A_4770 = arith.constant 0 : i32
        %dma_start3A_4771 = arith.constant 0 : i32
        %dma_start3A_4772 = tpu.memref_slice %arg9[%rem3A_4731, %dma_start3A_4770, %dma_start3A_4771] : memref<2x32x1024xf32, #tpu.memory_space<vmem>> -> memref<1x32x1024xf32, #tpu.memory_space<vmem>>
        %dma_start3A_4773 = tpu.memref_squeeze %dma_start3A_4772 : memref<1x32x1024xf32, #tpu.memory_space<vmem>> -> memref<32x1024xf32, #tpu.memory_space<vmem>>
        %dma_start3A_4774 = arith.constant 0 : i32
        %dma_start3A_4775 = tpu.memref_slice %arg2[%add3A_4763, %dma_start3A_4774] : memref<100000x1024xf32, #tpu.memory_space<hbm>> -> memref<32x1024xf32, #tpu.memory_space<hbm>>
        tpu.enqueue_dma source(%dma_start3A_4775 : memref<32x1024xf32, #tpu.memory_space<hbm>>) target(%dma_start3A_4773 : memref<32x1024xf32, #tpu.memory_space<vmem>>) target_semaphore(%arg13 : memref<!tpu.dma_semaphore, #tpu.memory_space<semaphore_mem>>)
      } else {
      }
      %scan3A_4758 = arith.constant 0 : i32
      scf.yield %scan3A_4758 : i32
    }
    %scan3A_2440 = arith.constant 29 : i32
    "tpu.region"() ({
      %run_scoped3A = tpu.sem_alloc : memref<!tpu.dma_semaphore, #tpu.memory_space<semaphore_mem>>
      tpu.enqueue_dma source(%arg3 : memref<1024xi32, #tpu.memory_space<hbm>>) target(%arg8 : memref<1024xi32, #tpu.memory_space<vmem>>) target_semaphore(%run_scoped3A : memref<!tpu.dma_semaphore, #tpu.memory_space<semaphore_mem>>)
      tpu.wait_dma2 semaphore(%run_scoped3A : memref<!tpu.dma_semaphore, #tpu.memory_space<semaphore_mem>>) src(%arg3 : memref<1024xi32, #tpu.memory_space<hbm>>) dst(%arg8 : memref<1024xi32, #tpu.memory_space<vmem>>)
      tpu.yield
    }) : () -> ()
    %scan3A_2441 = arith.constant 0 : i32
    %scan3A_2442 = arith.constant 0 : i32
    %scan3A_2443 = arith.constant 64 : i32
    %scan3A_2444 = arith.addi %scan3A_2442, %scan3A_2443 : i32
    %scan3A_2445 = arith.constant 1 : i32
    %scan3A_2446 = scf.for %scan3A_4728 = %scan3A_2442 to %scan3A_2444 step %scan3A_2445 iter_args(%scan3A_4729 = %scan3A_2441) -> (i32)  : i32 {
      %mul3A_4730 = arith.constant 16 : i32
      %mul3A_4731 = arith.muli %scan3A_4728, %mul3A_4730 : i32
      %get3A_4732 = arith.index_cast %mul3A_4731 : i32 to index
      %get3A_4733 = tpu.vector_load %arg8[%get3A_4732] {strides = array<i32>} : memref<1024xi32, #tpu.memory_space<vmem>>, vector<16xi32>,
      %ne3A_4734 = arith.constant 0 : i32
      %ne3A_4735 = vector.broadcast %ne3A_4734 : i32 to vector<16xi32>
      %ne3A_4736 = arith.cmpi ne, %get3A_4733, %ne3A_4735 : vector<16xi32>
      %jit3A_4737 = arith.constant 1.000000e+00 : f32
      %jit3A_4738 = arith.constant 0.000000e+00 : f32
      %broadcast_in_dim3A_4739 = vector.broadcast %jit3A_4737 : f32 to vector<16xf32>
      %broadcast_in_dim3A_4740 = vector.broadcast %jit3A_4738 : f32 to vector<16xf32>
      %select_n3A_4741 = arith.select %ne3A_4736, %broadcast_in_dim3A_4739, %broadcast_in_dim3A_4740 : vector<16xi1>, vector<16xf32>
      %get3A_4742 = arith.index_cast %mul3A_4731 : i32 to index
      %get3A_4743 = tpu.vector_load %arg11[%get3A_4742] {strides = array<i32>} : memref<1024xf32, #tpu.memory_space<vmem>>, vector<16xf32>,
      %mul3A_4744 = arith.mulf %get3A_4743, %select_n3A_4741 : vector<16xf32>
      %swap3A_4745 = arith.index_cast %mul3A_4731 : i32 to index
      %swap3A_4746 = tpu.vector_load %arg11[%swap3A_4745] {strides = array<i32>} : memref<1024xf32, #tpu.memory_space<vmem>>, vector<16xf32>,
      tpu.vector_store %arg11[%swap3A_4745], %mul3A_4744 {strides = array<i32>} : memref<1024xf32, #tpu.memory_space<vmem>>, vector<16xf32>,
      %scan3A_4747 = arith.constant 0 : i32
      scf.yield %scan3A_4747 : i32
    }
    %scan3A_2447 = arith.constant 64 : i32
    %mul3A_2448 = arith.constant 1024 : i32
    %mul3A_2449 = arith.muli %add3A, %mul3A_2448 : i32
    "tpu.region"() ({
      %run_scoped3A = tpu.sem_alloc : memref<!tpu.dma_semaphore, #tpu.memory_space<semaphore_mem>>
      %dma_start3A_4728 = tpu.memref_slice %arg5[%mul3A_2449] : memref<32768xf32, #tpu.memory_space<hbm>> -> memref<1024xf32, #tpu.memory_space<hbm>>
      %dma_start3A_4729 = tpu.memref_slice %arg5[%mul3A_2449] : memref<32768xf32, #tpu.memory_space<hbm>> -> memref<1024xf32, #tpu.memory_space<hbm>>
      tpu.enqueue_dma source(%arg11 : memref<1024xf32, #tpu.memory_space<vmem>>) target(%dma_start3A_4729 : memref<1024xf32, #tpu.memory_space<hbm>>) target_semaphore(%run_scoped3A : memref<!tpu.dma_semaphore, #tpu.memory_space<semaphore_mem>>)
      %dma_wait3A_4730 = tpu.memref_slice %arg5[%mul3A_2449] : memref<32768xf32, #tpu.memory_space<hbm>> -> memref<1024xf32, #tpu.memory_space<hbm>>
      %dma_wait3A_4731 = tpu.memref_slice %arg5[%mul3A_2449] : memref<32768xf32, #tpu.memory_space<hbm>> -> memref<1024xf32, #tpu.memory_space<hbm>>
      tpu.wait_dma2 semaphore(%run_scoped3A : memref<!tpu.dma_semaphore, #tpu.memory_space<semaphore_mem>>) src(%arg11 : memref<1024xf32, #tpu.memory_space<vmem>>) dst(%dma_wait3A_4731 : memref<1024xf32, #tpu.memory_space<hbm>>)
      tpu.yield
    }) : () -> ()
    %dma_wait3A = arith.constant 0 : i32
    %dma_wait3A_2450 = arith.constant 0 : i32
    %dma_wait3A_2451 = arith.constant 0 : i32
    %dma_wait3A_2452 = tpu.memref_slice %arg7[%dma_wait3A, %dma_wait3A_2450, %dma_wait3A_2451] : memref<32x8x128xf32, #tpu.memory_space<vmem>> -> memref<1x8x128xf32, #tpu.memory_space<vmem>>
    %dma_wait3A_2453 = tpu.memref_squeeze %dma_wait3A_2452 : memref<1x8x128xf32, #tpu.memory_space<vmem>> -> memref<8x128xf32, #tpu.memory_space<vmem>>
    %dma_wait3A_2454 = arith.constant 0 : i32
    %dma_wait3A_2455 = arith.constant 0 : i32
    %dma_wait3A_2456 = tpu.memref_slice %arg2[%dma_wait3A_2454, %dma_wait3A_2455] : memref<100000x1024xf32, #tpu.memory_space<hbm>> -> memref<8x128xf32, #tpu.memory_space<hbm>>
    %dma_wait3A_2457 = arith.constant 0 : i32
    %dma_wait3A_2458 = arith.constant 0 : i32
    %dma_wait3A_2459 = tpu.memref_slice %arg7[%dma_wait3A, %dma_wait3A_2457, %dma_wait3A_2458] : memref<32x8x128xf32, #tpu.memory_space<vmem>> -> memref<1x8x128xf32, #tpu.memory_space<vmem>>
    %dma_wait3A_2460 = tpu.memref_squeeze %dma_wait3A_2459 : memref<1x8x128xf32, #tpu.memory_space<vmem>> -> memref<8x128xf32, #tpu.memory_space<vmem>>
    %dma_wait3A_2461 = arith.constant 0 : i32
    %dma_wait3A_2462 = arith.constant 0 : i32
    %dma_wait3A_2463 = tpu.memref_slice %arg2[%dma_wait3A_2461, %dma_wait3A_2462] : memref<100000x1024xf32, #tpu.memory_space<hbm>> -> memref<8x128xf32, #tpu.memory_space<hbm>>
    tpu.wait_dma2 semaphore(%arg12 : memref<!tpu.dma_semaphore, #tpu.memory_space<semaphore_mem>>) src(%dma_wait3A_2463 : memref<8x128xf32, #tpu.memory_space<hbm>>) dst(%dma_wait3A_2460 : memref<8x128xf32, #tpu.memory_space<vmem>>)
    %dma_wait3A_2464 = arith.constant 1 : i32
    %dma_wait3A_2465 = arith.constant 0 : i32
    %dma_wait3A_2466 = arith.constant 0 : i32
    %dma_wait3A_2467 = tpu.memref_slice %arg7[%dma_wait3A_2464, %dma_wait3A_2465, %dma_wait3A_2466] : memref<32x8x128xf32, #tpu.memory_space<vmem>> -> memref<1x8x128xf32, #tpu.memory_space<vmem>>
    %dma_wait3A_2468 = tpu.memref_squeeze %dma_wait3A_2467 : memref<1x8x128xf32, #tpu.memory_space<vmem>> -> memref<8x128xf32, #tpu.memory_space<vmem>>
    %dma_wait3A_2469 = arith.constant 0 : i32
    %dma_wait3A_2470 = arith.constant 0 : i32
    %dma_wait3A_2471 = tpu.memref_slice %arg2[%dma_wait3A_2469, %dma_wait3A_2470] : memref<100000x1024xf32, #tpu.memory_space<hbm>> -> memref<8x128xf32, #tpu.memory_space<hbm>>
    %dma_wait3A_2472 = arith.constant 0 : i32
    %dma_wait3A_2473 = arith.constant 0 : i32
    %dma_wait3A_2474 = tpu.memref_slice %arg7[%dma_wait3A_2464, %dma_wait3A_2472, %dma_wait3A_2473] : memref<32x8x128xf32, #tpu.memory_space<vmem>> -> memref<1x8x128xf32, #tpu.memory_space<vmem>>
    %dma_wait3A_2475 = tpu.memref_squeeze %dma_wait3A_2474 : memref<1x8x128xf32, #tpu.memory_space<vmem>> -> memref<8x128xf32, #tpu.memory_space<vmem>>
    %dma_wait3A_2476 = arith.constant 0 : i32
    %dma_wait3A_2477 = arith.constant 0 : i32
    %dma_wait3A_2478 = tpu.memref_slice %arg2[%dma_wait3A_2476, %dma_wait3A_2477] : memref<100000x1024xf32, #tpu.memory_space<hbm>> -> memref<8x128xf32, #tpu.memory_space<hbm>>
    tpu.wait_dma2 semaphore(%arg12 : memref<!tpu.dma_semaphore, #tpu.memory_space<semaphore_mem>>) src(%dma_wait3A_2478 : memref<8x128xf32, #tpu.memory_space<hbm>>) dst(%dma_wait3A_2475 : memref<8x128xf32, #tpu.memory_space<vmem>>)
    %dma_wait3A_2479 = arith.constant 2 : i32
    %dma_wait3A_2480 = arith.constant 0 : i32
    %dma_wait3A_2481 = arith.constant 0 : i32
    %dma_wait3A_2482 = tpu.memref_slice %arg7[%dma_wait3A_2479, %dma_wait3A_2480, %dma_wait3A_2481] : memref<32x8x128xf32, #tpu.memory_space<vmem>> -> memref<1x8x128xf32, #tpu.memory_space<vmem>>
    %dma_wait3A_2483 = tpu.memref_squeeze %dma_wait3A_2482 : memref<1x8x128xf32, #tpu.memory_space<vmem>> -> memref<8x128xf32, #tpu.memory_space<vmem>>
    %dma_wait3A_2484 = arith.constant 0 : i32
    %dma_wait3A_2485 = arith.constant 0 : i32
    %dma_wait3A_2486 = tpu.memref_slice %arg2[%dma_wait3A_2484, %dma_wait3A_2485] : memref<100000x1024xf32, #tpu.memory_space<hbm>> -> memref<8x128xf32, #tpu.memory_space<hbm>>
    %dma_wait3A_2487 = arith.constant 0 : i32
    %dma_wait3A_2488 = arith.constant 0 : i32
    %dma_wait3A_2489 = tpu.memref_slice %arg7[%dma_wait3A_2479, %dma_wait3A_2487, %dma_wait3A_2488] : memref<32x8x128xf32, #tpu.memory_space<vmem>> -> memref<1x8x128xf32, #tpu.memory_space<vmem>>
    %dma_wait3A_2490 = tpu.memref_squeeze %dma_wait3A_2489 : memref<1x8x128xf32, #tpu.memory_space<vmem>> -> memref<8x128xf32, #tpu.memory_space<vmem>>
    %dma_wait3A_2491 = arith.constant 0 : i32
    %dma_wait3A_2492 = arith.constant 0 : i32
    %dma_wait3A_2493 = tpu.memref_slice %arg2[%dma_wait3A_2491, %dma_wait3A_2492] : memref<100000x1024xf32, #tpu.memory_space<hbm>> -> memref<8x128xf32, #tpu.memory_space<hbm>>
    tpu.wait_dma2 semaphore(%arg12 : memref<!tpu.dma_semaphore, #tpu.memory_space<semaphore_mem>>) src(%dma_wait3A_2493 : memref<8x128xf32, #tpu.memory_space<hbm>>) dst(%dma_wait3A_2490 : memref<8x128xf32, #tpu.memory_space<vmem>>)
    %dma_wait3A_2494 = arith.constant 3 : i32
    %dma_wait3A_2495 = arith.constant 0 : i32
    %dma_wait3A_2496 = arith.constant 0 : i32
    %dma_wait3A_2497 = tpu.memref_slice %arg7[%dma_wait3A_2494, %dma_wait3A_2495, %dma_wait3A_2496] : memref<32x8x128xf32, #tpu.memory_space<vmem>> -> memref<1x8x128xf32, #tpu.memory_space<vmem>>
    %dma_wait3A_2498 = tpu.memref_squeeze %dma_wait3A_2497 : memref<1x8x128xf32, #tpu.memory_space<vmem>> -> memref<8x128xf32, #tpu.memory_space<vmem>>
    %dma_wait3A_2499 = arith.constant 0 : i32
    %dma_wait3A_2500 = arith.constant 0 : i32
    %dma_wait3A_2501 = tpu.memref_slice %arg2[%dma_wait3A_2499, %dma_wait3A_2500] : memref<100000x1024xf32, #tpu.memory_space<hbm>> -> memref<8x128xf32, #tpu.memory_space<hbm>>
    %dma_wait3A_2502 = arith.constant 0 : i32
    %dma_wait3A_2503 = arith.constant 0 : i32
    %dma_wait3A_2504 = tpu.memref_slice %arg7[%dma_wait3A_2494, %dma_wait3A_2502, %dma_wait3A_2503] : memref<32x8x128xf32, #tpu.memory_space<vmem>> -> memref<1x8x128xf32, #tpu.memory_space<vmem>>
    %dma_wait3A_2505 = tpu.memref_squeeze %dma_wait3A_2504 : memref<1x8x128xf32, #tpu.memory_space<vmem>> -> memref<8x128xf32, #tpu.memory_space<vmem>>
    %dma_wait3A_2506 = arith.constant 0 : i32
    %dma_wait3A_2507 = arith.constant 0 : i32
    %dma_wait3A_2508 = tpu.memref_slice %arg2[%dma_wait3A_2506, %dma_wait3A_2507] : memref<100000x1024xf32, #tpu.memory_space<hbm>> -> memref<8x128xf32, #tpu.memory_space<hbm>>
    tpu.wait_dma2 semaphore(%arg12 : memref<!tpu.dma_semaphore, #tpu.memory_space<semaphore_mem>>) src(%dma_wait3A_2508 : memref<8x128xf32, #tpu.memory_space<hbm>>) dst(%dma_wait3A_2505 : memref<8x128xf32, #tpu.memory_space<vmem>>)
    %dma_wait3A_2509 = arith.constant 4 : i32
    %dma_wait3A_2510 = arith.constant 0 : i32
    %dma_wait3A_2511 = arith.constant 0 : i32
    %dma_wait3A_2512 = tpu.memref_slice %arg7[%dma_wait3A_2509, %dma_wait3A_2510, %dma_wait3A_2511] : memref<32x8x128xf32, #tpu.memory_space<vmem>> -> memref<1x8x128xf32, #tpu.memory_space<vmem>>
    %dma_wait3A_2513 = tpu.memref_squeeze %dma_wait3A_2512 : memref<1x8x128xf32, #tpu.memory_space<vmem>> -> memref<8x128xf32, #tpu.memory_space<vmem>>
    %dma_wait3A_2514 = arith.constant 0 : i32
    %dma_wait3A_2515 = arith.constant 0 : i32
    %dma_wait3A_2516 = tpu.memref_slice %arg2[%dma_wait3A_2514, %dma_wait3A_2515] : memref<100000x1024xf32, #tpu.memory_space<hbm>> -> memref<8x128xf32, #tpu.memory_space<hbm>>
    %dma_wait3A_2517 = arith.constant 0 : i32
    %dma_wait3A_2518 = arith.constant 0 : i32
    %dma_wait3A_2519 = tpu.memref_slice %arg7[%dma_wait3A_2509, %dma_wait3A_2517, %dma_wait3A_2518] : memref<32x8x128xf32, #tpu.memory_space<vmem>> -> memref<1x8x128xf32, #tpu.memory_space<vmem>>
    %dma_wait3A_2520 = tpu.memref_squeeze %dma_wait3A_2519 : memref<1x8x128xf32, #tpu.memory_space<vmem>> -> memref<8x128xf32, #tpu.memory_space<vmem>>
    %dma_wait3A_2521 = arith.constant 0 : i32
    %dma_wait3A_2522 = arith.constant 0 : i32
    %dma_wait3A_2523 = tpu.memref_slice %arg2[%dma_wait3A_2521, %dma_wait3A_2522] : memref<100000x1024xf32, #tpu.memory_space<hbm>> -> memref<8x128xf32, #tpu.memory_space<hbm>>
    tpu.wait_dma2 semaphore(%arg12 : memref<!tpu.dma_semaphore, #tpu.memory_space<semaphore_mem>>) src(%dma_wait3A_2523 : memref<8x128xf32, #tpu.memory_space<hbm>>) dst(%dma_wait3A_2520 : memref<8x128xf32, #tpu.memory_space<vmem>>)
    %dma_wait3A_2524 = arith.constant 5 : i32
    %dma_wait3A_2525 = arith.constant 0 : i32
    %dma_wait3A_2526 = arith.constant 0 : i32
    %dma_wait3A_2527 = tpu.memref_slice %arg7[%dma_wait3A_2524, %dma_wait3A_2525, %dma_wait3A_2526] : memref<32x8x128xf32, #tpu.memory_space<vmem>> -> memref<1x8x128xf32, #tpu.memory_space<vmem>>
    %dma_wait3A_2528 = tpu.memref_squeeze %dma_wait3A_2527 : memref<1x8x128xf32, #tpu.memory_space<vmem>> -> memref<8x128xf32, #tpu.memory_space<vmem>>
    %dma_wait3A_2529 = arith.constant 0 : i32
    %dma_wait3A_2530 = arith.constant 0 : i32
    %dma_wait3A_2531 = tpu.memref_slice %arg2[%dma_wait3A_2529, %dma_wait3A_2530] : memref<100000x1024xf32, #tpu.memory_space<hbm>> -> memref<8x128xf32, #tpu.memory_space<hbm>>
    %dma_wait3A_2532 = arith.constant 0 : i32
    %dma_wait3A_2533 = arith.constant 0 : i32
    %dma_wait3A_2534 = tpu.memref_slice %arg7[%dma_wait3A_2524, %dma_wait3A_2532, %dma_wait3A_2533] : memref<32x8x128xf32, #tpu.memory_space<vmem>> -> memref<1x8x128xf32, #tpu.memory_space<vmem>>
    %dma_wait3A_2535 = tpu.memref_squeeze %dma_wait3A_2534 : memref<1x8x128xf32, #tpu.memory_space<vmem>> -> memref<8x128xf32, #tpu.memory_space<vmem>>
    %dma_wait3A_2536 = arith.constant 0 : i32
    %dma_wait3A_2537 = arith.constant 0 : i32
    %dma_wait3A_2538 = tpu.memref_slice %arg2[%dma_wait3A_2536, %dma_wait3A_2537] : memref<100000x1024xf32, #tpu.memory_space<hbm>> -> memref<8x128xf32, #tpu.memory_space<hbm>>
    tpu.wait_dma2 semaphore(%arg12 : memref<!tpu.dma_semaphore, #tpu.memory_space<semaphore_mem>>) src(%dma_wait3A_2538 : memref<8x128xf32, #tpu.memory_space<hbm>>) dst(%dma_wait3A_2535 : memref<8x128xf32, #tpu.memory_space<vmem>>)
    %dma_wait3A_2539 = arith.constant 6 : i32
    %dma_wait3A_2540 = arith.constant 0 : i32
    %dma_wait3A_2541 = arith.constant 0 : i32
    %dma_wait3A_2542 = tpu.memref_slice %arg7[%dma_wait3A_2539, %dma_wait3A_2540, %dma_wait3A_2541] : memref<32x8x128xf32, #tpu.memory_space<vmem>> -> memref<1x8x128xf32, #tpu.memory_space<vmem>>
    %dma_wait3A_2543 = tpu.memref_squeeze %dma_wait3A_2542 : memref<1x8x128xf32, #tpu.memory_space<vmem>> -> memref<8x128xf32, #tpu.memory_space<vmem>>
    %dma_wait3A_2544 = arith.constant 0 : i32
    %dma_wait3A_2545 = arith.constant 0 : i32
    %dma_wait3A_2546 = tpu.memref_slice %arg2[%dma_wait3A_2544, %dma_wait3A_2545] : memref<100000x1024xf32, #tpu.memory_space<hbm>> -> memref<8x128xf32, #tpu.memory_space<hbm>>
    %dma_wait3A_2547 = arith.constant 0 : i32
    %dma_wait3A_2548 = arith.constant 0 : i32
    %dma_wait3A_2549 = tpu.memref_slice %arg7[%dma_wait3A_2539, %dma_wait3A_2547, %dma_wait3A_2548] : memref<32x8x128xf32, #tpu.memory_space<vmem>> -> memref<1x8x128xf32, #tpu.memory_space<vmem>>
    %dma_wait3A_2550 = tpu.memref_squeeze %dma_wait3A_2549 : memref<1x8x128xf32, #tpu.memory_space<vmem>> -> memref<8x128xf32, #tpu.memory_space<vmem>>
    %dma_wait3A_2551 = arith.constant 0 : i32
    %dma_wait3A_2552 = arith.constant 0 : i32
    %dma_wait3A_2553 = tpu.memref_slice %arg2[%dma_wait3A_2551, %dma_wait3A_2552] : memref<100000x1024xf32, #tpu.memory_space<hbm>> -> memref<8x128xf32, #tpu.memory_space<hbm>>
    tpu.wait_dma2 semaphore(%arg12 : memref<!tpu.dma_semaphore, #tpu.memory_space<semaphore_mem>>) src(%dma_wait3A_2553 : memref<8x128xf32, #tpu.memory_space<hbm>>) dst(%dma_wait3A_2550 : memref<8x128xf32, #tpu.memory_space<vmem>>)
    %dma_wait3A_2554 = arith.constant 7 : i32
    %dma_wait3A_2555 = arith.constant 0 : i32
    %dma_wait3A_2556 = arith.constant 0 : i32
    %dma_wait3A_2557 = tpu.memref_slice %arg7[%dma_wait3A_2554, %dma_wait3A_2555, %dma_wait3A_2556] : memref<32x8x128xf32, #tpu.memory_space<vmem>> -> memref<1x8x128xf32, #tpu.memory_space<vmem>>
    %dma_wait3A_2558 = tpu.memref_squeeze %dma_wait3A_2557 : memref<1x8x128xf32, #tpu.memory_space<vmem>> -> memref<8x128xf32, #tpu.memory_space<vmem>>
    %dma_wait3A_2559 = arith.constant 0 : i32
    %dma_wait3A_2560 = arith.constant 0 : i32
    %dma_wait3A_2561 = tpu.memref_slice %arg2[%dma_wait3A_2559, %dma_wait3A_2560] : memref<100000x1024xf32, #tpu.memory_space<hbm>> -> memref<8x128xf32, #tpu.memory_space<hbm>>
    %dma_wait3A_2562 = arith.constant 0 : i32
    %dma_wait3A_2563 = arith.constant 0 : i32
    %dma_wait3A_2564 = tpu.memref_slice %arg7[%dma_wait3A_2554, %dma_wait3A_2562, %dma_wait3A_2563] : memref<32x8x128xf32, #tpu.memory_space<vmem>> -> memref<1x8x128xf32, #tpu.memory_space<vmem>>
    %dma_wait3A_2565 = tpu.memref_squeeze %dma_wait3A_2564 : memref<1x8x128xf32, #tpu.memory_space<vmem>> -> memref<8x128xf32, #tpu.memory_space<vmem>>
    %dma_wait3A_2566 = arith.constant 0 : i32
    %dma_wait3A_2567 = arith.constant 0 : i32
    %dma_wait3A_2568 = tpu.memref_slice %arg2[%dma_wait3A_2566, %dma_wait3A_2567] : memref<100000x1024xf32, #tpu.memory_space<hbm>> -> memref<8x128xf32, #tpu.memory_space<hbm>>
    tpu.wait_dma2 semaphore(%arg12 : memref<!tpu.dma_semaphore, #tpu.memory_space<semaphore_mem>>) src(%dma_wait3A_2568 : memref<8x128xf32, #tpu.memory_space<hbm>>) dst(%dma_wait3A_2565 : memref<8x128xf32, #tpu.memory_space<vmem>>)
    %dma_wait3A_2569 = arith.constant 8 : i32
    %dma_wait3A_2570 = arith.constant 0 : i32
    %dma_wait3A_2571 = arith.constant 0 : i32
    %dma_wait3A_2572 = tpu.memref_slice %arg7[%dma_wait3A_2569, %dma_wait3A_2570, %dma_wait3A_2571] : memref<32x8x128xf32, #tpu.memory_space<vmem>> -> memref<1x8x128xf32, #tpu.memory_space<vmem>>
    %dma_wait3A_2573 = tpu.memref_squeeze %dma_wait3A_2572 : memref<1x8x128xf32, #tpu.memory_space<vmem>> -> memref<8x128xf32, #tpu.memory_space<vmem>>
    %dma_wait3A_2574 = arith.constant 0 : i32
    %dma_wait3A_2575 = arith.constant 0 : i32
    %dma_wait3A_2576 = tpu.memref_slice %arg2[%dma_wait3A_2574, %dma_wait3A_2575] : memref<100000x1024xf32, #tpu.memory_space<hbm>> -> memref<8x128xf32, #tpu.memory_space<hbm>>
    %dma_wait3A_2577 = arith.constant 0 : i32
    %dma_wait3A_2578 = arith.constant 0 : i32
    %dma_wait3A_2579 = tpu.memref_slice %arg7[%dma_wait3A_2569, %dma_wait3A_2577, %dma_wait3A_2578] : memref<32x8x128xf32, #tpu.memory_space<vmem>> -> memref<1x8x128xf32, #tpu.memory_space<vmem>>
    %dma_wait3A_2580 = tpu.memref_squeeze %dma_wait3A_2579 : memref<1x8x128xf32, #tpu.memory_space<vmem>> -> memref<8x128xf32, #tpu.memory_space<vmem>>
    %dma_wait3A_2581 = arith.constant 0 : i32
    %dma_wait3A_2582 = arith.constant 0 : i32
    %dma_wait3A_2583 = tpu.memref_slice %arg2[%dma_wait3A_2581, %dma_wait3A_2582] : memref<100000x1024xf32, #tpu.memory_space<hbm>> -> memref<8x128xf32, #tpu.memory_space<hbm>>
    tpu.wait_dma2 semaphore(%arg12 : memref<!tpu.dma_semaphore, #tpu.memory_space<semaphore_mem>>) src(%dma_wait3A_2583 : memref<8x128xf32, #tpu.memory_space<hbm>>) dst(%dma_wait3A_2580 : memref<8x128xf32, #tpu.memory_space<vmem>>)
    %dma_wait3A_2584 = arith.constant 9 : i32
    %dma_wait3A_2585 = arith.constant 0 : i32
    %dma_wait3A_2586 = arith.constant 0 : i32
    %dma_wait3A_2587 = tpu.memref_slice %arg7[%dma_wait3A_2584, %dma_wait3A_2585, %dma_wait3A_2586] : memref<32x8x128xf32, #tpu.memory_space<vmem>> -> memref<1x8x128xf32, #tpu.memory_space<vmem>>
    %dma_wait3A_2588 = tpu.memref_squeeze %dma_wait3A_2587 : memref<1x8x128xf32, #tpu.memory_space<vmem>> -> memref<8x128xf32, #tpu.memory_space<vmem>>
    %dma_wait3A_2589 = arith.constant 0 : i32
    %dma_wait3A_2590 = arith.constant 0 : i32
    %dma_wait3A_2591 = tpu.memref_slice %arg2[%dma_wait3A_2589, %dma_wait3A_2590] : memref<100000x1024xf32, #tpu.memory_space<hbm>> -> memref<8x128xf32, #tpu.memory_space<hbm>>
    %dma_wait3A_2592 = arith.constant 0 : i32
    %dma_wait3A_2593 = arith.constant 0 : i32
    %dma_wait3A_2594 = tpu.memref_slice %arg7[%dma_wait3A_2584, %dma_wait3A_2592, %dma_wait3A_2593] : memref<32x8x128xf32, #tpu.memory_space<vmem>> -> memref<1x8x128xf32, #tpu.memory_space<vmem>>
    %dma_wait3A_2595 = tpu.memref_squeeze %dma_wait3A_2594 : memref<1x8x128xf32, #tpu.memory_space<vmem>> -> memref<8x128xf32, #tpu.memory_space<vmem>>
    %dma_wait3A_2596 = arith.constant 0 : i32
    %dma_wait3A_2597 = arith.constant 0 : i32
    %dma_wait3A_2598 = tpu.memref_slice %arg2[%dma_wait3A_2596, %dma_wait3A_2597] : memref<100000x1024xf32, #tpu.memory_space<hbm>> -> memref<8x128xf32, #tpu.memory_space<hbm>>
    tpu.wait_dma2 semaphore(%arg12 : memref<!tpu.dma_semaphore, #tpu.memory_space<semaphore_mem>>) src(%dma_wait3A_2598 : memref<8x128xf32, #tpu.memory_space<hbm>>) dst(%dma_wait3A_2595 : memref<8x128xf32, #tpu.memory_space<vmem>>)
    %dma_wait3A_2599 = arith.constant 10 : i32
    %dma_wait3A_2600 = arith.constant 0 : i32
    %dma_wait3A_2601 = arith.constant 0 : i32
    %dma_wait3A_2602 = tpu.memref_slice %arg7[%dma_wait3A_2599, %dma_wait3A_2600, %dma_wait3A_2601] : memref<32x8x128xf32, #tpu.memory_space<vmem>> -> memref<1x8x128xf32, #tpu.memory_space<vmem>>
    %dma_wait3A_2603 = tpu.memref_squeeze %dma_wait3A_2602 : memref<1x8x128xf32, #tpu.memory_space<vmem>> -> memref<8x128xf32, #tpu.memory_space<vmem>>
    %dma_wait3A_2604 = arith.constant 0 : i32
    %dma_wait3A_2605 = arith.constant 0 : i32
    %dma_wait3A_2606 = tpu.memref_slice %arg2[%dma_wait3A_2604, %dma_wait3A_2605] : memref<100000x1024xf32, #tpu.memory_space<hbm>> -> memref<8x128xf32, #tpu.memory_space<hbm>>
    %dma_wait3A_2607 = arith.constant 0 : i32
    %dma_wait3A_2608 = arith.constant 0 : i32
    %dma_wait3A_2609 = tpu.memref_slice %arg7[%dma_wait3A_2599, %dma_wait3A_2607, %dma_wait3A_2608] : memref<32x8x128xf32, #tpu.memory_space<vmem>> -> memref<1x8x128xf32, #tpu.memory_space<vmem>>
    %dma_wait3A_2610 = tpu.memref_squeeze %dma_wait3A_2609 : memref<1x8x128xf32, #tpu.memory_space<vmem>> -> memref<8x128xf32, #tpu.memory_space<vmem>>
    %dma_wait3A_2611 = arith.constant 0 : i32
    %dma_wait3A_2612 = arith.constant 0 : i32
    %dma_wait3A_2613 = tpu.memref_slice %arg2[%dma_wait3A_2611, %dma_wait3A_2612] : memref<100000x1024xf32, #tpu.memory_space<hbm>> -> memref<8x128xf32, #tpu.memory_space<hbm>>
    tpu.wait_dma2 semaphore(%arg12 : memref<!tpu.dma_semaphore, #tpu.memory_space<semaphore_mem>>) src(%dma_wait3A_2613 : memref<8x128xf32, #tpu.memory_space<hbm>>) dst(%dma_wait3A_2610 : memref<8x128xf32, #tpu.memory_space<vmem>>)
    %dma_wait3A_2614 = arith.constant 11 : i32
    %dma_wait3A_2615 = arith.constant 0 : i32
    %dma_wait3A_2616 = arith.constant 0 : i32
    %dma_wait3A_2617 = tpu.memref_slice %arg7[%dma_wait3A_2614, %dma_wait3A_2615, %dma_wait3A_2616] : memref<32x8x128xf32, #tpu.memory_space<vmem>> -> memref<1x8x128xf32, #tpu.memory_space<vmem>>
    %dma_wait3A_2618 = tpu.memref_squeeze %dma_wait3A_2617 : memref<1x8x128xf32, #tpu.memory_space<vmem>> -> memref<8x128xf32, #tpu.memory_space<vmem>>
    %dma_wait3A_2619 = arith.constant 0 : i32
    %dma_wait3A_2620 = arith.constant 0 : i32
    %dma_wait3A_2621 = tpu.memref_slice %arg2[%dma_wait3A_2619, %dma_wait3A_2620] : memref<100000x1024xf32, #tpu.memory_space<hbm>> -> memref<8x128xf32, #tpu.memory_space<hbm>>
    %dma_wait3A_2622 = arith.constant 0 : i32
    %dma_wait3A_2623 = arith.constant 0 : i32
    %dma_wait3A_2624 = tpu.memref_slice %arg7[%dma_wait3A_2614, %dma_wait3A_2622, %dma_wait3A_2623] : memref<32x8x128xf32, #tpu.memory_space<vmem>> -> memref<1x8x128xf32, #tpu.memory_space<vmem>>
    %dma_wait3A_2625 = tpu.memref_squeeze %dma_wait3A_2624 : memref<1x8x128xf32, #tpu.memory_space<vmem>> -> memref<8x128xf32, #tpu.memory_space<vmem>>
    %dma_wait3A_2626 = arith.constant 0 : i32
    %dma_wait3A_2627 = arith.constant 0 : i32
    %dma_wait3A_2628 = tpu.memref_slice %arg2[%dma_wait3A_2626, %dma_wait3A_2627] : memref<100000x1024xf32, #tpu.memory_space<hbm>> -> memref<8x128xf32, #tpu.memory_space<hbm>>
    tpu.wait_dma2 semaphore(%arg12 : memref<!tpu.dma_semaphore, #tpu.memory_space<semaphore_mem>>) src(%dma_wait3A_2628 : memref<8x128xf32, #tpu.memory_space<hbm>>) dst(%dma_wait3A_2625 : memref<8x128xf32, #tpu.memory_space<vmem>>)
    %dma_wait3A_2629 = arith.constant 12 : i32
    %dma_wait3A_2630 = arith.constant 0 : i32
    %dma_wait3A_2631 = arith.constant 0 : i32
    %dma_wait3A_2632 = tpu.memref_slice %arg7[%dma_wait3A_2629, %dma_wait3A_2630, %dma_wait3A_2631] : memref<32x8x128xf32, #tpu.memory_space<vmem>> -> memref<1x8x128xf32, #tpu.memory_space<vmem>>
    %dma_wait3A_2633 = tpu.memref_squeeze %dma_wait3A_2632 : memref<1x8x128xf32, #tpu.memory_space<vmem>> -> memref<8x128xf32, #tpu.memory_space<vmem>>
    %dma_wait3A_2634 = arith.constant 0 : i32
    %dma_wait3A_2635 = arith.constant 0 : i32
    %dma_wait3A_2636 = tpu.memref_slice %arg2[%dma_wait3A_2634, %dma_wait3A_2635] : memref<100000x1024xf32, #tpu.memory_space<hbm>> -> memref<8x128xf32, #tpu.memory_space<hbm>>
    %dma_wait3A_2637 = arith.constant 0 : i32
    %dma_wait3A_2638 = arith.constant 0 : i32
    %dma_wait3A_2639 = tpu.memref_slice %arg7[%dma_wait3A_2629, %dma_wait3A_2637, %dma_wait3A_2638] : memref<32x8x128xf32, #tpu.memory_space<vmem>> -> memref<1x8x128xf32, #tpu.memory_space<vmem>>
    %dma_wait3A_2640 = tpu.memref_squeeze %dma_wait3A_2639 : memref<1x8x128xf32, #tpu.memory_space<vmem>> -> memref<8x128xf32, #tpu.memory_space<vmem>>
    %dma_wait3A_2641 = arith.constant 0 : i32
    %dma_wait3A_2642 = arith.constant 0 : i32
    %dma_wait3A_2643 = tpu.memref_slice %arg2[%dma_wait3A_2641, %dma_wait3A_2642] : memref<100000x1024xf32, #tpu.memory_space<hbm>> -> memref<8x128xf32, #tpu.memory_space<hbm>>
    tpu.wait_dma2 semaphore(%arg12 : memref<!tpu.dma_semaphore, #tpu.memory_space<semaphore_mem>>) src(%dma_wait3A_2643 : memref<8x128xf32, #tpu.memory_space<hbm>>) dst(%dma_wait3A_2640 : memref<8x128xf32, #tpu.memory_space<vmem>>)
    %dma_wait3A_2644 = arith.constant 13 : i32
    %dma_wait3A_2645 = arith.constant 0 : i32
    %dma_wait3A_2646 = arith.constant 0 : i32
    %dma_wait3A_2647 = tpu.memref_slice %arg7[%dma_wait3A_2644, %dma_wait3A_2645, %dma_wait3A_2646] : memref<32x8x128xf32, #tpu.memory_space<vmem>> -> memref<1x8x128xf32, #tpu.memory_space<vmem>>
    %dma_wait3A_2648 = tpu.memref_squeeze %dma_wait3A_2647 : memref<1x8x128xf32, #tpu.memory_space<vmem>> -> memref<8x128xf32, #tpu.memory_space<vmem>>
    %dma_wait3A_2649 = arith.constant 0 : i32
    %dma_wait3A_2650 = arith.constant 0 : i32
    %dma_wait3A_2651 = tpu.memref_slice %arg2[%dma_wait3A_2649, %dma_wait3A_2650] : memref<100000x1024xf32, #tpu.memory_space<hbm>> -> memref<8x128xf32, #tpu.memory_space<hbm>>
    %dma_wait3A_2652 = arith.constant 0 : i32
    %dma_wait3A_2653 = arith.constant 0 : i32
    %dma_wait3A_2654 = tpu.memref_slice %arg7[%dma_wait3A_2644, %dma_wait3A_2652, %dma_wait3A_2653] : memref<32x8x128xf32, #tpu.memory_space<vmem>> -> memref<1x8x128xf32, #tpu.memory_space<vmem>>
    %dma_wait3A_2655 = tpu.memref_squeeze %dma_wait3A_2654 : memref<1x8x128xf32, #tpu.memory_space<vmem>> -> memref<8x128xf32, #tpu.memory_space<vmem>>
    %dma_wait3A_2656 = arith.constant 0 : i32
    %dma_wait3A_2657 = arith.constant 0 : i32
    %dma_wait3A_2658 = tpu.memref_slice %arg2[%dma_wait3A_2656, %dma_wait3A_2657] : memref<100000x1024xf32, #tpu.memory_space<hbm>> -> memref<8x128xf32, #tpu.memory_space<hbm>>
    tpu.wait_dma2 semaphore(%arg12 : memref<!tpu.dma_semaphore, #tpu.memory_space<semaphore_mem>>) src(%dma_wait3A_2658 : memref<8x128xf32, #tpu.memory_space<hbm>>) dst(%dma_wait3A_2655 : memref<8x128xf32, #tpu.memory_space<vmem>>)
    %dma_wait3A_2659 = arith.constant 14 : i32
    %dma_wait3A_2660 = arith.constant 0 : i32
    %dma_wait3A_2661 = arith.constant 0 : i32
    %dma_wait3A_2662 = tpu.memref_slice %arg7[%dma_wait3A_2659, %dma_wait3A_2660, %dma_wait3A_2661] : memref<32x8x128xf32, #tpu.memory_space<vmem>> -> memref<1x8x128xf32, #tpu.memory_space<vmem>>
    %dma_wait3A_2663 = tpu.memref_squeeze %dma_wait3A_2662 : memref<1x8x128xf32, #tpu.memory_space<vmem>> -> memref<8x128xf32, #tpu.memory_space<vmem>>
    %dma_wait3A_2664 = arith.constant 0 : i32
    %dma_wait3A_2665 = arith.constant 0 : i32
    %dma_wait3A_2666 = tpu.memref_slice %arg2[%dma_wait3A_2664, %dma_wait3A_2665] : memref<100000x1024xf32, #tpu.memory_space<hbm>> -> memref<8x128xf32, #tpu.memory_space<hbm>>
    %dma_wait3A_2667 = arith.constant 0 : i32
    %dma_wait3A_2668 = arith.constant 0 : i32
    %dma_wait3A_2669 = tpu.memref_slice %arg7[%dma_wait3A_2659, %dma_wait3A_2667, %dma_wait3A_2668] : memref<32x8x128xf32, #tpu.memory_space<vmem>> -> memref<1x8x128xf32, #tpu.memory_space<vmem>>
    %dma_wait3A_2670 = tpu.memref_squeeze %dma_wait3A_2669 : memref<1x8x128xf32, #tpu.memory_space<vmem>> -> memref<8x128xf32, #tpu.memory_space<vmem>>
    %dma_wait3A_2671 = arith.constant 0 : i32
    %dma_wait3A_2672 = arith.constant 0 : i32
    %dma_wait3A_2673 = tpu.memref_slice %arg2[%dma_wait3A_2671, %dma_wait3A_2672] : memref<100000x1024xf32, #tpu.memory_space<hbm>> -> memref<8x128xf32, #tpu.memory_space<hbm>>
    tpu.wait_dma2 semaphore(%arg12 : memref<!tpu.dma_semaphore, #tpu.memory_space<semaphore_mem>>) src(%dma_wait3A_2673 : memref<8x128xf32, #tpu.memory_space<hbm>>) dst(%dma_wait3A_2670 : memref<8x128xf32, #tpu.memory_space<vmem>>)
    %dma_wait3A_2674 = arith.constant 15 : i32
    %dma_wait3A_2675 = arith.constant 0 : i32
    %dma_wait3A_2676 = arith.constant 0 : i32
    %dma_wait3A_2677 = tpu.memref_slice %arg7[%dma_wait3A_2674, %dma_wait3A_2675, %dma_wait3A_2676] : memref<32x8x128xf32, #tpu.memory_space<vmem>> -> memref<1x8x128xf32, #tpu.memory_space<vmem>>
    %dma_wait3A_2678 = tpu.memref_squeeze %dma_wait3A_2677 : memref<1x8x128xf32, #tpu.memory_space<vmem>> -> memref<8x128xf32, #tpu.memory_space<vmem>>
    %dma_wait3A_2679 = arith.constant 0 : i32
    %dma_wait3A_2680 = arith.constant 0 : i32
    %dma_wait3A_2681 = tpu.memref_slice %arg2[%dma_wait3A_2679, %dma_wait3A_2680] : memref<100000x1024xf32, #tpu.memory_space<hbm>> -> memref<8x128xf32, #tpu.memory_space<hbm>>
    %dma_wait3A_2682 = arith.constant 0 : i32
    %dma_wait3A_2683 = arith.constant 0 : i32
    %dma_wait3A_2684 = tpu.memref_slice %arg7[%dma_wait3A_2674, %dma_wait3A_2682, %dma_wait3A_2683] : memref<32x8x128xf32, #tpu.memory_space<vmem>> -> memref<1x8x128xf32, #tpu.memory_space<vmem>>
    %dma_wait3A_2685 = tpu.memref_squeeze %dma_wait3A_2684 : memref<1x8x128xf32, #tpu.memory_space<vmem>> -> memref<8x128xf32, #tpu.memory_space<vmem>>
    %dma_wait3A_2686 = arith.constant 0 : i32
    %dma_wait3A_2687 = arith.constant 0 : i32
    %dma_wait3A_2688 = tpu.memref_slice %arg2[%dma_wait3A_2686, %dma_wait3A_2687] : memref<100000x1024xf32, #tpu.memory_space<hbm>> -> memref<8x128xf32, #tpu.memory_space<hbm>>
    tpu.wait_dma2 semaphore(%arg12 : memref<!tpu.dma_semaphore, #tpu.memory_space<semaphore_mem>>) src(%dma_wait3A_2688 : memref<8x128xf32, #tpu.memory_space<hbm>>) dst(%dma_wait3A_2685 : memref<8x128xf32, #tpu.memory_space<vmem>>)
    %dma_wait3A_2689 = arith.constant 16 : i32
    %dma_wait3A_2690 = arith.constant 0 : i32
    %dma_wait3A_2691 = arith.constant 0 : i32
    %dma_wait3A_2692 = tpu.memref_slice %arg7[%dma_wait3A_2689, %dma_wait3A_2690, %dma_wait3A_2691] : memref<32x8x128xf32, #tpu.memory_space<vmem>> -> memref<1x8x128xf32, #tpu.memory_space<vmem>>
    %dma_wait3A_2693 = tpu.memref_squeeze %dma_wait3A_2692 : memref<1x8x128xf32, #tpu.memory_space<vmem>> -> memref<8x128xf32, #tpu.memory_space<vmem>>
    %dma_wait3A_2694 = arith.constant 0 : i32
    %dma_wait3A_2695 = arith.constant 0 : i32
    %dma_wait3A_2696 = tpu.memref_slice %arg2[%dma_wait3A_2694, %dma_wait3A_2695] : memref<100000x1024xf32, #tpu.memory_space<hbm>> -> memref<8x128xf32, #tpu.memory_space<hbm>>
    %dma_wait3A_2697 = arith.constant 0 : i32
    %dma_wait3A_2698 = arith.constant 0 : i32
    %dma_wait3A_2699 = tpu.memref_slice %arg7[%dma_wait3A_2689, %dma_wait3A_2697, %dma_wait3A_2698] : memref<32x8x128xf32, #tpu.memory_space<vmem>> -> memref<1x8x128xf32, #tpu.memory_space<vmem>>
    %dma_wait3A_2700 = tpu.memref_squeeze %dma_wait3A_2699 : memref<1x8x128xf32, #tpu.memory_space<vmem>> -> memref<8x128xf32, #tpu.memory_space<vmem>>
    %dma_wait3A_2701 = arith.constant 0 : i32
    %dma_wait3A_2702 = arith.constant 0 : i32
    %dma_wait3A_2703 = tpu.memref_slice %arg2[%dma_wait3A_2701, %dma_wait3A_2702] : memref<100000x1024xf32, #tpu.memory_space<hbm>> -> memref<8x128xf32, #tpu.memory_space<hbm>>
    tpu.wait_dma2 semaphore(%arg12 : memref<!tpu.dma_semaphore, #tpu.memory_space<semaphore_mem>>) src(%dma_wait3A_2703 : memref<8x128xf32, #tpu.memory_space<hbm>>) dst(%dma_wait3A_2700 : memref<8x128xf32, #tpu.memory_space<vmem>>)
    %dma_wait3A_2704 = arith.constant 17 : i32
    %dma_wait3A_2705 = arith.constant 0 : i32
    %dma_wait3A_2706 = arith.constant 0 : i32
    %dma_wait3A_2707 = tpu.memref_slice %arg7[%dma_wait3A_2704, %dma_wait3A_2705, %dma_wait3A_2706] : memref<32x8x128xf32, #tpu.memory_space<vmem>> -> memref<1x8x128xf32, #tpu.memory_space<vmem>>
    %dma_wait3A_2708 = tpu.memref_squeeze %dma_wait3A_2707 : memref<1x8x128xf32, #tpu.memory_space<vmem>> -> memref<8x128xf32, #tpu.memory_space<vmem>>
    %dma_wait3A_2709 = arith.constant 0 : i32
    %dma_wait3A_2710 = arith.constant 0 : i32
    %dma_wait3A_2711 = tpu.memref_slice %arg2[%dma_wait3A_2709, %dma_wait3A_2710] : memref<100000x1024xf32, #tpu.memory_space<hbm>> -> memref<8x128xf32, #tpu.memory_space<hbm>>
    %dma_wait3A_2712 = arith.constant 0 : i32
    %dma_wait3A_2713 = arith.constant 0 : i32
    %dma_wait3A_2714 = tpu.memref_slice %arg7[%dma_wait3A_2704, %dma_wait3A_2712, %dma_wait3A_2713] : memref<32x8x128xf32, #tpu.memory_space<vmem>> -> memref<1x8x128xf32, #tpu.memory_space<vmem>>
    %dma_wait3A_2715 = tpu.memref_squeeze %dma_wait3A_2714 : memref<1x8x128xf32, #tpu.memory_space<vmem>> -> memref<8x128xf32, #tpu.memory_space<vmem>>
    %dma_wait3A_2716 = arith.constant 0 : i32
    %dma_wait3A_2717 = arith.constant 0 : i32
    %dma_wait3A_2718 = tpu.memref_slice %arg2[%dma_wait3A_2716, %dma_wait3A_2717] : memref<100000x1024xf32, #tpu.memory_space<hbm>> -> memref<8x128xf32, #tpu.memory_space<hbm>>
    tpu.wait_dma2 semaphore(%arg12 : memref<!tpu.dma_semaphore, #tpu.memory_space<semaphore_mem>>) src(%dma_wait3A_2718 : memref<8x128xf32, #tpu.memory_space<hbm>>) dst(%dma_wait3A_2715 : memref<8x128xf32, #tpu.memory_space<vmem>>)
    %dma_wait3A_2719 = arith.constant 18 : i32
    %dma_wait3A_2720 = arith.constant 0 : i32
    %dma_wait3A_2721 = arith.constant 0 : i32
    %dma_wait3A_2722 = tpu.memref_slice %arg7[%dma_wait3A_2719, %dma_wait3A_2720, %dma_wait3A_2721] : memref<32x8x128xf32, #tpu.memory_space<vmem>> -> memref<1x8x128xf32, #tpu.memory_space<vmem>>
    %dma_wait3A_2723 = tpu.memref_squeeze %dma_wait3A_2722 : memref<1x8x128xf32, #tpu.memory_space<vmem>> -> memref<8x128xf32, #tpu.memory_space<vmem>>
    %dma_wait3A_2724 = arith.constant 0 : i32
    %dma_wait3A_2725 = arith.constant 0 : i32
    %dma_wait3A_2726 = tpu.memref_slice %arg2[%dma_wait3A_2724, %dma_wait3A_2725] : memref<100000x1024xf32, #tpu.memory_space<hbm>> -> memref<8x128xf32, #tpu.memory_space<hbm>>
    %dma_wait3A_2727 = arith.constant 0 : i32
    %dma_wait3A_2728 = arith.constant 0 : i32
    %dma_wait3A_2729 = tpu.memref_slice %arg7[%dma_wait3A_2719, %dma_wait3A_2727, %dma_wait3A_2728] : memref<32x8x128xf32, #tpu.memory_space<vmem>> -> memref<1x8x128xf32, #tpu.memory_space<vmem>>
    %dma_wait3A_2730 = tpu.memref_squeeze %dma_wait3A_2729 : memref<1x8x128xf32, #tpu.memory_space<vmem>> -> memref<8x128xf32, #tpu.memory_space<vmem>>
    %dma_wait3A_2731 = arith.constant 0 : i32
    %dma_wait3A_2732 = arith.constant 0 : i32
    %dma_wait3A_2733 = tpu.memref_slice %arg2[%dma_wait3A_2731, %dma_wait3A_2732] : memref<100000x1024xf32, #tpu.memory_space<hbm>> -> memref<8x128xf32, #tpu.memory_space<hbm>>
    tpu.wait_dma2 semaphore(%arg12 : memref<!tpu.dma_semaphore, #tpu.memory_space<semaphore_mem>>) src(%dma_wait3A_2733 : memref<8x128xf32, #tpu.memory_space<hbm>>) dst(%dma_wait3A_2730 : memref<8x128xf32, #tpu.memory_space<vmem>>)
    %dma_wait3A_2734 = arith.constant 19 : i32
    %dma_wait3A_2735 = arith.constant 0 : i32
    %dma_wait3A_2736 = arith.constant 0 : i32
    %dma_wait3A_2737 = tpu.memref_slice %arg7[%dma_wait3A_2734, %dma_wait3A_2735, %dma_wait3A_2736] : memref<32x8x128xf32, #tpu.memory_space<vmem>> -> memref<1x8x128xf32, #tpu.memory_space<vmem>>
    %dma_wait3A_2738 = tpu.memref_squeeze %dma_wait3A_2737 : memref<1x8x128xf32, #tpu.memory_space<vmem>> -> memref<8x128xf32, #tpu.memory_space<vmem>>
    %dma_wait3A_2739 = arith.constant 0 : i32
    %dma_wait3A_2740 = arith.constant 0 : i32
    %dma_wait3A_2741 = tpu.memref_slice %arg2[%dma_wait3A_2739, %dma_wait3A_2740] : memref<100000x1024xf32, #tpu.memory_space<hbm>> -> memref<8x128xf32, #tpu.memory_space<hbm>>
    %dma_wait3A_2742 = arith.constant 0 : i32
    %dma_wait3A_2743 = arith.constant 0 : i32
    %dma_wait3A_2744 = tpu.memref_slice %arg7[%dma_wait3A_2734, %dma_wait3A_2742, %dma_wait3A_2743] : memref<32x8x128xf32, #tpu.memory_space<vmem>> -> memref<1x8x128xf32, #tpu.memory_space<vmem>>
    %dma_wait3A_2745 = tpu.memref_squeeze %dma_wait3A_2744 : memref<1x8x128xf32, #tpu.memory_space<vmem>> -> memref<8x128xf32, #tpu.memory_space<vmem>>
    %dma_wait3A_2746 = arith.constant 0 : i32
    %dma_wait3A_2747 = arith.constant 0 : i32
    %dma_wait3A_2748 = tpu.memref_slice %arg2[%dma_wait3A_2746, %dma_wait3A_2747] : memref<100000x1024xf32, #tpu.memory_space<hbm>> -> memref<8x128xf32, #tpu.memory_space<hbm>>
    tpu.wait_dma2 semaphore(%arg12 : memref<!tpu.dma_semaphore, #tpu.memory_space<semaphore_mem>>) src(%dma_wait3A_2748 : memref<8x128xf32, #tpu.memory_space<hbm>>) dst(%dma_wait3A_2745 : memref<8x128xf32, #tpu.memory_space<vmem>>)
    %dma_wait3A_2749 = arith.constant 20 : i32
    %dma_wait3A_2750 = arith.constant 0 : i32
    %dma_wait3A_2751 = arith.constant 0 : i32
    %dma_wait3A_2752 = tpu.memref_slice %arg7[%dma_wait3A_2749, %dma_wait3A_2750, %dma_wait3A_2751] : memref<32x8x128xf32, #tpu.memory_space<vmem>> -> memref<1x8x128xf32, #tpu.memory_space<vmem>>
    %dma_wait3A_2753 = tpu.memref_squeeze %dma_wait3A_2752 : memref<1x8x128xf32, #tpu.memory_space<vmem>> -> memref<8x128xf32, #tpu.memory_space<vmem>>
    %dma_wait3A_2754 = arith.constant 0 : i32
    %dma_wait3A_2755 = arith.constant 0 : i32
    %dma_wait3A_2756 = tpu.memref_slice %arg2[%dma_wait3A_2754, %dma_wait3A_2755] : memref<100000x1024xf32, #tpu.memory_space<hbm>> -> memref<8x128xf32, #tpu.memory_space<hbm>>
    %dma_wait3A_2757 = arith.constant 0 : i32
    %dma_wait3A_2758 = arith.constant 0 : i32
    %dma_wait3A_2759 = tpu.memref_slice %arg7[%dma_wait3A_2749, %dma_wait3A_2757, %dma_wait3A_2758] : memref<32x8x128xf32, #tpu.memory_space<vmem>> -> memref<1x8x128xf32, #tpu.memory_space<vmem>>
    %dma_wait3A_2760 = tpu.memref_squeeze %dma_wait3A_2759 : memref<1x8x128xf32, #tpu.memory_space<vmem>> -> memref<8x128xf32, #tpu.memory_space<vmem>>
    %dma_wait3A_2761 = arith.constant 0 : i32
    %dma_wait3A_2762 = arith.constant 0 : i32
    %dma_wait3A_2763 = tpu.memref_slice %arg2[%dma_wait3A_2761, %dma_wait3A_2762] : memref<100000x1024xf32, #tpu.memory_space<hbm>> -> memref<8x128xf32, #tpu.memory_space<hbm>>
    tpu.wait_dma2 semaphore(%arg12 : memref<!tpu.dma_semaphore, #tpu.memory_space<semaphore_mem>>) src(%dma_wait3A_2763 : memref<8x128xf32, #tpu.memory_space<hbm>>) dst(%dma_wait3A_2760 : memref<8x128xf32, #tpu.memory_space<vmem>>)
    %dma_wait3A_2764 = arith.constant 21 : i32
    %dma_wait3A_2765 = arith.constant 0 : i32
    %dma_wait3A_2766 = arith.constant 0 : i32
    %dma_wait3A_2767 = tpu.memref_slice %arg7[%dma_wait3A_2764, %dma_wait3A_2765, %dma_wait3A_2766] : memref<32x8x128xf32, #tpu.memory_space<vmem>> -> memref<1x8x128xf32, #tpu.memory_space<vmem>>
    %dma_wait3A_2768 = tpu.memref_squeeze %dma_wait3A_2767 : memref<1x8x128xf32, #tpu.memory_space<vmem>> -> memref<8x128xf32, #tpu.memory_space<vmem>>
    %dma_wait3A_2769 = arith.constant 0 : i32
    %dma_wait3A_2770 = arith.constant 0 : i32
    %dma_wait3A_2771 = tpu.memref_slice %arg2[%dma_wait3A_2769, %dma_wait3A_2770] : memref<100000x1024xf32, #tpu.memory_space<hbm>> -> memref<8x128xf32, #tpu.memory_space<hbm>>
    %dma_wait3A_2772 = arith.constant 0 : i32
    %dma_wait3A_2773 = arith.constant 0 : i32
    %dma_wait3A_2774 = tpu.memref_slice %arg7[%dma_wait3A_2764, %dma_wait3A_2772, %dma_wait3A_2773] : memref<32x8x128xf32, #tpu.memory_space<vmem>> -> memref<1x8x128xf32, #tpu.memory_space<vmem>>
    %dma_wait3A_2775 = tpu.memref_squeeze %dma_wait3A_2774 : memref<1x8x128xf32, #tpu.memory_space<vmem>> -> memref<8x128xf32, #tpu.memory_space<vmem>>
    %dma_wait3A_2776 = arith.constant 0 : i32
    %dma_wait3A_2777 = arith.constant 0 : i32
    %dma_wait3A_2778 = tpu.memref_slice %arg2[%dma_wait3A_2776, %dma_wait3A_2777] : memref<100000x1024xf32, #tpu.memory_space<hbm>> -> memref<8x128xf32, #tpu.memory_space<hbm>>
    tpu.wait_dma2 semaphore(%arg12 : memref<!tpu.dma_semaphore, #tpu.memory_space<semaphore_mem>>) src(%dma_wait3A_2778 : memref<8x128xf32, #tpu.memory_space<hbm>>) dst(%dma_wait3A_2775 : memref<8x128xf32, #tpu.memory_space<vmem>>)
    %dma_wait3A_2779 = arith.constant 22 : i32
    %dma_wait3A_2780 = arith.constant 0 : i32
    %dma_wait3A_2781 = arith.constant 0 : i32
    %dma_wait3A_2782 = tpu.memref_slice %arg7[%dma_wait3A_2779, %dma_wait3A_2780, %dma_wait3A_2781] : memref<32x8x128xf32, #tpu.memory_space<vmem>> -> memref<1x8x128xf32, #tpu.memory_space<vmem>>
    %dma_wait3A_2783 = tpu.memref_squeeze %dma_wait3A_2782 : memref<1x8x128xf32, #tpu.memory_space<vmem>> -> memref<8x128xf32, #tpu.memory_space<vmem>>
    %dma_wait3A_2784 = arith.constant 0 : i32
    %dma_wait3A_2785 = arith.constant 0 : i32
    %dma_wait3A_2786 = tpu.memref_slice %arg2[%dma_wait3A_2784, %dma_wait3A_2785] : memref<100000x1024xf32, #tpu.memory_space<hbm>> -> memref<8x128xf32, #tpu.memory_space<hbm>>
    %dma_wait3A_2787 = arith.constant 0 : i32
    %dma_wait3A_2788 = arith.constant 0 : i32
    %dma_wait3A_2789 = tpu.memref_slice %arg7[%dma_wait3A_2779, %dma_wait3A_2787, %dma_wait3A_2788] : memref<32x8x128xf32, #tpu.memory_space<vmem>> -> memref<1x8x128xf32, #tpu.memory_space<vmem>>
    %dma_wait3A_2790 = tpu.memref_squeeze %dma_wait3A_2789 : memref<1x8x128xf32, #tpu.memory_space<vmem>> -> memref<8x128xf32, #tpu.memory_space<vmem>>
    %dma_wait3A_2791 = arith.constant 0 : i32
    %dma_wait3A_2792 = arith.constant 0 : i32
    %dma_wait3A_2793 = tpu.memref_slice %arg2[%dma_wait3A_2791, %dma_wait3A_2792] : memref<100000x1024xf32, #tpu.memory_space<hbm>> -> memref<8x128xf32, #tpu.memory_space<hbm>>
    tpu.wait_dma2 semaphore(%arg12 : memref<!tpu.dma_semaphore, #tpu.memory_space<semaphore_mem>>) src(%dma_wait3A_2793 : memref<8x128xf32, #tpu.memory_space<hbm>>) dst(%dma_wait3A_2790 : memref<8x128xf32, #tpu.memory_space<vmem>>)
    %dma_wait3A_2794 = arith.constant 23 : i32
    %dma_wait3A_2795 = arith.constant 0 : i32
    %dma_wait3A_2796 = arith.constant 0 : i32
    %dma_wait3A_2797 = tpu.memref_slice %arg7[%dma_wait3A_2794, %dma_wait3A_2795, %dma_wait3A_2796] : memref<32x8x128xf32, #tpu.memory_space<vmem>> -> memref<1x8x128xf32, #tpu.memory_space<vmem>>
    %dma_wait3A_2798 = tpu.memref_squeeze %dma_wait3A_2797 : memref<1x8x128xf32, #tpu.memory_space<vmem>> -> memref<8x128xf32, #tpu.memory_space<vmem>>
    %dma_wait3A_2799 = arith.constant 0 : i32
    %dma_wait3A_2800 = arith.constant 0 : i32
    %dma_wait3A_2801 = tpu.memref_slice %arg2[%dma_wait3A_2799, %dma_wait3A_2800] : memref<100000x1024xf32, #tpu.memory_space<hbm>> -> memref<8x128xf32, #tpu.memory_space<hbm>>
    %dma_wait3A_2802 = arith.constant 0 : i32
    %dma_wait3A_2803 = arith.constant 0 : i32
    %dma_wait3A_2804 = tpu.memref_slice %arg7[%dma_wait3A_2794, %dma_wait3A_2802, %dma_wait3A_2803] : memref<32x8x128xf32, #tpu.memory_space<vmem>> -> memref<1x8x128xf32, #tpu.memory_space<vmem>>
    %dma_wait3A_2805 = tpu.memref_squeeze %dma_wait3A_2804 : memref<1x8x128xf32, #tpu.memory_space<vmem>> -> memref<8x128xf32, #tpu.memory_space<vmem>>
    %dma_wait3A_2806 = arith.constant 0 : i32
    %dma_wait3A_2807 = arith.constant 0 : i32
    %dma_wait3A_2808 = tpu.memref_slice %arg2[%dma_wait3A_2806, %dma_wait3A_2807] : memref<100000x1024xf32, #tpu.memory_space<hbm>> -> memref<8x128xf32, #tpu.memory_space<hbm>>
    tpu.wait_dma2 semaphore(%arg12 : memref<!tpu.dma_semaphore, #tpu.memory_space<semaphore_mem>>) src(%dma_wait3A_2808 : memref<8x128xf32, #tpu.memory_space<hbm>>) dst(%dma_wait3A_2805 : memref<8x128xf32, #tpu.memory_space<vmem>>)
    %dma_wait3A_2809 = arith.constant 24 : i32
    %dma_wait3A_2810 = arith.constant 0 : i32
    %dma_wait3A_2811 = arith.constant 0 : i32
    %dma_wait3A_2812 = tpu.memref_slice %arg7[%dma_wait3A_2809, %dma_wait3A_2810, %dma_wait3A_2811] : memref<32x8x128xf32, #tpu.memory_space<vmem>> -> memref<1x8x128xf32, #tpu.memory_space<vmem>>
    %dma_wait3A_2813 = tpu.memref_squeeze %dma_wait3A_2812 : memref<1x8x128xf32, #tpu.memory_space<vmem>> -> memref<8x128xf32, #tpu.memory_space<vmem>>
    %dma_wait3A_2814 = arith.constant 0 : i32
    %dma_wait3A_2815 = arith.constant 0 : i32
    %dma_wait3A_2816 = tpu.memref_slice %arg2[%dma_wait3A_2814, %dma_wait3A_2815] : memref<100000x1024xf32, #tpu.memory_space<hbm>> -> memref<8x128xf32, #tpu.memory_space<hbm>>
    %dma_wait3A_2817 = arith.constant 0 : i32
    %dma_wait3A_2818 = arith.constant 0 : i32
    %dma_wait3A_2819 = tpu.memref_slice %arg7[%dma_wait3A_2809, %dma_wait3A_2817, %dma_wait3A_2818] : memref<32x8x128xf32, #tpu.memory_space<vmem>> -> memref<1x8x128xf32, #tpu.memory_space<vmem>>
    %dma_wait3A_2820 = tpu.memref_squeeze %dma_wait3A_2819 : memref<1x8x128xf32, #tpu.memory_space<vmem>> -> memref<8x128xf32, #tpu.memory_space<vmem>>
    %dma_wait3A_2821 = arith.constant 0 : i32
    %dma_wait3A_2822 = arith.constant 0 : i32
    %dma_wait3A_2823 = tpu.memref_slice %arg2[%dma_wait3A_2821, %dma_wait3A_2822] : memref<100000x1024xf32, #tpu.memory_space<hbm>> -> memref<8x128xf32, #tpu.memory_space<hbm>>
    tpu.wait_dma2 semaphore(%arg12 : memref<!tpu.dma_semaphore, #tpu.memory_space<semaphore_mem>>) src(%dma_wait3A_2823 : memref<8x128xf32, #tpu.memory_space<hbm>>) dst(%dma_wait3A_2820 : memref<8x128xf32, #tpu.memory_space<vmem>>)
    %dma_wait3A_2824 = arith.constant 25 : i32
    %dma_wait3A_2825 = arith.constant 0 : i32
    %dma_wait3A_2826 = arith.constant 0 : i32
    %dma_wait3A_2827 = tpu.memref_slice %arg7[%dma_wait3A_2824, %dma_wait3A_2825, %dma_wait3A_2826] : memref<32x8x128xf32, #tpu.memory_space<vmem>> -> memref<1x8x128xf32, #tpu.memory_space<vmem>>
    %dma_wait3A_2828 = tpu.memref_squeeze %dma_wait3A_2827 : memref<1x8x128xf32, #tpu.memory_space<vmem>> -> memref<8x128xf32, #tpu.memory_space<vmem>>
    %dma_wait3A_2829 = arith.constant 0 : i32
    %dma_wait3A_2830 = arith.constant 0 : i32
    %dma_wait3A_2831 = tpu.memref_slice %arg2[%dma_wait3A_2829, %dma_wait3A_2830] : memref<100000x1024xf32, #tpu.memory_space<hbm>> -> memref<8x128xf32, #tpu.memory_space<hbm>>
    %dma_wait3A_2832 = arith.constant 0 : i32
    %dma_wait3A_2833 = arith.constant 0 : i32
    %dma_wait3A_2834 = tpu.memref_slice %arg7[%dma_wait3A_2824, %dma_wait3A_2832, %dma_wait3A_2833] : memref<32x8x128xf32, #tpu.memory_space<vmem>> -> memref<1x8x128xf32, #tpu.memory_space<vmem>>
    %dma_wait3A_2835 = tpu.memref_squeeze %dma_wait3A_2834 : memref<1x8x128xf32, #tpu.memory_space<vmem>> -> memref<8x128xf32, #tpu.memory_space<vmem>>
    %dma_wait3A_2836 = arith.constant 0 : i32
    %dma_wait3A_2837 = arith.constant 0 : i32
    %dma_wait3A_2838 = tpu.memref_slice %arg2[%dma_wait3A_2836, %dma_wait3A_2837] : memref<100000x1024xf32, #tpu.memory_space<hbm>> -> memref<8x128xf32, #tpu.memory_space<hbm>>
    tpu.wait_dma2 semaphore(%arg12 : memref<!tpu.dma_semaphore, #tpu.memory_space<semaphore_mem>>) src(%dma_wait3A_2838 : memref<8x128xf32, #tpu.memory_space<hbm>>) dst(%dma_wait3A_2835 : memref<8x128xf32, #tpu.memory_space<vmem>>)
    %dma_wait3A_2839 = arith.constant 26 : i32
    %dma_wait3A_2840 = arith.constant 0 : i32
    %dma_wait3A_2841 = arith.constant 0 : i32
    %dma_wait3A_2842 = tpu.memref_slice %arg7[%dma_wait3A_2839, %dma_wait3A_2840, %dma_wait3A_2841] : memref<32x8x128xf32, #tpu.memory_space<vmem>> -> memref<1x8x128xf32, #tpu.memory_space<vmem>>
    %dma_wait3A_2843 = tpu.memref_squeeze %dma_wait3A_2842 : memref<1x8x128xf32, #tpu.memory_space<vmem>> -> memref<8x128xf32, #tpu.memory_space<vmem>>
    %dma_wait3A_2844 = arith.constant 0 : i32
    %dma_wait3A_2845 = arith.constant 0 : i32
    %dma_wait3A_2846 = tpu.memref_slice %arg2[%dma_wait3A_2844, %dma_wait3A_2845] : memref<100000x1024xf32, #tpu.memory_space<hbm>> -> memref<8x128xf32, #tpu.memory_space<hbm>>
    %dma_wait3A_2847 = arith.constant 0 : i32
    %dma_wait3A_2848 = arith.constant 0 : i32
    %dma_wait3A_2849 = tpu.memref_slice %arg7[%dma_wait3A_2839, %dma_wait3A_2847, %dma_wait3A_2848] : memref<32x8x128xf32, #tpu.memory_space<vmem>> -> memref<1x8x128xf32, #tpu.memory_space<vmem>>
    %dma_wait3A_2850 = tpu.memref_squeeze %dma_wait3A_2849 : memref<1x8x128xf32, #tpu.memory_space<vmem>> -> memref<8x128xf32, #tpu.memory_space<vmem>>
    %dma_wait3A_2851 = arith.constant 0 : i32
    %dma_wait3A_2852 = arith.constant 0 : i32
    %dma_wait3A_2853 = tpu.memref_slice %arg2[%dma_wait3A_2851, %dma_wait3A_2852] : memref<100000x1024xf32, #tpu.memory_space<hbm>> -> memref<8x128xf32, #tpu.memory_space<hbm>>
    tpu.wait_dma2 semaphore(%arg12 : memref<!tpu.dma_semaphore, #tpu.memory_space<semaphore_mem>>) src(%dma_wait3A_2853 : memref<8x128xf32, #tpu.memory_space<hbm>>) dst(%dma_wait3A_2850 : memref<8x128xf32, #tpu.memory_space<vmem>>)
    %dma_wait3A_2854 = arith.constant 27 : i32
    %dma_wait3A_2855 = arith.constant 0 : i32
    %dma_wait3A_2856 = arith.constant 0 : i32
    %dma_wait3A_2857 = tpu.memref_slice %arg7[%dma_wait3A_2854, %dma_wait3A_2855, %dma_wait3A_2856] : memref<32x8x128xf32, #tpu.memory_space<vmem>> -> memref<1x8x128xf32, #tpu.memory_space<vmem>>
    %dma_wait3A_2858 = tpu.memref_squeeze %dma_wait3A_2857 : memref<1x8x128xf32, #tpu.memory_space<vmem>> -> memref<8x128xf32, #tpu.memory_space<vmem>>
    %dma_wait3A_2859 = arith.constant 0 : i32
    %dma_wait3A_2860 = arith.constant 0 : i32
    %dma_wait3A_2861 = tpu.memref_slice %arg2[%dma_wait3A_2859, %dma_wait3A_2860] : memref<100000x1024xf32, #tpu.memory_space<hbm>> -> memref<8x128xf32, #tpu.memory_space<hbm>>
    %dma_wait3A_2862 = arith.constant 0 : i32
    %dma_wait3A_2863 = arith.constant 0 : i32
    %dma_wait3A_2864 = tpu.memref_slice %arg7[%dma_wait3A_2854, %dma_wait3A_2862, %dma_wait3A_2863] : memref<32x8x128xf32, #tpu.memory_space<vmem>> -> memref<1x8x128xf32, #tpu.memory_space<vmem>>
    %dma_wait3A_2865 = tpu.memref_squeeze %dma_wait3A_2864 : memref<1x8x128xf32, #tpu.memory_space<vmem>> -> memref<8x128xf32, #tpu.memory_space<vmem>>
    %dma_wait3A_2866 = arith.constant 0 : i32
    %dma_wait3A_2867 = arith.constant 0 : i32
    %dma_wait3A_2868 = tpu.memref_slice %arg2[%dma_wait3A_2866, %dma_wait3A_2867] : memref<100000x1024xf32, #tpu.memory_space<hbm>> -> memref<8x128xf32, #tpu.memory_space<hbm>>
    tpu.wait_dma2 semaphore(%arg12 : memref<!tpu.dma_semaphore, #tpu.memory_space<semaphore_mem>>) src(%dma_wait3A_2868 : memref<8x128xf32, #tpu.memory_space<hbm>>) dst(%dma_wait3A_2865 : memref<8x128xf32, #tpu.memory_space<vmem>>)
    %dma_wait3A_2869 = arith.constant 28 : i32
    %dma_wait3A_2870 = arith.constant 0 : i32
    %dma_wait3A_2871 = arith.constant 0 : i32
    %dma_wait3A_2872 = tpu.memref_slice %arg7[%dma_wait3A_2869, %dma_wait3A_2870, %dma_wait3A_2871] : memref<32x8x128xf32, #tpu.memory_space<vmem>> -> memref<1x8x128xf32, #tpu.memory_space<vmem>>
    %dma_wait3A_2873 = tpu.memref_squeeze %dma_wait3A_2872 : memref<1x8x128xf32, #tpu.memory_space<vmem>> -> memref<8x128xf32, #tpu.memory_space<vmem>>
    %dma_wait3A_2874 = arith.constant 0 : i32
    %dma_wait3A_2875 = arith.constant 0 : i32
    %dma_wait3A_2876 = tpu.memref_slice %arg2[%dma_wait3A_2874, %dma_wait3A_2875] : memref<100000x1024xf32, #tpu.memory_space<hbm>> -> memref<8x128xf32, #tpu.memory_space<hbm>>
    %dma_wait3A_2877 = arith.constant 0 : i32
    %dma_wait3A_2878 = arith.constant 0 : i32
    %dma_wait3A_2879 = tpu.memref_slice %arg7[%dma_wait3A_2869, %dma_wait3A_2877, %dma_wait3A_2878] : memref<32x8x128xf32, #tpu.memory_space<vmem>> -> memref<1x8x128xf32, #tpu.memory_space<vmem>>
    %dma_wait3A_2880 = tpu.memref_squeeze %dma_wait3A_2879 : memref<1x8x128xf32, #tpu.memory_space<vmem>> -> memref<8x128xf32, #tpu.memory_space<vmem>>
    %dma_wait3A_2881 = arith.constant 0 : i32
    %dma_wait3A_2882 = arith.constant 0 : i32
    %dma_wait3A_2883 = tpu.memref_slice %arg2[%dma_wait3A_2881, %dma_wait3A_2882] : memref<100000x1024xf32, #tpu.memory_space<hbm>> -> memref<8x128xf32, #tpu.memory_space<hbm>>
    tpu.wait_dma2 semaphore(%arg12 : memref<!tpu.dma_semaphore, #tpu.memory_space<semaphore_mem>>) src(%dma_wait3A_2883 : memref<8x128xf32, #tpu.memory_space<hbm>>) dst(%dma_wait3A_2880 : memref<8x128xf32, #tpu.memory_space<vmem>>)
    %dma_wait3A_2884 = arith.constant 29 : i32
    %dma_wait3A_2885 = arith.constant 0 : i32
    %dma_wait3A_2886 = arith.constant 0 : i32
    %dma_wait3A_2887 = tpu.memref_slice %arg7[%dma_wait3A_2884, %dma_wait3A_2885, %dma_wait3A_2886] : memref<32x8x128xf32, #tpu.memory_space<vmem>> -> memref<1x8x128xf32, #tpu.memory_space<vmem>>
    %dma_wait3A_2888 = tpu.memref_squeeze %dma_wait3A_2887 : memref<1x8x128xf32, #tpu.memory_space<vmem>> -> memref<8x128xf32, #tpu.memory_space<vmem>>
    %dma_wait3A_2889 = arith.constant 0 : i32
    %dma_wait3A_2890 = arith.constant 0 : i32
    %dma_wait3A_2891 = tpu.memref_slice %arg2[%dma_wait3A_2889, %dma_wait3A_2890] : memref<100000x1024xf32, #tpu.memory_space<hbm>> -> memref<8x128xf32, #tpu.memory_space<hbm>>
    %dma_wait3A_2892 = arith.constant 0 : i32
    %dma_wait3A_2893 = arith.constant 0 : i32
    %dma_wait3A_2894 = tpu.memref_slice %arg7[%dma_wait3A_2884, %dma_wait3A_2892, %dma_wait3A_2893] : memref<32x8x128xf32, #tpu.memory_space<vmem>> -> memref<1x8x128xf32, #tpu.memory_space<vmem>>
    %dma_wait3A_2895 = tpu.memref_squeeze %dma_wait3A_2894 : memref<1x8x128xf32, #tpu.memory_space<vmem>> -> memref<8x128xf32, #tpu.memory_space<vmem>>
    %dma_wait3A_2896 = arith.constant 0 : i32
    %dma_wait3A_2897 = arith.constant 0 : i32
    %dma_wait3A_2898 = tpu.memref_slice %arg2[%dma_wait3A_2896, %dma_wait3A_2897] : memref<100000x1024xf32, #tpu.memory_space<hbm>> -> memref<8x128xf32, #tpu.memory_space<hbm>>
    tpu.wait_dma2 semaphore(%arg12 : memref<!tpu.dma_semaphore, #tpu.memory_space<semaphore_mem>>) src(%dma_wait3A_2898 : memref<8x128xf32, #tpu.memory_space<hbm>>) dst(%dma_wait3A_2895 : memref<8x128xf32, #tpu.memory_space<vmem>>)
    %dma_wait3A_2899 = arith.constant 30 : i32
    %dma_wait3A_2900 = arith.constant 0 : i32
    %dma_wait3A_2901 = arith.constant 0 : i32
    %dma_wait3A_2902 = tpu.memref_slice %arg7[%dma_wait3A_2899, %dma_wait3A_2900, %dma_wait3A_2901] : memref<32x8x128xf32, #tpu.memory_space<vmem>> -> memref<1x8x128xf32, #tpu.memory_space<vmem>>
    %dma_wait3A_2903 = tpu.memref_squeeze %dma_wait3A_2902 : memref<1x8x128xf32, #tpu.memory_space<vmem>> -> memref<8x128xf32, #tpu.memory_space<vmem>>
    %dma_wait3A_2904 = arith.constant 0 : i32
    %dma_wait3A_2905 = arith.constant 0 : i32
    %dma_wait3A_2906 = tpu.memref_slice %arg2[%dma_wait3A_2904, %dma_wait3A_2905] : memref<100000x1024xf32, #tpu.memory_space<hbm>> -> memref<8x128xf32, #tpu.memory_space<hbm>>
    %dma_wait3A_2907 = arith.constant 0 : i32
    %dma_wait3A_2908 = arith.constant 0 : i32
    %dma_wait3A_2909 = tpu.memref_slice %arg7[%dma_wait3A_2899, %dma_wait3A_2907, %dma_wait3A_2908] : memref<32x8x128xf32, #tpu.memory_space<vmem>> -> memref<1x8x128xf32, #tpu.memory_space<vmem>>
    %dma_wait3A_2910 = tpu.memref_squeeze %dma_wait3A_2909 : memref<1x8x128xf32, #tpu.memory_space<vmem>> -> memref<8x128xf32, #tpu.memory_space<vmem>>
    %dma_wait3A_2911 = arith.constant 0 : i32
    %dma_wait3A_2912 = arith.constant 0 : i32
    %dma_wait3A_2913 = tpu.memref_slice %arg2[%dma_wait3A_2911, %dma_wait3A_2912] : memref<100000x1024xf32, #tpu.memory_space<hbm>> -> memref<8x128xf32, #tpu.memory_space<hbm>>
    tpu.wait_dma2 semaphore(%arg12 : memref<!tpu.dma_semaphore, #tpu.memory_space<semaphore_mem>>) src(%dma_wait3A_2913 : memref<8x128xf32, #tpu.memory_space<hbm>>) dst(%dma_wait3A_2910 : memref<8x128xf32, #tpu.memory_space<vmem>>)
    %dma_wait3A_2914 = arith.constant 31 : i32
    %dma_wait3A_2915 = arith.constant 0 : i32
    %dma_wait3A_2916 = arith.constant 0 : i32
    %dma_wait3A_2917 = tpu.memref_slice %arg7[%dma_wait3A_2914, %dma_wait3A_2915, %dma_wait3A_2916] : memref<32x8x128xf32, #tpu.memory_space<vmem>> -> memref<1x8x128xf32, #tpu.memory_space<vmem>>
    %dma_wait3A_2918 = tpu.memref_squeeze %dma_wait3A_2917 : memref<1x8x128xf32, #tpu.memory_space<vmem>> -> memref<8x128xf32, #tpu.memory_space<vmem>>
    %dma_wait3A_2919 = arith.constant 0 : i32
    %dma_wait3A_2920 = arith.constant 0 : i32
    %dma_wait3A_2921 = tpu.memref_slice %arg2[%dma_wait3A_2919, %dma_wait3A_2920] : memref<100000x1024xf32, #tpu.memory_space<hbm>> -> memref<8x128xf32, #tpu.memory_space<hbm>>
    %dma_wait3A_2922 = arith.constant 0 : i32
    %dma_wait3A_2923 = arith.constant 0 : i32
    %dma_wait3A_2924 = tpu.memref_slice %arg7[%dma_wait3A_2914, %dma_wait3A_2922, %dma_wait3A_2923] : memref<32x8x128xf32, #tpu.memory_space<vmem>> -> memref<1x8x128xf32, #tpu.memory_space<vmem>>
    %dma_wait3A_2925 = tpu.memref_squeeze %dma_wait3A_2924 : memref<1x8x128xf32, #tpu.memory_space<vmem>> -> memref<8x128xf32, #tpu.memory_space<vmem>>
    %dma_wait3A_2926 = arith.constant 0 : i32
    %dma_wait3A_2927 = arith.constant 0 : i32
    %dma_wait3A_2928 = tpu.memref_slice %arg2[%dma_wait3A_2926, %dma_wait3A_2927] : memref<100000x1024xf32, #tpu.memory_space<hbm>> -> memref<8x128xf32, #tpu.memory_space<hbm>>
    tpu.wait_dma2 semaphore(%arg12 : memref<!tpu.dma_semaphore, #tpu.memory_space<semaphore_mem>>) src(%dma_wait3A_2928 : memref<8x128xf32, #tpu.memory_space<hbm>>) dst(%dma_wait3A_2925 : memref<8x128xf32, #tpu.memory_space<vmem>>)
    %broadcast_in_dim3A_2929 = arith.constant 0.000000e+00 : f32
    %broadcast_in_dim3A_2930 = vector.broadcast %broadcast_in_dim3A_2929 : f32 to vector<16xf32>
    %rem3A_2931 = arith.constant 8 : i32
    %rem3A_2932 = arith.remsi %reduce_sum3A_10, %rem3A_2931 : i32
    %add3A_2933 = arith.constant 0 : i32
    %add3A_2934 = arith.addi %mul3A_2, %add3A_2933 : i32
    %rem3A_2935 = arith.constant 128 : i32
    %rem3A_2936 = arith.remsi %add3A_2934, %rem3A_2935 : i32
    %jit3A_2937 = arith.constant 16 : i32
    %div3A_2938 = arith.divsi %rem3A_2936, %jit3A_2937 : i32
    %sign3A_2939 = arith.constant 0 : i32
    %sign3A_2940 = arith.cmpi sgt, %rem3A_2936, %sign3A_2939 : i32
    %sign3A_2941 = arith.extui %sign3A_2940 : i1 to i32
    %sign3A_2942 = arith.constant 0 : i32
    %sign3A_2943 = arith.cmpi slt, %rem3A_2936, %sign3A_2942 : i32
    %sign3A_2944 = arith.extui %sign3A_2943 : i1 to i32
    %sign3A_2945 = arith.subi %sign3A_2941, %sign3A_2944 : i32
    %sign3A_2946 = arith.constant 0 : i32
    %sign3A_2947 = arith.cmpi sgt, %jit3A_2937, %sign3A_2946 : i32
    %sign3A_2948 = arith.extui %sign3A_2947 : i1 to i32
    %sign3A_2949 = arith.constant 0 : i32
    %sign3A_2950 = arith.cmpi slt, %jit3A_2937, %sign3A_2949 : i32
    %sign3A_2951 = arith.extui %sign3A_2950 : i1 to i32
    %sign3A_2952 = arith.subi %sign3A_2948, %sign3A_2951 : i32
    %ne3A_2953 = arith.cmpi ne, %sign3A_2945, %sign3A_2952 : i32
    %rem3A_2954 = arith.remsi %rem3A_2936, %jit3A_2937 : i32
    %ne3A_2955 = arith.constant 0 : i32
    %ne3A_2956 = arith.cmpi ne, %rem3A_2954, %ne3A_2955 : i32
    %and3A_2957 = arith.andi %ne3A_2953, %ne3A_2956 : i1
    %sub3A_2958 = arith.constant 1 : i32
    %sub3A_2959 = arith.subi %div3A_2938, %sub3A_2958 : i32
    %select_n3A_2960 = arith.select %and3A_2957, %sub3A_2959, %div3A_2938 : i32
    %mul3A_2961 = arith.constant 16 : i32
    %mul3A_2962 = arith.muli %select_n3A_2960, %mul3A_2961 : i32
    %get3A_2963 = arith.constant 0 : i32
    %get3A_2964 = arith.index_cast %get3A_2963 : i32 to index
    %get3A_2965 = arith.index_cast %rem3A_2932 : i32 to index
    %get3A_2966 = arith.index_cast %mul3A_2962 : i32 to index
    %get3A_2967 = tpu.vector_load %arg7[%get3A_2964, %get3A_2965, %get3A_2966] {strides = array<i32>} : memref<32x8x128xf32, #tpu.memory_space<vmem>>, vector<16xf32>,
    %eq3A_2968 = arith.constant 0 : i32
    %eq3A_2969 = vector.broadcast %eq3A_2968 : i32 to vector<16xi32>
    %eq3A_2970 = arith.cmpi eq, %iota3A, %eq3A_2969 : vector<16xi32>
    %jit3A_2971 = arith.constant 0.000000e+00 : f32
    %broadcast_in_dim3A_2972 = vector.broadcast %jit3A_2971 : f32 to vector<16xf32>
    %select_n3A_2973 = arith.select %eq3A_2970, %get3A_2967, %broadcast_in_dim3A_2972 : vector<16xi1>, vector<16xf32>
    %reduce_sum3A_2974 = arith.constant true
    %reduce_sum3A_2975 = vector.broadcast %reduce_sum3A_2974 : i1 to vector<16xi1>
    %reduce_sum3A_2976 = tpu.scan <sum>, %select_n3A_2973 masked %reduce_sum3A_2975 : vector<16xf32>, vector<16xi1> -> vector<16xf32>
    %reduce_sum3A_2977 = vector.extract %reduce_sum3A_2976[15] : f32 from vector<16xf32>
    %ne3A_2978 = arith.constant 0 : i32
    %ne3A_2979 = arith.cmpi ne, %reduce_sum3A_10, %ne3A_2978 : i32
    %jit3A_2980 = arith.constant 0.000000e+00 : f32
    %select_n3A_2981 = arith.select %ne3A_2979, %reduce_sum3A_2977, %jit3A_2980 : f32
    %eq3A_2982 = arith.constant 0 : i32
    %eq3A_2983 = vector.broadcast %eq3A_2982 : i32 to vector<16xi32>
    %eq3A_2984 = arith.cmpi eq, %iota3A, %eq3A_2983 : vector<16xi32>
    %broadcast_in_dim3A_2985 = vector.broadcast %select_n3A_2981 : f32 to vector<16xf32>
    %select_n3A_2986 = arith.select %eq3A_2984, %broadcast_in_dim3A_2985, %broadcast_in_dim3A_2930 : vector<16xi1>, vector<16xf32>
    %rem3A_2987 = arith.constant 8 : i32
    %rem3A_2988 = arith.remsi %reduce_sum3A_78, %rem3A_2987 : i32
    %add3A_2989 = arith.constant 1 : i32
    %add3A_2990 = arith.addi %mul3A_2, %add3A_2989 : i32
    %rem3A_2991 = arith.constant 128 : i32
    %rem3A_2992 = arith.remsi %add3A_2990, %rem3A_2991 : i32
    %jit3A_2993 = arith.constant 16 : i32
    %div3A_2994 = arith.divsi %rem3A_2992, %jit3A_2993 : i32
    %sign3A_2995 = arith.constant 0 : i32
    %sign3A_2996 = arith.cmpi sgt, %rem3A_2992, %sign3A_2995 : i32
    %sign3A_2997 = arith.extui %sign3A_2996 : i1 to i32
    %sign3A_2998 = arith.constant 0 : i32
    %sign3A_2999 = arith.cmpi slt, %rem3A_2992, %sign3A_2998 : i32
    %sign3A_3000 = arith.extui %sign3A_2999 : i1 to i32
    %sign3A_3001 = arith.subi %sign3A_2997, %sign3A_3000 : i32
    %sign3A_3002 = arith.constant 0 : i32
    %sign3A_3003 = arith.cmpi sgt, %jit3A_2993, %sign3A_3002 : i32
    %sign3A_3004 = arith.extui %sign3A_3003 : i1 to i32
    %sign3A_3005 = arith.constant 0 : i32
    %sign3A_3006 = arith.cmpi slt, %jit3A_2993, %sign3A_3005 : i32
    %sign3A_3007 = arith.extui %sign3A_3006 : i1 to i32
    %sign3A_3008 = arith.subi %sign3A_3004, %sign3A_3007 : i32
    %ne3A_3009 = arith.cmpi ne, %sign3A_3001, %sign3A_3008 : i32
    %rem3A_3010 = arith.remsi %rem3A_2992, %jit3A_2993 : i32
    %ne3A_3011 = arith.constant 0 : i32
    %ne3A_3012 = arith.cmpi ne, %rem3A_3010, %ne3A_3011 : i32
    %and3A_3013 = arith.andi %ne3A_3009, %ne3A_3012 : i1
    %sub3A_3014 = arith.constant 1 : i32
    %sub3A_3015 = arith.subi %div3A_2994, %sub3A_3014 : i32
    %select_n3A_3016 = arith.select %and3A_3013, %sub3A_3015, %div3A_2994 : i32
    %mul3A_3017 = arith.constant 16 : i32
    %mul3A_3018 = arith.muli %select_n3A_3016, %mul3A_3017 : i32
    %get3A_3019 = arith.constant 1 : i32
    %get3A_3020 = arith.index_cast %get3A_3019 : i32 to index
    %get3A_3021 = arith.index_cast %rem3A_2988 : i32 to index
    %get3A_3022 = arith.index_cast %mul3A_3018 : i32 to index
    %get3A_3023 = tpu.vector_load %arg7[%get3A_3020, %get3A_3021, %get3A_3022] {strides = array<i32>} : memref<32x8x128xf32, #tpu.memory_space<vmem>>, vector<16xf32>,
    %eq3A_3024 = arith.constant 1 : i32
    %eq3A_3025 = vector.broadcast %eq3A_3024 : i32 to vector<16xi32>
    %eq3A_3026 = arith.cmpi eq, %iota3A, %eq3A_3025 : vector<16xi32>
    %jit3A_3027 = arith.constant 0.000000e+00 : f32
    %broadcast_in_dim3A_3028 = vector.broadcast %jit3A_3027 : f32 to vector<16xf32>
    %select_n3A_3029 = arith.select %eq3A_3026, %get3A_3023, %broadcast_in_dim3A_3028 : vector<16xi1>, vector<16xf32>
    %reduce_sum3A_3030 = arith.constant true
    %reduce_sum3A_3031 = vector.broadcast %reduce_sum3A_3030 : i1 to vector<16xi1>
    %reduce_sum3A_3032 = tpu.scan <sum>, %select_n3A_3029 masked %reduce_sum3A_3031 : vector<16xf32>, vector<16xi1> -> vector<16xf32>
    %reduce_sum3A_3033 = vector.extract %reduce_sum3A_3032[15] : f32 from vector<16xf32>
    %ne3A_3034 = arith.constant 0 : i32
    %ne3A_3035 = arith.cmpi ne, %reduce_sum3A_78, %ne3A_3034 : i32
    %jit3A_3036 = arith.constant 0.000000e+00 : f32
    %select_n3A_3037 = arith.select %ne3A_3035, %reduce_sum3A_3033, %jit3A_3036 : f32
    %eq3A_3038 = arith.constant 1 : i32
    %eq3A_3039 = vector.broadcast %eq3A_3038 : i32 to vector<16xi32>
    %eq3A_3040 = arith.cmpi eq, %iota3A, %eq3A_3039 : vector<16xi32>
    %broadcast_in_dim3A_3041 = vector.broadcast %select_n3A_3037 : f32 to vector<16xf32>
    %select_n3A_3042 = arith.select %eq3A_3040, %broadcast_in_dim3A_3041, %select_n3A_2986 : vector<16xi1>, vector<16xf32>
    %rem3A_3043 = arith.constant 8 : i32
    %rem3A_3044 = arith.remsi %reduce_sum3A_153, %rem3A_3043 : i32
    %add3A_3045 = arith.constant 2 : i32
    %add3A_3046 = arith.addi %mul3A_2, %add3A_3045 : i32
    %rem3A_3047 = arith.constant 128 : i32
    %rem3A_3048 = arith.remsi %add3A_3046, %rem3A_3047 : i32
    %jit3A_3049 = arith.constant 16 : i32
    %div3A_3050 = arith.divsi %rem3A_3048, %jit3A_3049 : i32
    %sign3A_3051 = arith.constant 0 : i32
    %sign3A_3052 = arith.cmpi sgt, %rem3A_3048, %sign3A_3051 : i32
    %sign3A_3053 = arith.extui %sign3A_3052 : i1 to i32
    %sign3A_3054 = arith.constant 0 : i32
    %sign3A_3055 = arith.cmpi slt, %rem3A_3048, %sign3A_3054 : i32
    %sign3A_3056 = arith.extui %sign3A_3055 : i1 to i32
    %sign3A_3057 = arith.subi %sign3A_3053, %sign3A_3056 : i32
    %sign3A_3058 = arith.constant 0 : i32
    %sign3A_3059 = arith.cmpi sgt, %jit3A_3049, %sign3A_3058 : i32
    %sign3A_3060 = arith.extui %sign3A_3059 : i1 to i32
    %sign3A_3061 = arith.constant 0 : i32
    %sign3A_3062 = arith.cmpi slt, %jit3A_3049, %sign3A_3061 : i32
    %sign3A_3063 = arith.extui %sign3A_3062 : i1 to i32
    %sign3A_3064 = arith.subi %sign3A_3060, %sign3A_3063 : i32
    %ne3A_3065 = arith.cmpi ne, %sign3A_3057, %sign3A_3064 : i32
    %rem3A_3066 = arith.remsi %rem3A_3048, %jit3A_3049 : i32
    %ne3A_3067 = arith.constant 0 : i32
    %ne3A_3068 = arith.cmpi ne, %rem3A_3066, %ne3A_3067 : i32
    %and3A_3069 = arith.andi %ne3A_3065, %ne3A_3068 : i1
    %sub3A_3070 = arith.constant 1 : i32
    %sub3A_3071 = arith.subi %div3A_3050, %sub3A_3070 : i32
    %select_n3A_3072 = arith.select %and3A_3069, %sub3A_3071, %div3A_3050 : i32
    %mul3A_3073 = arith.constant 16 : i32
    %mul3A_3074 = arith.muli %select_n3A_3072, %mul3A_3073 : i32
    %get3A_3075 = arith.constant 2 : i32
    %get3A_3076 = arith.index_cast %get3A_3075 : i32 to index
    %get3A_3077 = arith.index_cast %rem3A_3044 : i32 to index
    %get3A_3078 = arith.index_cast %mul3A_3074 : i32 to index
    %get3A_3079 = tpu.vector_load %arg7[%get3A_3076, %get3A_3077, %get3A_3078] {strides = array<i32>} : memref<32x8x128xf32, #tpu.memory_space<vmem>>, vector<16xf32>,
    %eq3A_3080 = arith.constant 2 : i32
    %eq3A_3081 = vector.broadcast %eq3A_3080 : i32 to vector<16xi32>
    %eq3A_3082 = arith.cmpi eq, %iota3A, %eq3A_3081 : vector<16xi32>
    %jit3A_3083 = arith.constant 0.000000e+00 : f32
    %broadcast_in_dim3A_3084 = vector.broadcast %jit3A_3083 : f32 to vector<16xf32>
    %select_n3A_3085 = arith.select %eq3A_3082, %get3A_3079, %broadcast_in_dim3A_3084 : vector<16xi1>, vector<16xf32>
    %reduce_sum3A_3086 = arith.constant true
    %reduce_sum3A_3087 = vector.broadcast %reduce_sum3A_3086 : i1 to vector<16xi1>
    %reduce_sum3A_3088 = tpu.scan <sum>, %select_n3A_3085 masked %reduce_sum3A_3087 : vector<16xf32>, vector<16xi1> -> vector<16xf32>
    %reduce_sum3A_3089 = vector.extract %reduce_sum3A_3088[15] : f32 from vector<16xf32>
    %ne3A_3090 = arith.constant 0 : i32
    %ne3A_3091 = arith.cmpi ne, %reduce_sum3A_153, %ne3A_3090 : i32
    %jit3A_3092 = arith.constant 0.000000e+00 : f32
    %select_n3A_3093 = arith.select %ne3A_3091, %reduce_sum3A_3089, %jit3A_3092 : f32
    %eq3A_3094 = arith.constant 2 : i32
    %eq3A_3095 = vector.broadcast %eq3A_3094 : i32 to vector<16xi32>
    %eq3A_3096 = arith.cmpi eq, %iota3A, %eq3A_3095 : vector<16xi32>
    %broadcast_in_dim3A_3097 = vector.broadcast %select_n3A_3093 : f32 to vector<16xf32>
    %select_n3A_3098 = arith.select %eq3A_3096, %broadcast_in_dim3A_3097, %select_n3A_3042 : vector<16xi1>, vector<16xf32>
    %rem3A_3099 = arith.constant 8 : i32
    %rem3A_3100 = arith.remsi %reduce_sum3A_228, %rem3A_3099 : i32
    %add3A_3101 = arith.constant 3 : i32
    %add3A_3102 = arith.addi %mul3A_2, %add3A_3101 : i32
    %rem3A_3103 = arith.constant 128 : i32
    %rem3A_3104 = arith.remsi %add3A_3102, %rem3A_3103 : i32
    %jit3A_3105 = arith.constant 16 : i32
    %div3A_3106 = arith.divsi %rem3A_3104, %jit3A_3105 : i32
    %sign3A_3107 = arith.constant 0 : i32
    %sign3A_3108 = arith.cmpi sgt, %rem3A_3104, %sign3A_3107 : i32
    %sign3A_3109 = arith.extui %sign3A_3108 : i1 to i32
    %sign3A_3110 = arith.constant 0 : i32
    %sign3A_3111 = arith.cmpi slt, %rem3A_3104, %sign3A_3110 : i32
    %sign3A_3112 = arith.extui %sign3A_3111 : i1 to i32
    %sign3A_3113 = arith.subi %sign3A_3109, %sign3A_3112 : i32
    %sign3A_3114 = arith.constant 0 : i32
    %sign3A_3115 = arith.cmpi sgt, %jit3A_3105, %sign3A_3114 : i32
    %sign3A_3116 = arith.extui %sign3A_3115 : i1 to i32
    %sign3A_3117 = arith.constant 0 : i32
    %sign3A_3118 = arith.cmpi slt, %jit3A_3105, %sign3A_3117 : i32
    %sign3A_3119 = arith.extui %sign3A_3118 : i1 to i32
    %sign3A_3120 = arith.subi %sign3A_3116, %sign3A_3119 : i32
    %ne3A_3121 = arith.cmpi ne, %sign3A_3113, %sign3A_3120 : i32
    %rem3A_3122 = arith.remsi %rem3A_3104, %jit3A_3105 : i32
    %ne3A_3123 = arith.constant 0 : i32
    %ne3A_3124 = arith.cmpi ne, %rem3A_3122, %ne3A_3123 : i32
    %and3A_3125 = arith.andi %ne3A_3121, %ne3A_3124 : i1
    %sub3A_3126 = arith.constant 1 : i32
    %sub3A_3127 = arith.subi %div3A_3106, %sub3A_3126 : i32
    %select_n3A_3128 = arith.select %and3A_3125, %sub3A_3127, %div3A_3106 : i32
    %mul3A_3129 = arith.constant 16 : i32
    %mul3A_3130 = arith.muli %select_n3A_3128, %mul3A_3129 : i32
    %get3A_3131 = arith.constant 3 : i32
    %get3A_3132 = arith.index_cast %get3A_3131 : i32 to index
    %get3A_3133 = arith.index_cast %rem3A_3100 : i32 to index
    %get3A_3134 = arith.index_cast %mul3A_3130 : i32 to index
    %get3A_3135 = tpu.vector_load %arg7[%get3A_3132, %get3A_3133, %get3A_3134] {strides = array<i32>} : memref<32x8x128xf32, #tpu.memory_space<vmem>>, vector<16xf32>,
    %eq3A_3136 = arith.constant 3 : i32
    %eq3A_3137 = vector.broadcast %eq3A_3136 : i32 to vector<16xi32>
    %eq3A_3138 = arith.cmpi eq, %iota3A, %eq3A_3137 : vector<16xi32>
    %jit3A_3139 = arith.constant 0.000000e+00 : f32
    %broadcast_in_dim3A_3140 = vector.broadcast %jit3A_3139 : f32 to vector<16xf32>
    %select_n3A_3141 = arith.select %eq3A_3138, %get3A_3135, %broadcast_in_dim3A_3140 : vector<16xi1>, vector<16xf32>
    %reduce_sum3A_3142 = arith.constant true
    %reduce_sum3A_3143 = vector.broadcast %reduce_sum3A_3142 : i1 to vector<16xi1>
    %reduce_sum3A_3144 = tpu.scan <sum>, %select_n3A_3141 masked %reduce_sum3A_3143 : vector<16xf32>, vector<16xi1> -> vector<16xf32>
    %reduce_sum3A_3145 = vector.extract %reduce_sum3A_3144[15] : f32 from vector<16xf32>
    %ne3A_3146 = arith.constant 0 : i32
    %ne3A_3147 = arith.cmpi ne, %reduce_sum3A_228, %ne3A_3146 : i32
    %jit3A_3148 = arith.constant 0.000000e+00 : f32
    %select_n3A_3149 = arith.select %ne3A_3147, %reduce_sum3A_3145, %jit3A_3148 : f32
    %eq3A_3150 = arith.constant 3 : i32
    %eq3A_3151 = vector.broadcast %eq3A_3150 : i32 to vector<16xi32>
    %eq3A_3152 = arith.cmpi eq, %iota3A, %eq3A_3151 : vector<16xi32>
    %broadcast_in_dim3A_3153 = vector.broadcast %select_n3A_3149 : f32 to vector<16xf32>
    %select_n3A_3154 = arith.select %eq3A_3152, %broadcast_in_dim3A_3153, %select_n3A_3098 : vector<16xi1>, vector<16xf32>
    %rem3A_3155 = arith.constant 8 : i32
    %rem3A_3156 = arith.remsi %reduce_sum3A_303, %rem3A_3155 : i32
    %add3A_3157 = arith.constant 4 : i32
    %add3A_3158 = arith.addi %mul3A_2, %add3A_3157 : i32
    %rem3A_3159 = arith.constant 128 : i32
    %rem3A_3160 = arith.remsi %add3A_3158, %rem3A_3159 : i32
    %jit3A_3161 = arith.constant 16 : i32
    %div3A_3162 = arith.divsi %rem3A_3160, %jit3A_3161 : i32
    %sign3A_3163 = arith.constant 0 : i32
    %sign3A_3164 = arith.cmpi sgt, %rem3A_3160, %sign3A_3163 : i32
    %sign3A_3165 = arith.extui %sign3A_3164 : i1 to i32
    %sign3A_3166 = arith.constant 0 : i32
    %sign3A_3167 = arith.cmpi slt, %rem3A_3160, %sign3A_3166 : i32
    %sign3A_3168 = arith.extui %sign3A_3167 : i1 to i32
    %sign3A_3169 = arith.subi %sign3A_3165, %sign3A_3168 : i32
    %sign3A_3170 = arith.constant 0 : i32
    %sign3A_3171 = arith.cmpi sgt, %jit3A_3161, %sign3A_3170 : i32
    %sign3A_3172 = arith.extui %sign3A_3171 : i1 to i32
    %sign3A_3173 = arith.constant 0 : i32
    %sign3A_3174 = arith.cmpi slt, %jit3A_3161, %sign3A_3173 : i32
    %sign3A_3175 = arith.extui %sign3A_3174 : i1 to i32
    %sign3A_3176 = arith.subi %sign3A_3172, %sign3A_3175 : i32
    %ne3A_3177 = arith.cmpi ne, %sign3A_3169, %sign3A_3176 : i32
    %rem3A_3178 = arith.remsi %rem3A_3160, %jit3A_3161 : i32
    %ne3A_3179 = arith.constant 0 : i32
    %ne3A_3180 = arith.cmpi ne, %rem3A_3178, %ne3A_3179 : i32
    %and3A_3181 = arith.andi %ne3A_3177, %ne3A_3180 : i1
    %sub3A_3182 = arith.constant 1 : i32
    %sub3A_3183 = arith.subi %div3A_3162, %sub3A_3182 : i32
    %select_n3A_3184 = arith.select %and3A_3181, %sub3A_3183, %div3A_3162 : i32
    %mul3A_3185 = arith.constant 16 : i32
    %mul3A_3186 = arith.muli %select_n3A_3184, %mul3A_3185 : i32
    %get3A_3187 = arith.constant 4 : i32
    %get3A_3188 = arith.index_cast %get3A_3187 : i32 to index
    %get3A_3189 = arith.index_cast %rem3A_3156 : i32 to index
    %get3A_3190 = arith.index_cast %mul3A_3186 : i32 to index
    %get3A_3191 = tpu.vector_load %arg7[%get3A_3188, %get3A_3189, %get3A_3190] {strides = array<i32>} : memref<32x8x128xf32, #tpu.memory_space<vmem>>, vector<16xf32>,
    %eq3A_3192 = arith.constant 4 : i32
    %eq3A_3193 = vector.broadcast %eq3A_3192 : i32 to vector<16xi32>
    %eq3A_3194 = arith.cmpi eq, %iota3A, %eq3A_3193 : vector<16xi32>
    %jit3A_3195 = arith.constant 0.000000e+00 : f32
    %broadcast_in_dim3A_3196 = vector.broadcast %jit3A_3195 : f32 to vector<16xf32>
    %select_n3A_3197 = arith.select %eq3A_3194, %get3A_3191, %broadcast_in_dim3A_3196 : vector<16xi1>, vector<16xf32>
    %reduce_sum3A_3198 = arith.constant true
    %reduce_sum3A_3199 = vector.broadcast %reduce_sum3A_3198 : i1 to vector<16xi1>
    %reduce_sum3A_3200 = tpu.scan <sum>, %select_n3A_3197 masked %reduce_sum3A_3199 : vector<16xf32>, vector<16xi1> -> vector<16xf32>
    %reduce_sum3A_3201 = vector.extract %reduce_sum3A_3200[15] : f32 from vector<16xf32>
    %ne3A_3202 = arith.constant 0 : i32
    %ne3A_3203 = arith.cmpi ne, %reduce_sum3A_303, %ne3A_3202 : i32
    %jit3A_3204 = arith.constant 0.000000e+00 : f32
    %select_n3A_3205 = arith.select %ne3A_3203, %reduce_sum3A_3201, %jit3A_3204 : f32
    %eq3A_3206 = arith.constant 4 : i32
    %eq3A_3207 = vector.broadcast %eq3A_3206 : i32 to vector<16xi32>
    %eq3A_3208 = arith.cmpi eq, %iota3A, %eq3A_3207 : vector<16xi32>
    %broadcast_in_dim3A_3209 = vector.broadcast %select_n3A_3205 : f32 to vector<16xf32>
    %select_n3A_3210 = arith.select %eq3A_3208, %broadcast_in_dim3A_3209, %select_n3A_3154 : vector<16xi1>, vector<16xf32>
    %rem3A_3211 = arith.constant 8 : i32
    %rem3A_3212 = arith.remsi %reduce_sum3A_378, %rem3A_3211 : i32
    %add3A_3213 = arith.constant 5 : i32
    %add3A_3214 = arith.addi %mul3A_2, %add3A_3213 : i32
    %rem3A_3215 = arith.constant 128 : i32
    %rem3A_3216 = arith.remsi %add3A_3214, %rem3A_3215 : i32
    %jit3A_3217 = arith.constant 16 : i32
    %div3A_3218 = arith.divsi %rem3A_3216, %jit3A_3217 : i32
    %sign3A_3219 = arith.constant 0 : i32
    %sign3A_3220 = arith.cmpi sgt, %rem3A_3216, %sign3A_3219 : i32
    %sign3A_3221 = arith.extui %sign3A_3220 : i1 to i32
    %sign3A_3222 = arith.constant 0 : i32
    %sign3A_3223 = arith.cmpi slt, %rem3A_3216, %sign3A_3222 : i32
    %sign3A_3224 = arith.extui %sign3A_3223 : i1 to i32
    %sign3A_3225 = arith.subi %sign3A_3221, %sign3A_3224 : i32
    %sign3A_3226 = arith.constant 0 : i32
    %sign3A_3227 = arith.cmpi sgt, %jit3A_3217, %sign3A_3226 : i32
    %sign3A_3228 = arith.extui %sign3A_3227 : i1 to i32
    %sign3A_3229 = arith.constant 0 : i32
    %sign3A_3230 = arith.cmpi slt, %jit3A_3217, %sign3A_3229 : i32
    %sign3A_3231 = arith.extui %sign3A_3230 : i1 to i32
    %sign3A_3232 = arith.subi %sign3A_3228, %sign3A_3231 : i32
    %ne3A_3233 = arith.cmpi ne, %sign3A_3225, %sign3A_3232 : i32
    %rem3A_3234 = arith.remsi %rem3A_3216, %jit3A_3217 : i32
    %ne3A_3235 = arith.constant 0 : i32
    %ne3A_3236 = arith.cmpi ne, %rem3A_3234, %ne3A_3235 : i32
    %and3A_3237 = arith.andi %ne3A_3233, %ne3A_3236 : i1
    %sub3A_3238 = arith.constant 1 : i32
    %sub3A_3239 = arith.subi %div3A_3218, %sub3A_3238 : i32
    %select_n3A_3240 = arith.select %and3A_3237, %sub3A_3239, %div3A_3218 : i32
    %mul3A_3241 = arith.constant 16 : i32
    %mul3A_3242 = arith.muli %select_n3A_3240, %mul3A_3241 : i32
    %get3A_3243 = arith.constant 5 : i32
    %get3A_3244 = arith.index_cast %get3A_3243 : i32 to index
    %get3A_3245 = arith.index_cast %rem3A_3212 : i32 to index
    %get3A_3246 = arith.index_cast %mul3A_3242 : i32 to index
    %get3A_3247 = tpu.vector_load %arg7[%get3A_3244, %get3A_3245, %get3A_3246] {strides = array<i32>} : memref<32x8x128xf32, #tpu.memory_space<vmem>>, vector<16xf32>,
    %eq3A_3248 = arith.constant 5 : i32
    %eq3A_3249 = vector.broadcast %eq3A_3248 : i32 to vector<16xi32>
    %eq3A_3250 = arith.cmpi eq, %iota3A, %eq3A_3249 : vector<16xi32>
    %jit3A_3251 = arith.constant 0.000000e+00 : f32
    %broadcast_in_dim3A_3252 = vector.broadcast %jit3A_3251 : f32 to vector<16xf32>
    %select_n3A_3253 = arith.select %eq3A_3250, %get3A_3247, %broadcast_in_dim3A_3252 : vector<16xi1>, vector<16xf32>
    %reduce_sum3A_3254 = arith.constant true
    %reduce_sum3A_3255 = vector.broadcast %reduce_sum3A_3254 : i1 to vector<16xi1>
    %reduce_sum3A_3256 = tpu.scan <sum>, %select_n3A_3253 masked %reduce_sum3A_3255 : vector<16xf32>, vector<16xi1> -> vector<16xf32>
    %reduce_sum3A_3257 = vector.extract %reduce_sum3A_3256[15] : f32 from vector<16xf32>
    %ne3A_3258 = arith.constant 0 : i32
    %ne3A_3259 = arith.cmpi ne, %reduce_sum3A_378, %ne3A_3258 : i32
    %jit3A_3260 = arith.constant 0.000000e+00 : f32
    %select_n3A_3261 = arith.select %ne3A_3259, %reduce_sum3A_3257, %jit3A_3260 : f32
    %eq3A_3262 = arith.constant 5 : i32
    %eq3A_3263 = vector.broadcast %eq3A_3262 : i32 to vector<16xi32>
    %eq3A_3264 = arith.cmpi eq, %iota3A, %eq3A_3263 : vector<16xi32>
    %broadcast_in_dim3A_3265 = vector.broadcast %select_n3A_3261 : f32 to vector<16xf32>
    %select_n3A_3266 = arith.select %eq3A_3264, %broadcast_in_dim3A_3265, %select_n3A_3210 : vector<16xi1>, vector<16xf32>
    %rem3A_3267 = arith.constant 8 : i32
    %rem3A_3268 = arith.remsi %reduce_sum3A_453, %rem3A_3267 : i32
    %add3A_3269 = arith.constant 6 : i32
    %add3A_3270 = arith.addi %mul3A_2, %add3A_3269 : i32
    %rem3A_3271 = arith.constant 128 : i32
    %rem3A_3272 = arith.remsi %add3A_3270, %rem3A_3271 : i32
    %jit3A_3273 = arith.constant 16 : i32
    %div3A_3274 = arith.divsi %rem3A_3272, %jit3A_3273 : i32
    %sign3A_3275 = arith.constant 0 : i32
    %sign3A_3276 = arith.cmpi sgt, %rem3A_3272, %sign3A_3275 : i32
    %sign3A_3277 = arith.extui %sign3A_3276 : i1 to i32
    %sign3A_3278 = arith.constant 0 : i32
    %sign3A_3279 = arith.cmpi slt, %rem3A_3272, %sign3A_3278 : i32
    %sign3A_3280 = arith.extui %sign3A_3279 : i1 to i32
    %sign3A_3281 = arith.subi %sign3A_3277, %sign3A_3280 : i32
    %sign3A_3282 = arith.constant 0 : i32
    %sign3A_3283 = arith.cmpi sgt, %jit3A_3273, %sign3A_3282 : i32
    %sign3A_3284 = arith.extui %sign3A_3283 : i1 to i32
    %sign3A_3285 = arith.constant 0 : i32
    %sign3A_3286 = arith.cmpi slt, %jit3A_3273, %sign3A_3285 : i32
    %sign3A_3287 = arith.extui %sign3A_3286 : i1 to i32
    %sign3A_3288 = arith.subi %sign3A_3284, %sign3A_3287 : i32
    %ne3A_3289 = arith.cmpi ne, %sign3A_3281, %sign3A_3288 : i32
    %rem3A_3290 = arith.remsi %rem3A_3272, %jit3A_3273 : i32
    %ne3A_3291 = arith.constant 0 : i32
    %ne3A_3292 = arith.cmpi ne, %rem3A_3290, %ne3A_3291 : i32
    %and3A_3293 = arith.andi %ne3A_3289, %ne3A_3292 : i1
    %sub3A_3294 = arith.constant 1 : i32
    %sub3A_3295 = arith.subi %div3A_3274, %sub3A_3294 : i32
    %select_n3A_3296 = arith.select %and3A_3293, %sub3A_3295, %div3A_3274 : i32
    %mul3A_3297 = arith.constant 16 : i32
    %mul3A_3298 = arith.muli %select_n3A_3296, %mul3A_3297 : i32
    %get3A_3299 = arith.constant 6 : i32
    %get3A_3300 = arith.index_cast %get3A_3299 : i32 to index
    %get3A_3301 = arith.index_cast %rem3A_3268 : i32 to index
    %get3A_3302 = arith.index_cast %mul3A_3298 : i32 to index
    %get3A_3303 = tpu.vector_load %arg7[%get3A_3300, %get3A_3301, %get3A_3302] {strides = array<i32>} : memref<32x8x128xf32, #tpu.memory_space<vmem>>, vector<16xf32>,
    %eq3A_3304 = arith.constant 6 : i32
    %eq3A_3305 = vector.broadcast %eq3A_3304 : i32 to vector<16xi32>
    %eq3A_3306 = arith.cmpi eq, %iota3A, %eq3A_3305 : vector<16xi32>
    %jit3A_3307 = arith.constant 0.000000e+00 : f32
    %broadcast_in_dim3A_3308 = vector.broadcast %jit3A_3307 : f32 to vector<16xf32>
    %select_n3A_3309 = arith.select %eq3A_3306, %get3A_3303, %broadcast_in_dim3A_3308 : vector<16xi1>, vector<16xf32>
    %reduce_sum3A_3310 = arith.constant true
    %reduce_sum3A_3311 = vector.broadcast %reduce_sum3A_3310 : i1 to vector<16xi1>
    %reduce_sum3A_3312 = tpu.scan <sum>, %select_n3A_3309 masked %reduce_sum3A_3311 : vector<16xf32>, vector<16xi1> -> vector<16xf32>
    %reduce_sum3A_3313 = vector.extract %reduce_sum3A_3312[15] : f32 from vector<16xf32>
    %ne3A_3314 = arith.constant 0 : i32
    %ne3A_3315 = arith.cmpi ne, %reduce_sum3A_453, %ne3A_3314 : i32
    %jit3A_3316 = arith.constant 0.000000e+00 : f32
    %select_n3A_3317 = arith.select %ne3A_3315, %reduce_sum3A_3313, %jit3A_3316 : f32
    %eq3A_3318 = arith.constant 6 : i32
    %eq3A_3319 = vector.broadcast %eq3A_3318 : i32 to vector<16xi32>
    %eq3A_3320 = arith.cmpi eq, %iota3A, %eq3A_3319 : vector<16xi32>
    %broadcast_in_dim3A_3321 = vector.broadcast %select_n3A_3317 : f32 to vector<16xf32>
    %select_n3A_3322 = arith.select %eq3A_3320, %broadcast_in_dim3A_3321, %select_n3A_3266 : vector<16xi1>, vector<16xf32>
    %rem3A_3323 = arith.constant 8 : i32
    %rem3A_3324 = arith.remsi %reduce_sum3A_528, %rem3A_3323 : i32
    %add3A_3325 = arith.constant 7 : i32
    %add3A_3326 = arith.addi %mul3A_2, %add3A_3325 : i32
    %rem3A_3327 = arith.constant 128 : i32
    %rem3A_3328 = arith.remsi %add3A_3326, %rem3A_3327 : i32
    %jit3A_3329 = arith.constant 16 : i32
    %div3A_3330 = arith.divsi %rem3A_3328, %jit3A_3329 : i32
    %sign3A_3331 = arith.constant 0 : i32
    %sign3A_3332 = arith.cmpi sgt, %rem3A_3328, %sign3A_3331 : i32
    %sign3A_3333 = arith.extui %sign3A_3332 : i1 to i32
    %sign3A_3334 = arith.constant 0 : i32
    %sign3A_3335 = arith.cmpi slt, %rem3A_3328, %sign3A_3334 : i32
    %sign3A_3336 = arith.extui %sign3A_3335 : i1 to i32
    %sign3A_3337 = arith.subi %sign3A_3333, %sign3A_3336 : i32
    %sign3A_3338 = arith.constant 0 : i32
    %sign3A_3339 = arith.cmpi sgt, %jit3A_3329, %sign3A_3338 : i32
    %sign3A_3340 = arith.extui %sign3A_3339 : i1 to i32
    %sign3A_3341 = arith.constant 0 : i32
    %sign3A_3342 = arith.cmpi slt, %jit3A_3329, %sign3A_3341 : i32
    %sign3A_3343 = arith.extui %sign3A_3342 : i1 to i32
    %sign3A_3344 = arith.subi %sign3A_3340, %sign3A_3343 : i32
    %ne3A_3345 = arith.cmpi ne, %sign3A_3337, %sign3A_3344 : i32
    %rem3A_3346 = arith.remsi %rem3A_3328, %jit3A_3329 : i32
    %ne3A_3347 = arith.constant 0 : i32
    %ne3A_3348 = arith.cmpi ne, %rem3A_3346, %ne3A_3347 : i32
    %and3A_3349 = arith.andi %ne3A_3345, %ne3A_3348 : i1
    %sub3A_3350 = arith.constant 1 : i32
    %sub3A_3351 = arith.subi %div3A_3330, %sub3A_3350 : i32
    %select_n3A_3352 = arith.select %and3A_3349, %sub3A_3351, %div3A_3330 : i32
    %mul3A_3353 = arith.constant 16 : i32
    %mul3A_3354 = arith.muli %select_n3A_3352, %mul3A_3353 : i32
    %get3A_3355 = arith.constant 7 : i32
    %get3A_3356 = arith.index_cast %get3A_3355 : i32 to index
    %get3A_3357 = arith.index_cast %rem3A_3324 : i32 to index
    %get3A_3358 = arith.index_cast %mul3A_3354 : i32 to index
    %get3A_3359 = tpu.vector_load %arg7[%get3A_3356, %get3A_3357, %get3A_3358] {strides = array<i32>} : memref<32x8x128xf32, #tpu.memory_space<vmem>>, vector<16xf32>,
    %eq3A_3360 = arith.constant 7 : i32
    %eq3A_3361 = vector.broadcast %eq3A_3360 : i32 to vector<16xi32>
    %eq3A_3362 = arith.cmpi eq, %iota3A, %eq3A_3361 : vector<16xi32>
    %jit3A_3363 = arith.constant 0.000000e+00 : f32
    %broadcast_in_dim3A_3364 = vector.broadcast %jit3A_3363 : f32 to vector<16xf32>
    %select_n3A_3365 = arith.select %eq3A_3362, %get3A_3359, %broadcast_in_dim3A_3364 : vector<16xi1>, vector<16xf32>
    %reduce_sum3A_3366 = arith.constant true
    %reduce_sum3A_3367 = vector.broadcast %reduce_sum3A_3366 : i1 to vector<16xi1>
    %reduce_sum3A_3368 = tpu.scan <sum>, %select_n3A_3365 masked %reduce_sum3A_3367 : vector<16xf32>, vector<16xi1> -> vector<16xf32>
    %reduce_sum3A_3369 = vector.extract %reduce_sum3A_3368[15] : f32 from vector<16xf32>
    %ne3A_3370 = arith.constant 0 : i32
    %ne3A_3371 = arith.cmpi ne, %reduce_sum3A_528, %ne3A_3370 : i32
    %jit3A_3372 = arith.constant 0.000000e+00 : f32
    %select_n3A_3373 = arith.select %ne3A_3371, %reduce_sum3A_3369, %jit3A_3372 : f32
    %eq3A_3374 = arith.constant 7 : i32
    %eq3A_3375 = vector.broadcast %eq3A_3374 : i32 to vector<16xi32>
    %eq3A_3376 = arith.cmpi eq, %iota3A, %eq3A_3375 : vector<16xi32>
    %broadcast_in_dim3A_3377 = vector.broadcast %select_n3A_3373 : f32 to vector<16xf32>
    %select_n3A_3378 = arith.select %eq3A_3376, %broadcast_in_dim3A_3377, %select_n3A_3322 : vector<16xi1>, vector<16xf32>
    %rem3A_3379 = arith.constant 8 : i32
    %rem3A_3380 = arith.remsi %reduce_sum3A_603, %rem3A_3379 : i32
    %add3A_3381 = arith.constant 8 : i32
    %add3A_3382 = arith.addi %mul3A_2, %add3A_3381 : i32
    %rem3A_3383 = arith.constant 128 : i32
    %rem3A_3384 = arith.remsi %add3A_3382, %rem3A_3383 : i32
    %jit3A_3385 = arith.constant 16 : i32
    %div3A_3386 = arith.divsi %rem3A_3384, %jit3A_3385 : i32
    %sign3A_3387 = arith.constant 0 : i32
    %sign3A_3388 = arith.cmpi sgt, %rem3A_3384, %sign3A_3387 : i32
    %sign3A_3389 = arith.extui %sign3A_3388 : i1 to i32
    %sign3A_3390 = arith.constant 0 : i32
    %sign3A_3391 = arith.cmpi slt, %rem3A_3384, %sign3A_3390 : i32
    %sign3A_3392 = arith.extui %sign3A_3391 : i1 to i32
    %sign3A_3393 = arith.subi %sign3A_3389, %sign3A_3392 : i32
    %sign3A_3394 = arith.constant 0 : i32
    %sign3A_3395 = arith.cmpi sgt, %jit3A_3385, %sign3A_3394 : i32
    %sign3A_3396 = arith.extui %sign3A_3395 : i1 to i32
    %sign3A_3397 = arith.constant 0 : i32
    %sign3A_3398 = arith.cmpi slt, %jit3A_3385, %sign3A_3397 : i32
    %sign3A_3399 = arith.extui %sign3A_3398 : i1 to i32
    %sign3A_3400 = arith.subi %sign3A_3396, %sign3A_3399 : i32
    %ne3A_3401 = arith.cmpi ne, %sign3A_3393, %sign3A_3400 : i32
    %rem3A_3402 = arith.remsi %rem3A_3384, %jit3A_3385 : i32
    %ne3A_3403 = arith.constant 0 : i32
    %ne3A_3404 = arith.cmpi ne, %rem3A_3402, %ne3A_3403 : i32
    %and3A_3405 = arith.andi %ne3A_3401, %ne3A_3404 : i1
    %sub3A_3406 = arith.constant 1 : i32
    %sub3A_3407 = arith.subi %div3A_3386, %sub3A_3406 : i32
    %select_n3A_3408 = arith.select %and3A_3405, %sub3A_3407, %div3A_3386 : i32
    %mul3A_3409 = arith.constant 16 : i32
    %mul3A_3410 = arith.muli %select_n3A_3408, %mul3A_3409 : i32
    %get3A_3411 = arith.constant 8 : i32
    %get3A_3412 = arith.index_cast %get3A_3411 : i32 to index
    %get3A_3413 = arith.index_cast %rem3A_3380 : i32 to index
    %get3A_3414 = arith.index_cast %mul3A_3410 : i32 to index
    %get3A_3415 = tpu.vector_load %arg7[%get3A_3412, %get3A_3413, %get3A_3414] {strides = array<i32>} : memref<32x8x128xf32, #tpu.memory_space<vmem>>, vector<16xf32>,
    %eq3A_3416 = arith.constant 8 : i32
    %eq3A_3417 = vector.broadcast %eq3A_3416 : i32 to vector<16xi32>
    %eq3A_3418 = arith.cmpi eq, %iota3A, %eq3A_3417 : vector<16xi32>
    %jit3A_3419 = arith.constant 0.000000e+00 : f32
    %broadcast_in_dim3A_3420 = vector.broadcast %jit3A_3419 : f32 to vector<16xf32>
    %select_n3A_3421 = arith.select %eq3A_3418, %get3A_3415, %broadcast_in_dim3A_3420 : vector<16xi1>, vector<16xf32>
    %reduce_sum3A_3422 = arith.constant true
    %reduce_sum3A_3423 = vector.broadcast %reduce_sum3A_3422 : i1 to vector<16xi1>
    %reduce_sum3A_3424 = tpu.scan <sum>, %select_n3A_3421 masked %reduce_sum3A_3423 : vector<16xf32>, vector<16xi1> -> vector<16xf32>
    %reduce_sum3A_3425 = vector.extract %reduce_sum3A_3424[15] : f32 from vector<16xf32>
    %ne3A_3426 = arith.constant 0 : i32
    %ne3A_3427 = arith.cmpi ne, %reduce_sum3A_603, %ne3A_3426 : i32
    %jit3A_3428 = arith.constant 0.000000e+00 : f32
    %select_n3A_3429 = arith.select %ne3A_3427, %reduce_sum3A_3425, %jit3A_3428 : f32
    %eq3A_3430 = arith.constant 8 : i32
    %eq3A_3431 = vector.broadcast %eq3A_3430 : i32 to vector<16xi32>
    %eq3A_3432 = arith.cmpi eq, %iota3A, %eq3A_3431 : vector<16xi32>
    %broadcast_in_dim3A_3433 = vector.broadcast %select_n3A_3429 : f32 to vector<16xf32>
    %select_n3A_3434 = arith.select %eq3A_3432, %broadcast_in_dim3A_3433, %select_n3A_3378 : vector<16xi1>, vector<16xf32>
    %rem3A_3435 = arith.constant 8 : i32
    %rem3A_3436 = arith.remsi %reduce_sum3A_678, %rem3A_3435 : i32
    %add3A_3437 = arith.constant 9 : i32
    %add3A_3438 = arith.addi %mul3A_2, %add3A_3437 : i32
    %rem3A_3439 = arith.constant 128 : i32
    %rem3A_3440 = arith.remsi %add3A_3438, %rem3A_3439 : i32
    %jit3A_3441 = arith.constant 16 : i32
    %div3A_3442 = arith.divsi %rem3A_3440, %jit3A_3441 : i32
    %sign3A_3443 = arith.constant 0 : i32
    %sign3A_3444 = arith.cmpi sgt, %rem3A_3440, %sign3A_3443 : i32
    %sign3A_3445 = arith.extui %sign3A_3444 : i1 to i32
    %sign3A_3446 = arith.constant 0 : i32
    %sign3A_3447 = arith.cmpi slt, %rem3A_3440, %sign3A_3446 : i32
    %sign3A_3448 = arith.extui %sign3A_3447 : i1 to i32
    %sign3A_3449 = arith.subi %sign3A_3445, %sign3A_3448 : i32
    %sign3A_3450 = arith.constant 0 : i32
    %sign3A_3451 = arith.cmpi sgt, %jit3A_3441, %sign3A_3450 : i32
    %sign3A_3452 = arith.extui %sign3A_3451 : i1 to i32
    %sign3A_3453 = arith.constant 0 : i32
    %sign3A_3454 = arith.cmpi slt, %jit3A_3441, %sign3A_3453 : i32
    %sign3A_3455 = arith.extui %sign3A_3454 : i1 to i32
    %sign3A_3456 = arith.subi %sign3A_3452, %sign3A_3455 : i32
    %ne3A_3457 = arith.cmpi ne, %sign3A_3449, %sign3A_3456 : i32
    %rem3A_3458 = arith.remsi %rem3A_3440, %jit3A_3441 : i32
    %ne3A_3459 = arith.constant 0 : i32
    %ne3A_3460 = arith.cmpi ne, %rem3A_3458, %ne3A_3459 : i32
    %and3A_3461 = arith.andi %ne3A_3457, %ne3A_3460 : i1
    %sub3A_3462 = arith.constant 1 : i32
    %sub3A_3463 = arith.subi %div3A_3442, %sub3A_3462 : i32
    %select_n3A_3464 = arith.select %and3A_3461, %sub3A_3463, %div3A_3442 : i32
    %mul3A_3465 = arith.constant 16 : i32
    %mul3A_3466 = arith.muli %select_n3A_3464, %mul3A_3465 : i32
    %get3A_3467 = arith.constant 9 : i32
    %get3A_3468 = arith.index_cast %get3A_3467 : i32 to index
    %get3A_3469 = arith.index_cast %rem3A_3436 : i32 to index
    %get3A_3470 = arith.index_cast %mul3A_3466 : i32 to index
    %get3A_3471 = tpu.vector_load %arg7[%get3A_3468, %get3A_3469, %get3A_3470] {strides = array<i32>} : memref<32x8x128xf32, #tpu.memory_space<vmem>>, vector<16xf32>,
    %eq3A_3472 = arith.constant 9 : i32
    %eq3A_3473 = vector.broadcast %eq3A_3472 : i32 to vector<16xi32>
    %eq3A_3474 = arith.cmpi eq, %iota3A, %eq3A_3473 : vector<16xi32>
    %jit3A_3475 = arith.constant 0.000000e+00 : f32
    %broadcast_in_dim3A_3476 = vector.broadcast %jit3A_3475 : f32 to vector<16xf32>
    %select_n3A_3477 = arith.select %eq3A_3474, %get3A_3471, %broadcast_in_dim3A_3476 : vector<16xi1>, vector<16xf32>
    %reduce_sum3A_3478 = arith.constant true
    %reduce_sum3A_3479 = vector.broadcast %reduce_sum3A_3478 : i1 to vector<16xi1>
    %reduce_sum3A_3480 = tpu.scan <sum>, %select_n3A_3477 masked %reduce_sum3A_3479 : vector<16xf32>, vector<16xi1> -> vector<16xf32>
    %reduce_sum3A_3481 = vector.extract %reduce_sum3A_3480[15] : f32 from vector<16xf32>
    %ne3A_3482 = arith.constant 0 : i32
    %ne3A_3483 = arith.cmpi ne, %reduce_sum3A_678, %ne3A_3482 : i32
    %jit3A_3484 = arith.constant 0.000000e+00 : f32
    %select_n3A_3485 = arith.select %ne3A_3483, %reduce_sum3A_3481, %jit3A_3484 : f32
    %eq3A_3486 = arith.constant 9 : i32
    %eq3A_3487 = vector.broadcast %eq3A_3486 : i32 to vector<16xi32>
    %eq3A_3488 = arith.cmpi eq, %iota3A, %eq3A_3487 : vector<16xi32>
    %broadcast_in_dim3A_3489 = vector.broadcast %select_n3A_3485 : f32 to vector<16xf32>
    %select_n3A_3490 = arith.select %eq3A_3488, %broadcast_in_dim3A_3489, %select_n3A_3434 : vector<16xi1>, vector<16xf32>
    %rem3A_3491 = arith.constant 8 : i32
    %rem3A_3492 = arith.remsi %reduce_sum3A_753, %rem3A_3491 : i32
    %add3A_3493 = arith.constant 10 : i32
    %add3A_3494 = arith.addi %mul3A_2, %add3A_3493 : i32
    %rem3A_3495 = arith.constant 128 : i32
    %rem3A_3496 = arith.remsi %add3A_3494, %rem3A_3495 : i32
    %jit3A_3497 = arith.constant 16 : i32
    %div3A_3498 = arith.divsi %rem3A_3496, %jit3A_3497 : i32
    %sign3A_3499 = arith.constant 0 : i32
    %sign3A_3500 = arith.cmpi sgt, %rem3A_3496, %sign3A_3499 : i32
    %sign3A_3501 = arith.extui %sign3A_3500 : i1 to i32
    %sign3A_3502 = arith.constant 0 : i32
    %sign3A_3503 = arith.cmpi slt, %rem3A_3496, %sign3A_3502 : i32
    %sign3A_3504 = arith.extui %sign3A_3503 : i1 to i32
    %sign3A_3505 = arith.subi %sign3A_3501, %sign3A_3504 : i32
    %sign3A_3506 = arith.constant 0 : i32
    %sign3A_3507 = arith.cmpi sgt, %jit3A_3497, %sign3A_3506 : i32
    %sign3A_3508 = arith.extui %sign3A_3507 : i1 to i32
    %sign3A_3509 = arith.constant 0 : i32
    %sign3A_3510 = arith.cmpi slt, %jit3A_3497, %sign3A_3509 : i32
    %sign3A_3511 = arith.extui %sign3A_3510 : i1 to i32
    %sign3A_3512 = arith.subi %sign3A_3508, %sign3A_3511 : i32
    %ne3A_3513 = arith.cmpi ne, %sign3A_3505, %sign3A_3512 : i32
    %rem3A_3514 = arith.remsi %rem3A_3496, %jit3A_3497 : i32
    %ne3A_3515 = arith.constant 0 : i32
    %ne3A_3516 = arith.cmpi ne, %rem3A_3514, %ne3A_3515 : i32
    %and3A_3517 = arith.andi %ne3A_3513, %ne3A_3516 : i1
    %sub3A_3518 = arith.constant 1 : i32
    %sub3A_3519 = arith.subi %div3A_3498, %sub3A_3518 : i32
    %select_n3A_3520 = arith.select %and3A_3517, %sub3A_3519, %div3A_3498 : i32
    %mul3A_3521 = arith.constant 16 : i32
    %mul3A_3522 = arith.muli %select_n3A_3520, %mul3A_3521 : i32
    %get3A_3523 = arith.constant 10 : i32
    %get3A_3524 = arith.index_cast %get3A_3523 : i32 to index
    %get3A_3525 = arith.index_cast %rem3A_3492 : i32 to index
    %get3A_3526 = arith.index_cast %mul3A_3522 : i32 to index
    %get3A_3527 = tpu.vector_load %arg7[%get3A_3524, %get3A_3525, %get3A_3526] {strides = array<i32>} : memref<32x8x128xf32, #tpu.memory_space<vmem>>, vector<16xf32>,
    %eq3A_3528 = arith.constant 10 : i32
    %eq3A_3529 = vector.broadcast %eq3A_3528 : i32 to vector<16xi32>
    %eq3A_3530 = arith.cmpi eq, %iota3A, %eq3A_3529 : vector<16xi32>
    %jit3A_3531 = arith.constant 0.000000e+00 : f32
    %broadcast_in_dim3A_3532 = vector.broadcast %jit3A_3531 : f32 to vector<16xf32>
    %select_n3A_3533 = arith.select %eq3A_3530, %get3A_3527, %broadcast_in_dim3A_3532 : vector<16xi1>, vector<16xf32>
    %reduce_sum3A_3534 = arith.constant true
    %reduce_sum3A_3535 = vector.broadcast %reduce_sum3A_3534 : i1 to vector<16xi1>
    %reduce_sum3A_3536 = tpu.scan <sum>, %select_n3A_3533 masked %reduce_sum3A_3535 : vector<16xf32>, vector<16xi1> -> vector<16xf32>
    %reduce_sum3A_3537 = vector.extract %reduce_sum3A_3536[15] : f32 from vector<16xf32>
    %ne3A_3538 = arith.constant 0 : i32
    %ne3A_3539 = arith.cmpi ne, %reduce_sum3A_753, %ne3A_3538 : i32
    %jit3A_3540 = arith.constant 0.000000e+00 : f32
    %select_n3A_3541 = arith.select %ne3A_3539, %reduce_sum3A_3537, %jit3A_3540 : f32
    %eq3A_3542 = arith.constant 10 : i32
    %eq3A_3543 = vector.broadcast %eq3A_3542 : i32 to vector<16xi32>
    %eq3A_3544 = arith.cmpi eq, %iota3A, %eq3A_3543 : vector<16xi32>
    %broadcast_in_dim3A_3545 = vector.broadcast %select_n3A_3541 : f32 to vector<16xf32>
    %select_n3A_3546 = arith.select %eq3A_3544, %broadcast_in_dim3A_3545, %select_n3A_3490 : vector<16xi1>, vector<16xf32>
    %rem3A_3547 = arith.constant 8 : i32
    %rem3A_3548 = arith.remsi %reduce_sum3A_828, %rem3A_3547 : i32
    %add3A_3549 = arith.constant 11 : i32
    %add3A_3550 = arith.addi %mul3A_2, %add3A_3549 : i32
    %rem3A_3551 = arith.constant 128 : i32
    %rem3A_3552 = arith.remsi %add3A_3550, %rem3A_3551 : i32
    %jit3A_3553 = arith.constant 16 : i32
    %div3A_3554 = arith.divsi %rem3A_3552, %jit3A_3553 : i32
    %sign3A_3555 = arith.constant 0 : i32
    %sign3A_3556 = arith.cmpi sgt, %rem3A_3552, %sign3A_3555 : i32
    %sign3A_3557 = arith.extui %sign3A_3556 : i1 to i32
    %sign3A_3558 = arith.constant 0 : i32
    %sign3A_3559 = arith.cmpi slt, %rem3A_3552, %sign3A_3558 : i32
    %sign3A_3560 = arith.extui %sign3A_3559 : i1 to i32
    %sign3A_3561 = arith.subi %sign3A_3557, %sign3A_3560 : i32
    %sign3A_3562 = arith.constant 0 : i32
    %sign3A_3563 = arith.cmpi sgt, %jit3A_3553, %sign3A_3562 : i32
    %sign3A_3564 = arith.extui %sign3A_3563 : i1 to i32
    %sign3A_3565 = arith.constant 0 : i32
    %sign3A_3566 = arith.cmpi slt, %jit3A_3553, %sign3A_3565 : i32
    %sign3A_3567 = arith.extui %sign3A_3566 : i1 to i32
    %sign3A_3568 = arith.subi %sign3A_3564, %sign3A_3567 : i32
    %ne3A_3569 = arith.cmpi ne, %sign3A_3561, %sign3A_3568 : i32
    %rem3A_3570 = arith.remsi %rem3A_3552, %jit3A_3553 : i32
    %ne3A_3571 = arith.constant 0 : i32
    %ne3A_3572 = arith.cmpi ne, %rem3A_3570, %ne3A_3571 : i32
    %and3A_3573 = arith.andi %ne3A_3569, %ne3A_3572 : i1
    %sub3A_3574 = arith.constant 1 : i32
    %sub3A_3575 = arith.subi %div3A_3554, %sub3A_3574 : i32
    %select_n3A_3576 = arith.select %and3A_3573, %sub3A_3575, %div3A_3554 : i32
    %mul3A_3577 = arith.constant 16 : i32
    %mul3A_3578 = arith.muli %select_n3A_3576, %mul3A_3577 : i32
    %get3A_3579 = arith.constant 11 : i32
    %get3A_3580 = arith.index_cast %get3A_3579 : i32 to index
    %get3A_3581 = arith.index_cast %rem3A_3548 : i32 to index
    %get3A_3582 = arith.index_cast %mul3A_3578 : i32 to index
    %get3A_3583 = tpu.vector_load %arg7[%get3A_3580, %get3A_3581, %get3A_3582] {strides = array<i32>} : memref<32x8x128xf32, #tpu.memory_space<vmem>>, vector<16xf32>,
    %eq3A_3584 = arith.constant 11 : i32
    %eq3A_3585 = vector.broadcast %eq3A_3584 : i32 to vector<16xi32>
    %eq3A_3586 = arith.cmpi eq, %iota3A, %eq3A_3585 : vector<16xi32>
    %jit3A_3587 = arith.constant 0.000000e+00 : f32
    %broadcast_in_dim3A_3588 = vector.broadcast %jit3A_3587 : f32 to vector<16xf32>
    %select_n3A_3589 = arith.select %eq3A_3586, %get3A_3583, %broadcast_in_dim3A_3588 : vector<16xi1>, vector<16xf32>
    %reduce_sum3A_3590 = arith.constant true
    %reduce_sum3A_3591 = vector.broadcast %reduce_sum3A_3590 : i1 to vector<16xi1>
    %reduce_sum3A_3592 = tpu.scan <sum>, %select_n3A_3589 masked %reduce_sum3A_3591 : vector<16xf32>, vector<16xi1> -> vector<16xf32>
    %reduce_sum3A_3593 = vector.extract %reduce_sum3A_3592[15] : f32 from vector<16xf32>
    %ne3A_3594 = arith.constant 0 : i32
    %ne3A_3595 = arith.cmpi ne, %reduce_sum3A_828, %ne3A_3594 : i32
    %jit3A_3596 = arith.constant 0.000000e+00 : f32
    %select_n3A_3597 = arith.select %ne3A_3595, %reduce_sum3A_3593, %jit3A_3596 : f32
    %eq3A_3598 = arith.constant 11 : i32
    %eq3A_3599 = vector.broadcast %eq3A_3598 : i32 to vector<16xi32>
    %eq3A_3600 = arith.cmpi eq, %iota3A, %eq3A_3599 : vector<16xi32>
    %broadcast_in_dim3A_3601 = vector.broadcast %select_n3A_3597 : f32 to vector<16xf32>
    %select_n3A_3602 = arith.select %eq3A_3600, %broadcast_in_dim3A_3601, %select_n3A_3546 : vector<16xi1>, vector<16xf32>
    %rem3A_3603 = arith.constant 8 : i32
    %rem3A_3604 = arith.remsi %reduce_sum3A_903, %rem3A_3603 : i32
    %add3A_3605 = arith.constant 12 : i32
    %add3A_3606 = arith.addi %mul3A_2, %add3A_3605 : i32
    %rem3A_3607 = arith.constant 128 : i32
    %rem3A_3608 = arith.remsi %add3A_3606, %rem3A_3607 : i32
    %jit3A_3609 = arith.constant 16 : i32
    %div3A_3610 = arith.divsi %rem3A_3608, %jit3A_3609 : i32
    %sign3A_3611 = arith.constant 0 : i32
    %sign3A_3612 = arith.cmpi sgt, %rem3A_3608, %sign3A_3611 : i32
    %sign3A_3613 = arith.extui %sign3A_3612 : i1 to i32
    %sign3A_3614 = arith.constant 0 : i32
    %sign3A_3615 = arith.cmpi slt, %rem3A_3608, %sign3A_3614 : i32
    %sign3A_3616 = arith.extui %sign3A_3615 : i1 to i32
    %sign3A_3617 = arith.subi %sign3A_3613, %sign3A_3616 : i32
    %sign3A_3618 = arith.constant 0 : i32
    %sign3A_3619 = arith.cmpi sgt, %jit3A_3609, %sign3A_3618 : i32
    %sign3A_3620 = arith.extui %sign3A_3619 : i1 to i32
    %sign3A_3621 = arith.constant 0 : i32
    %sign3A_3622 = arith.cmpi slt, %jit3A_3609, %sign3A_3621 : i32
    %sign3A_3623 = arith.extui %sign3A_3622 : i1 to i32
    %sign3A_3624 = arith.subi %sign3A_3620, %sign3A_3623 : i32
    %ne3A_3625 = arith.cmpi ne, %sign3A_3617, %sign3A_3624 : i32
    %rem3A_3626 = arith.remsi %rem3A_3608, %jit3A_3609 : i32
    %ne3A_3627 = arith.constant 0 : i32
    %ne3A_3628 = arith.cmpi ne, %rem3A_3626, %ne3A_3627 : i32
    %and3A_3629 = arith.andi %ne3A_3625, %ne3A_3628 : i1
    %sub3A_3630 = arith.constant 1 : i32
    %sub3A_3631 = arith.subi %div3A_3610, %sub3A_3630 : i32
    %select_n3A_3632 = arith.select %and3A_3629, %sub3A_3631, %div3A_3610 : i32
    %mul3A_3633 = arith.constant 16 : i32
    %mul3A_3634 = arith.muli %select_n3A_3632, %mul3A_3633 : i32
    %get3A_3635 = arith.constant 12 : i32
    %get3A_3636 = arith.index_cast %get3A_3635 : i32 to index
    %get3A_3637 = arith.index_cast %rem3A_3604 : i32 to index
    %get3A_3638 = arith.index_cast %mul3A_3634 : i32 to index
    %get3A_3639 = tpu.vector_load %arg7[%get3A_3636, %get3A_3637, %get3A_3638] {strides = array<i32>} : memref<32x8x128xf32, #tpu.memory_space<vmem>>, vector<16xf32>,
    %eq3A_3640 = arith.constant 12 : i32
    %eq3A_3641 = vector.broadcast %eq3A_3640 : i32 to vector<16xi32>
    %eq3A_3642 = arith.cmpi eq, %iota3A, %eq3A_3641 : vector<16xi32>
    %jit3A_3643 = arith.constant 0.000000e+00 : f32
    %broadcast_in_dim3A_3644 = vector.broadcast %jit3A_3643 : f32 to vector<16xf32>
    %select_n3A_3645 = arith.select %eq3A_3642, %get3A_3639, %broadcast_in_dim3A_3644 : vector<16xi1>, vector<16xf32>
    %reduce_sum3A_3646 = arith.constant true
    %reduce_sum3A_3647 = vector.broadcast %reduce_sum3A_3646 : i1 to vector<16xi1>
    %reduce_sum3A_3648 = tpu.scan <sum>, %select_n3A_3645 masked %reduce_sum3A_3647 : vector<16xf32>, vector<16xi1> -> vector<16xf32>
    %reduce_sum3A_3649 = vector.extract %reduce_sum3A_3648[15] : f32 from vector<16xf32>
    %ne3A_3650 = arith.constant 0 : i32
    %ne3A_3651 = arith.cmpi ne, %reduce_sum3A_903, %ne3A_3650 : i32
    %jit3A_3652 = arith.constant 0.000000e+00 : f32
    %select_n3A_3653 = arith.select %ne3A_3651, %reduce_sum3A_3649, %jit3A_3652 : f32
    %eq3A_3654 = arith.constant 12 : i32
    %eq3A_3655 = vector.broadcast %eq3A_3654 : i32 to vector<16xi32>
    %eq3A_3656 = arith.cmpi eq, %iota3A, %eq3A_3655 : vector<16xi32>
    %broadcast_in_dim3A_3657 = vector.broadcast %select_n3A_3653 : f32 to vector<16xf32>
    %select_n3A_3658 = arith.select %eq3A_3656, %broadcast_in_dim3A_3657, %select_n3A_3602 : vector<16xi1>, vector<16xf32>
    %rem3A_3659 = arith.constant 8 : i32
    %rem3A_3660 = arith.remsi %reduce_sum3A_978, %rem3A_3659 : i32
    %add3A_3661 = arith.constant 13 : i32
    %add3A_3662 = arith.addi %mul3A_2, %add3A_3661 : i32
    %rem3A_3663 = arith.constant 128 : i32
    %rem3A_3664 = arith.remsi %add3A_3662, %rem3A_3663 : i32
    %jit3A_3665 = arith.constant 16 : i32
    %div3A_3666 = arith.divsi %rem3A_3664, %jit3A_3665 : i32
    %sign3A_3667 = arith.constant 0 : i32
    %sign3A_3668 = arith.cmpi sgt, %rem3A_3664, %sign3A_3667 : i32
    %sign3A_3669 = arith.extui %sign3A_3668 : i1 to i32
    %sign3A_3670 = arith.constant 0 : i32
    %sign3A_3671 = arith.cmpi slt, %rem3A_3664, %sign3A_3670 : i32
    %sign3A_3672 = arith.extui %sign3A_3671 : i1 to i32
    %sign3A_3673 = arith.subi %sign3A_3669, %sign3A_3672 : i32
    %sign3A_3674 = arith.constant 0 : i32
    %sign3A_3675 = arith.cmpi sgt, %jit3A_3665, %sign3A_3674 : i32
    %sign3A_3676 = arith.extui %sign3A_3675 : i1 to i32
    %sign3A_3677 = arith.constant 0 : i32
    %sign3A_3678 = arith.cmpi slt, %jit3A_3665, %sign3A_3677 : i32
    %sign3A_3679 = arith.extui %sign3A_3678 : i1 to i32
    %sign3A_3680 = arith.subi %sign3A_3676, %sign3A_3679 : i32
    %ne3A_3681 = arith.cmpi ne, %sign3A_3673, %sign3A_3680 : i32
    %rem3A_3682 = arith.remsi %rem3A_3664, %jit3A_3665 : i32
    %ne3A_3683 = arith.constant 0 : i32
    %ne3A_3684 = arith.cmpi ne, %rem3A_3682, %ne3A_3683 : i32
    %and3A_3685 = arith.andi %ne3A_3681, %ne3A_3684 : i1
    %sub3A_3686 = arith.constant 1 : i32
    %sub3A_3687 = arith.subi %div3A_3666, %sub3A_3686 : i32
    %select_n3A_3688 = arith.select %and3A_3685, %sub3A_3687, %div3A_3666 : i32
    %mul3A_3689 = arith.constant 16 : i32
    %mul3A_3690 = arith.muli %select_n3A_3688, %mul3A_3689 : i32
    %get3A_3691 = arith.constant 13 : i32
    %get3A_3692 = arith.index_cast %get3A_3691 : i32 to index
    %get3A_3693 = arith.index_cast %rem3A_3660 : i32 to index
    %get3A_3694 = arith.index_cast %mul3A_3690 : i32 to index
    %get3A_3695 = tpu.vector_load %arg7[%get3A_3692, %get3A_3693, %get3A_3694] {strides = array<i32>} : memref<32x8x128xf32, #tpu.memory_space<vmem>>, vector<16xf32>,
    %eq3A_3696 = arith.constant 13 : i32
    %eq3A_3697 = vector.broadcast %eq3A_3696 : i32 to vector<16xi32>
    %eq3A_3698 = arith.cmpi eq, %iota3A, %eq3A_3697 : vector<16xi32>
    %jit3A_3699 = arith.constant 0.000000e+00 : f32
    %broadcast_in_dim3A_3700 = vector.broadcast %jit3A_3699 : f32 to vector<16xf32>
    %select_n3A_3701 = arith.select %eq3A_3698, %get3A_3695, %broadcast_in_dim3A_3700 : vector<16xi1>, vector<16xf32>
    %reduce_sum3A_3702 = arith.constant true
    %reduce_sum3A_3703 = vector.broadcast %reduce_sum3A_3702 : i1 to vector<16xi1>
    %reduce_sum3A_3704 = tpu.scan <sum>, %select_n3A_3701 masked %reduce_sum3A_3703 : vector<16xf32>, vector<16xi1> -> vector<16xf32>
    %reduce_sum3A_3705 = vector.extract %reduce_sum3A_3704[15] : f32 from vector<16xf32>
    %ne3A_3706 = arith.constant 0 : i32
    %ne3A_3707 = arith.cmpi ne, %reduce_sum3A_978, %ne3A_3706 : i32
    %jit3A_3708 = arith.constant 0.000000e+00 : f32
    %select_n3A_3709 = arith.select %ne3A_3707, %reduce_sum3A_3705, %jit3A_3708 : f32
    %eq3A_3710 = arith.constant 13 : i32
    %eq3A_3711 = vector.broadcast %eq3A_3710 : i32 to vector<16xi32>
    %eq3A_3712 = arith.cmpi eq, %iota3A, %eq3A_3711 : vector<16xi32>
    %broadcast_in_dim3A_3713 = vector.broadcast %select_n3A_3709 : f32 to vector<16xf32>
    %select_n3A_3714 = arith.select %eq3A_3712, %broadcast_in_dim3A_3713, %select_n3A_3658 : vector<16xi1>, vector<16xf32>
    %rem3A_3715 = arith.constant 8 : i32
    %rem3A_3716 = arith.remsi %reduce_sum3A_1053, %rem3A_3715 : i32
    %add3A_3717 = arith.constant 14 : i32
    %add3A_3718 = arith.addi %mul3A_2, %add3A_3717 : i32
    %rem3A_3719 = arith.constant 128 : i32
    %rem3A_3720 = arith.remsi %add3A_3718, %rem3A_3719 : i32
    %jit3A_3721 = arith.constant 16 : i32
    %div3A_3722 = arith.divsi %rem3A_3720, %jit3A_3721 : i32
    %sign3A_3723 = arith.constant 0 : i32
    %sign3A_3724 = arith.cmpi sgt, %rem3A_3720, %sign3A_3723 : i32
    %sign3A_3725 = arith.extui %sign3A_3724 : i1 to i32
    %sign3A_3726 = arith.constant 0 : i32
    %sign3A_3727 = arith.cmpi slt, %rem3A_3720, %sign3A_3726 : i32
    %sign3A_3728 = arith.extui %sign3A_3727 : i1 to i32
    %sign3A_3729 = arith.subi %sign3A_3725, %sign3A_3728 : i32
    %sign3A_3730 = arith.constant 0 : i32
    %sign3A_3731 = arith.cmpi sgt, %jit3A_3721, %sign3A_3730 : i32
    %sign3A_3732 = arith.extui %sign3A_3731 : i1 to i32
    %sign3A_3733 = arith.constant 0 : i32
    %sign3A_3734 = arith.cmpi slt, %jit3A_3721, %sign3A_3733 : i32
    %sign3A_3735 = arith.extui %sign3A_3734 : i1 to i32
    %sign3A_3736 = arith.subi %sign3A_3732, %sign3A_3735 : i32
    %ne3A_3737 = arith.cmpi ne, %sign3A_3729, %sign3A_3736 : i32
    %rem3A_3738 = arith.remsi %rem3A_3720, %jit3A_3721 : i32
    %ne3A_3739 = arith.constant 0 : i32
    %ne3A_3740 = arith.cmpi ne, %rem3A_3738, %ne3A_3739 : i32
    %and3A_3741 = arith.andi %ne3A_3737, %ne3A_3740 : i1
    %sub3A_3742 = arith.constant 1 : i32
    %sub3A_3743 = arith.subi %div3A_3722, %sub3A_3742 : i32
    %select_n3A_3744 = arith.select %and3A_3741, %sub3A_3743, %div3A_3722 : i32
    %mul3A_3745 = arith.constant 16 : i32
    %mul3A_3746 = arith.muli %select_n3A_3744, %mul3A_3745 : i32
    %get3A_3747 = arith.constant 14 : i32
    %get3A_3748 = arith.index_cast %get3A_3747 : i32 to index
    %get3A_3749 = arith.index_cast %rem3A_3716 : i32 to index
    %get3A_3750 = arith.index_cast %mul3A_3746 : i32 to index
    %get3A_3751 = tpu.vector_load %arg7[%get3A_3748, %get3A_3749, %get3A_3750] {strides = array<i32>} : memref<32x8x128xf32, #tpu.memory_space<vmem>>, vector<16xf32>,
    %eq3A_3752 = arith.constant 14 : i32
    %eq3A_3753 = vector.broadcast %eq3A_3752 : i32 to vector<16xi32>
    %eq3A_3754 = arith.cmpi eq, %iota3A, %eq3A_3753 : vector<16xi32>
    %jit3A_3755 = arith.constant 0.000000e+00 : f32
    %broadcast_in_dim3A_3756 = vector.broadcast %jit3A_3755 : f32 to vector<16xf32>
    %select_n3A_3757 = arith.select %eq3A_3754, %get3A_3751, %broadcast_in_dim3A_3756 : vector<16xi1>, vector<16xf32>
    %reduce_sum3A_3758 = arith.constant true
    %reduce_sum3A_3759 = vector.broadcast %reduce_sum3A_3758 : i1 to vector<16xi1>
    %reduce_sum3A_3760 = tpu.scan <sum>, %select_n3A_3757 masked %reduce_sum3A_3759 : vector<16xf32>, vector<16xi1> -> vector<16xf32>
    %reduce_sum3A_3761 = vector.extract %reduce_sum3A_3760[15] : f32 from vector<16xf32>
    %ne3A_3762 = arith.constant 0 : i32
    %ne3A_3763 = arith.cmpi ne, %reduce_sum3A_1053, %ne3A_3762 : i32
    %jit3A_3764 = arith.constant 0.000000e+00 : f32
    %select_n3A_3765 = arith.select %ne3A_3763, %reduce_sum3A_3761, %jit3A_3764 : f32
    %eq3A_3766 = arith.constant 14 : i32
    %eq3A_3767 = vector.broadcast %eq3A_3766 : i32 to vector<16xi32>
    %eq3A_3768 = arith.cmpi eq, %iota3A, %eq3A_3767 : vector<16xi32>
    %broadcast_in_dim3A_3769 = vector.broadcast %select_n3A_3765 : f32 to vector<16xf32>
    %select_n3A_3770 = arith.select %eq3A_3768, %broadcast_in_dim3A_3769, %select_n3A_3714 : vector<16xi1>, vector<16xf32>
    %rem3A_3771 = arith.constant 8 : i32
    %rem3A_3772 = arith.remsi %reduce_sum3A_1128, %rem3A_3771 : i32
    %add3A_3773 = arith.constant 15 : i32
    %add3A_3774 = arith.addi %mul3A_2, %add3A_3773 : i32
    %rem3A_3775 = arith.constant 128 : i32
    %rem3A_3776 = arith.remsi %add3A_3774, %rem3A_3775 : i32
    %jit3A_3777 = arith.constant 16 : i32
    %div3A_3778 = arith.divsi %rem3A_3776, %jit3A_3777 : i32
    %sign3A_3779 = arith.constant 0 : i32
    %sign3A_3780 = arith.cmpi sgt, %rem3A_3776, %sign3A_3779 : i32
    %sign3A_3781 = arith.extui %sign3A_3780 : i1 to i32
    %sign3A_3782 = arith.constant 0 : i32
    %sign3A_3783 = arith.cmpi slt, %rem3A_3776, %sign3A_3782 : i32
    %sign3A_3784 = arith.extui %sign3A_3783 : i1 to i32
    %sign3A_3785 = arith.subi %sign3A_3781, %sign3A_3784 : i32
    %sign3A_3786 = arith.constant 0 : i32
    %sign3A_3787 = arith.cmpi sgt, %jit3A_3777, %sign3A_3786 : i32
    %sign3A_3788 = arith.extui %sign3A_3787 : i1 to i32
    %sign3A_3789 = arith.constant 0 : i32
    %sign3A_3790 = arith.cmpi slt, %jit3A_3777, %sign3A_3789 : i32
    %sign3A_3791 = arith.extui %sign3A_3790 : i1 to i32
    %sign3A_3792 = arith.subi %sign3A_3788, %sign3A_3791 : i32
    %ne3A_3793 = arith.cmpi ne, %sign3A_3785, %sign3A_3792 : i32
    %rem3A_3794 = arith.remsi %rem3A_3776, %jit3A_3777 : i32
    %ne3A_3795 = arith.constant 0 : i32
    %ne3A_3796 = arith.cmpi ne, %rem3A_3794, %ne3A_3795 : i32
    %and3A_3797 = arith.andi %ne3A_3793, %ne3A_3796 : i1
    %sub3A_3798 = arith.constant 1 : i32
    %sub3A_3799 = arith.subi %div3A_3778, %sub3A_3798 : i32
    %select_n3A_3800 = arith.select %and3A_3797, %sub3A_3799, %div3A_3778 : i32
    %mul3A_3801 = arith.constant 16 : i32
    %mul3A_3802 = arith.muli %select_n3A_3800, %mul3A_3801 : i32
    %get3A_3803 = arith.constant 15 : i32
    %get3A_3804 = arith.index_cast %get3A_3803 : i32 to index
    %get3A_3805 = arith.index_cast %rem3A_3772 : i32 to index
    %get3A_3806 = arith.index_cast %mul3A_3802 : i32 to index
    %get3A_3807 = tpu.vector_load %arg7[%get3A_3804, %get3A_3805, %get3A_3806] {strides = array<i32>} : memref<32x8x128xf32, #tpu.memory_space<vmem>>, vector<16xf32>,
    %eq3A_3808 = arith.constant 15 : i32
    %eq3A_3809 = vector.broadcast %eq3A_3808 : i32 to vector<16xi32>
    %eq3A_3810 = arith.cmpi eq, %iota3A, %eq3A_3809 : vector<16xi32>
    %jit3A_3811 = arith.constant 0.000000e+00 : f32
    %broadcast_in_dim3A_3812 = vector.broadcast %jit3A_3811 : f32 to vector<16xf32>
    %select_n3A_3813 = arith.select %eq3A_3810, %get3A_3807, %broadcast_in_dim3A_3812 : vector<16xi1>, vector<16xf32>
    %reduce_sum3A_3814 = arith.constant true
    %reduce_sum3A_3815 = vector.broadcast %reduce_sum3A_3814 : i1 to vector<16xi1>
    %reduce_sum3A_3816 = tpu.scan <sum>, %select_n3A_3813 masked %reduce_sum3A_3815 : vector<16xf32>, vector<16xi1> -> vector<16xf32>
    %reduce_sum3A_3817 = vector.extract %reduce_sum3A_3816[15] : f32 from vector<16xf32>
    %ne3A_3818 = arith.constant 0 : i32
    %ne3A_3819 = arith.cmpi ne, %reduce_sum3A_1128, %ne3A_3818 : i32
    %jit3A_3820 = arith.constant 0.000000e+00 : f32
    %select_n3A_3821 = arith.select %ne3A_3819, %reduce_sum3A_3817, %jit3A_3820 : f32
    %eq3A_3822 = arith.constant 15 : i32
    %eq3A_3823 = vector.broadcast %eq3A_3822 : i32 to vector<16xi32>
    %eq3A_3824 = arith.cmpi eq, %iota3A, %eq3A_3823 : vector<16xi32>
    %broadcast_in_dim3A_3825 = vector.broadcast %select_n3A_3821 : f32 to vector<16xf32>
    %select_n3A_3826 = arith.select %eq3A_3824, %broadcast_in_dim3A_3825, %select_n3A_3770 : vector<16xi1>, vector<16xf32>
    %swap3A = arith.constant 0 : index
    %swap3A_3827 = tpu.vector_load %arg10[%swap3A] {strides = array<i32>} : memref<32xf32, #tpu.memory_space<vmem>>, vector<16xf32>,
    tpu.vector_store %arg10[%swap3A], %select_n3A_3826 {strides = array<i32>} : memref<32xf32, #tpu.memory_space<vmem>>, vector<16xf32>,
    %broadcast_in_dim3A_3828 = arith.constant 0.000000e+00 : f32
    %broadcast_in_dim3A_3829 = vector.broadcast %broadcast_in_dim3A_3828 : f32 to vector<16xf32>
    %rem3A_3830 = arith.constant 8 : i32
    %rem3A_3831 = arith.remsi %reduce_sum3A_1203, %rem3A_3830 : i32
    %add3A_3832 = arith.constant 16 : i32
    %add3A_3833 = arith.addi %mul3A_2, %add3A_3832 : i32
    %rem3A_3834 = arith.constant 128 : i32
    %rem3A_3835 = arith.remsi %add3A_3833, %rem3A_3834 : i32
    %jit3A_3836 = arith.constant 16 : i32
    %div3A_3837 = arith.divsi %rem3A_3835, %jit3A_3836 : i32
    %sign3A_3838 = arith.constant 0 : i32
    %sign3A_3839 = arith.cmpi sgt, %rem3A_3835, %sign3A_3838 : i32
    %sign3A_3840 = arith.extui %sign3A_3839 : i1 to i32
    %sign3A_3841 = arith.constant 0 : i32
    %sign3A_3842 = arith.cmpi slt, %rem3A_3835, %sign3A_3841 : i32
    %sign3A_3843 = arith.extui %sign3A_3842 : i1 to i32
    %sign3A_3844 = arith.subi %sign3A_3840, %sign3A_3843 : i32
    %sign3A_3845 = arith.constant 0 : i32
    %sign3A_3846 = arith.cmpi sgt, %jit3A_3836, %sign3A_3845 : i32
    %sign3A_3847 = arith.extui %sign3A_3846 : i1 to i32
    %sign3A_3848 = arith.constant 0 : i32
    %sign3A_3849 = arith.cmpi slt, %jit3A_3836, %sign3A_3848 : i32
    %sign3A_3850 = arith.extui %sign3A_3849 : i1 to i32
    %sign3A_3851 = arith.subi %sign3A_3847, %sign3A_3850 : i32
    %ne3A_3852 = arith.cmpi ne, %sign3A_3844, %sign3A_3851 : i32
    %rem3A_3853 = arith.remsi %rem3A_3835, %jit3A_3836 : i32
    %ne3A_3854 = arith.constant 0 : i32
    %ne3A_3855 = arith.cmpi ne, %rem3A_3853, %ne3A_3854 : i32
    %and3A_3856 = arith.andi %ne3A_3852, %ne3A_3855 : i1
    %sub3A_3857 = arith.constant 1 : i32
    %sub3A_3858 = arith.subi %div3A_3837, %sub3A_3857 : i32
    %select_n3A_3859 = arith.select %and3A_3856, %sub3A_3858, %div3A_3837 : i32
    %mul3A_3860 = arith.constant 16 : i32
    %mul3A_3861 = arith.muli %select_n3A_3859, %mul3A_3860 : i32
    %get3A_3862 = arith.constant 16 : i32
    %get3A_3863 = arith.index_cast %get3A_3862 : i32 to index
    %get3A_3864 = arith.index_cast %rem3A_3831 : i32 to index
    %get3A_3865 = arith.index_cast %mul3A_3861 : i32 to index
    %get3A_3866 = tpu.vector_load %arg7[%get3A_3863, %get3A_3864, %get3A_3865] {strides = array<i32>} : memref<32x8x128xf32, #tpu.memory_space<vmem>>, vector<16xf32>,
    %eq3A_3867 = arith.constant 0 : i32
    %eq3A_3868 = vector.broadcast %eq3A_3867 : i32 to vector<16xi32>
    %eq3A_3869 = arith.cmpi eq, %iota3A, %eq3A_3868 : vector<16xi32>
    %jit3A_3870 = arith.constant 0.000000e+00 : f32
    %broadcast_in_dim3A_3871 = vector.broadcast %jit3A_3870 : f32 to vector<16xf32>
    %select_n3A_3872 = arith.select %eq3A_3869, %get3A_3866, %broadcast_in_dim3A_3871 : vector<16xi1>, vector<16xf32>
    %reduce_sum3A_3873 = arith.constant true
    %reduce_sum3A_3874 = vector.broadcast %reduce_sum3A_3873 : i1 to vector<16xi1>
    %reduce_sum3A_3875 = tpu.scan <sum>, %select_n3A_3872 masked %reduce_sum3A_3874 : vector<16xf32>, vector<16xi1> -> vector<16xf32>
    %reduce_sum3A_3876 = vector.extract %reduce_sum3A_3875[15] : f32 from vector<16xf32>
    %ne3A_3877 = arith.constant 0 : i32
    %ne3A_3878 = arith.cmpi ne, %reduce_sum3A_1203, %ne3A_3877 : i32
    %jit3A_3879 = arith.constant 0.000000e+00 : f32
    %select_n3A_3880 = arith.select %ne3A_3878, %reduce_sum3A_3876, %jit3A_3879 : f32
    %eq3A_3881 = arith.constant 0 : i32
    %eq3A_3882 = vector.broadcast %eq3A_3881 : i32 to vector<16xi32>
    %eq3A_3883 = arith.cmpi eq, %iota3A, %eq3A_3882 : vector<16xi32>
    %broadcast_in_dim3A_3884 = vector.broadcast %select_n3A_3880 : f32 to vector<16xf32>
    %select_n3A_3885 = arith.select %eq3A_3883, %broadcast_in_dim3A_3884, %broadcast_in_dim3A_3829 : vector<16xi1>, vector<16xf32>
    %rem3A_3886 = arith.constant 8 : i32
    %rem3A_3887 = arith.remsi %reduce_sum3A_1278, %rem3A_3886 : i32
    %add3A_3888 = arith.constant 17 : i32
    %add3A_3889 = arith.addi %mul3A_2, %add3A_3888 : i32
    %rem3A_3890 = arith.constant 128 : i32
    %rem3A_3891 = arith.remsi %add3A_3889, %rem3A_3890 : i32
    %jit3A_3892 = arith.constant 16 : i32
    %div3A_3893 = arith.divsi %rem3A_3891, %jit3A_3892 : i32
    %sign3A_3894 = arith.constant 0 : i32
    %sign3A_3895 = arith.cmpi sgt, %rem3A_3891, %sign3A_3894 : i32
    %sign3A_3896 = arith.extui %sign3A_3895 : i1 to i32
    %sign3A_3897 = arith.constant 0 : i32
    %sign3A_3898 = arith.cmpi slt, %rem3A_3891, %sign3A_3897 : i32
    %sign3A_3899 = arith.extui %sign3A_3898 : i1 to i32
    %sign3A_3900 = arith.subi %sign3A_3896, %sign3A_3899 : i32
    %sign3A_3901 = arith.constant 0 : i32
    %sign3A_3902 = arith.cmpi sgt, %jit3A_3892, %sign3A_3901 : i32
    %sign3A_3903 = arith.extui %sign3A_3902 : i1 to i32
    %sign3A_3904 = arith.constant 0 : i32
    %sign3A_3905 = arith.cmpi slt, %jit3A_3892, %sign3A_3904 : i32
    %sign3A_3906 = arith.extui %sign3A_3905 : i1 to i32
    %sign3A_3907 = arith.subi %sign3A_3903, %sign3A_3906 : i32
    %ne3A_3908 = arith.cmpi ne, %sign3A_3900, %sign3A_3907 : i32
    %rem3A_3909 = arith.remsi %rem3A_3891, %jit3A_3892 : i32
    %ne3A_3910 = arith.constant 0 : i32
    %ne3A_3911 = arith.cmpi ne, %rem3A_3909, %ne3A_3910 : i32
    %and3A_3912 = arith.andi %ne3A_3908, %ne3A_3911 : i1
    %sub3A_3913 = arith.constant 1 : i32
    %sub3A_3914 = arith.subi %div3A_3893, %sub3A_3913 : i32
    %select_n3A_3915 = arith.select %and3A_3912, %sub3A_3914, %div3A_3893 : i32
    %mul3A_3916 = arith.constant 16 : i32
    %mul3A_3917 = arith.muli %select_n3A_3915, %mul3A_3916 : i32
    %get3A_3918 = arith.constant 17 : i32
    %get3A_3919 = arith.index_cast %get3A_3918 : i32 to index
    %get3A_3920 = arith.index_cast %rem3A_3887 : i32 to index
    %get3A_3921 = arith.index_cast %mul3A_3917 : i32 to index
    %get3A_3922 = tpu.vector_load %arg7[%get3A_3919, %get3A_3920, %get3A_3921] {strides = array<i32>} : memref<32x8x128xf32, #tpu.memory_space<vmem>>, vector<16xf32>,
    %eq3A_3923 = arith.constant 1 : i32
    %eq3A_3924 = vector.broadcast %eq3A_3923 : i32 to vector<16xi32>
    %eq3A_3925 = arith.cmpi eq, %iota3A, %eq3A_3924 : vector<16xi32>
    %jit3A_3926 = arith.constant 0.000000e+00 : f32
    %broadcast_in_dim3A_3927 = vector.broadcast %jit3A_3926 : f32 to vector<16xf32>
    %select_n3A_3928 = arith.select %eq3A_3925, %get3A_3922, %broadcast_in_dim3A_3927 : vector<16xi1>, vector<16xf32>
    %reduce_sum3A_3929 = arith.constant true
    %reduce_sum3A_3930 = vector.broadcast %reduce_sum3A_3929 : i1 to vector<16xi1>
    %reduce_sum3A_3931 = tpu.scan <sum>, %select_n3A_3928 masked %reduce_sum3A_3930 : vector<16xf32>, vector<16xi1> -> vector<16xf32>
    %reduce_sum3A_3932 = vector.extract %reduce_sum3A_3931[15] : f32 from vector<16xf32>
    %ne3A_3933 = arith.constant 0 : i32
    %ne3A_3934 = arith.cmpi ne, %reduce_sum3A_1278, %ne3A_3933 : i32
    %jit3A_3935 = arith.constant 0.000000e+00 : f32
    %select_n3A_3936 = arith.select %ne3A_3934, %reduce_sum3A_3932, %jit3A_3935 : f32
    %eq3A_3937 = arith.constant 1 : i32
    %eq3A_3938 = vector.broadcast %eq3A_3937 : i32 to vector<16xi32>
    %eq3A_3939 = arith.cmpi eq, %iota3A, %eq3A_3938 : vector<16xi32>
    %broadcast_in_dim3A_3940 = vector.broadcast %select_n3A_3936 : f32 to vector<16xf32>
    %select_n3A_3941 = arith.select %eq3A_3939, %broadcast_in_dim3A_3940, %select_n3A_3885 : vector<16xi1>, vector<16xf32>
    %rem3A_3942 = arith.constant 8 : i32
    %rem3A_3943 = arith.remsi %reduce_sum3A_1353, %rem3A_3942 : i32
    %add3A_3944 = arith.constant 18 : i32
    %add3A_3945 = arith.addi %mul3A_2, %add3A_3944 : i32
    %rem3A_3946 = arith.constant 128 : i32
    %rem3A_3947 = arith.remsi %add3A_3945, %rem3A_3946 : i32
    %jit3A_3948 = arith.constant 16 : i32
    %div3A_3949 = arith.divsi %rem3A_3947, %jit3A_3948 : i32
    %sign3A_3950 = arith.constant 0 : i32
    %sign3A_3951 = arith.cmpi sgt, %rem3A_3947, %sign3A_3950 : i32
    %sign3A_3952 = arith.extui %sign3A_3951 : i1 to i32
    %sign3A_3953 = arith.constant 0 : i32
    %sign3A_3954 = arith.cmpi slt, %rem3A_3947, %sign3A_3953 : i32
    %sign3A_3955 = arith.extui %sign3A_3954 : i1 to i32
    %sign3A_3956 = arith.subi %sign3A_3952, %sign3A_3955 : i32
    %sign3A_3957 = arith.constant 0 : i32
    %sign3A_3958 = arith.cmpi sgt, %jit3A_3948, %sign3A_3957 : i32
    %sign3A_3959 = arith.extui %sign3A_3958 : i1 to i32
    %sign3A_3960 = arith.constant 0 : i32
    %sign3A_3961 = arith.cmpi slt, %jit3A_3948, %sign3A_3960 : i32
    %sign3A_3962 = arith.extui %sign3A_3961 : i1 to i32
    %sign3A_3963 = arith.subi %sign3A_3959, %sign3A_3962 : i32
    %ne3A_3964 = arith.cmpi ne, %sign3A_3956, %sign3A_3963 : i32
    %rem3A_3965 = arith.remsi %rem3A_3947, %jit3A_3948 : i32
    %ne3A_3966 = arith.constant 0 : i32
    %ne3A_3967 = arith.cmpi ne, %rem3A_3965, %ne3A_3966 : i32
    %and3A_3968 = arith.andi %ne3A_3964, %ne3A_3967 : i1
    %sub3A_3969 = arith.constant 1 : i32
    %sub3A_3970 = arith.subi %div3A_3949, %sub3A_3969 : i32
    %select_n3A_3971 = arith.select %and3A_3968, %sub3A_3970, %div3A_3949 : i32
    %mul3A_3972 = arith.constant 16 : i32
    %mul3A_3973 = arith.muli %select_n3A_3971, %mul3A_3972 : i32
    %get3A_3974 = arith.constant 18 : i32
    %get3A_3975 = arith.index_cast %get3A_3974 : i32 to index
    %get3A_3976 = arith.index_cast %rem3A_3943 : i32 to index
    %get3A_3977 = arith.index_cast %mul3A_3973 : i32 to index
    %get3A_3978 = tpu.vector_load %arg7[%get3A_3975, %get3A_3976, %get3A_3977] {strides = array<i32>} : memref<32x8x128xf32, #tpu.memory_space<vmem>>, vector<16xf32>,
    %eq3A_3979 = arith.constant 2 : i32
    %eq3A_3980 = vector.broadcast %eq3A_3979 : i32 to vector<16xi32>
    %eq3A_3981 = arith.cmpi eq, %iota3A, %eq3A_3980 : vector<16xi32>
    %jit3A_3982 = arith.constant 0.000000e+00 : f32
    %broadcast_in_dim3A_3983 = vector.broadcast %jit3A_3982 : f32 to vector<16xf32>
    %select_n3A_3984 = arith.select %eq3A_3981, %get3A_3978, %broadcast_in_dim3A_3983 : vector<16xi1>, vector<16xf32>
    %reduce_sum3A_3985 = arith.constant true
    %reduce_sum3A_3986 = vector.broadcast %reduce_sum3A_3985 : i1 to vector<16xi1>
    %reduce_sum3A_3987 = tpu.scan <sum>, %select_n3A_3984 masked %reduce_sum3A_3986 : vector<16xf32>, vector<16xi1> -> vector<16xf32>
    %reduce_sum3A_3988 = vector.extract %reduce_sum3A_3987[15] : f32 from vector<16xf32>
    %ne3A_3989 = arith.constant 0 : i32
    %ne3A_3990 = arith.cmpi ne, %reduce_sum3A_1353, %ne3A_3989 : i32
    %jit3A_3991 = arith.constant 0.000000e+00 : f32
    %select_n3A_3992 = arith.select %ne3A_3990, %reduce_sum3A_3988, %jit3A_3991 : f32
    %eq3A_3993 = arith.constant 2 : i32
    %eq3A_3994 = vector.broadcast %eq3A_3993 : i32 to vector<16xi32>
    %eq3A_3995 = arith.cmpi eq, %iota3A, %eq3A_3994 : vector<16xi32>
    %broadcast_in_dim3A_3996 = vector.broadcast %select_n3A_3992 : f32 to vector<16xf32>
    %select_n3A_3997 = arith.select %eq3A_3995, %broadcast_in_dim3A_3996, %select_n3A_3941 : vector<16xi1>, vector<16xf32>
    %rem3A_3998 = arith.constant 8 : i32
    %rem3A_3999 = arith.remsi %reduce_sum3A_1428, %rem3A_3998 : i32
    %add3A_4000 = arith.constant 19 : i32
    %add3A_4001 = arith.addi %mul3A_2, %add3A_4000 : i32
    %rem3A_4002 = arith.constant 128 : i32
    %rem3A_4003 = arith.remsi %add3A_4001, %rem3A_4002 : i32
    %jit3A_4004 = arith.constant 16 : i32
    %div3A_4005 = arith.divsi %rem3A_4003, %jit3A_4004 : i32
    %sign3A_4006 = arith.constant 0 : i32
    %sign3A_4007 = arith.cmpi sgt, %rem3A_4003, %sign3A_4006 : i32
    %sign3A_4008 = arith.extui %sign3A_4007 : i1 to i32
    %sign3A_4009 = arith.constant 0 : i32
    %sign3A_4010 = arith.cmpi slt, %rem3A_4003, %sign3A_4009 : i32
    %sign3A_4011 = arith.extui %sign3A_4010 : i1 to i32
    %sign3A_4012 = arith.subi %sign3A_4008, %sign3A_4011 : i32
    %sign3A_4013 = arith.constant 0 : i32
    %sign3A_4014 = arith.cmpi sgt, %jit3A_4004, %sign3A_4013 : i32
    %sign3A_4015 = arith.extui %sign3A_4014 : i1 to i32
    %sign3A_4016 = arith.constant 0 : i32
    %sign3A_4017 = arith.cmpi slt, %jit3A_4004, %sign3A_4016 : i32
    %sign3A_4018 = arith.extui %sign3A_4017 : i1 to i32
    %sign3A_4019 = arith.subi %sign3A_4015, %sign3A_4018 : i32
    %ne3A_4020 = arith.cmpi ne, %sign3A_4012, %sign3A_4019 : i32
    %rem3A_4021 = arith.remsi %rem3A_4003, %jit3A_4004 : i32
    %ne3A_4022 = arith.constant 0 : i32
    %ne3A_4023 = arith.cmpi ne, %rem3A_4021, %ne3A_4022 : i32
    %and3A_4024 = arith.andi %ne3A_4020, %ne3A_4023 : i1
    %sub3A_4025 = arith.constant 1 : i32
    %sub3A_4026 = arith.subi %div3A_4005, %sub3A_4025 : i32
    %select_n3A_4027 = arith.select %and3A_4024, %sub3A_4026, %div3A_4005 : i32
    %mul3A_4028 = arith.constant 16 : i32
    %mul3A_4029 = arith.muli %select_n3A_4027, %mul3A_4028 : i32
    %get3A_4030 = arith.constant 19 : i32
    %get3A_4031 = arith.index_cast %get3A_4030 : i32 to index
    %get3A_4032 = arith.index_cast %rem3A_3999 : i32 to index
    %get3A_4033 = arith.index_cast %mul3A_4029 : i32 to index
    %get3A_4034 = tpu.vector_load %arg7[%get3A_4031, %get3A_4032, %get3A_4033] {strides = array<i32>} : memref<32x8x128xf32, #tpu.memory_space<vmem>>, vector<16xf32>,
    %eq3A_4035 = arith.constant 3 : i32
    %eq3A_4036 = vector.broadcast %eq3A_4035 : i32 to vector<16xi32>
    %eq3A_4037 = arith.cmpi eq, %iota3A, %eq3A_4036 : vector<16xi32>
    %jit3A_4038 = arith.constant 0.000000e+00 : f32
    %broadcast_in_dim3A_4039 = vector.broadcast %jit3A_4038 : f32 to vector<16xf32>
    %select_n3A_4040 = arith.select %eq3A_4037, %get3A_4034, %broadcast_in_dim3A_4039 : vector<16xi1>, vector<16xf32>
    %reduce_sum3A_4041 = arith.constant true
    %reduce_sum3A_4042 = vector.broadcast %reduce_sum3A_4041 : i1 to vector<16xi1>
    %reduce_sum3A_4043 = tpu.scan <sum>, %select_n3A_4040 masked %reduce_sum3A_4042 : vector<16xf32>, vector<16xi1> -> vector<16xf32>
    %reduce_sum3A_4044 = vector.extract %reduce_sum3A_4043[15] : f32 from vector<16xf32>
    %ne3A_4045 = arith.constant 0 : i32
    %ne3A_4046 = arith.cmpi ne, %reduce_sum3A_1428, %ne3A_4045 : i32
    %jit3A_4047 = arith.constant 0.000000e+00 : f32
    %select_n3A_4048 = arith.select %ne3A_4046, %reduce_sum3A_4044, %jit3A_4047 : f32
    %eq3A_4049 = arith.constant 3 : i32
    %eq3A_4050 = vector.broadcast %eq3A_4049 : i32 to vector<16xi32>
    %eq3A_4051 = arith.cmpi eq, %iota3A, %eq3A_4050 : vector<16xi32>
    %broadcast_in_dim3A_4052 = vector.broadcast %select_n3A_4048 : f32 to vector<16xf32>
    %select_n3A_4053 = arith.select %eq3A_4051, %broadcast_in_dim3A_4052, %select_n3A_3997 : vector<16xi1>, vector<16xf32>
    %rem3A_4054 = arith.constant 8 : i32
    %rem3A_4055 = arith.remsi %reduce_sum3A_1503, %rem3A_4054 : i32
    %add3A_4056 = arith.constant 20 : i32
    %add3A_4057 = arith.addi %mul3A_2, %add3A_4056 : i32
    %rem3A_4058 = arith.constant 128 : i32
    %rem3A_4059 = arith.remsi %add3A_4057, %rem3A_4058 : i32
    %jit3A_4060 = arith.constant 16 : i32
    %div3A_4061 = arith.divsi %rem3A_4059, %jit3A_4060 : i32
    %sign3A_4062 = arith.constant 0 : i32
    %sign3A_4063 = arith.cmpi sgt, %rem3A_4059, %sign3A_4062 : i32
    %sign3A_4064 = arith.extui %sign3A_4063 : i1 to i32
    %sign3A_4065 = arith.constant 0 : i32
    %sign3A_4066 = arith.cmpi slt, %rem3A_4059, %sign3A_4065 : i32
    %sign3A_4067 = arith.extui %sign3A_4066 : i1 to i32
    %sign3A_4068 = arith.subi %sign3A_4064, %sign3A_4067 : i32
    %sign3A_4069 = arith.constant 0 : i32
    %sign3A_4070 = arith.cmpi sgt, %jit3A_4060, %sign3A_4069 : i32
    %sign3A_4071 = arith.extui %sign3A_4070 : i1 to i32
    %sign3A_4072 = arith.constant 0 : i32
    %sign3A_4073 = arith.cmpi slt, %jit3A_4060, %sign3A_4072 : i32
    %sign3A_4074 = arith.extui %sign3A_4073 : i1 to i32
    %sign3A_4075 = arith.subi %sign3A_4071, %sign3A_4074 : i32
    %ne3A_4076 = arith.cmpi ne, %sign3A_4068, %sign3A_4075 : i32
    %rem3A_4077 = arith.remsi %rem3A_4059, %jit3A_4060 : i32
    %ne3A_4078 = arith.constant 0 : i32
    %ne3A_4079 = arith.cmpi ne, %rem3A_4077, %ne3A_4078 : i32
    %and3A_4080 = arith.andi %ne3A_4076, %ne3A_4079 : i1
    %sub3A_4081 = arith.constant 1 : i32
    %sub3A_4082 = arith.subi %div3A_4061, %sub3A_4081 : i32
    %select_n3A_4083 = arith.select %and3A_4080, %sub3A_4082, %div3A_4061 : i32
    %mul3A_4084 = arith.constant 16 : i32
    %mul3A_4085 = arith.muli %select_n3A_4083, %mul3A_4084 : i32
    %get3A_4086 = arith.constant 20 : i32
    %get3A_4087 = arith.index_cast %get3A_4086 : i32 to index
    %get3A_4088 = arith.index_cast %rem3A_4055 : i32 to index
    %get3A_4089 = arith.index_cast %mul3A_4085 : i32 to index
    %get3A_4090 = tpu.vector_load %arg7[%get3A_4087, %get3A_4088, %get3A_4089] {strides = array<i32>} : memref<32x8x128xf32, #tpu.memory_space<vmem>>, vector<16xf32>,
    %eq3A_4091 = arith.constant 4 : i32
    %eq3A_4092 = vector.broadcast %eq3A_4091 : i32 to vector<16xi32>
    %eq3A_4093 = arith.cmpi eq, %iota3A, %eq3A_4092 : vector<16xi32>
    %jit3A_4094 = arith.constant 0.000000e+00 : f32
    %broadcast_in_dim3A_4095 = vector.broadcast %jit3A_4094 : f32 to vector<16xf32>
    %select_n3A_4096 = arith.select %eq3A_4093, %get3A_4090, %broadcast_in_dim3A_4095 : vector<16xi1>, vector<16xf32>
    %reduce_sum3A_4097 = arith.constant true
    %reduce_sum3A_4098 = vector.broadcast %reduce_sum3A_4097 : i1 to vector<16xi1>
    %reduce_sum3A_4099 = tpu.scan <sum>, %select_n3A_4096 masked %reduce_sum3A_4098 : vector<16xf32>, vector<16xi1> -> vector<16xf32>
    %reduce_sum3A_4100 = vector.extract %reduce_sum3A_4099[15] : f32 from vector<16xf32>
    %ne3A_4101 = arith.constant 0 : i32
    %ne3A_4102 = arith.cmpi ne, %reduce_sum3A_1503, %ne3A_4101 : i32
    %jit3A_4103 = arith.constant 0.000000e+00 : f32
    %select_n3A_4104 = arith.select %ne3A_4102, %reduce_sum3A_4100, %jit3A_4103 : f32
    %eq3A_4105 = arith.constant 4 : i32
    %eq3A_4106 = vector.broadcast %eq3A_4105 : i32 to vector<16xi32>
    %eq3A_4107 = arith.cmpi eq, %iota3A, %eq3A_4106 : vector<16xi32>
    %broadcast_in_dim3A_4108 = vector.broadcast %select_n3A_4104 : f32 to vector<16xf32>
    %select_n3A_4109 = arith.select %eq3A_4107, %broadcast_in_dim3A_4108, %select_n3A_4053 : vector<16xi1>, vector<16xf32>
    %rem3A_4110 = arith.constant 8 : i32
    %rem3A_4111 = arith.remsi %reduce_sum3A_1578, %rem3A_4110 : i32
    %add3A_4112 = arith.constant 21 : i32
    %add3A_4113 = arith.addi %mul3A_2, %add3A_4112 : i32
    %rem3A_4114 = arith.constant 128 : i32
    %rem3A_4115 = arith.remsi %add3A_4113, %rem3A_4114 : i32
    %jit3A_4116 = arith.constant 16 : i32
    %div3A_4117 = arith.divsi %rem3A_4115, %jit3A_4116 : i32
    %sign3A_4118 = arith.constant 0 : i32
    %sign3A_4119 = arith.cmpi sgt, %rem3A_4115, %sign3A_4118 : i32
    %sign3A_4120 = arith.extui %sign3A_4119 : i1 to i32
    %sign3A_4121 = arith.constant 0 : i32
    %sign3A_4122 = arith.cmpi slt, %rem3A_4115, %sign3A_4121 : i32
    %sign3A_4123 = arith.extui %sign3A_4122 : i1 to i32
    %sign3A_4124 = arith.subi %sign3A_4120, %sign3A_4123 : i32
    %sign3A_4125 = arith.constant 0 : i32
    %sign3A_4126 = arith.cmpi sgt, %jit3A_4116, %sign3A_4125 : i32
    %sign3A_4127 = arith.extui %sign3A_4126 : i1 to i32
    %sign3A_4128 = arith.constant 0 : i32
    %sign3A_4129 = arith.cmpi slt, %jit3A_4116, %sign3A_4128 : i32
    %sign3A_4130 = arith.extui %sign3A_4129 : i1 to i32
    %sign3A_4131 = arith.subi %sign3A_4127, %sign3A_4130 : i32
    %ne3A_4132 = arith.cmpi ne, %sign3A_4124, %sign3A_4131 : i32
    %rem3A_4133 = arith.remsi %rem3A_4115, %jit3A_4116 : i32
    %ne3A_4134 = arith.constant 0 : i32
    %ne3A_4135 = arith.cmpi ne, %rem3A_4133, %ne3A_4134 : i32
    %and3A_4136 = arith.andi %ne3A_4132, %ne3A_4135 : i1
    %sub3A_4137 = arith.constant 1 : i32
    %sub3A_4138 = arith.subi %div3A_4117, %sub3A_4137 : i32
    %select_n3A_4139 = arith.select %and3A_4136, %sub3A_4138, %div3A_4117 : i32
    %mul3A_4140 = arith.constant 16 : i32
    %mul3A_4141 = arith.muli %select_n3A_4139, %mul3A_4140 : i32
    %get3A_4142 = arith.constant 21 : i32
    %get3A_4143 = arith.index_cast %get3A_4142 : i32 to index
    %get3A_4144 = arith.index_cast %rem3A_4111 : i32 to index
    %get3A_4145 = arith.index_cast %mul3A_4141 : i32 to index
    %get3A_4146 = tpu.vector_load %arg7[%get3A_4143, %get3A_4144, %get3A_4145] {strides = array<i32>} : memref<32x8x128xf32, #tpu.memory_space<vmem>>, vector<16xf32>,
    %eq3A_4147 = arith.constant 5 : i32
    %eq3A_4148 = vector.broadcast %eq3A_4147 : i32 to vector<16xi32>
    %eq3A_4149 = arith.cmpi eq, %iota3A, %eq3A_4148 : vector<16xi32>
    %jit3A_4150 = arith.constant 0.000000e+00 : f32
    %broadcast_in_dim3A_4151 = vector.broadcast %jit3A_4150 : f32 to vector<16xf32>
    %select_n3A_4152 = arith.select %eq3A_4149, %get3A_4146, %broadcast_in_dim3A_4151 : vector<16xi1>, vector<16xf32>
    %reduce_sum3A_4153 = arith.constant true
    %reduce_sum3A_4154 = vector.broadcast %reduce_sum3A_4153 : i1 to vector<16xi1>
    %reduce_sum3A_4155 = tpu.scan <sum>, %select_n3A_4152 masked %reduce_sum3A_4154 : vector<16xf32>, vector<16xi1> -> vector<16xf32>
    %reduce_sum3A_4156 = vector.extract %reduce_sum3A_4155[15] : f32 from vector<16xf32>
    %ne3A_4157 = arith.constant 0 : i32
    %ne3A_4158 = arith.cmpi ne, %reduce_sum3A_1578, %ne3A_4157 : i32
    %jit3A_4159 = arith.constant 0.000000e+00 : f32
    %select_n3A_4160 = arith.select %ne3A_4158, %reduce_sum3A_4156, %jit3A_4159 : f32
    %eq3A_4161 = arith.constant 5 : i32
    %eq3A_4162 = vector.broadcast %eq3A_4161 : i32 to vector<16xi32>
    %eq3A_4163 = arith.cmpi eq, %iota3A, %eq3A_4162 : vector<16xi32>
    %broadcast_in_dim3A_4164 = vector.broadcast %select_n3A_4160 : f32 to vector<16xf32>
    %select_n3A_4165 = arith.select %eq3A_4163, %broadcast_in_dim3A_4164, %select_n3A_4109 : vector<16xi1>, vector<16xf32>
    %rem3A_4166 = arith.constant 8 : i32
    %rem3A_4167 = arith.remsi %reduce_sum3A_1653, %rem3A_4166 : i32
    %add3A_4168 = arith.constant 22 : i32
    %add3A_4169 = arith.addi %mul3A_2, %add3A_4168 : i32
    %rem3A_4170 = arith.constant 128 : i32
    %rem3A_4171 = arith.remsi %add3A_4169, %rem3A_4170 : i32
    %jit3A_4172 = arith.constant 16 : i32
    %div3A_4173 = arith.divsi %rem3A_4171, %jit3A_4172 : i32
    %sign3A_4174 = arith.constant 0 : i32
    %sign3A_4175 = arith.cmpi sgt, %rem3A_4171, %sign3A_4174 : i32
    %sign3A_4176 = arith.extui %sign3A_4175 : i1 to i32
    %sign3A_4177 = arith.constant 0 : i32
    %sign3A_4178 = arith.cmpi slt, %rem3A_4171, %sign3A_4177 : i32
    %sign3A_4179 = arith.extui %sign3A_4178 : i1 to i32
    %sign3A_4180 = arith.subi %sign3A_4176, %sign3A_4179 : i32
    %sign3A_4181 = arith.constant 0 : i32
    %sign3A_4182 = arith.cmpi sgt, %jit3A_4172, %sign3A_4181 : i32
    %sign3A_4183 = arith.extui %sign3A_4182 : i1 to i32
    %sign3A_4184 = arith.constant 0 : i32
    %sign3A_4185 = arith.cmpi slt, %jit3A_4172, %sign3A_4184 : i32
    %sign3A_4186 = arith.extui %sign3A_4185 : i1 to i32
    %sign3A_4187 = arith.subi %sign3A_4183, %sign3A_4186 : i32
    %ne3A_4188 = arith.cmpi ne, %sign3A_4180, %sign3A_4187 : i32
    %rem3A_4189 = arith.remsi %rem3A_4171, %jit3A_4172 : i32
    %ne3A_4190 = arith.constant 0 : i32
    %ne3A_4191 = arith.cmpi ne, %rem3A_4189, %ne3A_4190 : i32
    %and3A_4192 = arith.andi %ne3A_4188, %ne3A_4191 : i1
    %sub3A_4193 = arith.constant 1 : i32
    %sub3A_4194 = arith.subi %div3A_4173, %sub3A_4193 : i32
    %select_n3A_4195 = arith.select %and3A_4192, %sub3A_4194, %div3A_4173 : i32
    %mul3A_4196 = arith.constant 16 : i32
    %mul3A_4197 = arith.muli %select_n3A_4195, %mul3A_4196 : i32
    %get3A_4198 = arith.constant 22 : i32
    %get3A_4199 = arith.index_cast %get3A_4198 : i32 to index
    %get3A_4200 = arith.index_cast %rem3A_4167 : i32 to index
    %get3A_4201 = arith.index_cast %mul3A_4197 : i32 to index
    %get3A_4202 = tpu.vector_load %arg7[%get3A_4199, %get3A_4200, %get3A_4201] {strides = array<i32>} : memref<32x8x128xf32, #tpu.memory_space<vmem>>, vector<16xf32>,
    %eq3A_4203 = arith.constant 6 : i32
    %eq3A_4204 = vector.broadcast %eq3A_4203 : i32 to vector<16xi32>
    %eq3A_4205 = arith.cmpi eq, %iota3A, %eq3A_4204 : vector<16xi32>
    %jit3A_4206 = arith.constant 0.000000e+00 : f32
    %broadcast_in_dim3A_4207 = vector.broadcast %jit3A_4206 : f32 to vector<16xf32>
    %select_n3A_4208 = arith.select %eq3A_4205, %get3A_4202, %broadcast_in_dim3A_4207 : vector<16xi1>, vector<16xf32>
    %reduce_sum3A_4209 = arith.constant true
    %reduce_sum3A_4210 = vector.broadcast %reduce_sum3A_4209 : i1 to vector<16xi1>
    %reduce_sum3A_4211 = tpu.scan <sum>, %select_n3A_4208 masked %reduce_sum3A_4210 : vector<16xf32>, vector<16xi1> -> vector<16xf32>
    %reduce_sum3A_4212 = vector.extract %reduce_sum3A_4211[15] : f32 from vector<16xf32>
    %ne3A_4213 = arith.constant 0 : i32
    %ne3A_4214 = arith.cmpi ne, %reduce_sum3A_1653, %ne3A_4213 : i32
    %jit3A_4215 = arith.constant 0.000000e+00 : f32
    %select_n3A_4216 = arith.select %ne3A_4214, %reduce_sum3A_4212, %jit3A_4215 : f32
    %eq3A_4217 = arith.constant 6 : i32
    %eq3A_4218 = vector.broadcast %eq3A_4217 : i32 to vector<16xi32>
    %eq3A_4219 = arith.cmpi eq, %iota3A, %eq3A_4218 : vector<16xi32>
    %broadcast_in_dim3A_4220 = vector.broadcast %select_n3A_4216 : f32 to vector<16xf32>
    %select_n3A_4221 = arith.select %eq3A_4219, %broadcast_in_dim3A_4220, %select_n3A_4165 : vector<16xi1>, vector<16xf32>
    %rem3A_4222 = arith.constant 8 : i32
    %rem3A_4223 = arith.remsi %reduce_sum3A_1728, %rem3A_4222 : i32
    %add3A_4224 = arith.constant 23 : i32
    %add3A_4225 = arith.addi %mul3A_2, %add3A_4224 : i32
    %rem3A_4226 = arith.constant 128 : i32
    %rem3A_4227 = arith.remsi %add3A_4225, %rem3A_4226 : i32
    %jit3A_4228 = arith.constant 16 : i32
    %div3A_4229 = arith.divsi %rem3A_4227, %jit3A_4228 : i32
    %sign3A_4230 = arith.constant 0 : i32
    %sign3A_4231 = arith.cmpi sgt, %rem3A_4227, %sign3A_4230 : i32
    %sign3A_4232 = arith.extui %sign3A_4231 : i1 to i32
    %sign3A_4233 = arith.constant 0 : i32
    %sign3A_4234 = arith.cmpi slt, %rem3A_4227, %sign3A_4233 : i32
    %sign3A_4235 = arith.extui %sign3A_4234 : i1 to i32
    %sign3A_4236 = arith.subi %sign3A_4232, %sign3A_4235 : i32
    %sign3A_4237 = arith.constant 0 : i32
    %sign3A_4238 = arith.cmpi sgt, %jit3A_4228, %sign3A_4237 : i32
    %sign3A_4239 = arith.extui %sign3A_4238 : i1 to i32
    %sign3A_4240 = arith.constant 0 : i32
    %sign3A_4241 = arith.cmpi slt, %jit3A_4228, %sign3A_4240 : i32
    %sign3A_4242 = arith.extui %sign3A_4241 : i1 to i32
    %sign3A_4243 = arith.subi %sign3A_4239, %sign3A_4242 : i32
    %ne3A_4244 = arith.cmpi ne, %sign3A_4236, %sign3A_4243 : i32
    %rem3A_4245 = arith.remsi %rem3A_4227, %jit3A_4228 : i32
    %ne3A_4246 = arith.constant 0 : i32
    %ne3A_4247 = arith.cmpi ne, %rem3A_4245, %ne3A_4246 : i32
    %and3A_4248 = arith.andi %ne3A_4244, %ne3A_4247 : i1
    %sub3A_4249 = arith.constant 1 : i32
    %sub3A_4250 = arith.subi %div3A_4229, %sub3A_4249 : i32
    %select_n3A_4251 = arith.select %and3A_4248, %sub3A_4250, %div3A_4229 : i32
    %mul3A_4252 = arith.constant 16 : i32
    %mul3A_4253 = arith.muli %select_n3A_4251, %mul3A_4252 : i32
    %get3A_4254 = arith.constant 23 : i32
    %get3A_4255 = arith.index_cast %get3A_4254 : i32 to index
    %get3A_4256 = arith.index_cast %rem3A_4223 : i32 to index
    %get3A_4257 = arith.index_cast %mul3A_4253 : i32 to index
    %get3A_4258 = tpu.vector_load %arg7[%get3A_4255, %get3A_4256, %get3A_4257] {strides = array<i32>} : memref<32x8x128xf32, #tpu.memory_space<vmem>>, vector<16xf32>,
    %eq3A_4259 = arith.constant 7 : i32
    %eq3A_4260 = vector.broadcast %eq3A_4259 : i32 to vector<16xi32>
    %eq3A_4261 = arith.cmpi eq, %iota3A, %eq3A_4260 : vector<16xi32>
    %jit3A_4262 = arith.constant 0.000000e+00 : f32
    %broadcast_in_dim3A_4263 = vector.broadcast %jit3A_4262 : f32 to vector<16xf32>
    %select_n3A_4264 = arith.select %eq3A_4261, %get3A_4258, %broadcast_in_dim3A_4263 : vector<16xi1>, vector<16xf32>
    %reduce_sum3A_4265 = arith.constant true
    %reduce_sum3A_4266 = vector.broadcast %reduce_sum3A_4265 : i1 to vector<16xi1>
    %reduce_sum3A_4267 = tpu.scan <sum>, %select_n3A_4264 masked %reduce_sum3A_4266 : vector<16xf32>, vector<16xi1> -> vector<16xf32>
    %reduce_sum3A_4268 = vector.extract %reduce_sum3A_4267[15] : f32 from vector<16xf32>
    %ne3A_4269 = arith.constant 0 : i32
    %ne3A_4270 = arith.cmpi ne, %reduce_sum3A_1728, %ne3A_4269 : i32
    %jit3A_4271 = arith.constant 0.000000e+00 : f32
    %select_n3A_4272 = arith.select %ne3A_4270, %reduce_sum3A_4268, %jit3A_4271 : f32
    %eq3A_4273 = arith.constant 7 : i32
    %eq3A_4274 = vector.broadcast %eq3A_4273 : i32 to vector<16xi32>
    %eq3A_4275 = arith.cmpi eq, %iota3A, %eq3A_4274 : vector<16xi32>
    %broadcast_in_dim3A_4276 = vector.broadcast %select_n3A_4272 : f32 to vector<16xf32>
    %select_n3A_4277 = arith.select %eq3A_4275, %broadcast_in_dim3A_4276, %select_n3A_4221 : vector<16xi1>, vector<16xf32>
    %rem3A_4278 = arith.constant 8 : i32
    %rem3A_4279 = arith.remsi %reduce_sum3A_1803, %rem3A_4278 : i32
    %add3A_4280 = arith.constant 24 : i32
    %add3A_4281 = arith.addi %mul3A_2, %add3A_4280 : i32
    %rem3A_4282 = arith.constant 128 : i32
    %rem3A_4283 = arith.remsi %add3A_4281, %rem3A_4282 : i32
    %jit3A_4284 = arith.constant 16 : i32
    %div3A_4285 = arith.divsi %rem3A_4283, %jit3A_4284 : i32
    %sign3A_4286 = arith.constant 0 : i32
    %sign3A_4287 = arith.cmpi sgt, %rem3A_4283, %sign3A_4286 : i32
    %sign3A_4288 = arith.extui %sign3A_4287 : i1 to i32
    %sign3A_4289 = arith.constant 0 : i32
    %sign3A_4290 = arith.cmpi slt, %rem3A_4283, %sign3A_4289 : i32
    %sign3A_4291 = arith.extui %sign3A_4290 : i1 to i32
    %sign3A_4292 = arith.subi %sign3A_4288, %sign3A_4291 : i32
    %sign3A_4293 = arith.constant 0 : i32
    %sign3A_4294 = arith.cmpi sgt, %jit3A_4284, %sign3A_4293 : i32
    %sign3A_4295 = arith.extui %sign3A_4294 : i1 to i32
    %sign3A_4296 = arith.constant 0 : i32
    %sign3A_4297 = arith.cmpi slt, %jit3A_4284, %sign3A_4296 : i32
    %sign3A_4298 = arith.extui %sign3A_4297 : i1 to i32
    %sign3A_4299 = arith.subi %sign3A_4295, %sign3A_4298 : i32
    %ne3A_4300 = arith.cmpi ne, %sign3A_4292, %sign3A_4299 : i32
    %rem3A_4301 = arith.remsi %rem3A_4283, %jit3A_4284 : i32
    %ne3A_4302 = arith.constant 0 : i32
    %ne3A_4303 = arith.cmpi ne, %rem3A_4301, %ne3A_4302 : i32
    %and3A_4304 = arith.andi %ne3A_4300, %ne3A_4303 : i1
    %sub3A_4305 = arith.constant 1 : i32
    %sub3A_4306 = arith.subi %div3A_4285, %sub3A_4305 : i32
    %select_n3A_4307 = arith.select %and3A_4304, %sub3A_4306, %div3A_4285 : i32
    %mul3A_4308 = arith.constant 16 : i32
    %mul3A_4309 = arith.muli %select_n3A_4307, %mul3A_4308 : i32
    %get3A_4310 = arith.constant 24 : i32
    %get3A_4311 = arith.index_cast %get3A_4310 : i32 to index
    %get3A_4312 = arith.index_cast %rem3A_4279 : i32 to index
    %get3A_4313 = arith.index_cast %mul3A_4309 : i32 to index
    %get3A_4314 = tpu.vector_load %arg7[%get3A_4311, %get3A_4312, %get3A_4313] {strides = array<i32>} : memref<32x8x128xf32, #tpu.memory_space<vmem>>, vector<16xf32>,
    %eq3A_4315 = arith.constant 8 : i32
    %eq3A_4316 = vector.broadcast %eq3A_4315 : i32 to vector<16xi32>
    %eq3A_4317 = arith.cmpi eq, %iota3A, %eq3A_4316 : vector<16xi32>
    %jit3A_4318 = arith.constant 0.000000e+00 : f32
    %broadcast_in_dim3A_4319 = vector.broadcast %jit3A_4318 : f32 to vector<16xf32>
    %select_n3A_4320 = arith.select %eq3A_4317, %get3A_4314, %broadcast_in_dim3A_4319 : vector<16xi1>, vector<16xf32>
    %reduce_sum3A_4321 = arith.constant true
    %reduce_sum3A_4322 = vector.broadcast %reduce_sum3A_4321 : i1 to vector<16xi1>
    %reduce_sum3A_4323 = tpu.scan <sum>, %select_n3A_4320 masked %reduce_sum3A_4322 : vector<16xf32>, vector<16xi1> -> vector<16xf32>
    %reduce_sum3A_4324 = vector.extract %reduce_sum3A_4323[15] : f32 from vector<16xf32>
    %ne3A_4325 = arith.constant 0 : i32
    %ne3A_4326 = arith.cmpi ne, %reduce_sum3A_1803, %ne3A_4325 : i32
    %jit3A_4327 = arith.constant 0.000000e+00 : f32
    %select_n3A_4328 = arith.select %ne3A_4326, %reduce_sum3A_4324, %jit3A_4327 : f32
    %eq3A_4329 = arith.constant 8 : i32
    %eq3A_4330 = vector.broadcast %eq3A_4329 : i32 to vector<16xi32>
    %eq3A_4331 = arith.cmpi eq, %iota3A, %eq3A_4330 : vector<16xi32>
    %broadcast_in_dim3A_4332 = vector.broadcast %select_n3A_4328 : f32 to vector<16xf32>
    %select_n3A_4333 = arith.select %eq3A_4331, %broadcast_in_dim3A_4332, %select_n3A_4277 : vector<16xi1>, vector<16xf32>
    %rem3A_4334 = arith.constant 8 : i32
    %rem3A_4335 = arith.remsi %reduce_sum3A_1878, %rem3A_4334 : i32
    %add3A_4336 = arith.constant 25 : i32
    %add3A_4337 = arith.addi %mul3A_2, %add3A_4336 : i32
    %rem3A_4338 = arith.constant 128 : i32
    %rem3A_4339 = arith.remsi %add3A_4337, %rem3A_4338 : i32
    %jit3A_4340 = arith.constant 16 : i32
    %div3A_4341 = arith.divsi %rem3A_4339, %jit3A_4340 : i32
    %sign3A_4342 = arith.constant 0 : i32
    %sign3A_4343 = arith.cmpi sgt, %rem3A_4339, %sign3A_4342 : i32
    %sign3A_4344 = arith.extui %sign3A_4343 : i1 to i32
    %sign3A_4345 = arith.constant 0 : i32
    %sign3A_4346 = arith.cmpi slt, %rem3A_4339, %sign3A_4345 : i32
    %sign3A_4347 = arith.extui %sign3A_4346 : i1 to i32
    %sign3A_4348 = arith.subi %sign3A_4344, %sign3A_4347 : i32
    %sign3A_4349 = arith.constant 0 : i32
    %sign3A_4350 = arith.cmpi sgt, %jit3A_4340, %sign3A_4349 : i32
    %sign3A_4351 = arith.extui %sign3A_4350 : i1 to i32
    %sign3A_4352 = arith.constant 0 : i32
    %sign3A_4353 = arith.cmpi slt, %jit3A_4340, %sign3A_4352 : i32
    %sign3A_4354 = arith.extui %sign3A_4353 : i1 to i32
    %sign3A_4355 = arith.subi %sign3A_4351, %sign3A_4354 : i32
    %ne3A_4356 = arith.cmpi ne, %sign3A_4348, %sign3A_4355 : i32
    %rem3A_4357 = arith.remsi %rem3A_4339, %jit3A_4340 : i32
    %ne3A_4358 = arith.constant 0 : i32
    %ne3A_4359 = arith.cmpi ne, %rem3A_4357, %ne3A_4358 : i32
    %and3A_4360 = arith.andi %ne3A_4356, %ne3A_4359 : i1
    %sub3A_4361 = arith.constant 1 : i32
    %sub3A_4362 = arith.subi %div3A_4341, %sub3A_4361 : i32
    %select_n3A_4363 = arith.select %and3A_4360, %sub3A_4362, %div3A_4341 : i32
    %mul3A_4364 = arith.constant 16 : i32
    %mul3A_4365 = arith.muli %select_n3A_4363, %mul3A_4364 : i32
    %get3A_4366 = arith.constant 25 : i32
    %get3A_4367 = arith.index_cast %get3A_4366 : i32 to index
    %get3A_4368 = arith.index_cast %rem3A_4335 : i32 to index
    %get3A_4369 = arith.index_cast %mul3A_4365 : i32 to index
    %get3A_4370 = tpu.vector_load %arg7[%get3A_4367, %get3A_4368, %get3A_4369] {strides = array<i32>} : memref<32x8x128xf32, #tpu.memory_space<vmem>>, vector<16xf32>,
    %eq3A_4371 = arith.constant 9 : i32
    %eq3A_4372 = vector.broadcast %eq3A_4371 : i32 to vector<16xi32>
    %eq3A_4373 = arith.cmpi eq, %iota3A, %eq3A_4372 : vector<16xi32>
    %jit3A_4374 = arith.constant 0.000000e+00 : f32
    %broadcast_in_dim3A_4375 = vector.broadcast %jit3A_4374 : f32 to vector<16xf32>
    %select_n3A_4376 = arith.select %eq3A_4373, %get3A_4370, %broadcast_in_dim3A_4375 : vector<16xi1>, vector<16xf32>
    %reduce_sum3A_4377 = arith.constant true
    %reduce_sum3A_4378 = vector.broadcast %reduce_sum3A_4377 : i1 to vector<16xi1>
    %reduce_sum3A_4379 = tpu.scan <sum>, %select_n3A_4376 masked %reduce_sum3A_4378 : vector<16xf32>, vector<16xi1> -> vector<16xf32>
    %reduce_sum3A_4380 = vector.extract %reduce_sum3A_4379[15] : f32 from vector<16xf32>
    %ne3A_4381 = arith.constant 0 : i32
    %ne3A_4382 = arith.cmpi ne, %reduce_sum3A_1878, %ne3A_4381 : i32
    %jit3A_4383 = arith.constant 0.000000e+00 : f32
    %select_n3A_4384 = arith.select %ne3A_4382, %reduce_sum3A_4380, %jit3A_4383 : f32
    %eq3A_4385 = arith.constant 9 : i32
    %eq3A_4386 = vector.broadcast %eq3A_4385 : i32 to vector<16xi32>
    %eq3A_4387 = arith.cmpi eq, %iota3A, %eq3A_4386 : vector<16xi32>
    %broadcast_in_dim3A_4388 = vector.broadcast %select_n3A_4384 : f32 to vector<16xf32>
    %select_n3A_4389 = arith.select %eq3A_4387, %broadcast_in_dim3A_4388, %select_n3A_4333 : vector<16xi1>, vector<16xf32>
    %rem3A_4390 = arith.constant 8 : i32
    %rem3A_4391 = arith.remsi %reduce_sum3A_1953, %rem3A_4390 : i32
    %add3A_4392 = arith.constant 26 : i32
    %add3A_4393 = arith.addi %mul3A_2, %add3A_4392 : i32
    %rem3A_4394 = arith.constant 128 : i32
    %rem3A_4395 = arith.remsi %add3A_4393, %rem3A_4394 : i32
    %jit3A_4396 = arith.constant 16 : i32
    %div3A_4397 = arith.divsi %rem3A_4395, %jit3A_4396 : i32
    %sign3A_4398 = arith.constant 0 : i32
    %sign3A_4399 = arith.cmpi sgt, %rem3A_4395, %sign3A_4398 : i32
    %sign3A_4400 = arith.extui %sign3A_4399 : i1 to i32
    %sign3A_4401 = arith.constant 0 : i32
    %sign3A_4402 = arith.cmpi slt, %rem3A_4395, %sign3A_4401 : i32
    %sign3A_4403 = arith.extui %sign3A_4402 : i1 to i32
    %sign3A_4404 = arith.subi %sign3A_4400, %sign3A_4403 : i32
    %sign3A_4405 = arith.constant 0 : i32
    %sign3A_4406 = arith.cmpi sgt, %jit3A_4396, %sign3A_4405 : i32
    %sign3A_4407 = arith.extui %sign3A_4406 : i1 to i32
    %sign3A_4408 = arith.constant 0 : i32
    %sign3A_4409 = arith.cmpi slt, %jit3A_4396, %sign3A_4408 : i32
    %sign3A_4410 = arith.extui %sign3A_4409 : i1 to i32
    %sign3A_4411 = arith.subi %sign3A_4407, %sign3A_4410 : i32
    %ne3A_4412 = arith.cmpi ne, %sign3A_4404, %sign3A_4411 : i32
    %rem3A_4413 = arith.remsi %rem3A_4395, %jit3A_4396 : i32
    %ne3A_4414 = arith.constant 0 : i32
    %ne3A_4415 = arith.cmpi ne, %rem3A_4413, %ne3A_4414 : i32
    %and3A_4416 = arith.andi %ne3A_4412, %ne3A_4415 : i1
    %sub3A_4417 = arith.constant 1 : i32
    %sub3A_4418 = arith.subi %div3A_4397, %sub3A_4417 : i32
    %select_n3A_4419 = arith.select %and3A_4416, %sub3A_4418, %div3A_4397 : i32
    %mul3A_4420 = arith.constant 16 : i32
    %mul3A_4421 = arith.muli %select_n3A_4419, %mul3A_4420 : i32
    %get3A_4422 = arith.constant 26 : i32
    %get3A_4423 = arith.index_cast %get3A_4422 : i32 to index
    %get3A_4424 = arith.index_cast %rem3A_4391 : i32 to index
    %get3A_4425 = arith.index_cast %mul3A_4421 : i32 to index
    %get3A_4426 = tpu.vector_load %arg7[%get3A_4423, %get3A_4424, %get3A_4425] {strides = array<i32>} : memref<32x8x128xf32, #tpu.memory_space<vmem>>, vector<16xf32>,
    %eq3A_4427 = arith.constant 10 : i32
    %eq3A_4428 = vector.broadcast %eq3A_4427 : i32 to vector<16xi32>
    %eq3A_4429 = arith.cmpi eq, %iota3A, %eq3A_4428 : vector<16xi32>
    %jit3A_4430 = arith.constant 0.000000e+00 : f32
    %broadcast_in_dim3A_4431 = vector.broadcast %jit3A_4430 : f32 to vector<16xf32>
    %select_n3A_4432 = arith.select %eq3A_4429, %get3A_4426, %broadcast_in_dim3A_4431 : vector<16xi1>, vector<16xf32>
    %reduce_sum3A_4433 = arith.constant true
    %reduce_sum3A_4434 = vector.broadcast %reduce_sum3A_4433 : i1 to vector<16xi1>
    %reduce_sum3A_4435 = tpu.scan <sum>, %select_n3A_4432 masked %reduce_sum3A_4434 : vector<16xf32>, vector<16xi1> -> vector<16xf32>
    %reduce_sum3A_4436 = vector.extract %reduce_sum3A_4435[15] : f32 from vector<16xf32>
    %ne3A_4437 = arith.constant 0 : i32
    %ne3A_4438 = arith.cmpi ne, %reduce_sum3A_1953, %ne3A_4437 : i32
    %jit3A_4439 = arith.constant 0.000000e+00 : f32
    %select_n3A_4440 = arith.select %ne3A_4438, %reduce_sum3A_4436, %jit3A_4439 : f32
    %eq3A_4441 = arith.constant 10 : i32
    %eq3A_4442 = vector.broadcast %eq3A_4441 : i32 to vector<16xi32>
    %eq3A_4443 = arith.cmpi eq, %iota3A, %eq3A_4442 : vector<16xi32>
    %broadcast_in_dim3A_4444 = vector.broadcast %select_n3A_4440 : f32 to vector<16xf32>
    %select_n3A_4445 = arith.select %eq3A_4443, %broadcast_in_dim3A_4444, %select_n3A_4389 : vector<16xi1>, vector<16xf32>
    %rem3A_4446 = arith.constant 8 : i32
    %rem3A_4447 = arith.remsi %reduce_sum3A_2028, %rem3A_4446 : i32
    %add3A_4448 = arith.constant 27 : i32
    %add3A_4449 = arith.addi %mul3A_2, %add3A_4448 : i32
    %rem3A_4450 = arith.constant 128 : i32
    %rem3A_4451 = arith.remsi %add3A_4449, %rem3A_4450 : i32
    %jit3A_4452 = arith.constant 16 : i32
    %div3A_4453 = arith.divsi %rem3A_4451, %jit3A_4452 : i32
    %sign3A_4454 = arith.constant 0 : i32
    %sign3A_4455 = arith.cmpi sgt, %rem3A_4451, %sign3A_4454 : i32
    %sign3A_4456 = arith.extui %sign3A_4455 : i1 to i32
    %sign3A_4457 = arith.constant 0 : i32
    %sign3A_4458 = arith.cmpi slt, %rem3A_4451, %sign3A_4457 : i32
    %sign3A_4459 = arith.extui %sign3A_4458 : i1 to i32
    %sign3A_4460 = arith.subi %sign3A_4456, %sign3A_4459 : i32
    %sign3A_4461 = arith.constant 0 : i32
    %sign3A_4462 = arith.cmpi sgt, %jit3A_4452, %sign3A_4461 : i32
    %sign3A_4463 = arith.extui %sign3A_4462 : i1 to i32
    %sign3A_4464 = arith.constant 0 : i32
    %sign3A_4465 = arith.cmpi slt, %jit3A_4452, %sign3A_4464 : i32
    %sign3A_4466 = arith.extui %sign3A_4465 : i1 to i32
    %sign3A_4467 = arith.subi %sign3A_4463, %sign3A_4466 : i32
    %ne3A_4468 = arith.cmpi ne, %sign3A_4460, %sign3A_4467 : i32
    %rem3A_4469 = arith.remsi %rem3A_4451, %jit3A_4452 : i32
    %ne3A_4470 = arith.constant 0 : i32
    %ne3A_4471 = arith.cmpi ne, %rem3A_4469, %ne3A_4470 : i32
    %and3A_4472 = arith.andi %ne3A_4468, %ne3A_4471 : i1
    %sub3A_4473 = arith.constant 1 : i32
    %sub3A_4474 = arith.subi %div3A_4453, %sub3A_4473 : i32
    %select_n3A_4475 = arith.select %and3A_4472, %sub3A_4474, %div3A_4453 : i32
    %mul3A_4476 = arith.constant 16 : i32
    %mul3A_4477 = arith.muli %select_n3A_4475, %mul3A_4476 : i32
    %get3A_4478 = arith.constant 27 : i32
    %get3A_4479 = arith.index_cast %get3A_4478 : i32 to index
    %get3A_4480 = arith.index_cast %rem3A_4447 : i32 to index
    %get3A_4481 = arith.index_cast %mul3A_4477 : i32 to index
    %get3A_4482 = tpu.vector_load %arg7[%get3A_4479, %get3A_4480, %get3A_4481] {strides = array<i32>} : memref<32x8x128xf32, #tpu.memory_space<vmem>>, vector<16xf32>,
    %eq3A_4483 = arith.constant 11 : i32
    %eq3A_4484 = vector.broadcast %eq3A_4483 : i32 to vector<16xi32>
    %eq3A_4485 = arith.cmpi eq, %iota3A, %eq3A_4484 : vector<16xi32>
    %jit3A_4486 = arith.constant 0.000000e+00 : f32
    %broadcast_in_dim3A_4487 = vector.broadcast %jit3A_4486 : f32 to vector<16xf32>
    %select_n3A_4488 = arith.select %eq3A_4485, %get3A_4482, %broadcast_in_dim3A_4487 : vector<16xi1>, vector<16xf32>
    %reduce_sum3A_4489 = arith.constant true
    %reduce_sum3A_4490 = vector.broadcast %reduce_sum3A_4489 : i1 to vector<16xi1>
    %reduce_sum3A_4491 = tpu.scan <sum>, %select_n3A_4488 masked %reduce_sum3A_4490 : vector<16xf32>, vector<16xi1> -> vector<16xf32>
    %reduce_sum3A_4492 = vector.extract %reduce_sum3A_4491[15] : f32 from vector<16xf32>
    %ne3A_4493 = arith.constant 0 : i32
    %ne3A_4494 = arith.cmpi ne, %reduce_sum3A_2028, %ne3A_4493 : i32
    %jit3A_4495 = arith.constant 0.000000e+00 : f32
    %select_n3A_4496 = arith.select %ne3A_4494, %reduce_sum3A_4492, %jit3A_4495 : f32
    %eq3A_4497 = arith.constant 11 : i32
    %eq3A_4498 = vector.broadcast %eq3A_4497 : i32 to vector<16xi32>
    %eq3A_4499 = arith.cmpi eq, %iota3A, %eq3A_4498 : vector<16xi32>
    %broadcast_in_dim3A_4500 = vector.broadcast %select_n3A_4496 : f32 to vector<16xf32>
    %select_n3A_4501 = arith.select %eq3A_4499, %broadcast_in_dim3A_4500, %select_n3A_4445 : vector<16xi1>, vector<16xf32>
    %rem3A_4502 = arith.constant 8 : i32
    %rem3A_4503 = arith.remsi %reduce_sum3A_2103, %rem3A_4502 : i32
    %add3A_4504 = arith.constant 28 : i32
    %add3A_4505 = arith.addi %mul3A_2, %add3A_4504 : i32
    %rem3A_4506 = arith.constant 128 : i32
    %rem3A_4507 = arith.remsi %add3A_4505, %rem3A_4506 : i32
    %jit3A_4508 = arith.constant 16 : i32
    %div3A_4509 = arith.divsi %rem3A_4507, %jit3A_4508 : i32
    %sign3A_4510 = arith.constant 0 : i32
    %sign3A_4511 = arith.cmpi sgt, %rem3A_4507, %sign3A_4510 : i32
    %sign3A_4512 = arith.extui %sign3A_4511 : i1 to i32
    %sign3A_4513 = arith.constant 0 : i32
    %sign3A_4514 = arith.cmpi slt, %rem3A_4507, %sign3A_4513 : i32
    %sign3A_4515 = arith.extui %sign3A_4514 : i1 to i32
    %sign3A_4516 = arith.subi %sign3A_4512, %sign3A_4515 : i32
    %sign3A_4517 = arith.constant 0 : i32
    %sign3A_4518 = arith.cmpi sgt, %jit3A_4508, %sign3A_4517 : i32
    %sign3A_4519 = arith.extui %sign3A_4518 : i1 to i32
    %sign3A_4520 = arith.constant 0 : i32
    %sign3A_4521 = arith.cmpi slt, %jit3A_4508, %sign3A_4520 : i32
    %sign3A_4522 = arith.extui %sign3A_4521 : i1 to i32
    %sign3A_4523 = arith.subi %sign3A_4519, %sign3A_4522 : i32
    %ne3A_4524 = arith.cmpi ne, %sign3A_4516, %sign3A_4523 : i32
    %rem3A_4525 = arith.remsi %rem3A_4507, %jit3A_4508 : i32
    %ne3A_4526 = arith.constant 0 : i32
    %ne3A_4527 = arith.cmpi ne, %rem3A_4525, %ne3A_4526 : i32
    %and3A_4528 = arith.andi %ne3A_4524, %ne3A_4527 : i1
    %sub3A_4529 = arith.constant 1 : i32
    %sub3A_4530 = arith.subi %div3A_4509, %sub3A_4529 : i32
    %select_n3A_4531 = arith.select %and3A_4528, %sub3A_4530, %div3A_4509 : i32
    %mul3A_4532 = arith.constant 16 : i32
    %mul3A_4533 = arith.muli %select_n3A_4531, %mul3A_4532 : i32
    %get3A_4534 = arith.constant 28 : i32
    %get3A_4535 = arith.index_cast %get3A_4534 : i32 to index
    %get3A_4536 = arith.index_cast %rem3A_4503 : i32 to index
    %get3A_4537 = arith.index_cast %mul3A_4533 : i32 to index
    %get3A_4538 = tpu.vector_load %arg7[%get3A_4535, %get3A_4536, %get3A_4537] {strides = array<i32>} : memref<32x8x128xf32, #tpu.memory_space<vmem>>, vector<16xf32>,
    %eq3A_4539 = arith.constant 12 : i32
    %eq3A_4540 = vector.broadcast %eq3A_4539 : i32 to vector<16xi32>
    %eq3A_4541 = arith.cmpi eq, %iota3A, %eq3A_4540 : vector<16xi32>
    %jit3A_4542 = arith.constant 0.000000e+00 : f32
    %broadcast_in_dim3A_4543 = vector.broadcast %jit3A_4542 : f32 to vector<16xf32>
    %select_n3A_4544 = arith.select %eq3A_4541, %get3A_4538, %broadcast_in_dim3A_4543 : vector<16xi1>, vector<16xf32>
    %reduce_sum3A_4545 = arith.constant true
    %reduce_sum3A_4546 = vector.broadcast %reduce_sum3A_4545 : i1 to vector<16xi1>
    %reduce_sum3A_4547 = tpu.scan <sum>, %select_n3A_4544 masked %reduce_sum3A_4546 : vector<16xf32>, vector<16xi1> -> vector<16xf32>
    %reduce_sum3A_4548 = vector.extract %reduce_sum3A_4547[15] : f32 from vector<16xf32>
    %ne3A_4549 = arith.constant 0 : i32
    %ne3A_4550 = arith.cmpi ne, %reduce_sum3A_2103, %ne3A_4549 : i32
    %jit3A_4551 = arith.constant 0.000000e+00 : f32
    %select_n3A_4552 = arith.select %ne3A_4550, %reduce_sum3A_4548, %jit3A_4551 : f32
    %eq3A_4553 = arith.constant 12 : i32
    %eq3A_4554 = vector.broadcast %eq3A_4553 : i32 to vector<16xi32>
    %eq3A_4555 = arith.cmpi eq, %iota3A, %eq3A_4554 : vector<16xi32>
    %broadcast_in_dim3A_4556 = vector.broadcast %select_n3A_4552 : f32 to vector<16xf32>
    %select_n3A_4557 = arith.select %eq3A_4555, %broadcast_in_dim3A_4556, %select_n3A_4501 : vector<16xi1>, vector<16xf32>
    %rem3A_4558 = arith.constant 8 : i32
    %rem3A_4559 = arith.remsi %reduce_sum3A_2178, %rem3A_4558 : i32
    %add3A_4560 = arith.constant 29 : i32
    %add3A_4561 = arith.addi %mul3A_2, %add3A_4560 : i32
    %rem3A_4562 = arith.constant 128 : i32
    %rem3A_4563 = arith.remsi %add3A_4561, %rem3A_4562 : i32
    %jit3A_4564 = arith.constant 16 : i32
    %div3A_4565 = arith.divsi %rem3A_4563, %jit3A_4564 : i32
    %sign3A_4566 = arith.constant 0 : i32
    %sign3A_4567 = arith.cmpi sgt, %rem3A_4563, %sign3A_4566 : i32
    %sign3A_4568 = arith.extui %sign3A_4567 : i1 to i32
    %sign3A_4569 = arith.constant 0 : i32
    %sign3A_4570 = arith.cmpi slt, %rem3A_4563, %sign3A_4569 : i32
    %sign3A_4571 = arith.extui %sign3A_4570 : i1 to i32
    %sign3A_4572 = arith.subi %sign3A_4568, %sign3A_4571 : i32
    %sign3A_4573 = arith.constant 0 : i32
    %sign3A_4574 = arith.cmpi sgt, %jit3A_4564, %sign3A_4573 : i32
    %sign3A_4575 = arith.extui %sign3A_4574 : i1 to i32
    %sign3A_4576 = arith.constant 0 : i32
    %sign3A_4577 = arith.cmpi slt, %jit3A_4564, %sign3A_4576 : i32
    %sign3A_4578 = arith.extui %sign3A_4577 : i1 to i32
    %sign3A_4579 = arith.subi %sign3A_4575, %sign3A_4578 : i32
    %ne3A_4580 = arith.cmpi ne, %sign3A_4572, %sign3A_4579 : i32
    %rem3A_4581 = arith.remsi %rem3A_4563, %jit3A_4564 : i32
    %ne3A_4582 = arith.constant 0 : i32
    %ne3A_4583 = arith.cmpi ne, %rem3A_4581, %ne3A_4582 : i32
    %and3A_4584 = arith.andi %ne3A_4580, %ne3A_4583 : i1
    %sub3A_4585 = arith.constant 1 : i32
    %sub3A_4586 = arith.subi %div3A_4565, %sub3A_4585 : i32
    %select_n3A_4587 = arith.select %and3A_4584, %sub3A_4586, %div3A_4565 : i32
    %mul3A_4588 = arith.constant 16 : i32
    %mul3A_4589 = arith.muli %select_n3A_4587, %mul3A_4588 : i32
    %get3A_4590 = arith.constant 29 : i32
    %get3A_4591 = arith.index_cast %get3A_4590 : i32 to index
    %get3A_4592 = arith.index_cast %rem3A_4559 : i32 to index
    %get3A_4593 = arith.index_cast %mul3A_4589 : i32 to index
    %get3A_4594 = tpu.vector_load %arg7[%get3A_4591, %get3A_4592, %get3A_4593] {strides = array<i32>} : memref<32x8x128xf32, #tpu.memory_space<vmem>>, vector<16xf32>,
    %eq3A_4595 = arith.constant 13 : i32
    %eq3A_4596 = vector.broadcast %eq3A_4595 : i32 to vector<16xi32>
    %eq3A_4597 = arith.cmpi eq, %iota3A, %eq3A_4596 : vector<16xi32>
    %jit3A_4598 = arith.constant 0.000000e+00 : f32
    %broadcast_in_dim3A_4599 = vector.broadcast %jit3A_4598 : f32 to vector<16xf32>
    %select_n3A_4600 = arith.select %eq3A_4597, %get3A_4594, %broadcast_in_dim3A_4599 : vector<16xi1>, vector<16xf32>
    %reduce_sum3A_4601 = arith.constant true
    %reduce_sum3A_4602 = vector.broadcast %reduce_sum3A_4601 : i1 to vector<16xi1>
    %reduce_sum3A_4603 = tpu.scan <sum>, %select_n3A_4600 masked %reduce_sum3A_4602 : vector<16xf32>, vector<16xi1> -> vector<16xf32>
    %reduce_sum3A_4604 = vector.extract %reduce_sum3A_4603[15] : f32 from vector<16xf32>
    %ne3A_4605 = arith.constant 0 : i32
    %ne3A_4606 = arith.cmpi ne, %reduce_sum3A_2178, %ne3A_4605 : i32
    %jit3A_4607 = arith.constant 0.000000e+00 : f32
    %select_n3A_4608 = arith.select %ne3A_4606, %reduce_sum3A_4604, %jit3A_4607 : f32
    %eq3A_4609 = arith.constant 13 : i32
    %eq3A_4610 = vector.broadcast %eq3A_4609 : i32 to vector<16xi32>
    %eq3A_4611 = arith.cmpi eq, %iota3A, %eq3A_4610 : vector<16xi32>
    %broadcast_in_dim3A_4612 = vector.broadcast %select_n3A_4608 : f32 to vector<16xf32>
    %select_n3A_4613 = arith.select %eq3A_4611, %broadcast_in_dim3A_4612, %select_n3A_4557 : vector<16xi1>, vector<16xf32>
    %rem3A_4614 = arith.constant 8 : i32
    %rem3A_4615 = arith.remsi %reduce_sum3A_2253, %rem3A_4614 : i32
    %add3A_4616 = arith.constant 30 : i32
    %add3A_4617 = arith.addi %mul3A_2, %add3A_4616 : i32
    %rem3A_4618 = arith.constant 128 : i32
    %rem3A_4619 = arith.remsi %add3A_4617, %rem3A_4618 : i32
    %jit3A_4620 = arith.constant 16 : i32
    %div3A_4621 = arith.divsi %rem3A_4619, %jit3A_4620 : i32
    %sign3A_4622 = arith.constant 0 : i32
    %sign3A_4623 = arith.cmpi sgt, %rem3A_4619, %sign3A_4622 : i32
    %sign3A_4624 = arith.extui %sign3A_4623 : i1 to i32
    %sign3A_4625 = arith.constant 0 : i32
    %sign3A_4626 = arith.cmpi slt, %rem3A_4619, %sign3A_4625 : i32
    %sign3A_4627 = arith.extui %sign3A_4626 : i1 to i32
    %sign3A_4628 = arith.subi %sign3A_4624, %sign3A_4627 : i32
    %sign3A_4629 = arith.constant 0 : i32
    %sign3A_4630 = arith.cmpi sgt, %jit3A_4620, %sign3A_4629 : i32
    %sign3A_4631 = arith.extui %sign3A_4630 : i1 to i32
    %sign3A_4632 = arith.constant 0 : i32
    %sign3A_4633 = arith.cmpi slt, %jit3A_4620, %sign3A_4632 : i32
    %sign3A_4634 = arith.extui %sign3A_4633 : i1 to i32
    %sign3A_4635 = arith.subi %sign3A_4631, %sign3A_4634 : i32
    %ne3A_4636 = arith.cmpi ne, %sign3A_4628, %sign3A_4635 : i32
    %rem3A_4637 = arith.remsi %rem3A_4619, %jit3A_4620 : i32
    %ne3A_4638 = arith.constant 0 : i32
    %ne3A_4639 = arith.cmpi ne, %rem3A_4637, %ne3A_4638 : i32
    %and3A_4640 = arith.andi %ne3A_4636, %ne3A_4639 : i1
    %sub3A_4641 = arith.constant 1 : i32
    %sub3A_4642 = arith.subi %div3A_4621, %sub3A_4641 : i32
    %select_n3A_4643 = arith.select %and3A_4640, %sub3A_4642, %div3A_4621 : i32
    %mul3A_4644 = arith.constant 16 : i32
    %mul3A_4645 = arith.muli %select_n3A_4643, %mul3A_4644 : i32
    %get3A_4646 = arith.constant 30 : i32
    %get3A_4647 = arith.index_cast %get3A_4646 : i32 to index
    %get3A_4648 = arith.index_cast %rem3A_4615 : i32 to index
    %get3A_4649 = arith.index_cast %mul3A_4645 : i32 to index
    %get3A_4650 = tpu.vector_load %arg7[%get3A_4647, %get3A_4648, %get3A_4649] {strides = array<i32>} : memref<32x8x128xf32, #tpu.memory_space<vmem>>, vector<16xf32>,
    %eq3A_4651 = arith.constant 14 : i32
    %eq3A_4652 = vector.broadcast %eq3A_4651 : i32 to vector<16xi32>
    %eq3A_4653 = arith.cmpi eq, %iota3A, %eq3A_4652 : vector<16xi32>
    %jit3A_4654 = arith.constant 0.000000e+00 : f32
    %broadcast_in_dim3A_4655 = vector.broadcast %jit3A_4654 : f32 to vector<16xf32>
    %select_n3A_4656 = arith.select %eq3A_4653, %get3A_4650, %broadcast_in_dim3A_4655 : vector<16xi1>, vector<16xf32>
    %reduce_sum3A_4657 = arith.constant true
    %reduce_sum3A_4658 = vector.broadcast %reduce_sum3A_4657 : i1 to vector<16xi1>
    %reduce_sum3A_4659 = tpu.scan <sum>, %select_n3A_4656 masked %reduce_sum3A_4658 : vector<16xf32>, vector<16xi1> -> vector<16xf32>
    %reduce_sum3A_4660 = vector.extract %reduce_sum3A_4659[15] : f32 from vector<16xf32>
    %ne3A_4661 = arith.constant 0 : i32
    %ne3A_4662 = arith.cmpi ne, %reduce_sum3A_2253, %ne3A_4661 : i32
    %jit3A_4663 = arith.constant 0.000000e+00 : f32
    %select_n3A_4664 = arith.select %ne3A_4662, %reduce_sum3A_4660, %jit3A_4663 : f32
    %eq3A_4665 = arith.constant 14 : i32
    %eq3A_4666 = vector.broadcast %eq3A_4665 : i32 to vector<16xi32>
    %eq3A_4667 = arith.cmpi eq, %iota3A, %eq3A_4666 : vector<16xi32>
    %broadcast_in_dim3A_4668 = vector.broadcast %select_n3A_4664 : f32 to vector<16xf32>
    %select_n3A_4669 = arith.select %eq3A_4667, %broadcast_in_dim3A_4668, %select_n3A_4613 : vector<16xi1>, vector<16xf32>
    %rem3A_4670 = arith.constant 8 : i32
    %rem3A_4671 = arith.remsi %reduce_sum3A_2328, %rem3A_4670 : i32
    %add3A_4672 = arith.constant 31 : i32
    %add3A_4673 = arith.addi %mul3A_2, %add3A_4672 : i32
    %rem3A_4674 = arith.constant 128 : i32
    %rem3A_4675 = arith.remsi %add3A_4673, %rem3A_4674 : i32
    %jit3A_4676 = arith.constant 16 : i32
    %div3A_4677 = arith.divsi %rem3A_4675, %jit3A_4676 : i32
    %sign3A_4678 = arith.constant 0 : i32
    %sign3A_4679 = arith.cmpi sgt, %rem3A_4675, %sign3A_4678 : i32
    %sign3A_4680 = arith.extui %sign3A_4679 : i1 to i32
    %sign3A_4681 = arith.constant 0 : i32
    %sign3A_4682 = arith.cmpi slt, %rem3A_4675, %sign3A_4681 : i32
    %sign3A_4683 = arith.extui %sign3A_4682 : i1 to i32
    %sign3A_4684 = arith.subi %sign3A_4680, %sign3A_4683 : i32
    %sign3A_4685 = arith.constant 0 : i32
    %sign3A_4686 = arith.cmpi sgt, %jit3A_4676, %sign3A_4685 : i32
    %sign3A_4687 = arith.extui %sign3A_4686 : i1 to i32
    %sign3A_4688 = arith.constant 0 : i32
    %sign3A_4689 = arith.cmpi slt, %jit3A_4676, %sign3A_4688 : i32
    %sign3A_4690 = arith.extui %sign3A_4689 : i1 to i32
    %sign3A_4691 = arith.subi %sign3A_4687, %sign3A_4690 : i32
    %ne3A_4692 = arith.cmpi ne, %sign3A_4684, %sign3A_4691 : i32
    %rem3A_4693 = arith.remsi %rem3A_4675, %jit3A_4676 : i32
    %ne3A_4694 = arith.constant 0 : i32
    %ne3A_4695 = arith.cmpi ne, %rem3A_4693, %ne3A_4694 : i32
    %and3A_4696 = arith.andi %ne3A_4692, %ne3A_4695 : i1
    %sub3A_4697 = arith.constant 1 : i32
    %sub3A_4698 = arith.subi %div3A_4677, %sub3A_4697 : i32
    %select_n3A_4699 = arith.select %and3A_4696, %sub3A_4698, %div3A_4677 : i32
    %mul3A_4700 = arith.constant 16 : i32
    %mul3A_4701 = arith.muli %select_n3A_4699, %mul3A_4700 : i32
    %get3A_4702 = arith.constant 31 : i32
    %get3A_4703 = arith.index_cast %get3A_4702 : i32 to index
    %get3A_4704 = arith.index_cast %rem3A_4671 : i32 to index
    %get3A_4705 = arith.index_cast %mul3A_4701 : i32 to index
    %get3A_4706 = tpu.vector_load %arg7[%get3A_4703, %get3A_4704, %get3A_4705] {strides = array<i32>} : memref<32x8x128xf32, #tpu.memory_space<vmem>>, vector<16xf32>,
    %eq3A_4707 = arith.constant 15 : i32
    %eq3A_4708 = vector.broadcast %eq3A_4707 : i32 to vector<16xi32>
    %eq3A_4709 = arith.cmpi eq, %iota3A, %eq3A_4708 : vector<16xi32>
    %jit3A_4710 = arith.constant 0.000000e+00 : f32
    %broadcast_in_dim3A_4711 = vector.broadcast %jit3A_4710 : f32 to vector<16xf32>
    %select_n3A_4712 = arith.select %eq3A_4709, %get3A_4706, %broadcast_in_dim3A_4711 : vector<16xi1>, vector<16xf32>
    %reduce_sum3A_4713 = arith.constant true
    %reduce_sum3A_4714 = vector.broadcast %reduce_sum3A_4713 : i1 to vector<16xi1>
    %reduce_sum3A_4715 = tpu.scan <sum>, %select_n3A_4712 masked %reduce_sum3A_4714 : vector<16xf32>, vector<16xi1> -> vector<16xf32>
    %reduce_sum3A_4716 = vector.extract %reduce_sum3A_4715[15] : f32 from vector<16xf32>
    %ne3A_4717 = arith.constant 0 : i32
    %ne3A_4718 = arith.cmpi ne, %reduce_sum3A_2328, %ne3A_4717 : i32
    %jit3A_4719 = arith.constant 0.000000e+00 : f32
    %select_n3A_4720 = arith.select %ne3A_4718, %reduce_sum3A_4716, %jit3A_4719 : f32
    %eq3A_4721 = arith.constant 15 : i32
    %eq3A_4722 = vector.broadcast %eq3A_4721 : i32 to vector<16xi32>
    %eq3A_4723 = arith.cmpi eq, %iota3A, %eq3A_4722 : vector<16xi32>
    %broadcast_in_dim3A_4724 = vector.broadcast %select_n3A_4720 : f32 to vector<16xf32>
    %select_n3A_4725 = arith.select %eq3A_4723, %broadcast_in_dim3A_4724, %select_n3A_4669 : vector<16xi1>, vector<16xf32>
    %swap3A_4726 = arith.constant 16 : index
    %swap3A_4727 = tpu.vector_load %arg10[%swap3A_4726] {strides = array<i32>} : memref<32xf32, #tpu.memory_space<vmem>>, vector<16xf32>,
    tpu.vector_store %arg10[%swap3A_4726], %select_n3A_4725 {strides = array<i32>} : memref<32xf32, #tpu.memory_space<vmem>>, vector<16xf32>,
    "tpu.region"() ({
      %run_scoped3A = tpu.sem_alloc : memref<!tpu.dma_semaphore, #tpu.memory_space<semaphore_mem>>
      %dma_start3A_4728 = tpu.memref_slice %arg4[%mul3A_2] : memref<1024xf32, #tpu.memory_space<hbm>> -> memref<32xf32, #tpu.memory_space<hbm>>
      %dma_start3A_4729 = tpu.memref_slice %arg4[%mul3A_2] : memref<1024xf32, #tpu.memory_space<hbm>> -> memref<32xf32, #tpu.memory_space<hbm>>
      tpu.enqueue_dma source(%arg10 : memref<32xf32, #tpu.memory_space<vmem>>) target(%dma_start3A_4729 : memref<32xf32, #tpu.memory_space<hbm>>) target_semaphore(%run_scoped3A : memref<!tpu.dma_semaphore, #tpu.memory_space<semaphore_mem>>)
      %dma_wait3A_4730 = tpu.memref_slice %arg4[%mul3A_2] : memref<1024xf32, #tpu.memory_space<hbm>> -> memref<32xf32, #tpu.memory_space<hbm>>
      %dma_wait3A_4731 = tpu.memref_slice %arg4[%mul3A_2] : memref<1024xf32, #tpu.memory_space<hbm>> -> memref<32xf32, #tpu.memory_space<hbm>>
      tpu.wait_dma2 semaphore(%run_scoped3A : memref<!tpu.dma_semaphore, #tpu.memory_space<semaphore_mem>>) src(%arg10 : memref<32xf32, #tpu.memory_space<vmem>>) dst(%dma_wait3A_4731 : memref<32xf32, #tpu.memory_space<hbm>>)
      tpu.yield
    }) : () -> ()
    return
  }
}

module attributes {stable_mosaic.version = 14 : i64} {
  func.func @_tc_reduce_body(%arg0: i32, %arg1: memref<1x1024xi32, #tpu.memory_space<vmem>>, %arg2: memref<2048x1024xf32, #tpu.memory_space<vmem>>, %arg3: memref<2048x1024xf32, #tpu.memory_space<vmem>>, %arg4: memref<1x1xf32, #tpu.memory_space<smem>>) attributes {dimension_semantics = [#tpu.dimension_semantics<arbitrary>], iteration_bounds = array<i64: 18>, scalar_prefetch = 0 : i64, scratch_operands = 0 : i64, tpu.core_type = #tpu.core_type<tc>, window_params = [{pipeline_mode = #tpu.pipeline_mode<synchronous>, transform_indices = @transform_0, window_bounds = array<i64: 1, 1024>}, {transform_indices = @transform_1, window_bounds = array<i64: 2048, 1024>}, {transform_indices = @transform_2, window_bounds = array<i64: 2048, 1024>}, {transform_indices = @transform_3, window_bounds = array<i64: 1, 1>}]} {
    %eq3A = arith.constant 0 : i32
    %eq3A_0 = arith.cmpi eq, %arg0, %eq3A : i32
    %convert_element_type3A = arith.extui %eq3A_0 : i1 to i32
    %cond3A = arith.constant 0 : i32
    %cond3A_1 = arith.cmpi ne, %convert_element_type3A, %cond3A : i32
    scf.if %cond3A_1 {
      %swap3A_42 = arith.constant 0.000000e+00 : f32
      %swap3A_43 = arith.constant 0 : index
      %swap3A_44 = arith.constant 0 : index
      %swap3A_45 = memref.load %arg4[%swap3A_43, %swap3A_44] : memref<1x1xf32, #tpu.memory_space<smem>>
      memref.store %swap3A_42, %arg4[%swap3A_43, %swap3A_44] : memref<1x1xf32, #tpu.memory_space<smem>>
    } else {
    }
    %get3A = arith.constant 0 : index
    %get3A_2 = arith.constant 0 : index
    %get3A_3 = vector.load %arg1[%get3A, %get3A_2] : memref<1x1024xi32, #tpu.memory_space<vmem>>, vector<1x1024xi32>
    %ne3A = arith.constant 0 : i32
    %ne3A_4 = vector.broadcast %ne3A : i32 to vector<1x1024xi32>
    %ne3A_5 = arith.cmpi ne, %get3A_3, %ne3A_4 : vector<1x1024xi32>
    %convert_element_type3A_6 = arith.extui %ne3A_5 : vector<1x1024xi1> to vector<1x1024xi32>
    %convert_element_type3A_7 = arith.sitofp %convert_element_type3A_6 : vector<1x1024xi32> to vector<1x1024xf32>
    %add3A = arith.constant 18 : i32
    %add3A_8 = arith.addi %arg0, %add3A : i32
    %mul3A = arith.constant 2048 : i32
    %mul3A_9 = arith.muli %add3A_8, %mul3A : i32
    %iota3A = tpu.iota {dimensions = array<i32: 0>} : vector<2048x1024xi32>
    %add3A_10 = vector.broadcast %mul3A_9 : i32 to vector<2048x1024xi32>
    %add3A_11 = arith.addi %add3A_10, %iota3A : vector<2048x1024xi32>
    %lt3A = arith.constant 70304 : i32
    %lt3A_12 = vector.broadcast %lt3A : i32 to vector<2048x1024xi32>
    %lt3A_13 = arith.cmpi slt, %add3A_11, %lt3A_12 : vector<2048x1024xi32>
    %get3A_14 = arith.constant 0 : index
    %get3A_15 = arith.constant 0 : index
    %get3A_16 = vector.load %arg3[%get3A_14, %get3A_15] : memref<2048x1024xf32, #tpu.memory_space<vmem>>, vector<2048x1024xf32>
    %jit3A = arith.constant 0.000000e+00 : f32
    %broadcast_in_dim3A = vector.broadcast %jit3A : f32 to vector<2048x1024xf32>
    %select_n3A = arith.select %lt3A_13, %get3A_16, %broadcast_in_dim3A : vector<2048x1024xi1>, vector<2048x1024xf32>
    %get3A_17 = arith.constant 0 : index
    %get3A_18 = arith.constant 0 : index
    %get3A_19 = memref.load %arg4[%get3A_17, %get3A_18] : memref<1x1xf32, #tpu.memory_space<smem>>
    %get3A_20 = arith.constant 0 : index
    %get3A_21 = arith.constant 0 : index
    %get3A_22 = vector.load %arg2[%get3A_20, %get3A_21] : memref<2048x1024xf32, #tpu.memory_space<vmem>>, vector<2048x1024xf32>
    %mul3A_23 = vector.broadcast %convert_element_type3A_7 : vector<1x1024xf32> to vector<2048x1024xf32>
    %mul3A_24 = arith.mulf %get3A_22, %mul3A_23 : vector<2048x1024xf32>
    %reduce_sum3A = vector.shape_cast %mul3A_24 : vector<2048x1024xf32> to vector<1x2048x1024xf32>
    %reduce_sum3A_25 = arith.constant dense<0.000000e+00> : vector<1xf32>
    %reduce_sum3A_26 = vector.multi_reduction <add>, %reduce_sum3A, %reduce_sum3A_25 [1, 2] : vector<1x2048x1024xf32> to vector<1xf32>
    %reduce_sum3A_27 = vector.shape_cast %reduce_sum3A_26 : vector<1xf32> to vector<1x1x1xf32>
    %reduce_sum3A_28 = vector.extract %reduce_sum3A_27[0, 0, 0] : f32 from vector<1x1x1xf32>
    %mul3A_29 = vector.broadcast %convert_element_type3A_7 : vector<1x1024xf32> to vector<2048x1024xf32>
    %mul3A_30 = arith.mulf %select_n3A, %mul3A_29 : vector<2048x1024xf32>
    %reduce_sum3A_31 = vector.shape_cast %mul3A_30 : vector<2048x1024xf32> to vector<1x2048x1024xf32>
    %reduce_sum3A_32 = arith.constant dense<0.000000e+00> : vector<1xf32>
    %reduce_sum3A_33 = vector.multi_reduction <add>, %reduce_sum3A_31, %reduce_sum3A_32 [1, 2] : vector<1x2048x1024xf32> to vector<1xf32>
    %reduce_sum3A_34 = vector.shape_cast %reduce_sum3A_33 : vector<1xf32> to vector<1x1x1xf32>
    %reduce_sum3A_35 = vector.extract %reduce_sum3A_34[0, 0, 0] : f32 from vector<1x1x1xf32>
    %add3A_36 = arith.addf %reduce_sum3A_28, %reduce_sum3A_35 : f32
    %mul3A_37 = arith.constant 1.000010e-06 : f32
    %mul3A_38 = arith.mulf %mul3A_37, %add3A_36 : f32
    %add3A_39 = arith.addf %get3A_19, %mul3A_38 : f32
    %swap3A = arith.constant 0 : index
    %swap3A_40 = arith.constant 0 : index
    %swap3A_41 = memref.load %arg4[%swap3A, %swap3A_40] : memref<1x1xf32, #tpu.memory_space<smem>>
    memref.store %add3A_39, %arg4[%swap3A, %swap3A_40] : memref<1x1xf32, #tpu.memory_space<smem>>
    return
  }
  func.func @transform_0(%arg0: i32) -> (i32, i32) {
    %c0_i32 = arith.constant 0 : i32
    %c0_i32_0 = arith.constant 0 : i32
    %c0_i32_1 = arith.constant 0 : i32
    return %c0_i32, %c0_i32_0 : i32, i32
  }
  func.func @transform_1(%arg0: i32) -> (i32, i32) {
    %c0_i32 = arith.constant 0 : i32
    %c0_i32_0 = arith.constant 0 : i32
    return %arg0, %c0_i32 : i32, i32
  }
  func.func @transform_2(%arg0: i32) -> (i32, i32) {
    %add3A = arith.constant 18 : i32
    %add3A_0 = arith.addi %arg0, %add3A : i32
    %c0_i32 = arith.constant 0 : i32
    %c0_i32_1 = arith.constant 0 : i32
    return %add3A_0, %c0_i32 : i32, i32
  }
  func.func @transform_3(%arg0: i32) -> (i32, i32) {
    %c0_i32 = arith.constant 0 : i32
    %c0_i32_0 = arith.constant 0 : i32
    %c0_i32_1 = arith.constant 0 : i32
    return %c0_i32, %c0_i32_0 : i32, i32
  }
}

module attributes {stable_mosaic.version = 14 : i64} {
  func.func @_combine_body(%arg0: memref<1x1xf32, #tpu.memory_space<smem>>, %arg1: memref<8x128xf32, #tpu.memory_space<vmem>>, %arg2: memref<256x128xf32, #tpu.memory_space<vmem>>, %arg3: memref<1x1xf32, #tpu.memory_space<smem>>) attributes {dimension_semantics = [], scalar_prefetch = 0 : i64, scratch_operands = 0 : i64, tpu.core_type = #tpu.core_type<tc>} {
    %get3A = arith.constant 0 : index
    %get3A_0 = arith.constant 0 : index
    %get3A_1 = memref.load %arg0[%get3A, %get3A_0] : memref<1x1xf32, #tpu.memory_space<smem>>
    %get3A_2 = arith.constant 0 : index
    %get3A_3 = arith.constant 0 : index
    %get3A_4 = vector.load %arg2[%get3A_2, %get3A_3] : memref<256x128xf32, #tpu.memory_space<vmem>>, vector<256x128xf32>
    %reduce_sum3A = vector.shape_cast %get3A_4 : vector<256x128xf32> to vector<1x256x128xf32>
    %reduce_sum3A_5 = arith.constant dense<0.000000e+00> : vector<1xf32>
    %reduce_sum3A_6 = vector.multi_reduction <add>, %reduce_sum3A, %reduce_sum3A_5 [1, 2] : vector<1x256x128xf32> to vector<1xf32>
    %reduce_sum3A_7 = vector.shape_cast %reduce_sum3A_6 : vector<1xf32> to vector<1x1x1xf32>
    %reduce_sum3A_8 = vector.extract %reduce_sum3A_7[0, 0, 0] : f32 from vector<1x1x1xf32>
    %mul3A = arith.constant 1.000010e-06 : f32
    %mul3A_9 = arith.mulf %mul3A, %reduce_sum3A_8 : f32
    %add3A = arith.addf %get3A_1, %mul3A_9 : f32
    %get3A_10 = arith.constant 0 : index
    %get3A_11 = arith.constant 0 : index
    %get3A_12 = vector.load %arg1[%get3A_10, %get3A_11] : memref<8x128xf32, #tpu.memory_space<vmem>>, vector<8x128xf32>
    %reduce_sum3A_13 = vector.shape_cast %get3A_12 : vector<8x128xf32> to vector<1x8x128xf32>
    %reduce_sum3A_14 = arith.constant dense<0.000000e+00> : vector<1xf32>
    %reduce_sum3A_15 = vector.multi_reduction <add>, %reduce_sum3A_13, %reduce_sum3A_14 [1, 2] : vector<1x8x128xf32> to vector<1xf32>
    %reduce_sum3A_16 = vector.shape_cast %reduce_sum3A_15 : vector<1xf32> to vector<1x1x1xf32>
    %reduce_sum3A_17 = vector.extract %reduce_sum3A_16[0, 0, 0] : f32 from vector<1x1x1xf32>
    %mul3A_18 = arith.constant 8.999990e-01 : f32
    %mul3A_19 = arith.mulf %mul3A_18, %reduce_sum3A_17 : f32
    %add3A_20 = arith.addf %add3A, %mul3A_19 : f32
    %neg3A = arith.constant 0.000000e+00 : f32
    %neg3A_21 = arith.subf %neg3A, %add3A_20 : f32
    %swap3A = arith.constant 0 : index
    %swap3A_22 = arith.constant 0 : index
    %swap3A_23 = memref.load %arg3[%swap3A, %swap3A_22] : memref<1x1xf32, #tpu.memory_space<smem>>
    memref.store %neg3A_21, %arg3[%swap3A, %swap3A_22] : memref<1x1xf32, #tpu.memory_space<smem>>
    return
  }
}

</mosaic_0001>

<sc_bundles>
// kernel: kernel.5.cloned.1.call-start
scs
__scs_entry_jumppad:
0x0: {  	(pc) =	sbr.rel $0x88, $3  }
0x1: {  	(tag) =	ssettag $0x0;
	lr =	simm.s32 $0x1  }
0x2: {  	[smem:$0x3F9F] =	sst lr;
	_ =	strace $0xD0000000  }
0x3: {  	_ = 	snop  }
0x4: {  	_ = 	snop  }
0x5: {  	_ = 	snop  }
0x6: {  	_ = 	snop  }
0x7: {  	_ = 	snop  }
__scs_overlays_trampoline_lowered:
0x8: {  	[smem:$0x3FAE] =	sst s0  }
0x9: {  	[smem:$0x3FAF] =	sst s1  }
0xa: {  	[smem:$0x3FB0] =	sst s2  }
0xb: {  	[smem:$0x3FB1] =	sst s3  }
0xc: {  	[smem:$0x3FB2] =	sst s4  }
0xd: {  	[smem:$0x3FB3] =	sst s5  }
0xe: {  	[smem:$0x3FB4] =	sst s6  }
0xf: {  	[smem:$0x3FB5] =	sst s7  }
0x10: {  	[smem:$0x3FB6] =	sst s8  }
0x11: {  	[smem:$0x3FB7] =	sst s9;
	s0 =	simm.s32 @!p0 $0x0  }
0x12: {  	s1 =	sld [smem:$0x3F9D];
	s0 =	simm.s32 @p0 $0x1  }
0x13: {  	[smem:$0x3FB8] =	sst s0;
	s0 =	simm.s32 @!p1 $0x0  }
0x14: {  	s2 =	sld [smem:$0x3F9C];
	s0 =	simm.s32 @p1 $0x1  }
0x15: {  	[smem:$0x3FB9] =	sst s0;
	s0 =	simm.s32 @!p2 $0x0  }
0x16: {  	s3 =	sld [smem:$0x3FDB];
	s0 =	simm.s32 @p2 $0x1  }
0x17: {  	s4 =	simm.s32 $0x1BF5;
	[smem:$0x3FBB] =	sst s0  }
0x18: {  	s0 =	sld [smem:$0x3F9E];
	_ =	swait.ge [sflag:s4], $0x0  }
0x19: {  	s7 =	sld [smem:$0x3F9F]  }
0x1a: {  	s8 =	sadd.s32 $0xFFFFE003, lr  }
0x1b: {  	s9 =	sadd.s32 $0xFFFFFEF7, lr;
	s5 =	simm.s32 $0xFFFFFFFF;
	p2 =	slt.u32 s8, $0xFFFFF086  }
0x1c: {  	p1 =	slt.u32 s9, $0xF7A;
	s5 =	simm.s32 @!p2 $0x0  }
0x1d: {  	s5 =	simm.s32 @p1 $0x1;
	p0 =	seq.s32 s7, s2  }
0x1e: {  	s7 =	smul.u32 @!p0 $0xF7A, s2;
	p2 =	seq.s32 @!p0 s5, $0x0  }
0x1f: {  	s9 =	smul.u32 $0xF7A, s1;
	s8 =	simm.s32 @!p0 $0x1BF5;
	p2 =	por !p2, p0  }
0x20: {  	[sflag:s8] =	ssyncset.s32 @!p0 $0xFFFFF086;
	s6 =	sadd.s32 @!p0 s3, s7;
	s7 =	simm.s32 @!p0 $0x108  }
0x21: {  	s3 =	sadd.s32 s3, s9;
	s6 =	sadd.s32 @!p0 $0x88, s6;
	s7 =	simm.s32 @p2 $0x1082  }
0x22: {  	[simem:s7], [sflag:s8] =	dma.local @!p0 [hbm:s6], $0xF7A  }
0x23: {  	s9 =	sor.u32 $0xD0000000, s2;
	s6 =	simm.s32 $0x108;
	_ =	swait.ge @!p0 [sflag:s8], $0x0  }
0x24: {  	s3 =	sadd.s32 $0x88, s3;
	s6 =	simm.s32 @!p1 $0x1082;
	[sflag:s4] =	ssyncset.s32 $0xFFFFF086  }
0x25: {  	[simem:s6], [sflag:s4] =	dma.local [hbm:s3], $0xF7A  }
0x26: {  	[smem:$0x3F9F] =	sst s1;
	(tag) =	ssettag s2;
	_ =	strace s9  }
0x27: {  	s1 =	sld [smem:$0x3FAF]  }
0x28: {  	s2 =	sld [smem:$0x3FB0]  }
0x29: {  	s4 =	sld [smem:$0x3FB2]  }
0x2a: {  	p0 =	seq.s32 s5, $0x0;
	s5 =	sld [smem:$0x3FB3]  }
0x2b: {  	s6 =	sld [smem:$0x3FB4]  }
0x2c: {  	s7 =	sld [smem:$0x3FB5]  }
0x2d: {  	s3 =	simm.s32 $0x108;
	s8 =	sld [smem:$0x3FB6]  }
0x2e: {  	s3 =	simm.s32 @!p0 $0x1082;
	s9 =	sld [smem:$0x3FB7]  }
0x2f: {  	lr =	sadd.s32 s0, s3;
	s0 =	sld [smem:$0x3FAE]  }
0x30: {  	s3 =	sld [smem:$0x3FB1]  }
0x31: {  	[smem:$0x3FBA] =	sst s10  }
0x32: {  	s10 =	sld [smem:$0x3FB8];
	_ =	sdelay $0x3  }
0x33: {  	p0 =	seq.s32 s10, $0x1;
	s10 =	sld [smem:$0x3FBA];
	_ =	sdelay $0x3  }
0x34: {  	[smem:$0x3FBA] =	sst s10  }
0x35: {  	s10 =	sld [smem:$0x3FB9];
	_ =	sdelay $0x3  }
0x36: {  	p1 =	seq.s32 s10, $0x1;
	s10 =	sld [smem:$0x3FBA];
	_ =	sdelay $0x3  }
0x37: {  	[smem:$0x3FBA] =	sst s10  }
0x38: {  	s10 =	sld [smem:$0x3FBB]  }
0x39: {  	_ = 	snop;
	(pc) =	sbr.ind lr, $3  }
0x3a: {  	_ = 	snop  }
0x3b: {  	_ = 	snop  }
0x3c: {  	p2 =	seq.s32 s10, $0x1;
	s10 =	sld [smem:$0x3FBA]  }
0x3d: {  	_ =	shalt  }
0x3e: {  	_ =	shalt  }
0x3f: {  	_ =	shalt  }
0x40: {  	_ =	shalt  }
0x41: {  	_ =	shalt  }
0x42: {  	_ =	shalt  }
0x43: {  	_ =	shalt  }
0x44: {  	_ =	shalt  }
0x45: {  	_ =	shalt  }
0x46: {  	_ =	shalt  }
0x47: {  	_ =	shalt  }
0x48: {  	_ =	shalt  }
0x49: {  	_ =	shalt  }
0x4a: {  	_ =	shalt  }
0x4b: {  	_ =	shalt  }
0x4c: {  	_ =	shalt  }
0x4d: {  	_ =	shalt  }
0x4e: {  	_ =	shalt  }
0x4f: {  	_ =	shalt  }
0x50: {  	_ =	shalt  }
0x51: {  	_ =	shalt  }
0x52: {  	_ =	shalt  }
0x53: {  	_ =	shalt  }
0x54: {  	_ =	shalt  }
0x55: {  	_ =	shalt  }
0x56: {  	_ =	shalt  }
0x57: {  	_ =	shalt  }
0x58: {  	_ =	shalt  }
0x59: {  	_ =	shalt  }
0x5a: {  	_ =	shalt  }
0x5b: {  	_ =	shalt  }
0x5c: {  	_ =	shalt  }
0x5d: {  	_ =	shalt  }
0x5e: {  	_ =	shalt  }
0x5f: {  	_ =	shalt  }
0x60: {  	_ =	shalt  }
0x61: {  	_ =	shalt  }
0x62: {  	_ =	shalt  }
0x63: {  	_ =	shalt  }
0x64: {  	_ =	shalt  }
0x65: {  	_ =	shalt  }
0x66: {  	_ =	shalt  }
0x67: {  	_ =	shalt  }
0x68: {  	_ =	shalt  }
0x69: {  	_ =	shalt  }
0x6a: {  	_ =	shalt  }
0x6b: {  	_ =	shalt  }
0x6c: {  	_ =	shalt  }
0x6d: {  	_ =	shalt  }
0x6e: {  	_ =	shalt  }
0x6f: {  	_ =	shalt  }
0x70: {  	_ =	shalt  }
0x71: {  	_ =	shalt  }
0x72: {  	_ =	shalt  }
0x73: {  	_ =	shalt  }
0x74: {  	_ =	shalt  }
0x75: {  	_ =	shalt  }
0x76: {  	_ =	shalt  }
0x77: {  	_ =	shalt  }
0x78: {  	_ =	shalt  }
0x79: {  	_ =	shalt  }
0x7a: {  	_ =	shalt  }
0x7b: {  	_ =	shalt  }
0x7c: {  	_ =	shalt  }
0x7d: {  	_ =	shalt  }
0x7e: {  	_ =	shalt  }
0x7f: {  	_ =	shalt  }
0x80: {  	_ =	shalt  }
0x81: {  	_ =	shalt  }
0x82: {  	_ =	shalt  }
0x83: {  	_ =	shalt  }
0x84: {  	_ =	shalt  }
0x85: {  	_ =	shalt  }
0x86: {  	_ =	shalt  }
0x87: {  	_ =	shalt  }
.Lfunc_end0:
.L_simem_size_0:
called_computation_lowered:
.L_overlay_start_0:
0x88: {  	s2 =	sld [smem:$0x3FD9]  }
0x89: {  	s3 =	sld [smem:$0x3FFE];
	_ =	sdelay $0x1  }
0x8a: {  	s1 =	srdreg.scid  }
0x8b: {  	s0 =	sand.u32 $0x1, s1  }
0x8c: {  	s17 =	sshll.u32 s0, $0xA;
	s2 =	sadd.s32 s3, s2  }
0x8d: {  	s2 =	sadd.s32 s2, s17  }
0x8e: {  	[smem:$0x3FC6] =	sst s2  }
0x8f: {  	_ = 	snop  }
0x90: {  	s2 =	sld [smem:$0x3FC9]  }
0x91: {  	s18 =	sld [smem:$0x3FC8];
	(tm) =	ssettm $0x1  }
0x92: {  	s4 =	sld [smem:$0x3FFB];
	_ =	sdelay $0x3  }
0x93: {  	_ =	strace s4  }
0x94: {  	s4 =	sld [smem:$0x3FFC];
	_ =	sdelay $0x3  }
0x95: {  	_ =	strace s4  }
0x96: {  	s4 =	sld [smem:$0x3FFD];
	_ =	sdelay $0x3  }
0x97: {  	_ =	strace s4  }
0x98: {  	_ =	strace $0x8FFFFFFF  }
0x99: {  	s19 =	sld [smem:$0x3FDB];
	_ =	sdelay $0x1  }
0x9a: {  	s5 =	simm.s32 $_scs_section_size  }
0x9b: {  	s6 =	simm.s32 $_size__tile_overlayer_lowered;
	s7 =	simm.s32 $_tile_overlayer_lowered  }
0x9c: {  	s22 =	simm.s32 $0x1BFF;
	s21 =	sshll.u32 s7, $0x1;
	s4 =	sadd.s32 s5, s19  }
0x9d: {  	s8 =	simm.s32 $0x0;
	s20 =	sshll.u32 s6, $0x1;
	s6 =	sadd.s32 s21, s4  }
0x9e: {  	[timem:s8], [sflag:s22] =	dma.local [hbm:s6], s20  }
0x9f: {  	_ =	swait.ge [sflag:s22], s20  }
0xa0: {  	s5 =	ssub.s32 $0x0, s20;
	[sflag:s22] =	ssyncset.done $0x0  }
0xa1: {  	[sflag:s22] =	ssyncadd.s32 s5;
	_ =	sdelay $0x1  }
0xa2: {  	s23 =	simm.s32 $0x1B8B  }
0xa3: {  	_ =	swait.ge [sflag:s23], $0x1  }
0xa4: {  	[sflag:s23] =	ssyncset.done $0x0  }
0xa5: {  	s25 =	simm.s32 $0x1B8E;
	s24 =	sld [smem:$0x3FFE];
	[sflag:s23] =	ssyncadd.s32 $0xFFFFFFFF  }
0xa6: {  	s26 =	simm.s32 $execute0_lowered;
	[smem:$0x3FD2] =	sst s25  }
0xa7: {  	s6 =	sshll.u32 s26, $0x1;
	_ =	strace $0x80000046;
	[dreg:$0x1] =	wrdreg $0xFFFFFFFF  }
0xa8: {  	s28 =	simm.s32 $_size_execute0_lowered;
	s4 =	sadd.s32 s4, s6;
	[dreg:$0x0] =	wrdreg $0x0  }
0xa9: {  	s6 =	sshll.u32 s28, $0x1;
	[dreg:$0x2] =	wrdreg s4  }
0xaa: {  	[dreg:$0x3] =	wrdreg s6  }
0xab: {  	[dreg:$0x4] =	wrdreg $0xC0  }
0xac: {  	_ =	task [dreg:s8], $0x5FFFF  }
0xad: {  	[dreg:$0x1] =	wrdreg $0xFFFFFFFF  }
0xae: {  	[dreg:$0x0] =	wrdreg $0x60  }
0xaf: {  	[dreg:$0x2] =	wrdreg s2  }
0xb0: {  	[dreg:$0x3] =	wrdreg s18  }
0xb1: {  	[dreg:$0x4] =	wrdreg s24  }
0xb2: {  	[dreg:$0x5] =	wrdreg $0x9  }
0xb3: {  	_ =	task.clear_ibuf [dreg:s8], $0x6FFFF;
	_ =	strace $0x90000046  }
0xb4: {  	s29 =	simm.s32 $0x9;
	_ =	strace $0x80000048  }
0xb5: {  	_ =	swait.ge [sflag:s29], $0x1  }
0xb6: {  	[sflag:s29] =	ssyncadd.s32 $0xFFFFFFFF  }
0xb7: {  	_ =	strace $0x90000048  }
0xb8: {  	_ =	sfence  }
0xb9: {  	s30 =	sld [smem:$0x0];
	_ =	sdelay $0x2  }
0xba: {  	s31 =	sshll.u32 s1, $0xD;
	s1 =	sshrl.u32 s1, $0x2  }
0xbb: {  	s3 =	sand.u32 $0x4000, s31;
	s1 =	sadd.s32 s1, s30  }
0xbc: {  	s0 =	sor.u32 s3, s0;
	s1 =	sshll.u32 s1, $0x11  }
0xbd: {  	s0 =	sor.u32 s1, s0  }
0xbe: {  	s0 =	sadd.s32 $0x8F2B, s0  }
0xbf: {  	[sflag:s0] =	ssyncadd.remote.s32 $0x1  }
0xc0: {  	_ =	sfence.sel $0xFFFF  }
0xc1: {  	[dreg:$0x0] =	wrdreg $0xFFFFFFFF;
	(pc) =	sbr.abs _section_cstart, $3  }
0xc2: {  	[dreg:$0x1] =	wrdreg $0xFFFFFFFF  }
0xc3: {  	_ =	task.clear_ibuf [dreg:s8], $0x2FFFF;
	_ =	strace $0x9FFFFFFF  }
0xc4: {  	(tm) =	ssettm $0x7FFFFFFF  }
0xc5: {  	_ =	shalt  }
tec
execute0_lowered:
.L_overlay_start_1:
0x0: {  	(tag) =	ssettag $0x1  }
0x1: {  	s1 =	rddreg [dreg:$0x0]  }
0x2: {  	s10 =	rddreg [dreg:$0x1]  }
0x3: {  	s0 =	rddreg [dreg:$0x2]  }
0x4: {  	s2 =	srdreg.scid;
	s9 =	stileid.u32  }
0x5: {  	s15 =	simm.s32 $0x0;
	s28 =	simm.s32 $0x3;
	s2 =	sand.u32 $0x1, s2  }
0x6: {  	s3 =	sshll.u32 s9, $0x1;
	[smem:$0x7FF] =	sst s15;
	s23 =	sshll.u32 s9, $0x9  }
0x7: {  	s3 =	sor.u32 s2, s3;
	_ =	strace $0x80000047;
	s2 =	ssub.s32 $0x2, s2  }
0x8: {  	s5 =	sshll.u32 s3, $0x2;
	s6 =	sshll.u32 s3, $0x7;
	s7 =	sshrl.u32 s2, $0x1  }
0x9: {  	s22 =	sshll.u32 s3, $0x5;
	s8 =	sadd.s32 s5, s0;
	s5 =	sadd.s32 s10, s5  }
0xa: {  	s21 =	smul.u32 $0xE8000, s3;
	s4 =	sand.u32 $0x60, s22;
	[dreg:$0x4] =	wrdreg s5  }
0xb: {  	vm0 =	vmmov $0x1;
	v0 =	vimm.s32 $0x0;
	s0 =	sadd.s32 s6, s0;
	s5 =	sand.u32 $0x1C00, s23;
	[dreg:$0x1a] =	wrdreg s4  }
0xc: {  	vm2 =	vcmask $0x308;
	vm3 =	vcmask $0x70C;
	vm4 =	vcmask $0xB10;
	s3 =	smul.u32 $0x1D000, s3;
	s0 =	sadd.s32 $0xE00, s0;
	[dreg:$0x1f] =	wrdreg s5  }
0xd: {  	vm5 =	vcmask $0xF14;
	vm6 =	vcmask $0x1318;
	vm7 =	vcmask $0x171C;
	s2 =	ssub.s32 s2, s7;
	s31 =	sadd.s32 $0x1E00, s8;
	[dreg:$0x7] =	wrdreg s0  }
0xe: {  	vm8 =	vcmask $0x1B20;
	vm9 =	vcmask $0x1F24;
	vm10 =	vcmask $0x2328;
	s3 =	sadd.s32 s1, s3;
	s2 =	smax.u32 s2, $0x1;
	[dreg:$0x8] =	wrdreg s31  }
0xf: {  	vm11 =	vcmask $0x272C;
	vm12 =	vcmask $0x2B30;
	vm13 =	vcmask $0x2F34;
	s24 =	sshrl.u32 s21, $0x3;
	s26 =	sadd.s32 $0x895000, s3;
	[dreg:$0x9] =	wrdreg s2  }
0x10: {  	v3 =	vimm.s32 $0x0;
	v0 =	vsel vm0, $0xFFFFFFFF, v0;
	vm0 =	vmmov $0x7fff;
	s25 =	sadd.s32 s1, s24;
	s29 =	sadd.s32 $0x897000, s3;
	[dreg:$0x5] =	wrdreg s26  }
0x11: {  	vm14 =	vcmask $0x3338;
	vm15 =	vcmask $0x373C;
	[tilespmem:$0x1FFE0] =	vst v0;
	v3 =	vsel vm0, $0xFFFFFFFF, v3;
	s30 =	sor.u32 $0x80, s4;
	s5 =	sadd.s32 $0x896000, s25;
	[smem:$0x7FD] =	sst s29  }
0x12: {  	v1 =	vimm.f32 $0.0e+00;
	v2 =	vimm.f32 $1.000000000e+00;
	[tilespmem:$0x1FFF0] =	vst v3;
	v0 =	vmov s30;
	s2 =	simm.s32 $0x2;
	s3 =	simm.s32 $0x0;
	[dreg:$0x6] =	wrdreg s5  }
.LBB2_1:
0x13: {  	[dreg:$0xa] =	wrdreg s3  }
0x14: {  	s0 =	rddreg [dreg:$0x4]  }
0x15: {  	[tilespmem:s15], [sflag:$0x3] =	stream.linear.gather [hbm4b:s0+s15], $0x20, $0x38;
	[tilespmem:$0x18900] =	vst v63  }
0x16: {  	_ =	swait.ge [sflag:s28], $0x20  }
0x17: {  	[sflag:s28] =	ssyncset.done $0x0  }
0x18: {  	v3 =	vld [tilespmem:$0x1FFE0];
	[sflag:s28] =	ssyncadd.s32 $0xFFFFFFE0  }
0x19: {  	v4 =	vld [tilespmem:$0x0];
	_ =	sdelay $0x3  }
0x1a: {  	vm1 =	vnez.u8 v3  }
0x1b: {  	v3 =	vnsel vm1, $0x0, v4  }
0x1c: {  	(xrf0) =	vadd.scan.msk.s32 $0xffff, v3;
	_ =	sdelay $0x5  }
0x1d: {  	v3, _, _ =	vpop (xrf0)  }
0x1e: {  	(v2sf) =	vpush v3, $0xF;
	_ =	sdelay $0x1  }
0x1f: {  	v3 =	vsel vm2, $0x0, v4  }
0x20: {  	(xrf0) =	vadd.scan.msk.s32 $0xffff, v3;
	_ =	sdelay $0x5  }
0x21: {  	v3, _, _ =	vpop (xrf0)  }
0x22: {  	(v2sf) =	vpush v3, $0xF;
	_ =	sdelay $0x4  }
0x23: {  	s1 =	spop (v2sf)  }
0x24: {  	s20 =	sshra.s32 s1, $0x1F  }
0x25: {  	v3 =	vsel vm3, $0x0, v4;
	s0 =	sshrl.u32 s20, $0x1D  }
0x26: {  	(xrf0) =	vadd.scan.msk.s32 $0xffff, v3;
	s0 =	sadd.s32 s0, s1  }
0x27: {  	s21 =	sand.u32 $0xFFFFFFF8, s0  }
0x28: {  	p0 =	slt.s32 s1, $0x1;
	p1 =	sne.s32 s1, s21  }
0x29: {  	p0 =	por !p0, !p1  }
0x2a: {  	s3 =	simm.s32 $0x1;
	p0 =	por !p0, !p0  }
0x2b: {  	s0 =	sshrl.u32 s0, $0x3;
	s3 =	simm.s32 @!p0 $0x0  }
0x2c: {  	v5, _, _ =	vpop (xrf0);
	s0 =	ssub.s32 s0, s3  }
0x2d: {  	s10 =	rddreg [dreg:$0x1f];
	s23 =	spop (v2sf);
	(v2sf) =	vpush v5, $0xF;
	s0 =	sshll.u32 s0, $0xD  }
0x2e: {  	s0 =	sor.u32 s10, s0  }
0x2f: {  	s16 =	rddreg [dreg:$0x0];
	s0 =	sshrl.u32 s0, $0x3  }
0x30: {  	s22 =	simm.s32 $0x80;
	s24 =	sshra.s32 s23, $0x1F;
	s0 =	sadd.s32 s16, s0  }
0x31: {  	v3 =	vld [tilespmem:$0x10];
	[tilespmem:s22], [sflag:$0x1] =	stream.linear.gather [hbm4b:s0+s15], $0x400, $0x38  }
0x32: {  	s0 =	sshrl.u32 s24, $0x1D  }
0x33: {  	s0 =	sadd.s32 s0, s23  }
0x34: {  	s25 =	sand.u32 $0xFFFFFFF8, s0  }
0x35: {  	v37 =	vsel vm4, $0x0, v4;
	p5 =	slt.s32 s23, $0x1;
	p6 =	sne.s32 s23, s25  }
0x36: {  	(xrf0) =	vadd.scan.msk.s32 $0xffff, v37;
	p0 =	por !p5, !p6  }
0x37: {  	s3 =	simm.s32 $0x1;
	p0 =	por !p0, !p0  }
0x38: {  	s0 =	sshrl.u32 s0, $0x3;
	s3 =	simm.s32 @!p0 $0x0  }
0x39: {  	s0 =	ssub.s32 s0, s3  }
0x3a: {  	s0 =	sshll.u32 s0, $0xD  }
0x3b: {  	s0 =	sor.u32 s10, s0  }
0x3c: {  	v5, _, _ =	vpop (xrf0);
	s28 =	spop (v2sf);
	s0 =	sshrl.u32 s0, $0x3  }
0x3d: {  	s26 =	simm.s32 $0x480;
	(v2sf) =	vpush v5, $0xF;
	s29 =	sshra.s32 s28, $0x1F;
	s0 =	sadd.s32 s16, s0  }
0x3e: {  	[tilespmem:s26], [sflag:$0x1] =	stream.linear.gather [hbm4b:s0+s15], $0x400, $0x38;
	[tilespmem:$0x18900] =	vst v63  }
0x3f: {  	s0 =	sshrl.u32 s29, $0x1D  }
0x40: {  	s0 =	sadd.s32 s0, s28  }
0x41: {  	s31 =	sand.u32 $0xFFFFFFF8, s0  }
0x42: {  	p1 =	slt.s32 s28, $0x1;
	p2 =	sne.s32 s28, s31  }
0x43: {  	p0 =	por !p1, !p2  }
0x44: {  	v38 =	vsel vm5, $0x0, v4;
	s3 =	simm.s32 $0x1;
	p0 =	por !p0, !p0  }
0x45: {  	(xrf0) =	vadd.scan.msk.s32 $0xffff, v38;
	s0 =	sshrl.u32 s0, $0x3;
	s3 =	simm.s32 @!p0 $0x0  }
0x46: {  	s0 =	ssub.s32 s0, s3  }
0x47: {  	s0 =	sshll.u32 s0, $0xD  }
0x48: {  	s0 =	sor.u32 s10, s0  }
0x49: {  	s0 =	sshrl.u32 s0, $0x3  }
0x4a: {  	[dreg:$0xb] =	wrdreg s1;
	s1 =	simm.s32 $0x880;
	s0 =	sadd.s32 s16, s0  }
0x4b: {  	v5, _, _ =	vpop (xrf0);
	[tilespmem:s1], [sflag:$0x1] =	stream.linear.gather [hbm4b:s0+s15], $0x400, $0x38;
	[tilespmem:$0x18900] =	vst v63  }
0x4c: {  	s4 =	spop (v2sf);
	(v2sf) =	vpush v5, $0xF  }
0x4d: {  	s5 =	sshra.s32 s4, $0x1F  }
0x4e: {  	s0 =	sshrl.u32 s5, $0x1D  }
0x4f: {  	s0 =	sadd.s32 s0, s4  }
0x50: {  	s6 =	sand.u32 $0xFFFFFFF8, s0  }
0x51: {  	p3 =	slt.s32 s4, $0x1;
	p4 =	sne.s32 s4, s6  }
0x52: {  	p0 =	por !p3, !p4  }
0x53: {  	v39 =	vsel vm6, $0x0, v4;
	s3 =	simm.s32 $0x1;
	p0 =	por !p0, !p0  }
0x54: {  	(xrf0) =	vadd.scan.msk.s32 $0xffff, v39;
	s0 =	sshrl.u32 s0, $0x3;
	s3 =	simm.s32 @!p0 $0x0  }
0x55: {  	s0 =	ssub.s32 s0, s3  }
0x56: {  	s0 =	sshll.u32 s0, $0xD  }
0x57: {  	s0 =	sor.u32 s10, s0  }
0x58: {  	s0 =	sshrl.u32 s0, $0x3  }
0x59: {  	s7 =	simm.s32 $0xC80;
	s0 =	sadd.s32 s16, s0  }
0x5a: {  	v5, _, _ =	vpop (xrf0);
	[tilespmem:s7], [sflag:$0x1] =	stream.linear.gather [hbm4b:s0+s15], $0x400, $0x38;
	[tilespmem:$0x18900] =	vst v63  }
0x5b: {  	s8 =	spop (v2sf);
	(v2sf) =	vpush v5, $0xF  }
0x5c: {  	s9 =	sshra.s32 s8, $0x1F  }
0x5d: {  	s0 =	sshrl.u32 s9, $0x1D  }
0x5e: {  	s0 =	sadd.s32 s0, s8  }
0x5f: {  	s11 =	sand.u32 $0xFFFFFFF8, s0  }
0x60: {  	p5 =	slt.s32 s8, $0x1;
	p6 =	sne.s32 s8, s11  }
0x61: {  	p0 =	por !p5, !p6  }
0x62: {  	v40 =	vsel vm7, $0x0, v4;
	s3 =	simm.s32 $0x1;
	p0 =	por !p0, !p0  }
0x63: {  	(xrf0) =	vadd.scan.msk.s32 $0xffff, v40;
	s0 =	sshrl.u32 s0, $0x3;
	s3 =	simm.s32 @!p0 $0x0  }
0x64: {  	s0 =	ssub.s32 s0, s3  }
0x65: {  	s0 =	sshll.u32 s0, $0xD  }
0x66: {  	s0 =	sor.u32 s10, s0  }
0x67: {  	s0 =	sshrl.u32 s0, $0x3  }
0x68: {  	s12 =	simm.s32 $0x1080;
	s0 =	sadd.s32 s16, s0  }
0x69: {  	v5, _, _ =	vpop (xrf0);
	[tilespmem:s12], [sflag:$0x1] =	stream.linear.gather [hbm4b:s0+s15], $0x400, $0x38;
	[tilespmem:$0x18900] =	vst v63  }
0x6a: {  	s13 =	spop (v2sf);
	(v2sf) =	vpush v5, $0xF  }
0x6b: {  	s14 =	sshra.s32 s13, $0x1F  }
0x6c: {  	s0 =	sshrl.u32 s14, $0x1D  }
0x6d: {  	s0 =	sadd.s32 s0, s13  }
0x6e: {  	s17 =	sand.u32 $0xFFFFFFF8, s0  }
0x6f: {  	p1 =	slt.s32 s13, $0x1;
	p2 =	sne.s32 s13, s17  }
0x70: {  	p0 =	por !p1, !p2  }
0x71: {  	v41 =	vsel vm8, $0x0, v4;
	s3 =	simm.s32 $0x1;
	p0 =	por !p0, !p0  }
0x72: {  	(xrf0) =	vadd.scan.msk.s32 $0xffff, v41;
	s0 =	sshrl.u32 s0, $0x3;
	s3 =	simm.s32 @!p0 $0x0  }
0x73: {  	s0 =	ssub.s32 s0, s3  }
0x74: {  	s0 =	sshll.u32 s0, $0xD  }
0x75: {  	s0 =	sor.u32 s10, s0  }
0x76: {  	s0 =	sshrl.u32 s0, $0x3  }
0x77: {  	s18 =	simm.s32 $0x1480;
	s0 =	sadd.s32 s16, s0  }
0x78: {  	v5, _, _ =	vpop (xrf0);
	[tilespmem:s18], [sflag:$0x1] =	stream.linear.gather [hbm4b:s0+s15], $0x400, $0x38;
	[tilespmem:$0x18900] =	vst v63  }
0x79: {  	s19 =	spop (v2sf);
	(v2sf) =	vpush v5, $0xF  }
0x7a: {  	s20 =	sshra.s32 s19, $0x1F  }
0x7b: {  	s0 =	sshrl.u32 s20, $0x1D  }
0x7c: {  	s0 =	sadd.s32 s0, s19  }
0x7d: {  	[smem:$0x7C4] =	sst s21;
	s21 =	sand.u32 $0xFFFFFFF8, s0  }
0x7e: {  	p3 =	slt.s32 s19, $0x1;
	p4 =	sne.s32 s19, s21  }
0x7f: {  	p0 =	por !p3, !p4  }
0x80: {  	v42 =	vsel vm9, $0x0, v4;
	s3 =	simm.s32 $0x1;
	p0 =	por !p0, !p0  }
0x81: {  	(xrf0) =	vadd.scan.msk.s32 $0xffff, v42;
	s0 =	sshrl.u32 s0, $0x3;
	s3 =	simm.s32 @!p0 $0x0  }
0x82: {  	s0 =	ssub.s32 s0, s3  }
0x83: {  	s0 =	sshll.u32 s0, $0xD  }
0x84: {  	s0 =	sor.u32 s10, s0  }
0x85: {  	s0 =	sshrl.u32 s0, $0x3  }
0x86: {  	s22 =	simm.s32 $0x1880;
	s0 =	sadd.s32 s16, s0  }
0x87: {  	v5, _, _ =	vpop (xrf0);
	[tilespmem:s22], [sflag:$0x1] =	stream.linear.gather [hbm4b:s0+s15], $0x400, $0x38;
	[tilespmem:$0x18900] =	vst v63  }
0x88: {  	[smem:$0x7C6] =	sst s23;
	s23 =	spop (v2sf);
	(v2sf) =	vpush v5, $0xF  }
0x89: {  	s24 =	sshra.s32 s23, $0x1F  }
0x8a: {  	s0 =	sshrl.u32 s24, $0x1D  }
0x8b: {  	s0 =	sadd.s32 s0, s23  }
0x8c: {  	[smem:$0x7C7] =	sst s25;
	s25 =	sand.u32 $0xFFFFFFF8, s0  }
0x8d: {  	p5 =	slt.s32 s23, $0x1;
	p6 =	sne.s32 s23, s25  }
0x8e: {  	p0 =	por !p5, !p6  }
0x8f: {  	v43 =	vsel vm10, $0x0, v4;
	s3 =	simm.s32 $0x1;
	p0 =	por !p0, !p0  }
0x90: {  	(xrf0) =	vadd.scan.msk.s32 $0xffff, v43;
	s0 =	sshrl.u32 s0, $0x3;
	s3 =	simm.s32 @!p0 $0x0  }
0x91: {  	s0 =	ssub.s32 s0, s3  }
0x92: {  	s0 =	sshll.u32 s0, $0xD  }
0x93: {  	s0 =	sor.u32 s10, s0  }
0x94: {  	s0 =	sshrl.u32 s0, $0x3  }
0x95: {  	s26 =	simm.s32 $0x1C80;
	s0 =	sadd.s32 s16, s0  }
0x96: {  	v5, _, _ =	vpop (xrf0);
	[tilespmem:s26], [sflag:$0x1] =	stream.linear.gather [hbm4b:s0+s15], $0x400, $0x38;
	[tilespmem:$0x18900] =	vst v63  }
0x97: {  	[dreg:$0xd] =	wrdreg s28;
	s28 =	spop (v2sf);
	(v2sf) =	vpush v5, $0xF  }
0x98: {  	s29 =	sshra.s32 s28, $0x1F  }
0x99: {  	s0 =	sshrl.u32 s29, $0x1D  }
0x9a: {  	s0 =	sadd.s32 s0, s28  }
0x9b: {  	[smem:$0x7C9] =	sst s31;
	s31 =	sand.u32 $0xFFFFFFF8, s0  }
0x9c: {  	p1 =	slt.s32 s28, $0x1;
	p2 =	sne.s32 s28, s31  }
0x9d: {  	p0 =	por !p1, !p2  }
0x9e: {  	v44 =	vsel vm11, $0x0, v4;
	s3 =	simm.s32 $0x1;
	p0 =	por !p0, !p0  }
0x9f: {  	(xrf0) =	vadd.scan.msk.s32 $0xffff, v44;
	s0 =	sshrl.u32 s0, $0x3;
	s3 =	simm.s32 @!p0 $0x0  }
0xa0: {  	s0 =	ssub.s32 s0, s3  }
0xa1: {  	s0 =	sshll.u32 s0, $0xD  }
0xa2: {  	s0 =	sor.u32 s10, s0  }
0xa3: {  	s0 =	sshrl.u32 s0, $0x3  }
0xa4: {  	s1 =	simm.s32 $0x2080;
	s0 =	sadd.s32 s16, s0  }
0xa5: {  	v5, _, _ =	vpop (xrf0);
	[tilespmem:s1], [sflag:$0x1] =	stream.linear.gather [hbm4b:s0+s15], $0x400, $0x38;
	[tilespmem:$0x18900] =	vst v63  }
0xa6: {  	[dreg:$0xc] =	wrdreg s4;
	s4 =	spop (v2sf);
	(v2sf) =	vpush v5, $0xF  }
0xa7: {  	s5 =	sshra.s32 s4, $0x1F  }
0xa8: {  	s0 =	sshrl.u32 s5, $0x1D  }
0xa9: {  	s0 =	sadd.s32 s0, s4  }
0xaa: {  	[smem:$0x7CB] =	sst s6;
	s6 =	sand.u32 $0xFFFFFFF8, s0  }
0xab: {  	p3 =	slt.s32 s4, $0x1;
	p4 =	sne.s32 s4, s6  }
0xac: {  	p0 =	por !p3, !p4  }
0xad: {  	v45 =	vsel vm12, $0x0, v4;
	s3 =	simm.s32 $0x1;
	p0 =	por !p0, !p0  }
0xae: {  	(xrf0) =	vadd.scan.msk.s32 $0xffff, v45;
	s0 =	sshrl.u32 s0, $0x3;
	s3 =	simm.s32 @!p0 $0x0  }
0xaf: {  	s0 =	ssub.s32 s0, s3  }
0xb0: {  	s0 =	sshll.u32 s0, $0xD  }
0xb1: {  	s0 =	sor.u32 s10, s0  }
0xb2: {  	s0 =	sshrl.u32 s0, $0x3  }
0xb3: {  	s7 =	simm.s32 $0x2480;
	s0 =	sadd.s32 s16, s0  }
0xb4: {  	v5, _, _ =	vpop (xrf0);
	[tilespmem:s7], [sflag:$0x1] =	stream.linear.gather [hbm4b:s0+s15], $0x400, $0x38;
	[tilespmem:$0x18900] =	vst v63  }
0xb5: {  	[dreg:$0xe] =	wrdreg s8;
	s8 =	spop (v2sf);
	(v2sf) =	vpush v5, $0xF  }
0xb6: {  	s9 =	sshra.s32 s8, $0x1F  }
0xb7: {  	s0 =	sshrl.u32 s9, $0x1D  }
0xb8: {  	s0 =	sadd.s32 s0, s8  }
0xb9: {  	[smem:$0x7CD] =	sst s11;
	s11 =	sand.u32 $0xFFFFFFF8, s0  }
0xba: {  	p5 =	slt.s32 s8, $0x1;
	p6 =	sne.s32 s8, s11  }
0xbb: {  	p0 =	por !p5, !p6  }
0xbc: {  	v46 =	vsel vm13, $0x0, v4;
	s3 =	simm.s32 $0x1;
	p0 =	por !p0, !p0  }
0xbd: {  	(xrf0) =	vadd.scan.msk.s32 $0xffff, v46;
	s0 =	sshrl.u32 s0, $0x3;
	s3 =	simm.s32 @!p0 $0x0  }
0xbe: {  	s0 =	ssub.s32 s0, s3  }
0xbf: {  	s0 =	sshll.u32 s0, $0xD  }
0xc0: {  	s0 =	sor.u32 s10, s0  }
0xc1: {  	s0 =	sshrl.u32 s0, $0x3  }
0xc2: {  	s12 =	simm.s32 $0x2880;
	s0 =	sadd.s32 s16, s0  }
0xc3: {  	v5, _, _ =	vpop (xrf0);
	[tilespmem:s12], [sflag:$0x1] =	stream.linear.gather [hbm4b:s0+s15], $0x400, $0x38;
	[tilespmem:$0x18900] =	vst v63  }
0xc4: {  	[dreg:$0x14] =	wrdreg s13;
	s13 =	spop (v2sf);
	(v2sf) =	vpush v5, $0xF  }
0xc5: {  	s14 =	sshra.s32 s13, $0x1F  }
0xc6: {  	s0 =	sshrl.u32 s14, $0x1D  }
0xc7: {  	s0 =	sadd.s32 s0, s13  }
0xc8: {  	v47 =	vsel vm14, $0x0, v4;
	[smem:$0x7CF] =	sst s17;
	s17 =	sand.u32 $0xFFFFFFF8, s0  }
0xc9: {  	(xrf0) =	vadd.scan.msk.s32 $0xffff, v47;
	p1 =	slt.s32 s13, $0x1;
	p2 =	sne.s32 s13, s17  }
0xca: {  	p0 =	por !p1, !p2  }
0xcb: {  	s3 =	simm.s32 $0x1;
	p0 =	por !p0, !p0  }
0xcc: {  	s0 =	sshrl.u32 s0, $0x3;
	s3 =	simm.s32 @!p0 $0x0  }
0xcd: {  	s0 =	ssub.s32 s0, s3  }
0xce: {  	s0 =	sshll.u32 s0, $0xD  }
0xcf: {  	v5, _, _ =	vpop (xrf0);
	s0 =	sor.u32 s10, s0  }
0xd0: {  	(v2sf) =	vpush v5, $0xF;
	s0 =	sshrl.u32 s0, $0x3  }
0xd1: {  	s18 =	simm.s32 $0x2C80;
	s0 =	sadd.s32 s16, s0  }
0xd2: {  	[tilespmem:s18], [sflag:$0x1] =	stream.linear.gather [hbm4b:s0+s15], $0x400, $0x38;
	[tilespmem:$0x18900] =	vst v63  }
0xd3: {  	[dreg:$0xf] =	wrdreg s19;
	s19 =	spop (v2sf)  }
0xd4: {  	s20 =	sshra.s32 s19, $0x1F  }
0xd5: {  	v48 =	vsel vm15, $0x0, v4;
	s0 =	sshrl.u32 s20, $0x1D  }
0xd6: {  	(xrf0) =	vadd.scan.msk.s32 $0xffff, v48;
	s0 =	sadd.s32 s0, s19  }
0xd7: {  	[smem:$0x7D1] =	sst s21;
	s21 =	sand.u32 $0xFFFFFFF8, s0  }
0xd8: {  	p3 =	slt.s32 s19, $0x1;
	p4 =	sne.s32 s19, s21  }
0xd9: {  	p0 =	por !p3, !p4  }
0xda: {  	s3 =	simm.s32 $0x1;
	p0 =	por !p0, !p0  }
0xdb: {  	s0 =	sshrl.u32 s0, $0x3;
	s3 =	simm.s32 @!p0 $0x0  }
0xdc: {  	v5, _, _ =	vpop (xrf0);
	s0 =	ssub.s32 s0, s3  }
0xdd: {  	(v2sf) =	vpush v5, $0xF;
	s0 =	sshll.u32 s0, $0xD  }
0xde: {  	s0 =	sor.u32 s10, s0  }
0xdf: {  	[dreg:$0x16] =	wrdreg s23;
	s23 =	spop (v2sf);
	s0 =	sshrl.u32 s0, $0x3  }
0xe0: {  	s22 =	simm.s32 $0x3080;
	s24 =	sshra.s32 s23, $0x1F;
	s0 =	sadd.s32 s16, s0  }
0xe1: {  	[tilespmem:s22], [sflag:$0x1] =	stream.linear.gather [hbm4b:s0+s15], $0x400, $0x38;
	[tilespmem:$0x18900] =	vst v63  }
0xe2: {  	v4 =	vsel vm0, $0x0, v4;
	s0 =	sshrl.u32 s24, $0x1D  }
0xe3: {  	(xrf0) =	vadd.scan.msk.s32 $0xffff, v4;
	s0 =	sadd.s32 s0, s23  }
0xe4: {  	[smem:$0x7D3] =	sst s25;
	s25 =	sand.u32 $0xFFFFFFF8, s0  }
0xe5: {  	p5 =	slt.s32 s23, $0x1;
	p6 =	sne.s32 s23, s25  }
0xe6: {  	p0 =	por !p5, !p6  }
0xe7: {  	s3 =	simm.s32 $0x1;
	p0 =	por !p0, !p0  }
0xe8: {  	s0 =	sshrl.u32 s0, $0x3;
	s3 =	simm.s32 @!p0 $0x0  }
0xe9: {  	v4, _, _ =	vpop (xrf0);
	s0 =	ssub.s32 s0, s3  }
0xea: {  	(v2sf) =	vpush v4, $0xF;
	s0 =	sshll.u32 s0, $0xD  }
0xeb: {  	s0 =	sor.u32 s10, s0  }
0xec: {  	[dreg:$0x10] =	wrdreg s28;
	s28 =	spop (v2sf);
	s0 =	sshrl.u32 s0, $0x3  }
0xed: {  	s26 =	simm.s32 $0x3480;
	s29 =	sshra.s32 s28, $0x1F;
	s0 =	sadd.s32 s16, s0  }
0xee: {  	[tilespmem:s26], [sflag:$0x1] =	stream.linear.gather [hbm4b:s0+s15], $0x400, $0x38;
	[tilespmem:$0x18900] =	vst v63  }
0xef: {  	v49 =	vnsel vm1, $0x0, v3;
	s0 =	sshrl.u32 s29, $0x1D  }
0xf0: {  	(xrf0) =	vadd.scan.msk.s32 $0xffff, v49;
	s0 =	sadd.s32 s0, s28  }
0xf1: {  	[smem:$0x7D5] =	sst s31;
	s31 =	sand.u32 $0xFFFFFFF8, s0  }
0xf2: {  	p1 =	slt.s32 s28, $0x1;
	p2 =	sne.s32 s28, s31  }
0xf3: {  	p0 =	por !p1, !p2  }
0xf4: {  	s3 =	simm.s32 $0x1;
	p0 =	por !p0, !p0  }
0xf5: {  	s0 =	sshrl.u32 s0, $0x3;
	s3 =	simm.s32 @!p0 $0x0  }
0xf6: {  	v4, _, _ =	vpop (xrf0);
	s0 =	ssub.s32 s0, s3  }
0xf7: {  	(v2sf) =	vpush v4, $0xF;
	s0 =	sshll.u32 s0, $0xD  }
0xf8: {  	s0 =	sor.u32 s10, s0  }
0xf9: {  	[dreg:$0x12] =	wrdreg s4;
	s4 =	spop (v2sf);
	s0 =	sshrl.u32 s0, $0x3  }
0xfa: {  	s1 =	simm.s32 $0x3880;
	s5 =	sshra.s32 s4, $0x1F;
	s0 =	sadd.s32 s16, s0  }
0xfb: {  	[tilespmem:s1], [sflag:$0x1] =	stream.linear.gather [hbm4b:s0+s15], $0x400, $0x38;
	[tilespmem:$0x18900] =	vst v63  }
0xfc: {  	v50 =	vsel vm2, $0x0, v3;
	s0 =	sshrl.u32 s5, $0x1D  }
0xfd: {  	[smem:$0x7D7] =	sst s6;
	(xrf0) =	vadd.scan.msk.s32 $0xffff, v50;
	s6 =	sadd.s32 s0, s4  }
0xfe: {  	s0 =	sand.u32 $0xFFFFFFF8, s6  }
0xff: {  	p3 =	slt.s32 s4, $0x1;
	p4 =	sne.s32 s4, s0  }
0x100: {  	p0 =	por !p3, !p4  }
0x101: {  	s5 =	simm.s32 $0x1;
	p0 =	por !p0, !p0  }
0x102: {  	s3 =	sshrl.u32 s6, $0x3;
	s5 =	simm.s32 @!p0 $0x0  }
0x103: {  	v4, _, _ =	vpop (xrf0);
	s3 =	ssub.s32 s3, s5  }
0x104: {  	(v2sf) =	vpush v4, $0xF;
	s3 =	sshll.u32 s3, $0xD  }
0x105: {  	s3 =	sor.u32 s10, s3  }
0x106: {  	s7 =	simm.s32 $0x3C80;
	s29 =	spop (v2sf);
	s3 =	sshrl.u32 s3, $0x3  }
0x107: {  	[dreg:$0x15] =	wrdreg s8;
	s8 =	sshra.s32 s29, $0x1F;
	s3 =	sadd.s32 s16, s3  }
0x108: {  	[tilespmem:s7], [sflag:$0x1] =	stream.linear.gather [hbm4b:s3+s15], $0x400, $0x38;
	[tilespmem:$0x18900] =	vst v63  }
0x109: {  	v51 =	vsel vm3, $0x0, v3;
	s3 =	sshrl.u32 s8, $0x1D  }
0x10a: {  	(xrf0) =	vadd.scan.msk.s32 $0xffff, v51;
	s3 =	sadd.s32 s3, s29  }
0x10b: {  	s9 =	sand.u32 $0xFFFFFFF8, s3  }
0x10c: {  	p5 =	slt.s32 s29, $0x1;
	p6 =	sne.s32 s29, s9  }
0x10d: {  	p0 =	por !p5, !p6  }
0x10e: {  	s5 =	simm.s32 $0x1;
	p0 =	por !p0, !p0  }
0x10f: {  	s3 =	sshrl.u32 s3, $0x3;
	s5 =	simm.s32 @!p0 $0x0  }
0x110: {  	v4, _, _ =	vpop (xrf0);
	s3 =	ssub.s32 s3, s5  }
0x111: {  	(v2sf) =	vpush v4, $0xF;
	s3 =	sshll.u32 s3, $0xD  }
0x112: {  	s3 =	sor.u32 s10, s3  }
0x113: {  	[smem:$0x7D9] =	sst s11;
	s18 =	spop (v2sf);
	s3 =	sshrl.u32 s3, $0x3  }
0x114: {  	s11 =	simm.s32 $0x4080;
	s12 =	sshra.s32 s18, $0x1F;
	s3 =	sadd.s32 s16, s3  }
0x115: {  	[tilespmem:s11], [sflag:$0x1] =	stream.linear.gather [hbm4b:s3+s15], $0x400, $0x38;
	[tilespmem:$0x18900] =	vst v63  }
0x116: {  	v52 =	vsel vm4, $0x0, v3;
	s3 =	sshrl.u32 s12, $0x1D  }
0x117: {  	(xrf0) =	vadd.scan.msk.s32 $0xffff, v52;
	s3 =	sadd.s32 s3, s18  }
0x118: {  	[dreg:$0x18] =	wrdreg s13;
	s13 =	sand.u32 $0xFFFFFFF8, s3  }
0x119: {  	p1 =	slt.s32 s18, $0x1;
	p2 =	sne.s32 s18, s13  }
0x11a: {  	p0 =	por !p1, !p2  }
0x11b: {  	s5 =	simm.s32 $0x1;
	p0 =	por !p0, !p0  }
0x11c: {  	s3 =	sshrl.u32 s3, $0x3;
	s5 =	simm.s32 @!p0 $0x0  }
0x11d: {  	v4, _, _ =	vpop (xrf0);
	s3 =	ssub.s32 s3, s5  }
0x11e: {  	(v2sf) =	vpush v4, $0xF;
	s3 =	sshll.u32 s3, $0xD  }
0x11f: {  	s14 =	simm.s32 $0x4480;
	s3 =	sor.u32 s10, s3  }
0x120: {  	[smem:$0x7DB] =	sst s17;
	s17 =	spop (v2sf);
	s3 =	sshrl.u32 s3, $0x3  }
0x121: {  	[dreg:$0x19] =	wrdreg s19;
	s19 =	sshra.s32 s17, $0x1F;
	s3 =	sadd.s32 s16, s3  }
0x122: {  	[tilespmem:s14], [sflag:$0x1] =	stream.linear.gather [hbm4b:s3+s15], $0x400, $0x38;
	[tilespmem:$0x18900] =	vst v63  }
0x123: {  	v53 =	vsel vm5, $0x0, v3;
	s3 =	sshrl.u32 s19, $0x1D  }
0x124: {  	(xrf0) =	vadd.scan.msk.s32 $0xffff, v53;
	s3 =	sadd.s32 s3, s17  }
0x125: {  	s20 =	sand.u32 $0xFFFFFFF8, s3  }
0x126: {  	p3 =	slt.s32 s17, $0x1;
	p4 =	sne.s32 s17, s20  }
0x127: {  	p0 =	por !p3, !p4  }
0x128: {  	s5 =	simm.s32 $0x1;
	p0 =	por !p0, !p0  }
0x129: {  	s3 =	sshrl.u32 s3, $0x3;
	s5 =	simm.s32 @!p0 $0x0  }
0x12a: {  	v4, _, _ =	vpop (xrf0);
	s3 =	ssub.s32 s3, s5  }
0x12b: {  	(v2sf) =	vpush v4, $0xF;
	s3 =	sshll.u32 s3, $0xD  }
0x12c: {  	[smem:$0x7DD] =	sst s21;
	s3 =	sor.u32 s10, s3  }
0x12d: {  	[smem:$0x7E8] =	sst s17;
	s17 =	spop (v2sf);
	s3 =	sshrl.u32 s3, $0x3  }
0x12e: {  	s21 =	simm.s32 $0x4880;
	s22 =	sshra.s32 s17, $0x1F;
	s3 =	sadd.s32 s16, s3  }
0x12f: {  	[tilespmem:s21], [sflag:$0x1] =	stream.linear.gather [hbm4b:s3+s15], $0x400, $0x38;
	[tilespmem:$0x18900] =	vst v63  }
0x130: {  	v54 =	vsel vm6, $0x0, v3;
	s3 =	sshrl.u32 s22, $0x1D  }
0x131: {  	(xrf0) =	vadd.scan.msk.s32 $0xffff, v54;
	s3 =	sadd.s32 s3, s17  }
0x132: {  	[dreg:$0x1b] =	wrdreg s23;
	s23 =	sand.u32 $0xFFFFFFF8, s3  }
0x133: {  	p5 =	slt.s32 s17, $0x1;
	p6 =	sne.s32 s17, s23  }
0x134: {  	p0 =	por !p5, !p6  }
0x135: {  	s5 =	simm.s32 $0x1;
	p0 =	por !p0, !p0  }
0x136: {  	s3 =	sshrl.u32 s3, $0x3;
	s5 =	simm.s32 @!p0 $0x0  }
0x137: {  	v4, _, _ =	vpop (xrf0);
	s3 =	ssub.s32 s3, s5  }
0x138: {  	(v2sf) =	vpush v4, $0xF;
	s3 =	sshll.u32 s3, $0xD  }
0x139: {  	s24 =	simm.s32 $0x4C80;
	s3 =	sor.u32 s10, s3  }
0x13a: {  	[smem:$0x7E1] =	sst s31;
	s31 =	spop (v2sf);
	s3 =	sshrl.u32 s3, $0x3  }
0x13b: {  	[smem:$0x7DF] =	sst s25;
	s25 =	sshra.s32 s31, $0x1F;
	s3 =	sadd.s32 s16, s3  }
0x13c: {  	[tilespmem:s24], [sflag:$0x1] =	stream.linear.gather [hbm4b:s3+s15], $0x400, $0x38;
	[tilespmem:$0x18900] =	vst v63  }
0x13d: {  	v55 =	vsel vm7, $0x0, v3;
	s3 =	sshrl.u32 s25, $0x1D  }
0x13e: {  	(xrf0) =	vadd.scan.msk.s32 $0xffff, v55;
	s3 =	sadd.s32 s3, s31  }
0x13f: {  	s26 =	sand.u32 $0xFFFFFFF8, s3  }
0x140: {  	p1 =	slt.s32 s31, $0x1;
	p2 =	sne.s32 s31, s26  }
0x141: {  	p0 =	por !p1, !p2  }
0x142: {  	s8 =	simm.s32 $0x1;
	p0 =	por !p0, !p0  }
0x143: {  	s3 =	sshrl.u32 s3, $0x3;
	s8 =	simm.s32 @!p0 $0x0  }
0x144: {  	v4, _, _ =	vpop (xrf0);
	s3 =	ssub.s32 s3, s8  }
0x145: {  	[dreg:$0x1d] =	wrdreg s28;
	(v2sf) =	vpush v4, $0xF;
	s3 =	sshll.u32 s3, $0xD  }
0x146: {  	[smem:$0x7C3] =	sst s4;
	s3 =	sor.u32 s10, s3  }
0x147: {  	s28 =	simm.s32 $0x5080;
	s4 =	spop (v2sf);
	s3 =	sshrl.u32 s3, $0x3  }
0x148: {  	[smem:$0x7E3] =	sst s0;
	s0 =	sshra.s32 s4, $0x1F;
	s3 =	sadd.s32 s16, s3  }
0x149: {  	[tilespmem:s28], [sflag:$0x1] =	stream.linear.gather [hbm4b:s3+s15], $0x400, $0x38;
	[tilespmem:$0x18900] =	vst v63  }
0x14a: {  	v56 =	vsel vm8, $0x0, v3;
	s3 =	sshrl.u32 s0, $0x1D  }
0x14b: {  	(xrf0) =	vadd.scan.msk.s32 $0xffff, v56;
	s3 =	sadd.s32 s3, s4  }
0x14c: {  	s1 =	sand.u32 $0xFFFFFFF8, s3  }
0x14d: {  	p3 =	slt.s32 s4, $0x1;
	p4 =	sne.s32 s4, s1  }
0x14e: {  	p0 =	por !p3, !p4  }
0x14f: {  	[smem:$0x7E4] =	sst s9;
	s9 =	simm.s32 $0x1;
	p0 =	por !p0, !p0  }
0x150: {  	s3 =	sshrl.u32 s3, $0x3;
	s9 =	simm.s32 @!p0 $0x0  }
0x151: {  	v4, _, _ =	vpop (xrf0);
	s3 =	ssub.s32 s3, s9  }
0x152: {  	(v2sf) =	vpush v4, $0xF;
	s3 =	sshll.u32 s3, $0xD  }
0x153: {  	s3 =	sor.u32 s10, s3  }
0x154: {  	s7 =	spop (v2sf);
	s3 =	sshrl.u32 s3, $0x3  }
0x155: {  	s5 =	simm.s32 $0x5480;
	s6 =	sshra.s32 s7, $0x1F;
	s3 =	sadd.s32 s16, s3  }
0x156: {  	[tilespmem:s5], [sflag:$0x1] =	stream.linear.gather [hbm4b:s3+s15], $0x400, $0x38;
	[tilespmem:$0x18900] =	vst v63  }
0x157: {  	v57 =	vsel vm9, $0x0, v3;
	s3 =	sshrl.u32 s6, $0x1D  }
0x158: {  	(xrf0) =	vadd.scan.msk.s32 $0xffff, v57;
	s3 =	sadd.s32 s3, s7  }
0x159: {  	s9 =	sand.u32 $0xFFFFFFF8, s3  }
0x15a: {  	p5 =	slt.s32 s7, $0x1;
	p6 =	sne.s32 s7, s9  }
0x15b: {  	p0 =	por !p5, !p6  }
0x15c: {  	s11 =	simm.s32 $0x1;
	p0 =	por !p0, !p0  }
0x15d: {  	s3 =	sshrl.u32 s3, $0x3;
	s11 =	simm.s32 @!p0 $0x0  }
0x15e: {  	v4, _, _ =	vpop (xrf0);
	s3 =	ssub.s32 s3, s11  }
0x15f: {  	(v2sf) =	vpush v4, $0xF;
	s3 =	sshll.u32 s3, $0xD  }
0x160: {  	s3 =	sor.u32 s10, s3  }
0x161: {  	s0 =	spop (v2sf);
	s3 =	sshrl.u32 s3, $0x3  }
0x162: {  	s8 =	simm.s32 $0x5880;
	s12 =	sshra.s32 s0, $0x1F;
	s3 =	sadd.s32 s16, s3  }
0x163: {  	[tilespmem:s8], [sflag:$0x1] =	stream.linear.gather [hbm4b:s3+s15], $0x400, $0x38;
	[tilespmem:$0x18900] =	vst v63  }
0x164: {  	s3 =	sshrl.u32 s12, $0x1D  }
0x165: {  	s3 =	sadd.s32 s3, s0  }
0x166: {  	s11 =	sand.u32 $0xFFFFFFF8, s3  }
0x167: {  	v58 =	vsel vm10, $0x0, v3;
	p1 =	slt.s32 s0, $0x1;
	p2 =	sne.s32 s0, s11  }
0x168: {  	(xrf0) =	vadd.scan.msk.s32 $0xffff, v58;
	p0 =	por !p1, !p2  }
0x169: {  	s12 =	simm.s32 $0x1;
	p0 =	por !p0, !p0  }
0x16a: {  	s3 =	sshrl.u32 s3, $0x3;
	s12 =	simm.s32 @!p0 $0x0  }
0x16b: {  	s3 =	ssub.s32 s3, s12  }
0x16c: {  	s3 =	sshll.u32 s3, $0xD  }
0x16d: {  	[smem:$0x7E6] =	sst s13;
	s3 =	sor.u32 s10, s3  }
0x16e: {  	v4, _, _ =	vpop (xrf0);
	[smem:$0x7F0] =	sst s1;
	s1 =	spop (v2sf);
	s3 =	sshrl.u32 s3, $0x3  }
0x16f: {  	s13 =	simm.s32 $0x5C80;
	(v2sf) =	vpush v4, $0xF;
	s14 =	sshra.s32 s1, $0x1F;
	s3 =	sadd.s32 s16, s3  }
0x170: {  	[tilespmem:s13], [sflag:$0x1] =	stream.linear.gather [hbm4b:s3+s15], $0x400, $0x38;
	[tilespmem:$0x18900] =	vst v63  }
0x171: {  	s3 =	sshrl.u32 s14, $0x1D  }
0x172: {  	s3 =	sadd.s32 s3, s1  }
0x173: {  	v59 =	vsel vm11, $0x0, v3;
	s12 =	sand.u32 $0xFFFFFFF8, s3  }
0x174: {  	(xrf0) =	vadd.scan.msk.s32 $0xffff, v59;
	p3 =	slt.s32 s1, $0x1;
	p4 =	sne.s32 s1, s12  }
0x175: {  	p0 =	por !p3, !p4  }
0x176: {  	s13 =	simm.s32 $0x1;
	p0 =	por !p0, !p0  }
0x177: {  	s3 =	sshrl.u32 s3, $0x3;
	s13 =	simm.s32 @!p0 $0x0  }
0x178: {  	s3 =	ssub.s32 s3, s13  }
0x179: {  	s3 =	sshll.u32 s3, $0xD  }
0x17a: {  	v4, _, _ =	vpop (xrf0);
	s3 =	sor.u32 s10, s3  }
0x17b: {  	(v2sf) =	vpush v4, $0xF;
	s3 =	sshrl.u32 s3, $0x3  }
0x17c: {  	s19 =	simm.s32 $0x6080;
	s3 =	sadd.s32 s16, s3  }
0x17d: {  	[tilespmem:s19], [sflag:$0x1] =	stream.linear.gather [hbm4b:s3+s15], $0x400, $0x38;
	[tilespmem:$0x18900] =	vst v63  }
0x17e: {  	s15 =	spop (v2sf)  }
0x17f: {  	[smem:$0x7E9] =	sst s20;
	s20 =	sshra.s32 s15, $0x1F  }
0x180: {  	v60 =	vsel vm12, $0x0, v3;
	s3 =	sshrl.u32 s20, $0x1D  }
0x181: {  	(xrf0) =	vadd.scan.msk.s32 $0xffff, v60;
	s3 =	sadd.s32 s3, s15  }
0x182: {  	s8 =	sand.u32 $0xFFFFFFF8, s3  }
0x183: {  	p5 =	slt.s32 s15, $0x1;
	p6 =	sne.s32 s15, s8  }
0x184: {  	p0 =	por !p5, !p6  }
0x185: {  	s13 =	simm.s32 $0x1;
	p0 =	por !p0, !p0  }
0x186: {  	s3 =	sshrl.u32 s3, $0x3;
	s13 =	simm.s32 @!p0 $0x0  }
0x187: {  	v4, _, _ =	vpop (xrf0);
	s3 =	ssub.s32 s3, s13  }
0x188: {  	(v2sf) =	vpush v4, $0xF;
	s3 =	sshll.u32 s3, $0xD  }
0x189: {  	s3 =	sor.u32 s10, s3  }
0x18a: {  	s21 =	simm.s32 $0x6480;
	s30 =	spop (v2sf);
	s3 =	sshrl.u32 s3, $0x3  }
0x18b: {  	s5 =	simm.s32 $0x0;
	s22 =	sshra.s32 s30, $0x1F;
	s3 =	sadd.s32 s16, s3  }
0x18c: {  	[tilespmem:s21], [sflag:$0x1] =	stream.linear.gather [hbm4b:s3+s5], $0x400, $0x38;
	[tilespmem:$0x18900] =	vst v63  }
0x18d: {  	v61 =	vsel vm13, $0x0, v3;
	s3 =	sshrl.u32 s22, $0x1D  }
0x18e: {  	(xrf0) =	vadd.scan.msk.s32 $0xffff, v61;
	s3 =	sadd.s32 s3, s30  }
0x18f: {  	s13 =	sand.u32 $0xFFFFFFF8, s3  }
0x190: {  	p1 =	slt.s32 s30, $0x1;
	p2 =	sne.s32 s30, s13  }
0x191: {  	p0 =	por !p1, !p2  }
0x192: {  	s14 =	simm.s32 $0x1;
	p0 =	por !p0, !p0  }
0x193: {  	s3 =	sshrl.u32 s3, $0x3;
	s14 =	simm.s32 @!p0 $0x0  }
0x194: {  	v4, _, _ =	vpop (xrf0);
	s3 =	ssub.s32 s3, s14  }
0x195: {  	(v2sf) =	vpush v4, $0xF;
	s3 =	sshll.u32 s3, $0xD  }
0x196: {  	s3 =	sor.u32 s10, s3  }
0x197: {  	[smem:$0x7EB] =	sst s23;
	s6 =	spop (v2sf);
	s3 =	sshrl.u32 s3, $0x3  }
0x198: {  	s23 =	simm.s32 $0x6880;
	s24 =	sshra.s32 s6, $0x1F;
	s3 =	sadd.s32 s16, s3  }
0x199: {  	[tilespmem:s23], [sflag:$0x1] =	stream.linear.gather [hbm4b:s3+s5], $0x400, $0x38;
	[tilespmem:$0x18900] =	vst v63  }
0x19a: {  	s3 =	sshrl.u32 s24, $0x1D  }
0x19b: {  	s3 =	sadd.s32 s3, s6  }
0x19c: {  	s14 =	sand.u32 $0xFFFFFFF8, s3  }
0x19d: {  	v62 =	vsel vm14, $0x0, v3;
	p3 =	slt.s32 s6, $0x1;
	p4 =	sne.s32 s6, s14  }
0x19e: {  	(xrf0) =	vadd.scan.msk.s32 $0xffff, v62;
	p0 =	por !p3, !p4  }
0x19f: {  	s19 =	simm.s32 $0x1;
	p0 =	por !p0, !p0  }
0x1a0: {  	s3 =	sshrl.u32 s3, $0x3;
	s19 =	simm.s32 @!p0 $0x0  }
0x1a1: {  	s3 =	ssub.s32 s3, s19  }
0x1a2: {  	s3 =	sshll.u32 s3, $0xD  }
0x1a3: {  	s3 =	sor.u32 s10, s3  }
0x1a4: {  	s25 =	simm.s32 $0x6C80;
	v4, _, _ =	vpop (xrf0);
	s24 =	spop (v2sf);
	s3 =	sshrl.u32 s3, $0x3  }
0x1a5: {  	[smem:$0x7EE] =	sst s26;
	(v2sf) =	vpush v4, $0xF;
	s26 =	sshra.s32 s24, $0x1F;
	s3 =	sadd.s32 s16, s3  }
0x1a6: {  	[tilespmem:s25], [sflag:$0x1] =	stream.linear.gather [hbm4b:s3+s5], $0x400, $0x38;
	[tilespmem:$0x18900] =	vst v63  }
0x1a7: {  	s3 =	sshrl.u32 s26, $0x1D  }
0x1a8: {  	s3 =	sadd.s32 s3, s24  }
0x1a9: {  	s19 =	sand.u32 $0xFFFFFFF8, s3  }
0x1aa: {  	p5 =	slt.s32 s24, $0x1;
	p6 =	sne.s32 s24, s19  }
0x1ab: {  	p0 =	por !p5, !p6  }
0x1ac: {  	v63 =	vsel vm15, $0x0, v3;
	s20 =	simm.s32 $0x1;
	p0 =	por !p0, !p0  }
0x1ad: {  	(xrf0) =	vadd.scan.msk.s32 $0xffff, v63;
	s3 =	sshrl.u32 s3, $0x3;
	s20 =	simm.s32 @!p0 $0x0  }
0x1ae: {  	s3 =	ssub.s32 s3, s20  }
0x1af: {  	s3 =	sshll.u32 s3, $0xD  }
0x1b0: {  	s3 =	sor.u32 s10, s3  }
0x1b1: {  	s3 =	sshrl.u32 s3, $0x3  }
0x1b2: {  	s28 =	simm.s32 $0x7080;
	s3 =	sadd.s32 s16, s3  }
0x1b3: {  	v4, _, _ =	vpop (xrf0);
	[tilespmem:s28], [sflag:$0x1] =	stream.linear.gather [hbm4b:s3+s5], $0x400, $0x38;
	[tilespmem:$0x18900] =	vst v63  }
0x1b4: {  	(v2sf) =	vpush v4, $0xF;
	s3 =	spop (v2sf)  }
0x1b5: {  	s21 =	sshra.s32 s3, $0x1F  }
0x1b6: {  	s20 =	sshrl.u32 s21, $0x1D  }
0x1b7: {  	s25 =	sadd.s32 s20, s3  }
0x1b8: {  	v3 =	vsel vm0, $0x0, v3;
	s20 =	sand.u32 $0xFFFFFFF8, s25  }
0x1b9: {  	(xrf0) =	vadd.scan.msk.s32 $0xffff, v3;
	p1 =	slt.s32 s3, $0x1;
	p2 =	sne.s32 s3, s20  }
0x1ba: {  	p0 =	por !p1, !p2  }
0x1bb: {  	s26 =	simm.s32 $0x1;
	p0 =	por !p0, !p0  }
0x1bc: {  	s25 =	sshrl.u32 s25, $0x3;
	s26 =	simm.s32 @!p0 $0x0  }
0x1bd: {  	s25 =	ssub.s32 s25, s26  }
0x1be: {  	s25 =	sshll.u32 s25, $0xD  }
0x1bf: {  	v3, _, _ =	vpop (xrf0);
	s25 =	sor.u32 s10, s25  }
0x1c0: {  	(v2sf) =	vpush v3, $0xF;
	s25 =	sshrl.u32 s25, $0x3  }
0x1c1: {  	s21 =	simm.s32 $0x7480;
	s25 =	sadd.s32 s16, s25  }
0x1c2: {  	[tilespmem:s21], [sflag:$0x1] =	stream.linear.gather [hbm4b:s25+s5], $0x400, $0x38;
	[tilespmem:$0x18900] =	vst v63  }
0x1c3: {  	s25 =	spop (v2sf)  }
0x1c4: {  	s22 =	sshra.s32 s25, $0x1F  }
0x1c5: {  	s26 =	sshrl.u32 s22, $0x1D  }
0x1c6: {  	s26 =	sadd.s32 s26, s25  }
0x1c7: {  	s28 =	sand.u32 $0xFFFFFFF8, s26  }
0x1c8: {  	p3 =	slt.s32 s25, $0x1;
	p4 =	sne.s32 s25, s28  }
0x1c9: {  	p0 =	por !p3, !p4  }
0x1ca: {  	s21 =	simm.s32 $0x1;
	p0 =	por !p0, !p0  }
0x1cb: {  	s26 =	sshrl.u32 s26, $0x3;
	s21 =	simm.s32 @!p0 $0x0  }
0x1cc: {  	s21 =	ssub.s32 s26, s21  }
0x1cd: {  	s21 =	sshll.u32 s21, $0xD  }
0x1ce: {  	[dreg:$0x11] =	wrdreg s29;
	s21 =	sor.u32 s10, s21  }
0x1cf: {  	[dreg:$0x13] =	wrdreg s18;
	s26 =	spop (v2sf);
	s21 =	sshrl.u32 s21, $0x3  }
0x1d0: {  	s22 =	simm.s32 $0x7880;
	s23 =	sshra.s32 s26, $0x1F;
	s21 =	sadd.s32 s16, s21  }
0x1d1: {  	[tilespmem:s22], [sflag:$0x1] =	stream.linear.gather [hbm4b:s21+s5], $0x400, $0x38;
	[tilespmem:$0x18900] =	vst v63  }
0x1d2: {  	[dreg:$0x17] =	wrdreg s17;
	s21 =	sshrl.u32 s23, $0x1D  }
0x1d3: {  	[smem:$0x7ED] =	sst s31;
	s21 =	sadd.s32 s21, s26  }
0x1d4: {  	[dreg:$0x1c] =	wrdreg s4;
	s22 =	sand.u32 $0xFFFFFFF8, s21  }
0x1d5: {  	[dreg:$0x1e] =	wrdreg s7;
	p5 =	slt.s32 s26, $0x1;
	p6 =	sne.s32 s26, s22  }
0x1d6: {  	[smem:$0x7F4] =	sst s1;
	s9 =	ssub.s32 s7, s9;
	p0 =	por !p5, !p6  }
0x1d7: {  	[smem:$0x7F2] =	sst s9;
	s23 =	simm.s32 $0x1;
	p0 =	por !p0, !p0  }
0x1d8: {  	s12 =	ssub.s32 s1, s12;
	s21 =	sshrl.u32 s21, $0x3;
	s23 =	simm.s32 @!p0 $0x0  }
0x1d9: {  	[smem:$0x7F5] =	sst s12;
	s21 =	ssub.s32 s21, s23  }
0x1da: {  	[smem:$0x7F7] =	sst s30;
	s19 =	ssub.s32 s24, s19;
	s21 =	sshll.u32 s21, $0xD  }
0x1db: {  	[smem:$0x7FA] =	sst s19;
	s21 =	sor.u32 s10, s21  }
0x1dc: {  	s23 =	sld [smem:$0x7C3];
	s10 =	smov.u32 s0;
	s21 =	sshrl.u32 s21, $0x3  }
0x1dd: {  	s0 =	simm.s32 $0x7C80;
	s21 =	sadd.s32 s16, s21;
	s16 =	rddreg [dreg:$0xb]  }
0x1de: {  	[tilespmem:s0], [sflag:$0x1] =	stream.linear.gather [hbm4b:s21+s5], $0x400, $0x38;
	[tilespmem:$0x18900] =	vst v63  }
0x1df: {  	s11 =	ssub.s32 s10, s11;
	s21 =	sld [smem:$0x7C4]  }
0x1e0: {  	[smem:$0x7F3] =	sst s11  }
0x1e1: {  	s5 =	sld [smem:$0x7C6]  }
0x1e2: {  	s0 =	ssub.s32 s16, s21;
	s21 =	sld [smem:$0x7C7]  }
0x1e3: {  	s16 =	rddreg [dreg:$0xd]  }
0x1e4: {  	[smem:$0x7C5] =	sst s0  }
0x1e5: {  	s0 =	ssub.s32 s5, s21;
	s5 =	sld [smem:$0x7C9]  }
0x1e6: {  	s21 =	sld [smem:$0x7CB]  }
0x1e7: {  	[smem:$0x7C8] =	sst s0  }
0x1e8: {  	s0 =	ssub.s32 s16, s5;
	s16 =	rddreg [dreg:$0xc]  }
0x1e9: {  	[smem:$0x7CA] =	sst s0  }
0x1ea: {  	s0 =	ssub.s32 s16, s21;
	s21 =	sld [smem:$0x7CD]  }
0x1eb: {  	s16 =	rddreg [dreg:$0xe]  }
0x1ec: {  	[smem:$0x7CC] =	sst s0  }
0x1ed: {  	s0 =	ssub.s32 s16, s21;
	s21 =	sld [smem:$0x7CF]  }
0x1ee: {  	s16 =	rddreg [dreg:$0x14]  }
0x1ef: {  	[smem:$0x7CE] =	sst s0  }
0x1f0: {  	s0 =	ssub.s32 s16, s21;
	s21 =	sld [smem:$0x7D1]  }
0x1f1: {  	s16 =	rddreg [dreg:$0xf]  }
0x1f2: {  	[smem:$0x7D0] =	sst s0  }
0x1f3: {  	s0 =	ssub.s32 s16, s21;
	s21 =	sld [smem:$0x7D3]  }
0x1f4: {  	s16 =	rddreg [dreg:$0x16]  }
0x1f5: {  	[smem:$0x7D2] =	sst s0  }
0x1f6: {  	s0 =	ssub.s32 s16, s21;
	s21 =	sld [smem:$0x7D5]  }
0x1f7: {  	s16 =	rddreg [dreg:$0x10]  }
0x1f8: {  	[smem:$0x7D4] =	sst s0  }
0x1f9: {  	s0 =	ssub.s32 s16, s21;
	s16 =	rddreg [dreg:$0x12]  }
0x1fa: {  	s21 =	sld [smem:$0x7D7]  }
0x1fb: {  	[smem:$0x7D6] =	sst s0  }
0x1fc: {  	s0 =	rddreg [dreg:$0x18]  }
0x1fd: {  	s5 =	ssub.s32 s16, s21;
	s21 =	sld [smem:$0x7D9]  }
0x1fe: {  	s16 =	rddreg [dreg:$0x15]  }
0x1ff: {  	[smem:$0x7D8] =	sst s5  }
0x200: {  	s5 =	ssub.s32 s16, s21;
	s21 =	sld [smem:$0x7DB]  }
0x201: {  	s16 =	rddreg [dreg:$0x19]  }
0x202: {  	[smem:$0x7DA] =	sst s5  }
0x203: {  	s0 =	ssub.s32 s0, s21;
	s21 =	sld [smem:$0x7DD]  }
0x204: {  	s5 =	sld [smem:$0x7E3]  }
0x205: {  	[smem:$0x7DC] =	sst s0  }
0x206: {  	s0 =	ssub.s32 s16, s21;
	s21 =	sld [smem:$0x7DF]  }
0x207: {  	s16 =	rddreg [dreg:$0x1b]  }
0x208: {  	[smem:$0x7DE] =	sst s0  }
0x209: {  	s0 =	ssub.s32 s16, s21;
	s21 =	sld [smem:$0x7E1]  }
0x20a: {  	s16 =	rddreg [dreg:$0x1d]  }
0x20b: {  	[smem:$0x7E0] =	sst s0  }
0x20c: {  	s0 =	ssub.s32 s16, s21;
	s16 =	sld [smem:$0x7E4]  }
0x20d: {  	s21 =	ssub.s32 s23, s5;
	s5 =	sld [smem:$0x7E8]  }
0x20e: {  	[smem:$0x7E2] =	sst s0  }
0x20f: {  	s0 =	ssub.s32 s29, s16;
	s29 =	sld [smem:$0x7E6]  }
0x210: {  	s16 =	sld [smem:$0x7E9]  }
0x211: {  	[smem:$0x7E5] =	sst s0  }
0x212: {  	s0 =	ssub.s32 s18, s29;
	s18 =	sld [smem:$0x7EB]  }
0x213: {  	s29 =	sld [smem:$0x7EE]  }
0x214: {  	[smem:$0x7E7] =	sst s0  }
0x215: {  	s0 =	ssub.s32 s5, s16;
	s5 =	sld [smem:$0x7F0]  }
0x216: {  	s16 =	ssub.s32 s15, s8;
	[smem:$0x7EA] =	sst s0  }
0x217: {  	[smem:$0x7F6] =	sst s16;
	s0 =	ssub.s32 s17, s18  }
0x218: {  	s17 =	ssub.s32 s30, s13;
	[smem:$0x7EC] =	sst s0  }
0x219: {  	s18 =	ssub.s32 s6, s14;
	[smem:$0x7F8] =	sst s17  }
0x21a: {  	s30 =	smov.u32 s6;
	s0 =	ssub.s32 s31, s29;
	[smem:$0x7F9] =	sst s18  }
0x21b: {  	s6 =	ssub.s32 s26, s22;
	s29 =	ssub.s32 s3, s20;
	[smem:$0x7EF] =	sst s0  }
0x21c: {  	s31 =	ssub.s32 s25, s28;
	s0 =	ssub.s32 s4, s5;
	[smem:$0x7FB] =	sst s29  }
0x21d: {  	s4 =	smov.u32 s10;
	s10 =	smov.u32 s15;
	[smem:$0x7FC] =	sst s31  }
0x21e: {  	s5 =	simm.s32 $0x0;
	[smem:$0x7F1] =	sst s0;
	s0 =	simm.s32 $0x40  }
.LBB2_2:
0x21f: {  	p0 =	sne.s32 s0, $0xFC0;
	[tilespmem:s5+$0x18500] =	vst v1;
	s5 =	smov.u32 s0;
	s0 =	sadd.s32 $0x40, s0  }
.Ltmp0:
0x220: {  	(pc) =	sbr.rel @p0 .LBB2_2-.Ltmp0, $2  }
0x221: {  	_ =	sdelay $0x2  }
0x222: {  	s5 =	sshra.s32 s5, $0x2  }
0x223: {  	s0 =	simm.s32 $0x0;
	s22 =	rddreg [dreg:$0x5];
	s8 =	simm.s32 $0x8480  }
0x224: {  	[tilespmem:s5+$0x18500] =	vst v1;
	s29 =	rddreg [dreg:$0x6];
	s31 =	simm.s32 $0x10480;
	s16 =	simm.s32 $0x0  }
0x225: {  	[tilespmem:s8], [sflag:$0x2] =	stream.linear.gather [hbm4b:s22+s0], $0x8000, $0x38;
	[tilespmem:$0x18900] =	vst v63  }
0x226: {  	s28 =	simm.s32 $0x3;
	s15 =	simm.s32 $0x0;
	s7 =	sld [smem:$0x7FD]  }
0x227: {  	[tilespmem:s31], [sflag:$0x2] =	stream.linear.gather [hbm4b:s29+s0], $0x8000, $0x38;
	[tilespmem:$0x18900] =	vst v63  }
.LBB2_4:
0x228: {  	s5 =	sshll.u32 s16, $0xF  }
0x229: {  	s5 =	sand.u32 $0x8000, s5  }
0x22a: {  	_ =	swait.ge [sflag:s2], $0x8000;
	s31 =	sand.u32 $0x1C00, s0;
	s17 =	sadd.s32 $0x8480, s5  }
0x22b: {  	s8 =	sand.u32 $0x70, s0;
	[sflag:s2] =	ssyncset.done $0x0;
	s5 =	sadd.s32 s31, s17  }
0x22c: {  	[sflag:s2] =	ssyncadd.s32 $0xFFFF8000;
	s5 =	sadd.s32 s8, s5  }
0x22d: {  	v3 =	vld [tilespmem:s5+$0x80]  }
0x22e: {  	v4 =	vld [tilespmem:s5+$0x0]  }
0x22f: {  	v5 =	vld [tilespmem:s5+$0x100]  }
0x230: {  	v6 =	vld [tilespmem:s5+$0x180]  }
0x231: {  	v7 =	vld [tilespmem:s5+$0x200]  }
0x232: {  	v8 =	vld [tilespmem:s5+$0x280]  }
0x233: {  	v9 =	vld [tilespmem:s5+$0x300]  }
0x234: {  	v10 =	vld [tilespmem:s5+$0x380]  }
0x235: {  	v11 =	vld [tilespmem:s5+$0x2000]  }
0x236: {  	v12 =	vld [tilespmem:s5+$0x2080]  }
0x237: {  	v13 =	vld [tilespmem:s5+$0x2100]  }
0x238: {  	v14 =	vld [tilespmem:s5+$0x2180]  }
0x239: {  	v15 =	vld [tilespmem:s5+$0x2200]  }
0x23a: {  	v16 =	vld [tilespmem:s5+$0x2280]  }
0x23b: {  	v17 =	vld [tilespmem:s5+$0x2300]  }
0x23c: {  	v18 =	vld [tilespmem:s5+$0x2380]  }
0x23d: {  	v19 =	vld [tilespmem:s5+$0x4000]  }
0x23e: {  	v20 =	vld [tilespmem:s5+$0x4080]  }
0x23f: {  	v21 =	vld [tilespmem:s5+$0x4100]  }
0x240: {  	v22 =	vld [tilespmem:s5+$0x4180]  }
0x241: {  	v23 =	vld [tilespmem:s5+$0x4200]  }
0x242: {  	v24 =	vld [tilespmem:s5+$0x4280]  }
0x243: {  	v25 =	vld [tilespmem:s5+$0x4300]  }
0x244: {  	v27 =	vld [tilespmem:s5+$0x6000]  }
0x245: {  	v28 =	vld [tilespmem:s5+$0x6080]  }
0x246: {  	v29 =	vld [tilespmem:s5+$0x6100]  }
0x247: {  	v30 =	vld [tilespmem:s5+$0x6180]  }
0x248: {  	v26 =	vld [tilespmem:s5+$0x4380];
	v3 =	vadd.f32 v3, v4;
	v4 =	vadd.f32 v6, v5  }
0x249: {  	v5 =	vld [tilespmem:s5+$0x6200];
	v6 =	vadd.f32 v8, v7;
	v7 =	vadd.f32 v10, v9  }
0x24a: {  	v8 =	vld [tilespmem:s5+$0x6280];
	v9 =	vadd.f32 v12, v11;
	v10 =	vadd.f32 v14, v13  }
0x24b: {  	v11 =	vld [tilespmem:s5+$0x6300];
	v12 =	vadd.f32 v16, v15;
	v13 =	vadd.f32 v18, v17  }
0x24c: {  	v14 =	vld [tilespmem:s5+$0x6380];
	v15 =	vadd.f32 v28, v27;
	v16 =	vadd.f32 v30, v29  }
0x24d: {  	v3 =	vadd.f32 v4, v3;
	v4 =	vadd.f32 v7, v6  }
0x24e: {  	v6 =	vadd.f32 v10, v9;
	v7 =	vadd.f32 v13, v12  }
0x24f: {  	v9 =	vadd.f32 v20, v19;
	v10 =	vadd.f32 v22, v21  }
0x250: {  	v12 =	vadd.f32 v24, v23;
	v13 =	vadd.f32 v26, v25  }
0x251: {  	v5 =	vadd.f32 v8, v5;
	v8 =	vadd.f32 v14, v11  }
0x252: {  	v9 =	vadd.f32 v10, v9;
	v10 =	vadd.f32 v13, v12  }
0x253: {  	v11 =	vadd.f32 v16, v15;
	v5 =	vadd.f32 v8, v5  }
0x254: {  	v3 =	vadd.f32 v4, v3;
	v4 =	vadd.f32 v7, v6  }
0x255: {  	s5 =	simm.s32 $0x18500;
	v6 =	vadd.f32 v10, v9;
	v5 =	vadd.f32 v5, v11  }
0x256: {  	v7 =	vld [tilespmem:s5+$0x0]  }
0x257: {  	v3 =	vadd.f32 v4, v3;
	v4 =	vadd.f32 v5, v6;
	_ =	sdelay $0x1  }
0x258: {  	v3 =	vadd.f32 v4, v3  }
0x259: {  	s8 =	simm.s32 $0x80  }
0x25a: {  	s9 =	simm.s32 $0x10;
	s11 =	sand.u32 $0x1C00, s8;
	v3 =	vadd.f32 v3, v7  }
0x25b: {  	s9 =	sand.u32 $0x70, s9;
	s11 =	sadd.s32 s11, s17  }
0x25c: {  	s11 =	sadd.s32 s9, s11;
	[tilespmem:s5+$0x0] =	vst v3  }
0x25d: {  	v23 =	vld [tilespmem:s11+$0x80]  }
0x25e: {  	v24 =	vld [tilespmem:s11+$0x0]  }
0x25f: {  	v25 =	vld [tilespmem:s11+$0x100]  }
0x260: {  	v26 =	vld [tilespmem:s11+$0x180]  }
0x261: {  	v27 =	vld [tilespmem:s11+$0x200]  }
0x262: {  	v28 =	vld [tilespmem:s11+$0x280]  }
0x263: {  	v29 =	vld [tilespmem:s11+$0x300]  }
0x264: {  	v63 =	vld [tilespmem:s11+$0x380]  }
0x265: {  	v3 =	vld [tilespmem:s11+$0x2000]  }
0x266: {  	v5 =	vld [tilespmem:s11+$0x2080]  }
0x267: {  	v7 =	vld [tilespmem:s11+$0x2100]  }
0x268: {  	v10 =	vld [tilespmem:s11+$0x2180]  }
0x269: {  	v9 =	vld [tilespmem:s11+$0x2200]  }
0x26a: {  	v13 =	vld [tilespmem:s11+$0x2280]  }
0x26b: {  	v14 =	vld [tilespmem:s11+$0x2300]  }
0x26c: {  	v17 =	vld [tilespmem:s11+$0x2380]  }
0x26d: {  	v4 =	vld [tilespmem:s11+$0x4000]  }
0x26e: {  	v6 =	vld [tilespmem:s11+$0x4080]  }
0x26f: {  	v8 =	vld [tilespmem:s11+$0x4100]  }
0x270: {  	v11 =	vld [tilespmem:s11+$0x4180]  }
0x271: {  	v12 =	vld [tilespmem:s11+$0x4200]  }
0x272: {  	v15 =	vld [tilespmem:s11+$0x4280]  }
0x273: {  	v16 =	vld [tilespmem:s11+$0x4300]  }
0x274: {  	v18 =	vld [tilespmem:s11+$0x4380]  }
0x275: {  	v19 =	vld [tilespmem:s11+$0x6000]  }
0x276: {  	v20 =	vld [tilespmem:s11+$0x6080]  }
0x277: {  	v21 =	vld [tilespmem:s11+$0x6100]  }
0x278: {  	v22 =	vld [tilespmem:s11+$0x6180];
	v24 =	vadd.f32 v23, v24;
	v25 =	vadd.f32 v26, v25  }
0x279: {  	s9 =	simm.s32 $0x20;
	v23 =	vld [tilespmem:s11+$0x6200];
	v26 =	vadd.f32 v28, v27;
	v27 =	vadd.f32 v63, v29  }
.LBB2_5:
0x27a: {  	p0 =	sne.s32 s9, $0x3F0;
	v28 =	vld [tilespmem:s11+$0x6280];
	v3 =	vadd.f32 v5, v3;
	v5 =	vadd.f32 v10, v7  }
0x27b: {  	v9 =	vadd.f32 v13, v9;
	v10 =	vadd.f32 v17, v14;
	v7 =	vld [tilespmem:s11+$0x6300]  }
0x27c: {  	v14 =	vadd.f32 v25, v24;
	v17 =	vadd.f32 v27, v26;
	v13 =	vld [tilespmem:s11+$0x6380]  }
0x27d: {  	v3 =	vadd.f32 v5, v3;
	v5 =	vadd.f32 v10, v9  }
0x27e: {  	v4 =	vadd.f32 v6, v4;
	v6 =	vadd.f32 v11, v8  }
0x27f: {  	v8 =	vadd.f32 v15, v12;
	v9 =	vadd.f32 v18, v16  }
0x280: {  	v10 =	vadd.f32 v20, v19;
	v11 =	vadd.f32 v22, v21  }
0x281: {  	v12 =	vadd.f32 v28, v23;
	v7 =	vadd.f32 v13, v7  }
0x282: {  	v4 =	vadd.f32 v6, v4;
	v6 =	vadd.f32 v9, v8  }
0x283: {  	v8 =	vadd.f32 v11, v10;
	v7 =	vadd.f32 v7, v12  }
0x284: {  	v9 =	vadd.f32 v17, v14;
	v3 =	vadd.f32 v5, v3  }
0x285: {  	s5 =	sadd.s32 $0x10, s5;
	v4 =	vadd.f32 v6, v4;
	v5 =	vadd.f32 v7, v8  }
0x286: {  	v6 =	vld [tilespmem:s5+$0x0]  }
0x287: {  	v3 =	vadd.f32 v3, v9;
	v4 =	vadd.f32 v5, v4;
	_ =	sdelay $0x1  }
0x288: {  	v3 =	vadd.f32 v4, v3  }
0x289: {  	s8 =	sadd.s32 $0x80, s8  }
0x28a: {  	s11 =	sand.u32 $0x1C00, s8;
	v3 =	vadd.f32 v3, v6  }
0x28b: {  	s12 =	sand.u32 $0x70, s9;
	s11 =	sadd.s32 s11, s17  }
0x28c: {  	s11 =	sadd.s32 s12, s11;
	[tilespmem:s5+$0x0] =	vst v3  }
0x28d: {  	v23 =	vld [tilespmem:s11+$0x80]  }
0x28e: {  	v24 =	vld [tilespmem:s11+$0x0]  }
0x28f: {  	v25 =	vld [tilespmem:s11+$0x100]  }
0x290: {  	v26 =	vld [tilespmem:s11+$0x180]  }
0x291: {  	v27 =	vld [tilespmem:s11+$0x200]  }
0x292: {  	v28 =	vld [tilespmem:s11+$0x280]  }
0x293: {  	v29 =	vld [tilespmem:s11+$0x300]  }
0x294: {  	v30 =	vld [tilespmem:s11+$0x380]  }
0x295: {  	v3 =	vld [tilespmem:s11+$0x2000]  }
0x296: {  	v5 =	vld [tilespmem:s11+$0x2080]  }
0x297: {  	v7 =	vld [tilespmem:s11+$0x2100]  }
0x298: {  	v10 =	vld [tilespmem:s11+$0x2180]  }
0x299: {  	v9 =	vld [tilespmem:s11+$0x2200]  }
0x29a: {  	v13 =	vld [tilespmem:s11+$0x2280]  }
0x29b: {  	v14 =	vld [tilespmem:s11+$0x2300]  }
0x29c: {  	v17 =	vld [tilespmem:s11+$0x2380]  }
0x29d: {  	v4 =	vld [tilespmem:s11+$0x4000]  }
0x29e: {  	v6 =	vld [tilespmem:s11+$0x4080]  }
0x29f: {  	v8 =	vld [tilespmem:s11+$0x4100]  }
0x2a0: {  	v11 =	vld [tilespmem:s11+$0x4180]  }
0x2a1: {  	v12 =	vld [tilespmem:s11+$0x4200]  }
0x2a2: {  	v15 =	vld [tilespmem:s11+$0x4280]  }
0x2a3: {  	v16 =	vld [tilespmem:s11+$0x4300]  }
0x2a4: {  	v18 =	vld [tilespmem:s11+$0x4380]  }
.Ltmp1:
0x2a5: {  	v19 =	vld [tilespmem:s11+$0x6000];
	(pc) =	sbr.rel @p0 .LBB2_5-.Ltmp1, $4  }
0x2a6: {  	v20 =	vld [tilespmem:s11+$0x6080]  }
0x2a7: {  	v21 =	vld [tilespmem:s11+$0x6100]  }
0x2a8: {  	v24 =	vadd.f32 v23, v24;
	v25 =	vadd.f32 v26, v25;
	v22 =	vld [tilespmem:s11+$0x6180]  }
0x2a9: {  	s9 =	sadd.s32 $0x10, s9;
	v26 =	vadd.f32 v28, v27;
	v27 =	vadd.f32 v30, v29;
	v23 =	vld [tilespmem:s11+$0x6200]  }
0x2aa: {  	v28 =	vld [tilespmem:s11+$0x6280];
	v3 =	vadd.f32 v5, v3;
	v46 =	vadd.f32 v10, v7  }
0x2ab: {  	v47 =	vld [tilespmem:s11+$0x6300];
	v9 =	vadd.f32 v13, v9;
	v48 =	vadd.f32 v17, v14  }
0x2ac: {  	v49 =	vld [tilespmem:s11+$0x6380];
	v50 =	vadd.f32 v25, v24;
	v4 =	vadd.f32 v6, v4  }
0x2ad: {  	v53 =	vadd.f32 v11, v8;
	v54 =	vadd.f32 v15, v12  }
0x2ae: {  	v55 =	vadd.f32 v18, v16;
	v51 =	vadd.f32 v27, v26  }
0x2af: {  	v56 =	vadd.f32 v20, v19;
	v3 =	vadd.f32 v46, v3  }
0x2b0: {  	v52 =	vadd.f32 v48, v9;
	v57 =	vadd.f32 v22, v21  }
0x2b1: {  	v58 =	vadd.f32 v28, v23;
	v7 =	vadd.f32 v49, v47  }
0x2b2: {  	v4 =	vadd.f32 v53, v4;
	v59 =	vadd.f32 v55, v54  }
0x2b3: {  	v60 =	vadd.f32 v57, v56;
	v7 =	vadd.f32 v7, v58  }
0x2b4: {  	v61 =	vadd.f32 v51, v50;
	v3 =	vadd.f32 v52, v3  }
0x2b5: {  	s5 =	sadd.s32 $0x10, s5;
	v4 =	vadd.f32 v59, v4;
	v62 =	vadd.f32 v7, v60  }
0x2b6: {  	v63 =	vld [tilespmem:s5+$0x0]  }
0x2b7: {  	v3 =	vadd.f32 v3, v61;
	v4 =	vadd.f32 v62, v4;
	_ =	sdelay $0x1  }
0x2b8: {  	v3 =	vadd.f32 v4, v3;
	_ =	sdelay $0x1  }
0x2b9: {  	p0 =	sgt.u32 s16, $0x1A;
	v3 =	vadd.f32 v3, v63  }
0x2ba: {  	s8 =	sshll.u32 @!p0 s16, $0xC  }
0x2bb: {  	s16 =	sadd.s32 $0x1, s16;
	[tilespmem:s5+$0x0] =	vst v3;
	s5 =	sadd.s32 @!p0 s8, s7;
	s8 =	simm.s32 @!p0 $0x0  }
0x2bc: {  	[tilespmem:s17], [sflag:$0x2] =	stream.linear.gather @!p0 [hbm4b:s5+s8], $0x8000, $0x38;
	[tilespmem:$0x18900] =	vst v63  }
0x2bd: {  	p0 =	sne.s32 s16, $0x1D  }
.Ltmp2:
0x2be: {  	_ = 	snop;
	(pc) =	sbr.rel @p0 .LBB2_4-.Ltmp2, $1  }
0x2bf: {  	_ =	sdelay $0x3  }
0x2c0: {  	v3 =	vld [tilespmem:$0x1FFE0];
	s0 =	simm.s32 $0x0;
	s5 =	rddreg [dreg:$0x1];
	s8 =	simm.s32 $0x8080  }
0x2c1: {  	[tilespmem:s8], [sflag:$0x3] =	stream.linear.gather [hbm4b:s5+s0], $0x400, $0x38;
	[tilespmem:$0x18900] =	vst v63  }
0x2c2: {  	_ =	swait.ge [sflag:s28], $0x400  }
0x2c3: {  	[sflag:s28] =	ssyncset.done $0x0  }
0x2c4: {  	s0 =	simm.s32 $0x0;
	[sflag:s28] =	ssyncadd.s32 $0xFFFFFC00  }
0x2c5: {  	vm0 =	vnez.u8 v3;
	v3 =	vld [tilespmem:s0+$0x8080];
	_ =	sdelay $0x1  }
0x2c6: {  	v4 =	vld [tilespmem:s0+$0x18500];
	_ =	sdelay $0x2  }
0x2c7: {  	vm1 =	veq.s32 v3, $0x0  }
0x2c8: {  	v3 =	vsel vm1, $0x0, v2  }
0x2c9: {  	s8 =	simm.s32 $0x10;
	s5 =	simm.s32 $0x80;
	v3 =	vmul.f32 v3, v4  }
.LBB2_8:
0x2ca: {  	p0 =	sne.s32 s5, $0xFC0;
	v4 =	vld [tilespmem:s8+$0x8080]  }
0x2cb: {  	[tilespmem:s0+$0x18500] =	vst v3;
	s0 =	smov.u32 s8  }
0x2cc: {  	v3 =	vld [tilespmem:s0+$0x18500]  }
.Ltmp3:
0x2cd: {  	(pc) =	sbr.rel @p0 .LBB2_8-.Ltmp3, $4  }
0x2ce: {  	_ = 	snop  }
0x2cf: {  	vm1 =	veq.s32 v4, $0x0  }
0x2d0: {  	v4 =	vsel vm1, $0x0, v2  }
0x2d1: {  	s8 =	sshra.s32 s5, $0x2;
	s5 =	sadd.s32 $0x40, s5;
	v3 =	vmul.f32 v4, v3  }
0x2d2: {  	v4 =	vld [tilespmem:s8+$0x8080]  }
0x2d3: {  	[tilespmem:s0+$0x18500] =	vst v3  }
0x2d4: {  	v3 =	vld [tilespmem:s8+$0x18500];
	_ =	sdelay $0x2  }
0x2d5: {  	vm1 =	veq.s32 v4, $0x0  }
0x2d6: {  	v4 =	vsel vm1, $0x0, v2  }
0x2d7: {  	v3 =	vmul.f32 v4, v3;
	_ =	sdelay $0x1  }
0x2d8: {  	s5 =	simm.s32 $0x18500;
	[tilespmem:s8+$0x18500] =	vst v3;
	s8 =	rddreg [dreg:$0x7]  }
0x2d9: {  	[hbm4b:s8+s15] =	stream.linear.scatter [tilespmem:s5], [sflag:$0x3], $0x400, $0x38;
	[tilespmem:$0x18900] =	vst v63  }
0x2da: {  	_ =	swait.ge [sflag:s28], $0x400  }
0x2db: {  	[sflag:s28] =	ssyncset.done $0x0  }
0x2dc: {  	s9 =	simm.s32 $0x1;
	[sflag:s28] =	ssyncadd.s32 $0xFFFFFC00  }
0x2dd: {  	_ =	swait.ge [sflag:s9], $0x400  }
0x2de: {  	[sflag:s9] =	ssyncset.done $0x0  }
0x2df: {  	[sflag:s9] =	ssyncadd.s32 $0xFFFFFC00  }
0x2e0: {  	_ =	swait.ge [sflag:s9], $0x400  }
0x2e1: {  	[sflag:s9] =	ssyncset.done $0x0  }
0x2e2: {  	[sflag:s9] =	ssyncadd.s32 $0xFFFFFC00  }
0x2e3: {  	_ =	swait.ge [sflag:s9], $0x400  }
0x2e4: {  	[sflag:s9] =	ssyncset.done $0x0  }
0x2e5: {  	[sflag:s9] =	ssyncadd.s32 $0xFFFFFC00  }
0x2e6: {  	_ =	swait.ge [sflag:s9], $0x400  }
0x2e7: {  	[sflag:s9] =	ssyncset.done $0x0  }
0x2e8: {  	[sflag:s9] =	ssyncadd.s32 $0xFFFFFC00  }
0x2e9: {  	_ =	swait.ge [sflag:s9], $0x400  }
0x2ea: {  	[sflag:s9] =	ssyncset.done $0x0  }
0x2eb: {  	[sflag:s9] =	ssyncadd.s32 $0xFFFFFC00  }
0x2ec: {  	_ =	swait.ge [sflag:s9], $0x400  }
0x2ed: {  	[sflag:s9] =	ssyncset.done $0x0  }
0x2ee: {  	[sflag:s9] =	ssyncadd.s32 $0xFFFFFC00  }
0x2ef: {  	_ =	swait.ge [sflag:s9], $0x400  }
0x2f0: {  	[sflag:s9] =	ssyncset.done $0x0  }
0x2f1: {  	[sflag:s9] =	ssyncadd.s32 $0xFFFFFC00  }
0x2f2: {  	_ =	swait.ge [sflag:s9], $0x400  }
0x2f3: {  	[sflag:s9] =	ssyncset.done $0x0  }
0x2f4: {  	[sflag:s9] =	ssyncadd.s32 $0xFFFFFC00  }
0x2f5: {  	_ =	swait.ge [sflag:s9], $0x400  }
0x2f6: {  	[sflag:s9] =	ssyncset.done $0x0  }
0x2f7: {  	[sflag:s9] =	ssyncadd.s32 $0xFFFFFC00  }
0x2f8: {  	_ =	swait.ge [sflag:s9], $0x400  }
0x2f9: {  	[sflag:s9] =	ssyncset.done $0x0  }
0x2fa: {  	[sflag:s9] =	ssyncadd.s32 $0xFFFFFC00  }
0x2fb: {  	_ =	swait.ge [sflag:s9], $0x400  }
0x2fc: {  	[sflag:s9] =	ssyncset.done $0x0  }
0x2fd: {  	[sflag:s9] =	ssyncadd.s32 $0xFFFFFC00  }
0x2fe: {  	_ =	swait.ge [sflag:s9], $0x400  }
0x2ff: {  	[sflag:s9] =	ssyncset.done $0x0  }
0x300: {  	[sflag:s9] =	ssyncadd.s32 $0xFFFFFC00  }
0x301: {  	_ =	swait.ge [sflag:s9], $0x400  }
0x302: {  	[sflag:s9] =	ssyncset.done $0x0  }
0x303: {  	[sflag:s9] =	ssyncadd.s32 $0xFFFFFC00  }
0x304: {  	_ =	swait.ge [sflag:s9], $0x400  }
0x305: {  	[sflag:s9] =	ssyncset.done $0x0  }
0x306: {  	[sflag:s9] =	ssyncadd.s32 $0xFFFFFC00  }
0x307: {  	_ =	swait.ge [sflag:s9], $0x400  }
0x308: {  	[sflag:s9] =	ssyncset.done $0x0  }
0x309: {  	[sflag:s9] =	ssyncadd.s32 $0xFFFFFC00  }
0x30a: {  	_ =	swait.ge [sflag:s9], $0x400  }
0x30b: {  	[sflag:s9] =	ssyncset.done $0x0  }
0x30c: {  	[sflag:s9] =	ssyncadd.s32 $0xFFFFFC00  }
0x30d: {  	_ =	swait.ge [sflag:s9], $0x400  }
0x30e: {  	[sflag:s9] =	ssyncset.done $0x0  }
0x30f: {  	[sflag:s9] =	ssyncadd.s32 $0xFFFFFC00  }
0x310: {  	_ =	swait.ge [sflag:s9], $0x400  }
0x311: {  	[sflag:s9] =	ssyncset.done $0x0  }
0x312: {  	[sflag:s9] =	ssyncadd.s32 $0xFFFFFC00  }
0x313: {  	_ =	swait.ge [sflag:s9], $0x400  }
0x314: {  	[sflag:s9] =	ssyncset.done $0x0  }
0x315: {  	[sflag:s9] =	ssyncadd.s32 $0xFFFFFC00  }
0x316: {  	_ =	swait.ge [sflag:s9], $0x400  }
0x317: {  	[sflag:s9] =	ssyncset.done $0x0  }
0x318: {  	[sflag:s9] =	ssyncadd.s32 $0xFFFFFC00  }
0x319: {  	_ =	swait.ge [sflag:s9], $0x400  }
0x31a: {  	[sflag:s9] =	ssyncset.done $0x0  }
0x31b: {  	[sflag:s9] =	ssyncadd.s32 $0xFFFFFC00  }
0x31c: {  	_ =	swait.ge [sflag:s9], $0x400  }
0x31d: {  	[sflag:s9] =	ssyncset.done $0x0  }
0x31e: {  	[sflag:s9] =	ssyncadd.s32 $0xFFFFFC00  }
0x31f: {  	_ =	swait.ge [sflag:s9], $0x400  }
0x320: {  	[sflag:s9] =	ssyncset.done $0x0  }
0x321: {  	[sflag:s9] =	ssyncadd.s32 $0xFFFFFC00  }
0x322: {  	_ =	swait.ge [sflag:s9], $0x400  }
0x323: {  	[sflag:s9] =	ssyncset.done $0x0  }
0x324: {  	[sflag:s9] =	ssyncadd.s32 $0xFFFFFC00  }
0x325: {  	_ =	swait.ge [sflag:s9], $0x400  }
0x326: {  	[sflag:s9] =	ssyncset.done $0x0  }
0x327: {  	[sflag:s9] =	ssyncadd.s32 $0xFFFFFC00  }
0x328: {  	_ =	swait.ge [sflag:s9], $0x400  }
0x329: {  	[sflag:s9] =	ssyncset.done $0x0  }
0x32a: {  	[sflag:s9] =	ssyncadd.s32 $0xFFFFFC00  }
0x32b: {  	_ =	swait.ge [sflag:s9], $0x400  }
0x32c: {  	[sflag:s9] =	ssyncset.done $0x0  }
0x32d: {  	[sflag:s9] =	ssyncadd.s32 $0xFFFFFC00  }
0x32e: {  	_ =	swait.ge [sflag:s9], $0x400  }
0x32f: {  	[sflag:s9] =	ssyncset.done $0x0  }
0x330: {  	[sflag:s9] =	ssyncadd.s32 $0xFFFFFC00  }
0x331: {  	_ =	swait.ge [sflag:s9], $0x400  }
0x332: {  	[sflag:s9] =	ssyncset.done $0x0  }
0x333: {  	[sflag:s9] =	ssyncadd.s32 $0xFFFFFC00  }
0x334: {  	_ =	swait.ge [sflag:s9], $0x400  }
0x335: {  	[sflag:s9] =	ssyncset.done $0x0  }
0x336: {  	[sflag:s9] =	ssyncadd.s32 $0xFFFFFC00  }
0x337: {  	_ =	swait.ge [sflag:s9], $0x400  }
0x338: {  	[sflag:s9] =	ssyncset.done $0x0  }
0x339: {  	[sflag:s9] =	ssyncadd.s32 $0xFFFFFC00  }
0x33a: {  	_ =	swait.ge [sflag:s9], $0x400  }
0x33b: {  	s11 =	sld [smem:$0x7C5]  }
0x33c: {  	s1 =	sld [smem:$0x7C8]  }
0x33d: {  	s13 =	sld [smem:$0x7CA]  }
0x33e: {  	s31 =	rddreg [dreg:$0x1a]  }
0x33f: {  	s18 =	sld [smem:$0x7CC]  }
0x340: {  	[sflag:s9] =	ssyncset.done $0x0;
	s29 =	sld [smem:$0x7CE]  }
0x341: {  	s8 =	sld [smem:$0x7D0];
	[sflag:s9] =	ssyncadd.s32 $0xFFFFFC00  }
0x342: {  	s0 =	sshll.u32 s11, $0x9;
	s14 =	sshll.u32 s13, $0x9;
	s13 =	sld [smem:$0x7D2]  }
0x343: {  	s12 =	sshll.u32 s1, $0x9;
	s19 =	sshll.u32 s18, $0x9;
	s18 =	sld [smem:$0x7D4]  }
0x344: {  	s1 =	sshll.u32 s29, $0x9;
	s9 =	sshll.u32 s8, $0x9;
	s29 =	sld [smem:$0x7D6]  }
0x345: {  	s8 =	sld [smem:$0x7D8];
	s0 =	sshra.s32 s0, $0x2;
	s5 =	sshra.s32 s12, $0x2  }
0x346: {  	s17 =	sshra.s32 s14, $0x2;
	s22 =	sshra.s32 s19, $0x2;
	s7 =	sshra.s32 s1, $0x2  }
0x347: {  	s12 =	sshra.s32 s9, $0x2;
	v3 =	vld.idx.msk [tilespmem:v0+s0+$0x0 ss:$0x1], $0xffff;
	s16 =	sor.u32 s31, s5;
	s20 =	sor.u32 s31, s17  }
0x348: {  	s5 =	sor.u32 s31, s22;
	s11 =	sor.u32 s31, s7;
	v22 =	vld [tilespmem:s16+$0x480];
	s14 =	sshll.u32 s13, $0x9  }
0x349: {  	v5 =	vld [tilespmem:s20+$0x880];
	s16 =	sor.u32 s31, s12;
	s19 =	sshll.u32 s18, $0x9;
	s13 =	sld [smem:$0x7DA]  }
0x34a: {  	v6 =	vld [tilespmem:s5+$0xC80];
	s1 =	sshll.u32 s29, $0x9;
	s9 =	sshll.u32 s8, $0x9;
	s18 =	sld [smem:$0x7DC]  }
0x34b: {  	v7 =	vld [tilespmem:s11+$0x1080];
	s29 =	sld [smem:$0x7DE];
	s17 =	sshra.s32 s14, $0x2;
	s22 =	sshra.s32 s19, $0x2  }
0x34c: {  	v8 =	vld [tilespmem:s16+$0x1480];
	s7 =	sshra.s32 s1, $0x2;
	s12 =	sshra.s32 s9, $0x2;
	s20 =	sor.u32 s31, s17;
	v3 =	vnsel vm0, $0x0, v3  }
0x34d: {  	s5 =	sor.u32 s31, s22;
	s11 =	sor.u32 s31, s7;
	v9 =	vld [tilespmem:s20+$0x1880];
	s14 =	sshll.u32 s13, $0x9;
	(xrf2) =	vadd.scan.msk.f32 $0xffff, v3;
	v3 =	vsel vm2, $0x0, v22  }
0x34e: {  	s16 =	sor.u32 s31, s12;
	s12 =	sld [smem:$0x7E0];
	v23 =	vld [tilespmem:s5+$0x1C80];
	s17 =	sshra.s32 s14, $0x2;
	(xrf2) =	vadd.scan.msk.f32 $0xffff, v3;
	v3 =	vsel vm3, $0x0, v5  }
0x34f: {  	v24 =	vld [tilespmem:s11+$0x2080];
	s19 =	sshll.u32 s18, $0x9;
	s20 =	sor.u32 s31, s17;
	s17 =	sld [smem:$0x7E2];
	(xrf2) =	vadd.scan.msk.f32 $0xffff, v3;
	v3 =	vsel vm4, $0x0, v6  }
0x350: {  	v25 =	vld [tilespmem:s16+$0x2480];
	s7 =	sshll.u32 s29, $0x9;
	s22 =	sshra.s32 s19, $0x2;
	(xrf2) =	vadd.scan.msk.f32 $0xffff, v3;
	v3 =	vsel vm5, $0x0, v7  }
0x351: {  	s11 =	sshra.s32 s7, $0x2;
	s9 =	sor.u32 s31, s22;
	s13 =	sshll.u32 s12, $0x9;
	v26 =	vld [tilespmem:s20+$0x2880];
	(xrf2) =	vadd.scan.msk.f32 $0xffff, v3;
	v3 =	vsel vm6, $0x0, v8  }
0x352: {  	s14 =	sor.u32 s31, s11;
	v27 =	vld [tilespmem:s9+$0x2C80];
	s16 =	sshra.s32 s13, $0x2;
	s18 =	sshll.u32 s17, $0x9;
	(xrf2) =	vadd.scan.msk.f32 $0xffff, v3;
	v3 =	vsel vm7, $0x0, v9  }
0x353: {  	v28 =	vld [tilespmem:s14+$0x3080];
	s19 =	sor.u32 s31, s16;
	s20 =	sshra.s32 s18, $0x2;
	(xrf2) =	vadd.scan.msk.f32 $0xffff, v3;
	v3 =	vsel vm8, $0x0, v23  }
0x354: {  	v29 =	vld [tilespmem:s19+$0x3480];
	s29 =	sor.u32 s31, s20;
	(xrf2) =	vadd.scan.msk.f32 $0xffff, v3;
	v3 =	vsel vm9, $0x0, v24  }
0x355: {  	v30 =	vld [tilespmem:s29+$0x3880];
	(xrf2) =	vadd.scan.msk.f32 $0xffff, v3;
	v3 =	vsel vm10, $0x0, v25  }
0x356: {  	(xrf2) =	vadd.scan.msk.f32 $0xffff, v3;
	v3 =	vsel vm11, $0x0, v26  }
0x357: {  	v32, _, _ =	vpop (xrf2);
	(xrf2) =	vadd.scan.msk.f32 $0xffff, v3;
	v3 =	vsel vm12, $0x0, v27  }
0x358: {  	v33, _, _ =	vpop (xrf2);
	(xrf2) =	vadd.scan.msk.f32 $0xffff, v3;
	v3 =	vsel vm13, $0x0, v28  }
0x359: {  	s22 =	sshll.u32 s21, $0x9;
	v34, _, _ =	vpop (xrf2);
	(xrf2) =	vadd.scan.msk.f32 $0xffff, v3;
	v3 =	vsel vm14, $0x0, v29  }
0x35a: {  	s1 =	sshra.s32 s22, $0x2;
	v35, _, _ =	vpop (xrf2);
	(xrf2) =	vadd.scan.msk.f32 $0xffff, v3;
	v3 =	vsel vm15, $0x0, v30  }
0x35b: {  	s5 =	sor.u32 s31, s1;
	v36, _, _ =	vpop (xrf2);
	(xrf2) =	vadd.scan.msk.f32 $0xffff, v3;
	v3 =	vld [tilespmem:$0x1FFF0]  }
0x35c: {  	v31 =	vld [tilespmem:s5+$0x3C80];
	_ =	sdelay $0x2  }
0x35d: {  	(v2sf) =	vpush v32, $0xF  }
0x35e: {  	(v2sf) =	vpush v33, $0xF;
	vm0 =	vnez.u8 v3  }
0x35f: {  	(v2sf) =	vpush v34, $0xF;
	v3 =	vsel vm0, $0x0, v31  }
0x360: {  	(v2sf) =	vpush v35, $0xF  }
0x361: {  	(v2sf) =	vpush v36, $0xF;
	v37, _, _ =	vpop (xrf2);
	(xrf2) =	vadd.scan.msk.f32 $0xffff, v3  }
0x362: {  	(v2sf) =	vpush v37, $0xF;
	v3, _, _ =	vpop (xrf2)  }
0x363: {  	(v2sf) =	vpush v3, $0xF;
	v3, _, _ =	vpop (xrf2)  }
0x364: {  	(v2sf) =	vpush v3, $0xF;
	v3, _, _ =	vpop (xrf2)  }
0x365: {  	(v2sf) =	vpush v3, $0xF;
	v3, _, _ =	vpop (xrf2)  }
0x366: {  	(v2sf) =	vpush v3, $0xF;
	v3, _, _ =	vpop (xrf2)  }
0x367: {  	(v2sf) =	vpush v3, $0xF;
	v3, _, _ =	vpop (xrf2)  }
0x368: {  	(v2sf) =	vpush v3, $0xF;
	v3, _, _ =	vpop (xrf2)  }
0x369: {  	(v2sf) =	vpush v3, $0xF;
	v3, _, _ =	vpop (xrf2)  }
0x36a: {  	(v2sf) =	vpush v3, $0xF;
	v3, _, _ =	vpop (xrf2)  }
0x36b: {  	(v2sf) =	vpush v3, $0xF;
	v3, _, _ =	vpop (xrf2)  }
0x36c: {  	s0 =	spop (v2sf);
	(v2sf) =	vpush v3, $0xF  }
0x36d: {  	s5 =	spop (v2sf)  }
0x36e: {  	s8 =	spop (v2sf)  }
0x36f: {  	s9 =	spop (v2sf)  }
0x370: {  	s11 =	spop (v2sf)  }
0x371: {  	s12 =	spop (v2sf)  }
0x372: {  	s13 =	spop (v2sf)  }
0x373: {  	s14 =	spop (v2sf)  }
0x374: {  	s16 =	spop (v2sf)  }
0x375: {  	s17 =	spop (v2sf)  }
0x376: {  	s18 =	spop (v2sf)  }
0x377: {  	s7 =	sld [smem:$0x7C6];
	s19 =	spop (v2sf)  }
0x378: {  	p0 =	seq.s32 s23, $0x0;
	s29 =	rddreg [dreg:$0xb];
	s20 =	spop (v2sf)  }
0x379: {  	s1 =	rddreg [dreg:$0xc];
	p1 =	seq.s32 s29, $0x0;
	s21 =	spop (v2sf)  }
0x37a: {  	s29 =	rddreg [dreg:$0xd];
	s0 =	simm.s32 @p1 $0x0;
	s22 =	spop (v2sf)  }
0x37b: {  	p1 =	seq.s32 s29, $0x0;
	s29 =	rddreg [dreg:$0x10];
	s23 =	spop (v2sf)  }
0x37c: {  	s23 =	simm.s32 @p0 $0x0;
	p0 =	seq.s32 s7, $0x0;
	s7 =	rddreg [dreg:$0xe]  }
0x37d: {  	v3 =	vmov s23;
	s23 =	rddreg [dreg:$0x16]  }
0x37e: {  	vm1 =	vcmask $0x300;
	s5 =	simm.s32 @p0 $0x0;
	p0 =	seq.s32 s1, $0x0;
	s1 =	rddreg [dreg:$0x12]  }
0x37f: {  	vm2 =	vcmask $0x704;
	s8 =	simm.s32 @p1 $0x0;
	p1 =	seq.s32 s7, $0x0;
	s7 =	rddreg [dreg:$0x18];
	v3 =	vsel vm1, s0, v3  }
0x380: {  	vm3 =	vcmask $0xB08;
	v3 =	vsel vm2, s5, v3;
	s5 =	rddreg [dreg:$0x15]  }
0x381: {  	vm4 =	vcmask $0xF0C;
	s9 =	simm.s32 @p0 $0x0;
	v3 =	vsel vm3, s8, v3;
	s8 =	rddreg [dreg:$0x14]  }
0x382: {  	v3 =	vsel vm4, s9, v3;
	s9 =	rddreg [dreg:$0xf]  }
0x383: {  	s11 =	simm.s32 @p1 $0x0;
	p0 =	seq.s32 s8, $0x0;
	s8 =	rddreg [dreg:$0x19]  }
0x384: {  	vm5 =	vcmask $0x1310;
	p1 =	seq.s32 s9, $0x0;
	s12 =	simm.s32 @p0 $0x0;
	s9 =	rddreg [dreg:$0x1b]  }
0x385: {  	vm6 =	vcmask $0x1714;
	v3 =	vsel vm5, s11, v3;
	p0 =	seq.s32 s23, $0x0;
	s11 =	rddreg [dreg:$0x1d];
	s13 =	simm.s32 @p1 $0x0  }
0x386: {  	v3 =	vsel vm6, s12, v3;
	p1 =	seq.s32 s29, $0x0;
	s14 =	simm.s32 @p0 $0x0;
	s12 =	sld [smem:$0x7E5]  }
0x387: {  	vm7 =	vcmask $0x1B18;
	p0 =	seq.s32 s1, $0x0;
	s29 =	sld [smem:$0x7EF];
	s16 =	simm.s32 @p1 $0x0  }
0x388: {  	vm8 =	vcmask $0x1F1C;
	v3 =	vsel vm7, s13, v3;
	p1 =	seq.s32 s5, $0x0;
	s17 =	simm.s32 @p0 $0x0;
	p0 =	seq.s32 s7, $0x0  }
0x389: {  	vm9 =	vcmask $0x2320;
	s13 =	sld [smem:$0x7E7];
	v3 =	vsel vm8, s14, v3;
	s18 =	simm.s32 @p1 $0x0;
	p1 =	seq.s32 s8, $0x0  }
0x38a: {  	vm10 =	vcmask $0x2724;
	s19 =	simm.s32 @p0 $0x0;
	p0 =	seq.s32 s9, $0x0;
	v3 =	vsel vm9, s16, v3;
	s20 =	simm.s32 @p1 $0x0  }
0x38b: {  	vm11 =	vcmask $0x2B28;
	p1 =	seq.s32 s11, $0x0;
	s21 =	simm.s32 @p0 $0x0;
	s16 =	sld [smem:$0x7EA];
	v3 =	vsel vm10, s17, v3  }
0x38c: {  	vm12 =	vcmask $0x2F2C;
	s0 =	sshll.u32 s12, $0x9;
	s1 =	sshll.u32 s29, $0x9;
	s11 =	sld [smem:$0x7F1];
	v3 =	vsel vm11, s18, v3  }
0x38d: {  	vm13 =	vcmask $0x3330;
	s29 =	sld [smem:$0x7F5];
	s22 =	simm.s32 @p1 $0x0;
	s0 =	sshra.s32 s0, $0x2;
	v3 =	vsel vm12, s19, v3  }
0x38e: {  	vm14 =	vcmask $0x3734;
	s14 =	sshll.u32 s13, $0x9;
	s9 =	sshra.s32 s1, $0x2;
	s0 =	sor.u32 s31, s0;
	v3 =	vsel vm13, s20, v3  }
0x38f: {  	vm15 =	vcmask $0x3B38;
	s5 =	sshra.s32 s14, $0x2;
	s13 =	sor.u32 s31, s9;
	s20 =	sld [smem:$0x7EC];
	v3 =	vsel vm14, s21, v3  }
0x390: {  	s17 =	sshll.u32 s16, $0x9;
	s18 =	sor.u32 s31, s5;
	s16 =	sld [smem:$0x7F2];
	v3 =	vsel vm15, s22, v3  }
0x391: {  	v43 =	vld [tilespmem:$0x1FFE0];
	s12 =	sshll.u32 s11, $0x9;
	s1 =	sshll.u32 s29, $0x9;
	s11 =	sld [smem:$0x7F6];
	[tilespmem:$0x18480] =	vst v3  }
0x392: {  	s29 =	sld [smem:$0x7FA];
	s19 =	sshra.s32 s17, $0x2;
	s21 =	sshll.u32 s20, $0x9;
	v3 =	vld [tilespmem:s0+$0x4090]  }
0x393: {  	s22 =	sor.u32 s31, s19;
	s20 =	sld [smem:$0x7F3];
	v38 =	vld [tilespmem:s18+$0x4490];
	s23 =	sshra.s32 s21, $0x2  }
0x394: {  	s14 =	sshra.s32 s12, $0x2;
	s9 =	sshra.s32 s1, $0x2;
	v39 =	vld [tilespmem:s22+$0x4890];
	s7 =	sor.u32 s31, s23  }
0x395: {  	s17 =	sshll.u32 s16, $0x9;
	s12 =	sshll.u32 s11, $0x9;
	s16 =	sld [smem:$0x7F8];
	v40 =	vld [tilespmem:s7+$0x4C90]  }
0x396: {  	vm1 =	vnez.u8 v43;
	s19 =	sshra.s32 s17, $0x2;
	v41 =	vld [tilespmem:s13+$0x5090];
	s18 =	sor.u32 s31, s14;
	s21 =	sshll.u32 s20, $0x9  }
0x397: {  	vm2 =	vcmask $0x308;
	s22 =	sor.u32 s31, s19;
	v42 =	vld [tilespmem:s18+$0x5490];
	s20 =	sld [smem:$0x7F9];
	s23 =	sshra.s32 s21, $0x2;
	v3 =	vnsel vm1, $0x0, v3  }
0x398: {  	vm3 =	vcmask $0x70C;
	s11 =	sld [smem:$0x7FB];
	s14 =	sshra.s32 s12, $0x2;
	v44 =	vld [tilespmem:s22+$0x5890];
	s7 =	sor.u32 s31, s23;
	(xrf2) =	vadd.scan.msk.f32 $0xffff, v3;
	v3 =	vsel vm2, $0x0, v38  }
0x399: {  	vm4 =	vcmask $0xB10;
	s13 =	sor.u32 s31, s9;
	s17 =	sshll.u32 s16, $0x9;
	s18 =	sor.u32 s31, s14;
	v45 =	vld [tilespmem:s7+$0x5C90];
	(xrf2) =	vadd.scan.msk.f32 $0xffff, v3;
	v3 =	vsel vm3, $0x0, v39  }
0x39a: {  	vm5 =	vcmask $0xF14;
	v46 =	vld [tilespmem:s13+$0x6090];
	s16 =	sld [smem:$0x7FC];
	s19 =	sshra.s32 s17, $0x2;
	s21 =	sshll.u32 s20, $0x9;
	(xrf2) =	vadd.scan.msk.f32 $0xffff, v3;
	v3 =	vsel vm4, $0x0, v40  }
0x39b: {  	vm6 =	vcmask $0x1318;
	s1 =	sshll.u32 s29, $0x9;
	v47 =	vld [tilespmem:s18+$0x6490];
	s22 =	sor.u32 s31, s19;
	s23 =	sshra.s32 s21, $0x2;
	(xrf2) =	vadd.scan.msk.f32 $0xffff, v3;
	v3 =	vsel vm5, $0x0, v41  }
0x39c: {  	vm7 =	vcmask $0x171C;
	s9 =	sshra.s32 s1, $0x2;
	s12 =	sshll.u32 s11, $0x9;
	v48 =	vld [tilespmem:s22+$0x6890];
	s7 =	sor.u32 s31, s23;
	(xrf2) =	vadd.scan.msk.f32 $0xffff, v3;
	v3 =	vsel vm6, $0x0, v42  }
0x39d: {  	vm8 =	vcmask $0x1B20;
	s13 =	sor.u32 s31, s9;
	s14 =	sshra.s32 s12, $0x2;
	s17 =	sshll.u32 s16, $0x9;
	v49 =	vld [tilespmem:s7+$0x6C90];
	(xrf2) =	vadd.scan.msk.f32 $0xffff, v3;
	v3 =	vsel vm7, $0x0, v44  }
0x39e: {  	vm9 =	vcmask $0x1F24;
	v50 =	vld [tilespmem:s13+$0x7090];
	s18 =	sor.u32 s31, s14;
	s19 =	sshra.s32 s17, $0x2;
	s20 =	sshll.u32 s6, $0x9;
	(xrf2) =	vadd.scan.msk.f32 $0xffff, v3;
	v3 =	vsel vm8, $0x0, v45  }
0x39f: {  	vm10 =	vcmask $0x2328;
	v51 =	vld [tilespmem:s18+$0x7490];
	s21 =	sor.u32 s31, s19;
	s22 =	sshra.s32 s20, $0x2;
	(xrf2) =	vadd.scan.msk.f32 $0xffff, v3;
	v3 =	vsel vm9, $0x0, v46  }
0x3a0: {  	vm11 =	vcmask $0x272C;
	v52 =	vld [tilespmem:s21+$0x7890];
	s23 =	sor.u32 s31, s22;
	(xrf2) =	vadd.scan.msk.f32 $0xffff, v3;
	v3 =	vsel vm10, $0x0, v47  }
0x3a1: {  	vm12 =	vcmask $0x2B30;
	v53 =	vld [tilespmem:s23+$0x7C90];
	(xrf2) =	vadd.scan.msk.f32 $0xffff, v3;
	v3 =	vsel vm11, $0x0, v48  }
0x3a2: {  	vm13 =	vcmask $0x2F34;
	v54, _, _ =	vpop (xrf2);
	(xrf2) =	vadd.scan.msk.f32 $0xffff, v3;
	v3 =	vsel vm12, $0x0, v49  }
0x3a3: {  	vm14 =	vcmask $0x3338;
	v55, _, _ =	vpop (xrf2);
	(xrf2) =	vadd.scan.msk.f32 $0xffff, v3;
	v3 =	vsel vm13, $0x0, v50  }
0x3a4: {  	vm15 =	vcmask $0x373C;
	(v2sf) =	vpush v54, $0xF;
	v56, _, _ =	vpop (xrf2);
	(xrf2) =	vadd.scan.msk.f32 $0xffff, v3;
	v3 =	vsel vm14, $0x0, v51  }
0x3a5: {  	(v2sf) =	vpush v55, $0xF;
	v57, _, _ =	vpop (xrf2);
	(xrf2) =	vadd.scan.msk.f32 $0xffff, v3;
	v3 =	vsel vm15, $0x0, v52  }
0x3a6: {  	(v2sf) =	vpush v56, $0xF;
	v58, _, _ =	vpop (xrf2);
	(xrf2) =	vadd.scan.msk.f32 $0xffff, v3;
	v3 =	vsel vm0, $0x0, v53  }
0x3a7: {  	(v2sf) =	vpush v57, $0xF  }
0x3a8: {  	(v2sf) =	vpush v58, $0xF;
	v59, _, _ =	vpop (xrf2);
	(xrf2) =	vadd.scan.msk.f32 $0xffff, v3  }
0x3a9: {  	(v2sf) =	vpush v59, $0xF;
	v3, _, _ =	vpop (xrf2)  }
0x3aa: {  	v60, _, _ =	vpop (xrf2);
	(v2sf) =	vpush v3, $0xF  }
0x3ab: {  	v3, _, _ =	vpop (xrf2);
	(v2sf) =	vpush v60, $0xF  }
0x3ac: {  	v61, _, _ =	vpop (xrf2);
	(v2sf) =	vpush v3, $0xF  }
0x3ad: {  	v3, _, _ =	vpop (xrf2);
	(v2sf) =	vpush v61, $0xF  }
0x3ae: {  	v62, _, _ =	vpop (xrf2);
	(v2sf) =	vpush v3, $0xF  }
0x3af: {  	v3, _, _ =	vpop (xrf2);
	(v2sf) =	vpush v62, $0xF  }
0x3b0: {  	v63, _, _ =	vpop (xrf2);
	(v2sf) =	vpush v3, $0xF  }
0x3b1: {  	v3, _, _ =	vpop (xrf2);
	(v2sf) =	vpush v63, $0xF  }
0x3b2: {  	(v2sf) =	vpush v3, $0xF;
	v3, _, _ =	vpop (xrf2)  }
0x3b3: {  	s0 =	spop (v2sf);
	(v2sf) =	vpush v3, $0xF  }
0x3b4: {  	s5 =	spop (v2sf)  }
0x3b5: {  	s8 =	spop (v2sf)  }
0x3b6: {  	s9 =	spop (v2sf)  }
0x3b7: {  	s11 =	spop (v2sf)  }
0x3b8: {  	s12 =	spop (v2sf)  }
0x3b9: {  	s13 =	spop (v2sf)  }
0x3ba: {  	s14 =	spop (v2sf)  }
0x3bb: {  	s16 =	spop (v2sf)  }
0x3bc: {  	s17 =	spop (v2sf)  }
0x3bd: {  	s18 =	spop (v2sf)  }
0x3be: {  	s19 =	spop (v2sf)  }
0x3bf: {  	s20 =	spop (v2sf)  }
0x3c0: {  	s21 =	spop (v2sf)  }
0x3c1: {  	p0 =	seq.s32 s26, $0x0;
	s26 =	rddreg [dreg:$0x11];
	s22 =	spop (v2sf)  }
0x3c2: {  	s31 =	sld [smem:$0x7E8];
	s23 =	spop (v2sf)  }
0x3c3: {  	p1 =	seq.s32 s26, $0x0;
	s29 =	rddreg [dreg:$0x13];
	s23 =	simm.s32 @p0 $0x0  }
0x3c4: {  	vm1 =	vcmask $0x300;
	s7 =	sld [smem:$0x7ED];
	s0 =	simm.s32 @p1 $0x0;
	p0 =	seq.s32 s29, $0x0;
	v3 =	vmov s23  }
0x3c5: {  	s6 =	rddreg [dreg:$0x17];
	p1 =	seq.s32 s31, $0x0;
	s5 =	simm.s32 @p0 $0x0;
	v3 =	vsel vm1, s0, v3;
	vm1 =	vcmask $0x704  }
0x3c6: {  	s8 =	simm.s32 @p1 $0x0;
	p0 =	seq.s32 s6, $0x0;
	v3 =	vsel vm1, s5, v3;
	vm1 =	vcmask $0xB08  }
0x3c7: {  	p1 =	seq.s32 s7, $0x0;
	s9 =	simm.s32 @p0 $0x0;
	v3 =	vsel vm1, s8, v3;
	s8 =	rddreg [dreg:$0x1c];
	vm1 =	vcmask $0xF0C  }
0x3c8: {  	s11 =	simm.s32 @p1 $0x0;
	p0 =	seq.s32 s8, $0x0;
	v3 =	vsel vm1, s9, v3;
	vm1 =	vcmask $0x1310  }
0x3c9: {  	s9 =	rddreg [dreg:$0x1e];
	v3 =	vsel vm1, s11, v3;
	s12 =	simm.s32 @p0 $0x0;
	vm1 =	vcmask $0x1714  }
0x3ca: {  	v3 =	vsel vm1, s12, v3;
	s12 =	sld [smem:$0x7F4]  }
0x3cb: {  	p1 =	seq.s32 s9, $0x0  }
0x3cc: {  	s23 =	sld [smem:$0x7F7];
	p0 =	seq.s32 s4, $0x0;
	s13 =	simm.s32 @p1 $0x0;
	vm1 =	vcmask $0x1B18  }
0x3cd: {  	s14 =	simm.s32 @p0 $0x0;
	v3 =	vsel vm1, s13, v3;
	vm1 =	vcmask $0x1F1C;
	p1 =	seq.s32 s12, $0x0  }
0x3ce: {  	p0 =	seq.s32 s10, $0x0;
	v3 =	vsel vm1, s14, v3;
	vm1 =	vcmask $0x2320;
	s16 =	simm.s32 @p1 $0x0  }
0x3cf: {  	s17 =	simm.s32 @p0 $0x0;
	p1 =	seq.s32 s23, $0x0;
	v3 =	vsel vm1, s16, v3;
	vm1 =	vcmask $0x2724  }
0x3d0: {  	p0 =	seq.s32 s30, $0x0;
	s18 =	simm.s32 @p1 $0x0;
	v3 =	vsel vm1, s17, v3;
	vm1 =	vcmask $0x2B28  }
0x3d1: {  	s19 =	simm.s32 @p0 $0x0;
	p1 =	seq.s32 s24, $0x0;
	v3 =	vsel vm1, s18, v3;
	vm1 =	vcmask $0x2F2C  }
0x3d2: {  	p0 =	seq.s32 s3, $0x0;
	s20 =	simm.s32 @p1 $0x0;
	v3 =	vsel vm1, s19, v3;
	vm1 =	vcmask $0x3330  }
0x3d3: {  	s21 =	simm.s32 @p0 $0x0;
	p1 =	seq.s32 s25, $0x0;
	v3 =	vsel vm1, s20, v3;
	vm1 =	vcmask $0x3734  }
0x3d4: {  	s22 =	simm.s32 @p1 $0x0;
	v3 =	vsel vm1, s21, v3;
	vm1 =	vcmask $0x3B38  }
0x3d5: {  	v3 =	vsel vm1, s22, v3  }
0x3d6: {  	s26 =	rddreg [dreg:$0x8];
	s29 =	simm.s32 $0x18480;
	[tilespmem:$0x18490] =	vst v3  }
0x3d7: {  	[hbm4b:s26+s15] =	stream.linear.scatter [tilespmem:s29], [sflag:$0x3], $0x20, $0x38;
	[tilespmem:$0x18900] =	vst v63  }
0x3d8: {  	_ =	swait.ge [sflag:s28], $0x20  }
0x3d9: {  	s30 =	rddreg [dreg:$0xa]  }
0x3da: {  	s31 =	rddreg [dreg:$0x9];
	s3 =	sadd.s32 $0x1, s30  }
0x3db: {  	p0 =	sne.s32 s3, s31  }
.Ltmp4:
0x3dc: {  	_ = 	snop;
	(pc) =	sbr.rel @p0 .LBB2_1-.Ltmp4, $3  }
0x3dd: {  	_ =	sdelay $0x1  }
0x3de: {  	[sflag:s28] =	ssyncset.done $0x0  }
0x3df: {  	[sflag:s28] =	ssyncadd.s32 $0xFFFFFFE0  }
0x3e0: {  	_ =	sfence.sel $0x180000  }
0x3e1: {  	[bflag:$0x0] =	sbarrier.arrive $0xFFFF  }
0x3e2: {  	_ =	strace $0x90000047  }
0x3e3: {  	s0 =	stileid.u32;
	[bflag:$0x2] =	sbarrier.arrive $0xFFFF  }
0x3e4: {  	p0 =	sne.s32 s0, $0x0;
	s0 =	rddreg [dreg:$0x3]  }
0x3e5: {  	s0 =	sadd.s32 @!p0 $0x100000, s0  }
0x3e6: {  	[sflag:s0] =	ssyncadd.tile.s32 @!p0 $0x1;
	_ =	shalt  }
.Lfunc_end2:
_tile_overlayer_lowered:
.L_overlay_start_2:
0x3e7: {  	(tag) =	ssettag $0x2  }
0x3e8: {  	s0 =	rddreg [dreg:$0x0];
	s2 =	stileid.u32  }
0x3e9: {  	s1 =	rddreg [dreg:$0x1];
	p0 =	sne.s32 s2, $0x0  }
0x3ea: {  	s3 =	rddreg [dreg:$0x2];
	[bflag:$0x3] =	sbarrier.arrive $0xFFFF;
	s2 =	simm.s32 @!p0 $0x1C03  }
0x3eb: {  	[timem:s3], [sflag:s2] =	dma.local @!p0 [hbm:s0], s1  }
0x3ec: {  	s0 =	simm.s32 @!p0 $0x3  }
0x3ed: {  	_ =	swait.ge @!p0 [sflag:s0], s1  }
0x3ee: {  	s1 =	ssub.s32 @!p0 $0x0, s1;
	[sflag:s0] =	ssyncset.done @!p0 $0x0  }
0x3ef: {  	[sflag:s0] =	ssyncadd.s32 @!p0 s1  }
0x3f0: {  	[bflag:$0x3] =	sbarrier.arrive $0xFFFF  }
0x3f1: {  	_ =	shalt  }

</sc_bundles>
